<compile_context>
chip_gen: v7x
topology: tpu7x:2x2x1
jax: 0.10.2.dev20260603
libtpu: 0.0.44.dev20260713+nightly
codegen_flags: <defaults>
</compile_context>

<pallas_src>
import functools

import jax
import jax.numpy as jnp
from jax import lax
from jax.experimental import pallas as pl
from jax.experimental.pallas import tpu as pltpu
from jax.experimental.pallas import tpu_sc as plsc

N_NODES = 10000
D = 128
E_EDGES = 160000
NUM_ITERS = 75
K_NODES = 5
ADJ_THRESH = 0.5

NC, NS = 2, 16
NTILES = NC * NS
WIN = 240
CH = 120
RB = 64
EPAD = E_EDGES + 512
SHMAX = 5040


def _shard_bounds():
    bounds = []
    per_sc = E_EDGES // NC
    for c in range(NC):
        e0, e1 = c * per_sc, (c + 1) * per_sc
        nw = -(-(e1 - e0) // WIN)
        base, rem = divmod(nw, NS)
        pos = e0
        for t in range(NS):
            w = base + (1 if t < rem else 0)
            nxt = min(pos + w * WIN, e1)
            bounds.append((pos, nxt))
            pos = nxt
    return bounds


SHARDS = _shard_bounds()


def _sc_scatter_body(h_hbm, srcp_hbm, dstp_hbm, wnp_hbm, meta_hbm,
                     out_hbm, stgrows_hbm, stgids_hbm,
                     srcb, dstb, wnb, rows, accbuf, zrow, tmprow, idrow,
                     msm, gsem, rsem, zsem):
    c = lax.axis_index("c")
    s = lax.axis_index("s")
    wid = c * NS + s

    def sload(ref, i):
        return ref[pl.ds(i, 16)][0]

    pltpu.sync_copy(meta_hbm, msm.at[pl.ds(0, 96)])
    e0 = sload(msm, wid)
    e1 = sload(msm, 32 + wid)
    cov_hi = sload(msm, 64 + wid)

    zeros16 = jnp.zeros((16,), jnp.float32)
    for j in range(8):
        zrow.at[0][pl.ds(16 * j, 16)] = zeros16

    nedge = e1 - e0
    nch = lax.div(nedge + (CH - 1), CH)

    e0a = pl.multiple_of(e0, 8)
    pltpu.sync_copy(srcp_hbm.at[pl.ds(e0a, SHMAX)], srcb.at[pl.ds(0, SHMAX)])
    pltpu.sync_copy(dstp_hbm.at[pl.ds(e0a, SHMAX)], dstb.at[pl.ds(0, SHMAX)])
    pltpu.sync_copy(wnp_hbm.at[pl.ds(e0a, SHMAX)], wnb.at[pl.ds(0, SHMAX)])

    def issue_gather(k):
        off = pl.multiple_of(k * CH, 8)
        return pltpu.async_copy(h_hbm.at[srcb.at[pl.ds(off, CH)]],
                                rows.at[lax.rem(k, 2)], gsem.at[lax.rem(k, 2)])

    issue_gather(0)

    def stage_write(slot_off, node, acc):
        for j in range(8):
            tmprow.at[0][pl.ds(16 * j, 16)] = acc[j]
        pltpu.sync_copy(tmprow, stgrows_hbm.at[pl.ds(2 * wid + slot_off, 1)])
        idrow.at[0][...] = jnp.full((16,), node, jnp.int32)
        pltpu.sync_copy(idrow, stgids_hbm.at[pl.ds(2 * wid + slot_off, 1)])

    def chunk_body(ci, carry):
        cur, run_idx, slot, nfired, gcount = carry[:5]
        acc = carry[5:]
        p = lax.rem(ci, 2)
        off = pl.multiple_of(ci * CH, 8)
        pltpu.make_async_copy(h_hbm.at[srcb.at[pl.ds(off, CH)]],
                              rows.at[p], gsem.at[p]).wait()

        @pl.when(ci + 1 < nch)
        def _():
            issue_gather(ci + 1)
        m = jnp.minimum(CH, nedge - ci * CH)

        def edge_body(i, ecarry):
            cur, run_idx, slot, nfired, gcount = ecarry[:5]
            acc = list(ecarry[5:])
            n = sload(dstb, off + i)
            wv = sload(wnb, off + i)
            switch = jnp.logical_and(n != cur, True)

            @pl.when(jnp.logical_and(switch, cur >= 0))
            def _():
                @pl.when(run_idx == 0)
                def _():
                    stage_write(0, cur, acc)

                @pl.when(run_idx > 0)
                def _():
                    for j in range(8):
                        accbuf.at[slot][pl.ds(16 * j, 16)] = acc[j]
                    pltpu.async_copy(accbuf.at[pl.ds(slot, 1)],
                                     out_hbm.at[pl.ds(cur, 1)], rsem)

            gap_lo = jnp.where(cur >= 0, cur + 1, jnp.where(wid == 0, 0, n))

            @pl.when(jnp.logical_and(switch, n > gap_lo))
            def _():
                def gfill(g, _):
                    pltpu.async_copy(zrow, out_hbm.at[pl.ds(g, 1)], zsem)
                    return 0
                lax.fori_loop(gap_lo, n, gfill, 0)

            emit = jnp.logical_and(switch, jnp.logical_and(cur >= 0, run_idx > 0))
            new_slot = jnp.where(emit, lax.rem(slot + 1, RB), slot)
            new_nfired = jnp.where(emit, nfired + 1, nfired)

            @pl.when(jnp.logical_and(emit, new_slot == 0))
            def _():
                pltpu.make_async_copy(out_hbm.at[pl.ds(0, RB)], accbuf, rsem).wait()

            new_gcount = gcount + jnp.where(
                jnp.logical_and(switch, n > gap_lo), n - gap_lo, 0)
            new_run_idx = jnp.where(jnp.logical_and(switch, cur >= 0),
                                    run_idx + 1, run_idx)
            new_cur = jnp.where(switch, n, cur)

            new_acc = []
            for j in range(8):
                base = jnp.where(switch, zeros16, acc[j])
                new_acc.append(base + rows.at[p].at[i][pl.ds(16 * j, 16)] * wv)
            return (new_cur, new_run_idx, new_slot, new_nfired, new_gcount,
                    *new_acc)

        return lax.fori_loop(0, m, edge_body,
                             (cur, run_idx, slot, nfired, gcount, *acc))

    init = (jnp.int32(-1), jnp.int32(0), jnp.int32(0), jnp.int32(0),
            jnp.int32(0), *[zeros16 for _ in range(8)])
    fin = lax.fori_loop(0, nch, chunk_body, init)
    cur, run_idx, slot, nfired, gcount = fin[:5]
    acc = fin[5:]

    @pl.when(run_idx == 0)
    def _():
        stage_write(0, cur, acc)
        idrow.at[0][...] = jnp.full((16,), -1, jnp.int32)
        pltpu.sync_copy(idrow, stgids_hbm.at[pl.ds(2 * wid + 1, 1)])

    @pl.when(run_idx > 0)
    def _():
        stage_write(1, cur, acc)

    @pl.when(cov_hi > cur + 1)
    def _():
        def gfill(g, _):
            pltpu.async_copy(zrow, out_hbm.at[pl.ds(g, 1)], zsem)
            return 0
        lax.fori_loop(cur + 1, cov_hi, gfill, 0)
    gcount = gcount + jnp.maximum(cov_hi - (cur + 1), 0)

    rem = lax.rem(nfired, RB)

    def drain(i, _):
        pltpu.make_async_copy(out_hbm.at[pl.ds(0, 1)],
                              accbuf.at[pl.ds(0, 1)], rsem).wait()
        return 0
    lax.fori_loop(0, rem, drain, 0)

    def draing(i, _):
        pltpu.make_async_copy(out_hbm.at[pl.ds(0, 1)],
                              zrow, zsem).wait()
        return 0
    lax.fori_loop(0, gcount, draing, 0)


_sc_scatter = pl.kernel(
    _sc_scatter_body,
    out_type=(
        jax.ShapeDtypeStruct((N_NODES, D), jnp.float32),
        jax.ShapeDtypeStruct((2 * NTILES, D), jnp.float32),
        jax.ShapeDtypeStruct((2 * NTILES, 16), jnp.int32),
    ),
    mesh=plsc.VectorSubcoreMesh(core_axis_name="c", subcore_axis_name="s",
                                num_cores=NC, num_subcores=NS),
    scratch_types=[
        pltpu.VMEM((SHMAX + 16,), jnp.int32),
        pltpu.VMEM((SHMAX + 16,), jnp.int32),
        pltpu.VMEM((SHMAX + 16,), jnp.float32),
        pltpu.VMEM((2, CH, D), jnp.float32),
        pltpu.VMEM((RB, D), jnp.float32),
        pltpu.VMEM((1, D), jnp.float32),
        pltpu.VMEM((1, D), jnp.float32),
        pltpu.VMEM((1, 16), jnp.int32),
        pltpu.VMEM((112,), jnp.int32),
        pltpu.SemaphoreType.DMA((2,)),
        pltpu.SemaphoreType.DMA,
        pltpu.SemaphoreType.DMA,
    ],
)


def _merge_body(hraw_ref, stgrows_ref, stgids_ref, out_ref):
    zero = jnp.zeros((1, D), jnp.float32)
    out_ref[...] = hraw_ref[...]

    def body(k, carry):
        cur, svec = carry
        nid = stgids_ref[k, 0]
        p = stgrows_ref[pl.ds(k, 1), :]
        valid = nid >= 0
        same = jnp.logical_and(valid, nid == cur)
        switch = jnp.logical_and(valid, nid != cur)

        @pl.when(jnp.logical_and(switch, cur >= 0))
        def _():
            out_ref[pl.ds(cur, 1), :] = svec

        new_svec = jnp.where(same, svec + p, jnp.where(valid, zero + p, svec))
        new_cur = jnp.where(switch, nid, cur)
        return (new_cur, new_svec)

    cur, svec = lax.fori_loop(0, 2 * NTILES, body, (jnp.int32(-1), zero))

    @pl.when(cur >= 0)
    def _():
        out_ref[pl.ds(cur, 1), :] = svec


_merge = pl.pallas_call(
    _merge_body,
    out_shape=jax.ShapeDtypeStruct((N_NODES, D), jnp.float32),
    in_specs=[
        pl.BlockSpec((N_NODES, D), lambda: (0, 0)),
        pl.BlockSpec((2 * NTILES, D), lambda: (0, 0)),
        pl.BlockSpec(memory_space=pltpu.SMEM),
    ],
    out_specs=pl.BlockSpec((N_NODES, D), lambda: (0, 0)),
)


BR = 400


def _norm_body(h_ref, o_ref):
    x = h_ref[...]
    acc = x[:, 0:8] * x[:, 0:8]
    for i in range(1, 16):
        ci = x[:, 8 * i:8 * i + 8]
        acc = acc + ci * ci
    t = acc[:, 0:4] + acc[:, 4:8]
    t = t[:, 0:2] + t[:, 2:4]
    ss = t[:, 0:1] + t[:, 1:2]
    nrm = jnp.sqrt(ss)
    den = jnp.maximum(nrm, 1e-12)
    o_ref[...] = x / den


_normalize = pl.pallas_call(
    _norm_body,
    out_shape=jax.ShapeDtypeStruct((N_NODES, D), jnp.float32),
    grid=(N_NODES // BR,),
    in_specs=[pl.BlockSpec((BR, D), lambda i: (i, 0))],
    out_specs=pl.BlockSpec((BR, D), lambda i: (i, 0)),
)


def _scores_body(h_ref, o_ref):
    o_ref[...] = jnp.max(h_ref[...], axis=1, keepdims=True)


_scores_k = pl.pallas_call(
    _scores_body,
    out_shape=jax.ShapeDtypeStruct((N_NODES, 1), jnp.float32),
    grid=(N_NODES // BR,),
    in_specs=[pl.BlockSpec((BR, D), lambda i: (i, 0))],
    out_specs=pl.BlockSpec((BR, 1), lambda i: (i, 0)),
)


def _extract_body(pf_ref, hn_ref, x_ref, sc_ref,
                  rf_ref, masks_ref, nf_ref, si_ref, ns_ref):
    s = sc_ref[...]
    b = lax.bitcast_convert_type(s, jnp.int32)
    m = b ^ ((b >> 31) & jnp.int32(0x7FFFFFFF))
    riota = lax.broadcasted_iota(jnp.int32, (N_NODES, 1), 0)
    neg_inf_i = jnp.int32(-0x80000000)

    idxs = []
    for k in range(K_NODES):
        mv = jnp.max(m)
        cand = jnp.where(m == mv, riota, jnp.int32(N_NODES))
        mi = jnp.min(cand)
        idxs.append(mi)
        si_ref[k] = mi
        m = jnp.where(riota == mi, neg_inf_i, m)
    for k in range(K_NODES, 8):
        si_ref[k] = jnp.int32(0)

    raw = jnp.concatenate(
        [pf_ref[pl.ds(idxs[k], 1), :] for k in range(K_NODES)], axis=0)
    rf_ref[...] = raw

    rss = jnp.sum(raw * raw, axis=1, keepdims=True)
    rn = raw / jnp.maximum(jnp.sqrt(rss), 1e-12)

    hn = hn_ref[...]
    sim = lax.dot_general(rn, hn, (((1,), (1,)), ((), ())),
                          preferred_element_type=jnp.float32,
                          precision=lax.Precision.HIGHEST)
    mx = jnp.max(sim, axis=1, keepdims=True)
    ex = jnp.exp(sim - mx)
    sm = ex / jnp.sum(ex, axis=1, keepdims=True)
    sm = sm / jnp.maximum(jnp.max(sm, axis=1, keepdims=True), 1e-12)
    masks_ref[...] = sm

    nf = lax.dot_general(sm, x_ref[...], (((1,), (0,)), ((), ())),
                         preferred_element_type=jnp.float32,
                         precision=lax.Precision.HIGHEST)
    nf_ref[...] = nf
    for k in range(K_NODES):
        ns_ref[k] = jnp.max(sm[k])
    for k in range(K_NODES, 8):
        ns_ref[k] = jnp.float32(0)


_extract = pl.pallas_call(
    _extract_body,
    out_shape=(
        jax.ShapeDtypeStruct((K_NODES, D), jnp.float32),
        jax.ShapeDtypeStruct((K_NODES, N_NODES), jnp.float32),
        jax.ShapeDtypeStruct((K_NODES, D), jnp.float32),
        jax.ShapeDtypeStruct((8,), jnp.int32),
        jax.ShapeDtypeStruct((8,), jnp.float32),
    ),
    out_specs=(
        pl.BlockSpec((K_NODES, D), lambda: (0, 0)),
        pl.BlockSpec((K_NODES, N_NODES), lambda: (0, 0)),
        pl.BlockSpec((K_NODES, D), lambda: (0, 0)),
        pl.BlockSpec(memory_space=pltpu.SMEM),
        pl.BlockSpec(memory_space=pltpu.SMEM),
    ),
)


def kernel(x, edge_index, edge_weights):
    src = edge_index[0]
    dst = edge_index[1]

    w = jnp.where(edge_weights > ADJ_THRESH, edge_weights, 0.0)
    deg = jax.ops.segment_sum(w, dst, num_segments=N_NODES)
    wn = w / jnp.clip(deg[dst], 1e-12)

    perm = jnp.argsort(dst, stable=True)
    srcp = src[perm].astype(jnp.int32)
    dstp = dst[perm].astype(jnp.int32)
    wnp = wn[perm]

    pad = EPAD - E_EDGES
    srcp = jnp.concatenate([srcp, jnp.zeros((pad,), jnp.int32)])
    dstp_p = jnp.concatenate([dstp, jnp.zeros((pad,), jnp.int32)])
    wnp = jnp.concatenate([wnp, jnp.zeros((pad,), jnp.float32)])

    e0s = jnp.array([sh[0] for sh in SHARDS], jnp.int32)
    e1s = jnp.array([sh[1] for sh in SHARDS], jnp.int32)
    nxt = jnp.concatenate([
        dstp[jnp.array([sh[1] for sh in SHARDS[:-1]], jnp.int32)],
        jnp.array([N_NODES], jnp.int32)])
    meta = jnp.concatenate([e0s, e1s, nxt])

    h0 = jax.random.normal(jax.random.key(42), x.shape, dtype=jnp.float32)

    def body(i, h):
        hraw, stgrows, stgids = _sc_scatter(h, srcp, dstp_p, wnp, meta)
        hm = _merge(hraw, stgrows, stgids)
        return _normalize(hm)

    pf = lax.fori_loop(0, NUM_ITERS, body, h0)

    scores = _scores_k(pf)
    hn = _normalize(pf)
    rf, masks, nf, si8, ns8 = _extract(pf, hn, x, scores)
    return (nf, ns8[:K_NODES], masks, rf, si8[:K_NODES])

# --- scband reference (transcript-rebuilt; emitter-appended) ---
"""Pipeline reference for scband-construct-quarter-82025285419619 (READ-ONLY COPY).

The authoritative reference and input builder live on the scoring server;
editing this copy changes nothing except your own understanding.
"""

import jax, jax.numpy as jnp
import numpy as np

K_NODES = 5
NUM_ITERS = 75
ADJ_THRESH = 0.5


def softmax_max_norm(x):
    x = jax.nn.softmax(x, axis=-1)
    x = x / jnp.clip(jnp.max(x, axis=-1, keepdims=True), 1e-12)
    return x


def setup_inputs(seed: int = 0) -> dict:
    key = jax.random.key(seed)
    k1, k2, k3 = jax.random.split(key, 3)
    N, E, D = 10000, 160000, 128
    x = jax.random.normal(k1, (N, D), dtype=jnp.float32)
    edge_index = jax.random.randint(k2, (2, E), 0, N)
    edge_weights = jax.random.uniform(k3, (E,), dtype=jnp.float32)
    return {"x": x, "edge_index": edge_index, "edge_weights": edge_weights}


def reference(x, edge_index, edge_weights):
    # from_base=True path of ConstructQuarter.forward: use provided graph
    # edge_index / edge_weights directly; abstract_features = x.
    N = x.shape[0]
    src = edge_index[0]
    dst = edge_index[1]

    # GraphPropagator(num_iters=75, project=True, adj_thresh=0.5):
    # threshold adjacency, dst-degree normalize, iterate sparse propagation
    # with row projection (L2 normalize) each step.
    w = jnp.where(edge_weights > ADJ_THRESH, edge_weights, 0.0)
    deg = jax.ops.segment_sum(w, dst, num_segments=N)
    w_norm = w / jnp.clip(deg[dst], 1e-12)

    # random_init_state = torch.randn(x.shape)
    h0 = jax.random.normal(jax.random.key(42), x.shape, dtype=jnp.float32)

    def body(i, h):
        msg = h[src] * w_norm[:, None]
        h = jax.ops.segment_sum(msg, dst, num_segments=N)
        h = h / jnp.clip(jnp.linalg.norm(h, axis=-1, keepdims=True), 1e-12)
        return h

    prop_features = jax.lax.fori_loop(0, NUM_ITERS, body, h0)

    # NodeExtraction(k_nodes=5): pick top-k salient nodes, build soft masks
    # over all nodes via cosine similarity + softmax_max_norm.
    scores = jnp.max(prop_features, axis=-1)
    _, sample_index = jax.lax.top_k(scores, K_NODES)
    raw_features = prop_features[sample_index]

    hn = prop_features / jnp.clip(jnp.linalg.norm(prop_features, axis=-1, keepdims=True), 1e-12)
    rn = raw_features / jnp.clip(jnp.linalg.norm(raw_features, axis=-1, keepdims=True), 1e-12)
    sim = rn @ hn.T  # [k_nodes, N] cosine similarity
    masks_extracted = softmax_max_norm(sim)
    # torch.tensor(masks_extracted) detaches -> stop_gradient
    masks_extracted = jax.lax.stop_gradient(masks_extracted)

    node_features = jnp.einsum('nd,mn->md', x, masks_extracted)
    node_scores = jnp.max(masks_extracted, axis=-1)
    return (node_features, node_scores, masks_extracted, raw_features, sample_index)

if __name__ == "__main__":
    import jax
    _d = setup_inputs()
    print(jax.jit(kernel)(*tuple(_d.values())))

</pallas_src>

<mosaic_0001>
#map = affine_map<(d0, d1) -> (0, 0)>
#map1 = affine_map<(d0, d1) -> (0)>
module attributes {stable_mosaic.version = 14 : i64} {
  func.func @_sc_scatter_body(%arg0: i32, %arg1: i32, %arg2: memref<10000x128xf32, #tpu.memory_space<hbm>>, %arg3: memref<160512xi32, #tpu.memory_space<hbm>>, %arg4: memref<160512xi32, #tpu.memory_space<hbm>>, %arg5: memref<160512xf32, #tpu.memory_space<hbm>>, %arg6: memref<96xi32, #tpu.memory_space<hbm>>, %arg7: memref<10000x128xf32, #tpu.memory_space<hbm>>, %arg8: memref<64x128xf32, #tpu.memory_space<hbm>>, %arg9: memref<64x16xi32, #tpu.memory_space<hbm>>, %arg10: memref<5056xi32, #tpu.memory_space<vmem>>, %arg11: memref<5056xi32, #tpu.memory_space<vmem>>, %arg12: memref<5056xf32, #tpu.memory_space<vmem>>, %arg13: memref<2x120x128xf32, #tpu.memory_space<vmem>>, %arg14: memref<64x128xf32, #tpu.memory_space<vmem>>, %arg15: memref<1x128xf32, #tpu.memory_space<vmem>>, %arg16: memref<1x128xf32, #tpu.memory_space<vmem>>, %arg17: memref<1x16xi32, #tpu.memory_space<vmem>>, %arg18: memref<112xi32, #tpu.memory_space<vmem>>, %arg19: memref<2x!tpu.dma_semaphore, #tpu.memory_space<semaphore_mem>>, %arg20: memref<!tpu.dma_semaphore, #tpu.memory_space<semaphore_mem>>, %arg21: memref<!tpu.dma_semaphore, #tpu.memory_space<semaphore_mem>>) attributes {dimension_semantics = [#tpu.dimension_semantics<core_parallel>, #tpu.dimension_semantics<subcore_parallel>], iteration_bounds = array<i64: 2, 16>, scalar_prefetch = 0 : i64, scratch_operands = 12 : i64, tpu.core_type = #tpu.core_type<sc_vector_subcore>, window_params = [{transform_indices = #map}, {transform_indices = #map1}, {transform_indices = #map1}, {transform_indices = #map1}, {transform_indices = #map1}, {transform_indices = #map}, {transform_indices = #map}, {transform_indices = #map}]} {
    %mul3A = arith.constant 16 : i32
    %mul3A_0 = arith.muli %arg0, %mul3A : i32
    %add3A = arith.addi %mul3A_0, %arg1 : i32
    "tpu.region"() ({
      %run_scoped3A = tpu.sem_alloc : memref<!tpu.dma_semaphore, #tpu.memory_space<semaphore_mem>>
      %dma_start3A_158 = arith.constant 0 : i32
      %dma_start3A_159 = tpu.memref_slice %arg18[%dma_start3A_158] : memref<112xi32, #tpu.memory_space<vmem>> -> memref<96xi32, #tpu.memory_space<vmem>>
      %dma_start3A_160 = arith.constant 0 : i32
      %dma_start3A_161 = tpu.memref_slice %arg18[%dma_start3A_160] : memref<112xi32, #tpu.memory_space<vmem>> -> memref<96xi32, #tpu.memory_space<vmem>>
      tpu.enqueue_dma source(%arg6 : memref<96xi32, #tpu.memory_space<hbm>>) target(%dma_start3A_161 : memref<96xi32, #tpu.memory_space<vmem>>) target_semaphore(%run_scoped3A : memref<!tpu.dma_semaphore, #tpu.memory_space<semaphore_mem>>)
      %dma_wait3A = arith.constant 0 : i32
      %dma_wait3A_162 = tpu.memref_slice %arg18[%dma_wait3A] : memref<112xi32, #tpu.memory_space<vmem>> -> memref<96xi32, #tpu.memory_space<vmem>>
      %dma_wait3A_163 = arith.constant 0 : i32
      %dma_wait3A_164 = tpu.memref_slice %arg18[%dma_wait3A_163] : memref<112xi32, #tpu.memory_space<vmem>> -> memref<96xi32, #tpu.memory_space<vmem>>
      tpu.wait_dma2 semaphore(%run_scoped3A : memref<!tpu.dma_semaphore, #tpu.memory_space<semaphore_mem>>) src(%arg6 : memref<96xi32, #tpu.memory_space<hbm>>) dst(%dma_wait3A_164 : memref<96xi32, #tpu.memory_space<vmem>>)
      tpu.yield
    }) : () -> ()
    %get3A = arith.index_cast %add3A : i32 to index
    %get3A_1 = tpu.vector_load %arg18[%get3A] {strides = array<i32>} : memref<112xi32, #tpu.memory_space<vmem>>, vector<16xi32>,
    %get3A_2 = vector.shape_cast %get3A_1 : vector<16xi32> to vector<16xi32>
    %slice3A = vector.extract_strided_slice %get3A_2 {offsets = [0], sizes = [1], strides = [1]} : vector<16xi32> to vector<1xi32>
    %squeeze3A = vector.extract %slice3A[0] : i32 from vector<1xi32>
    %add3A_3 = arith.constant 32 : i32
    %add3A_4 = arith.addi %add3A_3, %add3A : i32
    %get3A_5 = arith.index_cast %add3A_4 : i32 to index
    %get3A_6 = tpu.vector_load %arg18[%get3A_5] {strides = array<i32>} : memref<112xi32, #tpu.memory_space<vmem>>, vector<16xi32>,
    %get3A_7 = vector.shape_cast %get3A_6 : vector<16xi32> to vector<16xi32>
    %slice3A_8 = vector.extract_strided_slice %get3A_7 {offsets = [0], sizes = [1], strides = [1]} : vector<16xi32> to vector<1xi32>
    %squeeze3A_9 = vector.extract %slice3A_8[0] : i32 from vector<1xi32>
    %add3A_10 = arith.constant 64 : i32
    %add3A_11 = arith.addi %add3A_10, %add3A : i32
    %get3A_12 = arith.index_cast %add3A_11 : i32 to index
    %get3A_13 = tpu.vector_load %arg18[%get3A_12] {strides = array<i32>} : memref<112xi32, #tpu.memory_space<vmem>>, vector<16xi32>,
    %get3A_14 = vector.shape_cast %get3A_13 : vector<16xi32> to vector<16xi32>
    %slice3A_15 = vector.extract_strided_slice %get3A_14 {offsets = [0], sizes = [1], strides = [1]} : vector<16xi32> to vector<1xi32>
    %squeeze3A_16 = vector.extract %slice3A_15[0] : i32 from vector<1xi32>
    %broadcast_in_dim3A = arith.constant 0.000000e+00 : f32
    %broadcast_in_dim3A_17 = vector.broadcast %broadcast_in_dim3A : f32 to vector<16xf32>
    %swap3A = arith.constant 0 : i32
    %swap3A_18 = arith.constant 0 : i32
    %swap3A_19 = tpu.memref_slice %arg15[%swap3A, %swap3A_18] : memref<1x128xf32, #tpu.memory_space<vmem>> -> memref<1x128xf32, #tpu.memory_space<vmem>>
    %swap3A_20 = tpu.memref_squeeze %swap3A_19 : memref<1x128xf32, #tpu.memory_space<vmem>> -> memref<128xf32, #tpu.memory_space<vmem>>
    %swap3A_21 = arith.constant 0 : index
    %swap3A_22 = tpu.vector_load %swap3A_20[%swap3A_21] {strides = array<i32>} : memref<128xf32, #tpu.memory_space<vmem>>, vector<16xf32>,
    %swap3A_23 = vector.shape_cast %swap3A_22 : vector<16xf32> to vector<16xf32>
    %swap3A_24 = vector.shape_cast %broadcast_in_dim3A_17 : vector<16xf32> to vector<16xf32>
    tpu.vector_store %swap3A_20[%swap3A_21], %swap3A_24 {strides = array<i32>} : memref<128xf32, #tpu.memory_space<vmem>>, vector<16xf32>,
    %swap3A_25 = arith.constant 0 : i32
    %swap3A_26 = arith.constant 0 : i32
    %swap3A_27 = tpu.memref_slice %arg15[%swap3A_25, %swap3A_26] : memref<1x128xf32, #tpu.memory_space<vmem>> -> memref<1x128xf32, #tpu.memory_space<vmem>>
    %swap3A_28 = tpu.memref_squeeze %swap3A_27 : memref<1x128xf32, #tpu.memory_space<vmem>> -> memref<128xf32, #tpu.memory_space<vmem>>
    %swap3A_29 = arith.constant 16 : index
    %swap3A_30 = tpu.vector_load %swap3A_28[%swap3A_29] {strides = array<i32>} : memref<128xf32, #tpu.memory_space<vmem>>, vector<16xf32>,
    %swap3A_31 = vector.shape_cast %swap3A_30 : vector<16xf32> to vector<16xf32>
    %swap3A_32 = vector.shape_cast %broadcast_in_dim3A_17 : vector<16xf32> to vector<16xf32>
    tpu.vector_store %swap3A_28[%swap3A_29], %swap3A_32 {strides = array<i32>} : memref<128xf32, #tpu.memory_space<vmem>>, vector<16xf32>,
    %swap3A_33 = arith.constant 0 : i32
    %swap3A_34 = arith.constant 0 : i32
    %swap3A_35 = tpu.memref_slice %arg15[%swap3A_33, %swap3A_34] : memref<1x128xf32, #tpu.memory_space<vmem>> -> memref<1x128xf32, #tpu.memory_space<vmem>>
    %swap3A_36 = tpu.memref_squeeze %swap3A_35 : memref<1x128xf32, #tpu.memory_space<vmem>> -> memref<128xf32, #tpu.memory_space<vmem>>
    %swap3A_37 = arith.constant 32 : index
    %swap3A_38 = tpu.vector_load %swap3A_36[%swap3A_37] {strides = array<i32>} : memref<128xf32, #tpu.memory_space<vmem>>, vector<16xf32>,
    %swap3A_39 = vector.shape_cast %swap3A_38 : vector<16xf32> to vector<16xf32>
    %swap3A_40 = vector.shape_cast %broadcast_in_dim3A_17 : vector<16xf32> to vector<16xf32>
    tpu.vector_store %swap3A_36[%swap3A_37], %swap3A_40 {strides = array<i32>} : memref<128xf32, #tpu.memory_space<vmem>>, vector<16xf32>,
    %swap3A_41 = arith.constant 0 : i32
    %swap3A_42 = arith.constant 0 : i32
    %swap3A_43 = tpu.memref_slice %arg15[%swap3A_41, %swap3A_42] : memref<1x128xf32, #tpu.memory_space<vmem>> -> memref<1x128xf32, #tpu.memory_space<vmem>>
    %swap3A_44 = tpu.memref_squeeze %swap3A_43 : memref<1x128xf32, #tpu.memory_space<vmem>> -> memref<128xf32, #tpu.memory_space<vmem>>
    %swap3A_45 = arith.constant 48 : index
    %swap3A_46 = tpu.vector_load %swap3A_44[%swap3A_45] {strides = array<i32>} : memref<128xf32, #tpu.memory_space<vmem>>, vector<16xf32>,
    %swap3A_47 = vector.shape_cast %swap3A_46 : vector<16xf32> to vector<16xf32>
    %swap3A_48 = vector.shape_cast %broadcast_in_dim3A_17 : vector<16xf32> to vector<16xf32>
    tpu.vector_store %swap3A_44[%swap3A_45], %swap3A_48 {strides = array<i32>} : memref<128xf32, #tpu.memory_space<vmem>>, vector<16xf32>,
    %swap3A_49 = arith.constant 0 : i32
    %swap3A_50 = arith.constant 0 : i32
    %swap3A_51 = tpu.memref_slice %arg15[%swap3A_49, %swap3A_50] : memref<1x128xf32, #tpu.memory_space<vmem>> -> memref<1x128xf32, #tpu.memory_space<vmem>>
    %swap3A_52 = tpu.memref_squeeze %swap3A_51 : memref<1x128xf32, #tpu.memory_space<vmem>> -> memref<128xf32, #tpu.memory_space<vmem>>
    %swap3A_53 = arith.constant 64 : index
    %swap3A_54 = tpu.vector_load %swap3A_52[%swap3A_53] {strides = array<i32>} : memref<128xf32, #tpu.memory_space<vmem>>, vector<16xf32>,
    %swap3A_55 = vector.shape_cast %swap3A_54 : vector<16xf32> to vector<16xf32>
    %swap3A_56 = vector.shape_cast %broadcast_in_dim3A_17 : vector<16xf32> to vector<16xf32>
    tpu.vector_store %swap3A_52[%swap3A_53], %swap3A_56 {strides = array<i32>} : memref<128xf32, #tpu.memory_space<vmem>>, vector<16xf32>,
    %swap3A_57 = arith.constant 0 : i32
    %swap3A_58 = arith.constant 0 : i32
    %swap3A_59 = tpu.memref_slice %arg15[%swap3A_57, %swap3A_58] : memref<1x128xf32, #tpu.memory_space<vmem>> -> memref<1x128xf32, #tpu.memory_space<vmem>>
    %swap3A_60 = tpu.memref_squeeze %swap3A_59 : memref<1x128xf32, #tpu.memory_space<vmem>> -> memref<128xf32, #tpu.memory_space<vmem>>
    %swap3A_61 = arith.constant 80 : index
    %swap3A_62 = tpu.vector_load %swap3A_60[%swap3A_61] {strides = array<i32>} : memref<128xf32, #tpu.memory_space<vmem>>, vector<16xf32>,
    %swap3A_63 = vector.shape_cast %swap3A_62 : vector<16xf32> to vector<16xf32>
    %swap3A_64 = vector.shape_cast %broadcast_in_dim3A_17 : vector<16xf32> to vector<16xf32>
    tpu.vector_store %swap3A_60[%swap3A_61], %swap3A_64 {strides = array<i32>} : memref<128xf32, #tpu.memory_space<vmem>>, vector<16xf32>,
    %swap3A_65 = arith.constant 0 : i32
    %swap3A_66 = arith.constant 0 : i32
    %swap3A_67 = tpu.memref_slice %arg15[%swap3A_65, %swap3A_66] : memref<1x128xf32, #tpu.memory_space<vmem>> -> memref<1x128xf32, #tpu.memory_space<vmem>>
    %swap3A_68 = tpu.memref_squeeze %swap3A_67 : memref<1x128xf32, #tpu.memory_space<vmem>> -> memref<128xf32, #tpu.memory_space<vmem>>
    %swap3A_69 = arith.constant 96 : index
    %swap3A_70 = tpu.vector_load %swap3A_68[%swap3A_69] {strides = array<i32>} : memref<128xf32, #tpu.memory_space<vmem>>, vector<16xf32>,
    %swap3A_71 = vector.shape_cast %swap3A_70 : vector<16xf32> to vector<16xf32>
    %swap3A_72 = vector.shape_cast %broadcast_in_dim3A_17 : vector<16xf32> to vector<16xf32>
    tpu.vector_store %swap3A_68[%swap3A_69], %swap3A_72 {strides = array<i32>} : memref<128xf32, #tpu.memory_space<vmem>>, vector<16xf32>,
    %swap3A_73 = arith.constant 0 : i32
    %swap3A_74 = arith.constant 0 : i32
    %swap3A_75 = tpu.memref_slice %arg15[%swap3A_73, %swap3A_74] : memref<1x128xf32, #tpu.memory_space<vmem>> -> memref<1x128xf32, #tpu.memory_space<vmem>>
    %swap3A_76 = tpu.memref_squeeze %swap3A_75 : memref<1x128xf32, #tpu.memory_space<vmem>> -> memref<128xf32, #tpu.memory_space<vmem>>
    %swap3A_77 = arith.constant 112 : index
    %swap3A_78 = tpu.vector_load %swap3A_76[%swap3A_77] {strides = array<i32>} : memref<128xf32, #tpu.memory_space<vmem>>, vector<16xf32>,
    %swap3A_79 = vector.shape_cast %swap3A_78 : vector<16xf32> to vector<16xf32>
    %swap3A_80 = vector.shape_cast %broadcast_in_dim3A_17 : vector<16xf32> to vector<16xf32>
    tpu.vector_store %swap3A_76[%swap3A_77], %swap3A_80 {strides = array<i32>} : memref<128xf32, #tpu.memory_space<vmem>>, vector<16xf32>,
    %sub3A = arith.subi %squeeze3A_9, %squeeze3A : i32
    %add3A_81 = arith.constant 119 : i32
    %add3A_82 = arith.addi %sub3A, %add3A_81 : i32
    %div3A = arith.constant 120 : i32
    %div3A_83 = arith.divsi %add3A_82, %div3A : i32
    %multiple_of3A = tpu.assume_multiple %squeeze3A, 8 : i32
    "tpu.region"() ({
      %run_scoped3A = tpu.sem_alloc : memref<!tpu.dma_semaphore, #tpu.memory_space<semaphore_mem>>
      %dma_start3A_158 = arith.constant 0 : i32
      %dma_start3A_159 = tpu.memref_slice %arg10[%dma_start3A_158] : memref<5056xi32, #tpu.memory_space<vmem>> -> memref<5040xi32, #tpu.memory_space<vmem>>
      %dma_start3A_160 = tpu.memref_slice %arg3[%multiple_of3A] : memref<160512xi32, #tpu.memory_space<hbm>> -> memref<5040xi32, #tpu.memory_space<hbm>>
      %dma_start3A_161 = arith.constant 0 : i32
      %dma_start3A_162 = tpu.memref_slice %arg10[%dma_start3A_161] : memref<5056xi32, #tpu.memory_space<vmem>> -> memref<5040xi32, #tpu.memory_space<vmem>>
      %dma_start3A_163 = tpu.memref_slice %arg3[%multiple_of3A] : memref<160512xi32, #tpu.memory_space<hbm>> -> memref<5040xi32, #tpu.memory_space<hbm>>
      tpu.enqueue_dma source(%dma_start3A_163 : memref<5040xi32, #tpu.memory_space<hbm>>) target(%dma_start3A_162 : memref<5040xi32, #tpu.memory_space<vmem>>) target_semaphore(%run_scoped3A : memref<!tpu.dma_semaphore, #tpu.memory_space<semaphore_mem>>)
      %dma_wait3A = arith.constant 0 : i32
      %dma_wait3A_164 = tpu.memref_slice %arg10[%dma_wait3A] : memref<5056xi32, #tpu.memory_space<vmem>> -> memref<5040xi32, #tpu.memory_space<vmem>>
      %dma_wait3A_165 = tpu.memref_slice %arg3[%multiple_of3A] : memref<160512xi32, #tpu.memory_space<hbm>> -> memref<5040xi32, #tpu.memory_space<hbm>>
      %dma_wait3A_166 = arith.constant 0 : i32
      %dma_wait3A_167 = tpu.memref_slice %arg10[%dma_wait3A_166] : memref<5056xi32, #tpu.memory_space<vmem>> -> memref<5040xi32, #tpu.memory_space<vmem>>
      %dma_wait3A_168 = tpu.memref_slice %arg3[%multiple_of3A] : memref<160512xi32, #tpu.memory_space<hbm>> -> memref<5040xi32, #tpu.memory_space<hbm>>
      tpu.wait_dma2 semaphore(%run_scoped3A : memref<!tpu.dma_semaphore, #tpu.memory_space<semaphore_mem>>) src(%dma_wait3A_168 : memref<5040xi32, #tpu.memory_space<hbm>>) dst(%dma_wait3A_167 : memref<5040xi32, #tpu.memory_space<vmem>>)
      tpu.yield
    }) : () -> ()
    "tpu.region"() ({
      %run_scoped3A = tpu.sem_alloc : memref<!tpu.dma_semaphore, #tpu.memory_space<semaphore_mem>>
      %dma_start3A_158 = arith.constant 0 : i32
      %dma_start3A_159 = tpu.memref_slice %arg11[%dma_start3A_158] : memref<5056xi32, #tpu.memory_space<vmem>> -> memref<5040xi32, #tpu.memory_space<vmem>>
      %dma_start3A_160 = tpu.memref_slice %arg4[%multiple_of3A] : memref<160512xi32, #tpu.memory_space<hbm>> -> memref<5040xi32, #tpu.memory_space<hbm>>
      %dma_start3A_161 = arith.constant 0 : i32
      %dma_start3A_162 = tpu.memref_slice %arg11[%dma_start3A_161] : memref<5056xi32, #tpu.memory_space<vmem>> -> memref<5040xi32, #tpu.memory_space<vmem>>
      %dma_start3A_163 = tpu.memref_slice %arg4[%multiple_of3A] : memref<160512xi32, #tpu.memory_space<hbm>> -> memref<5040xi32, #tpu.memory_space<hbm>>
      tpu.enqueue_dma source(%dma_start3A_163 : memref<5040xi32, #tpu.memory_space<hbm>>) target(%dma_start3A_162 : memref<5040xi32, #tpu.memory_space<vmem>>) target_semaphore(%run_scoped3A : memref<!tpu.dma_semaphore, #tpu.memory_space<semaphore_mem>>)
      %dma_wait3A = arith.constant 0 : i32
      %dma_wait3A_164 = tpu.memref_slice %arg11[%dma_wait3A] : memref<5056xi32, #tpu.memory_space<vmem>> -> memref<5040xi32, #tpu.memory_space<vmem>>
      %dma_wait3A_165 = tpu.memref_slice %arg4[%multiple_of3A] : memref<160512xi32, #tpu.memory_space<hbm>> -> memref<5040xi32, #tpu.memory_space<hbm>>
      %dma_wait3A_166 = arith.constant 0 : i32
      %dma_wait3A_167 = tpu.memref_slice %arg11[%dma_wait3A_166] : memref<5056xi32, #tpu.memory_space<vmem>> -> memref<5040xi32, #tpu.memory_space<vmem>>
      %dma_wait3A_168 = tpu.memref_slice %arg4[%multiple_of3A] : memref<160512xi32, #tpu.memory_space<hbm>> -> memref<5040xi32, #tpu.memory_space<hbm>>
      tpu.wait_dma2 semaphore(%run_scoped3A : memref<!tpu.dma_semaphore, #tpu.memory_space<semaphore_mem>>) src(%dma_wait3A_168 : memref<5040xi32, #tpu.memory_space<hbm>>) dst(%dma_wait3A_167 : memref<5040xi32, #tpu.memory_space<vmem>>)
      tpu.yield
    }) : () -> ()
    "tpu.region"() ({
      %run_scoped3A = tpu.sem_alloc : memref<!tpu.dma_semaphore, #tpu.memory_space<semaphore_mem>>
      %dma_start3A_158 = arith.constant 0 : i32
      %dma_start3A_159 = tpu.memref_slice %arg12[%dma_start3A_158] : memref<5056xf32, #tpu.memory_space<vmem>> -> memref<5040xf32, #tpu.memory_space<vmem>>
      %dma_start3A_160 = tpu.memref_slice %arg5[%multiple_of3A] : memref<160512xf32, #tpu.memory_space<hbm>> -> memref<5040xf32, #tpu.memory_space<hbm>>
      %dma_start3A_161 = arith.constant 0 : i32
      %dma_start3A_162 = tpu.memref_slice %arg12[%dma_start3A_161] : memref<5056xf32, #tpu.memory_space<vmem>> -> memref<5040xf32, #tpu.memory_space<vmem>>
      %dma_start3A_163 = tpu.memref_slice %arg5[%multiple_of3A] : memref<160512xf32, #tpu.memory_space<hbm>> -> memref<5040xf32, #tpu.memory_space<hbm>>
      tpu.enqueue_dma source(%dma_start3A_163 : memref<5040xf32, #tpu.memory_space<hbm>>) target(%dma_start3A_162 : memref<5040xf32, #tpu.memory_space<vmem>>) target_semaphore(%run_scoped3A : memref<!tpu.dma_semaphore, #tpu.memory_space<semaphore_mem>>)
      %dma_wait3A = arith.constant 0 : i32
      %dma_wait3A_164 = tpu.memref_slice %arg12[%dma_wait3A] : memref<5056xf32, #tpu.memory_space<vmem>> -> memref<5040xf32, #tpu.memory_space<vmem>>
      %dma_wait3A_165 = tpu.memref_slice %arg5[%multiple_of3A] : memref<160512xf32, #tpu.memory_space<hbm>> -> memref<5040xf32, #tpu.memory_space<hbm>>
      %dma_wait3A_166 = arith.constant 0 : i32
      %dma_wait3A_167 = tpu.memref_slice %arg12[%dma_wait3A_166] : memref<5056xf32, #tpu.memory_space<vmem>> -> memref<5040xf32, #tpu.memory_space<vmem>>
      %dma_wait3A_168 = tpu.memref_slice %arg5[%multiple_of3A] : memref<160512xf32, #tpu.memory_space<hbm>> -> memref<5040xf32, #tpu.memory_space<hbm>>
      tpu.wait_dma2 semaphore(%run_scoped3A : memref<!tpu.dma_semaphore, #tpu.memory_space<semaphore_mem>>) src(%dma_wait3A_168 : memref<5040xf32, #tpu.memory_space<hbm>>) dst(%dma_wait3A_167 : memref<5040xf32, #tpu.memory_space<vmem>>)
      tpu.yield
    }) : () -> ()
    %multiple_of3A_84 = arith.constant 0 : i32
    %multiple_of3A_85 = tpu.assume_multiple %multiple_of3A_84, 8 : i32
    %rem3A = arith.constant 0 : i32
    %rem3A_86 = arith.constant 2 : i32
    %rem3A_87 = arith.remsi %rem3A, %rem3A_86 : i32
    %rem3A_88 = arith.constant 0 : i32
    %rem3A_89 = arith.constant 2 : i32
    %rem3A_90 = arith.remsi %rem3A_88, %rem3A_89 : i32
    %dma_start3A = arith.constant 0 : i32
    %dma_start3A_91 = arith.constant 0 : i32
    %dma_start3A_92 = tpu.memref_slice %arg13[%rem3A_87, %dma_start3A, %dma_start3A_91] : memref<2x120x128xf32, #tpu.memory_space<vmem>> -> memref<1x120x128xf32, #tpu.memory_space<vmem>>
    %dma_start3A_93 = tpu.memref_squeeze %dma_start3A_92 : memref<1x120x128xf32, #tpu.memory_space<vmem>> -> memref<120x128xf32, #tpu.memory_space<vmem>>
    %dma_start3A_94 = tpu.memref_slice %arg10[%multiple_of3A_85] : memref<5056xi32, #tpu.memory_space<vmem>> -> memref<120xi32, #tpu.memory_space<vmem>>
    %dma_start3A_95 = arith.constant 0 : i32
    %dma_start3A_96 = arith.constant 0 : i32
    %dma_start3A_97 = tpu.memref_slice %arg2[%dma_start3A_95, %dma_start3A_96] : memref<10000x128xf32, #tpu.memory_space<hbm>> -> memref<10000x128xf32, #tpu.memory_space<hbm>>
    %dma_start3A_98 = tpu.memref_slice %arg19[%rem3A_90] : memref<2x!tpu.dma_semaphore, #tpu.memory_space<semaphore_mem>> -> memref<1x!tpu.dma_semaphore, #tpu.memory_space<semaphore_mem>>
    %dma_start3A_99 = tpu.memref_squeeze %dma_start3A_98 : memref<1x!tpu.dma_semaphore, #tpu.memory_space<semaphore_mem>> -> memref<!tpu.dma_semaphore, #tpu.memory_space<semaphore_mem>>
    tpu.enqueue_indirect_dma source(%dma_start3A_97 : memref<10000x128xf32, #tpu.memory_space<hbm>>) target(%dma_start3A_93 : memref<120x128xf32, #tpu.memory_space<vmem>>) offsets(%dma_start3A_94 : memref<120xi32, #tpu.memory_space<vmem>>) semaphore(%dma_start3A_99 : memref<!tpu.dma_semaphore, #tpu.memory_space<semaphore_mem>>)
    %while3A = arith.constant 0 : i32
    %while3A_100 = arith.constant -1 : i32
    %while3A_101 = arith.constant 0 : i32
    %while3A_102 = arith.constant 0 : i32
    %while3A_103 = arith.constant 0 : i32
    %while3A_104 = arith.constant 0 : i32
    %while3A_105 = arith.subi %div3A_83, %while3A : i32
    %while3A_106 = arith.addi %while3A, %while3A_105 : i32
    %while3A_107 = arith.constant 1 : i32
    %while3A_108 = arith.divsi %while3A_105, %while3A_107 : i32
    %while3A_109 = arith.muli %while3A_108, %while3A_107 : i32
    %while3A_110 = arith.addi %while3A, %while3A_109 : i32
    %while3A_111 = arith.constant 1 : i32
    %while3A_112:13 = scf.for %while3A_158 = %while3A to %while3A_110 step %while3A_111 iter_args(%while3A_159 = %while3A_100, %while3A_160 = %while3A_101, %while3A_161 = %while3A_102, %while3A_162 = %while3A_103, %while3A_163 = %while3A_104, %while3A_164 = %broadcast_in_dim3A_17, %while3A_165 = %broadcast_in_dim3A_17, %while3A_166 = %broadcast_in_dim3A_17, %while3A_167 = %broadcast_in_dim3A_17, %while3A_168 = %broadcast_in_dim3A_17, %while3A_169 = %broadcast_in_dim3A_17, %while3A_170 = %broadcast_in_dim3A_17, %while3A_171 = %broadcast_in_dim3A_17) -> (i32, i32, i32, i32, i32, vector<16xf32>, vector<16xf32>, vector<16xf32>, vector<16xf32>, vector<16xf32>, vector<16xf32>, vector<16xf32>, vector<16xf32>)  : i32 {
      %rem3A_172 = arith.constant 2 : i32
      %rem3A_173 = arith.remsi %while3A_158, %rem3A_172 : i32
      %mul3A_174 = arith.constant 120 : i32
      %mul3A_175 = arith.muli %while3A_158, %mul3A_174 : i32
      %multiple_of3A_176 = tpu.assume_multiple %mul3A_175, 8 : i32
      %dma_wait3A = arith.constant 0 : i32
      %dma_wait3A_177 = arith.constant 0 : i32
      %dma_wait3A_178 = tpu.memref_slice %arg13[%rem3A_173, %dma_wait3A, %dma_wait3A_177] : memref<2x120x128xf32, #tpu.memory_space<vmem>> -> memref<1x120x128xf32, #tpu.memory_space<vmem>>
      %dma_wait3A_179 = tpu.memref_squeeze %dma_wait3A_178 : memref<1x120x128xf32, #tpu.memory_space<vmem>> -> memref<120x128xf32, #tpu.memory_space<vmem>>
      %dma_wait3A_180 = tpu.memref_slice %arg10[%multiple_of3A_176] : memref<5056xi32, #tpu.memory_space<vmem>> -> memref<120xi32, #tpu.memory_space<vmem>>
      %dma_wait3A_181 = arith.constant 0 : i32
      %dma_wait3A_182 = arith.constant 0 : i32
      %dma_wait3A_183 = tpu.memref_slice %arg2[%dma_wait3A_181, %dma_wait3A_182] : memref<10000x128xf32, #tpu.memory_space<hbm>> -> memref<10000x128xf32, #tpu.memory_space<hbm>>
      %dma_wait3A_184 = tpu.memref_slice %arg19[%rem3A_173] : memref<2x!tpu.dma_semaphore, #tpu.memory_space<semaphore_mem>> -> memref<1x!tpu.dma_semaphore, #tpu.memory_space<semaphore_mem>>
      %dma_wait3A_185 = tpu.memref_squeeze %dma_wait3A_184 : memref<1x!tpu.dma_semaphore, #tpu.memory_space<semaphore_mem>> -> memref<!tpu.dma_semaphore, #tpu.memory_space<semaphore_mem>>
      tpu.wait_indirect_dma semaphore(%dma_wait3A_185 : memref<!tpu.dma_semaphore, #tpu.memory_space<semaphore_mem>>) src(%dma_wait3A_183 : memref<10000x128xf32, #tpu.memory_space<hbm>>) dst(%dma_wait3A_179 : memref<120x128xf32, #tpu.memory_space<vmem>>)
      %add3A_186 = arith.constant 1 : i32
      %add3A_187 = arith.addi %while3A_158, %add3A_186 : i32
      %lt3A = arith.cmpi slt, %add3A_187, %div3A_83 : i32
      %convert_element_type3A_188 = arith.extui %lt3A : i1 to i32
      %cond3A_189 = arith.constant 0 : i32
      %cond3A_190 = arith.cmpi ne, %convert_element_type3A_188, %cond3A_189 : i32
      scf.if %cond3A_190 {
        %add3A_206 = arith.constant 1 : i32
        %add3A_207 = arith.addi %while3A_158, %add3A_206 : i32
        %mul3A_208 = arith.constant 120 : i32
        %mul3A_209 = arith.muli %add3A_207, %mul3A_208 : i32
        %multiple_of3A_210 = tpu.assume_multiple %mul3A_209, 8 : i32
        %rem3A_211 = arith.constant 2 : i32
        %rem3A_212 = arith.remsi %add3A_207, %rem3A_211 : i32
        %rem3A_213 = arith.constant 2 : i32
        %rem3A_214 = arith.remsi %add3A_207, %rem3A_213 : i32
        %dma_start3A_215 = arith.constant 0 : i32
        %dma_start3A_216 = arith.constant 0 : i32
        %dma_start3A_217 = tpu.memref_slice %arg13[%rem3A_212, %dma_start3A_215, %dma_start3A_216] : memref<2x120x128xf32, #tpu.memory_space<vmem>> -> memref<1x120x128xf32, #tpu.memory_space<vmem>>
        %dma_start3A_218 = tpu.memref_squeeze %dma_start3A_217 : memref<1x120x128xf32, #tpu.memory_space<vmem>> -> memref<120x128xf32, #tpu.memory_space<vmem>>
        %dma_start3A_219 = tpu.memref_slice %arg10[%multiple_of3A_210] : memref<5056xi32, #tpu.memory_space<vmem>> -> memref<120xi32, #tpu.memory_space<vmem>>
        %dma_start3A_220 = arith.constant 0 : i32
        %dma_start3A_221 = arith.constant 0 : i32
        %dma_start3A_222 = tpu.memref_slice %arg2[%dma_start3A_220, %dma_start3A_221] : memref<10000x128xf32, #tpu.memory_space<hbm>> -> memref<10000x128xf32, #tpu.memory_space<hbm>>
        %dma_start3A_223 = tpu.memref_slice %arg19[%rem3A_214] : memref<2x!tpu.dma_semaphore, #tpu.memory_space<semaphore_mem>> -> memref<1x!tpu.dma_semaphore, #tpu.memory_space<semaphore_mem>>
        %dma_start3A_224 = tpu.memref_squeeze %dma_start3A_223 : memref<1x!tpu.dma_semaphore, #tpu.memory_space<semaphore_mem>> -> memref<!tpu.dma_semaphore, #tpu.memory_space<semaphore_mem>>
        tpu.enqueue_indirect_dma source(%dma_start3A_222 : memref<10000x128xf32, #tpu.memory_space<hbm>>) target(%dma_start3A_218 : memref<120x128xf32, #tpu.memory_space<vmem>>) offsets(%dma_start3A_219 : memref<120xi32, #tpu.memory_space<vmem>>) semaphore(%dma_start3A_224 : memref<!tpu.dma_semaphore, #tpu.memory_space<semaphore_mem>>)
      } else {
      }
      %mul3A_191 = arith.constant 120 : i32
      %mul3A_192 = arith.muli %while3A_158, %mul3A_191 : i32
      %sub3A_193 = arith.subi %sub3A, %mul3A_192 : i32
      %min3A = arith.constant 120 : i32
      %min3A_194 = arith.minsi %min3A, %sub3A_193 : i32
      %while3A_195 = arith.constant 0 : i32
      %while3A_196 = arith.subi %min3A_194, %while3A_195 : i32
      %while3A_197 = arith.addi %while3A_195, %while3A_196 : i32
      %while3A_198 = arith.constant 1 : i32
      %while3A_199 = arith.divsi %while3A_196, %while3A_198 : i32
      %while3A_200 = arith.muli %while3A_199, %while3A_198 : i32
      %while3A_201 = arith.addi %while3A_195, %while3A_200 : i32
      %while3A_202 = arith.constant 1 : i32
      %while3A_203:13 = scf.for %while3A_206 = %while3A_195 to %while3A_201 step %while3A_202 iter_args(%while3A_207 = %while3A_159, %while3A_208 = %while3A_160, %while3A_209 = %while3A_161, %while3A_210 = %while3A_162, %while3A_211 = %while3A_163, %while3A_212 = %while3A_164, %while3A_213 = %while3A_165, %while3A_214 = %while3A_166, %while3A_215 = %while3A_167, %while3A_216 = %while3A_168, %while3A_217 = %while3A_169, %while3A_218 = %while3A_170, %while3A_219 = %while3A_171) -> (i32, i32, i32, i32, i32, vector<16xf32>, vector<16xf32>, vector<16xf32>, vector<16xf32>, vector<16xf32>, vector<16xf32>, vector<16xf32>, vector<16xf32>)  : i32 {
        %add3A_220 = arith.addi %multiple_of3A_176, %while3A_206 : i32
        %get3A_221 = arith.index_cast %add3A_220 : i32 to index
        %get3A_222 = tpu.vector_load %arg11[%get3A_221] {strides = array<i32>} : memref<5056xi32, #tpu.memory_space<vmem>>, vector<16xi32>,
        %get3A_223 = vector.shape_cast %get3A_222 : vector<16xi32> to vector<16xi32>
        %slice3A_224 = vector.extract_strided_slice %get3A_223 {offsets = [0], sizes = [1], strides = [1]} : vector<16xi32> to vector<1xi32>
        %squeeze3A_225 = vector.extract %slice3A_224[0] : i32 from vector<1xi32>
        %add3A_226 = arith.addi %multiple_of3A_176, %while3A_206 : i32
        %get3A_227 = arith.index_cast %add3A_226 : i32 to index
        %get3A_228 = tpu.vector_load %arg12[%get3A_227] {strides = array<i32>} : memref<5056xf32, #tpu.memory_space<vmem>>, vector<16xf32>,
        %get3A_229 = vector.shape_cast %get3A_228 : vector<16xf32> to vector<16xf32>
        %slice3A_230 = vector.extract_strided_slice %get3A_229 {offsets = [0], sizes = [1], strides = [1]} : vector<16xf32> to vector<1xf32>
        %squeeze3A_231 = vector.extract %slice3A_230[0] : f32 from vector<1xf32>
        %ne3A = arith.cmpi ne, %squeeze3A_225, %while3A_207 : i32
        %and3A = arith.constant true
        %and3A_232 = arith.andi %ne3A, %and3A : i1
        %ge3A = arith.constant 0 : i32
        %ge3A_233 = arith.cmpi sge, %while3A_207, %ge3A : i32
        %and3A_234 = arith.andi %and3A_232, %ge3A_233 : i1
        %convert_element_type3A_235 = arith.extui %and3A_234 : i1 to i32
        %cond3A_236 = arith.constant 0 : i32
        %cond3A_237 = arith.cmpi ne, %convert_element_type3A_235, %cond3A_236 : i32
        scf.if %cond3A_237 {
          %eq3A_395 = arith.constant 0 : i32
          %eq3A_396 = arith.cmpi eq, %while3A_208, %eq3A_395 : i32
          %convert_element_type3A_397 = arith.extui %eq3A_396 : i1 to i32
          %cond3A_398 = arith.constant 0 : i32
          %cond3A_399 = arith.cmpi ne, %convert_element_type3A_397, %cond3A_398 : i32
          scf.if %cond3A_399 {
            %swap3A_405 = arith.constant 0 : i32
            %swap3A_406 = arith.constant 0 : i32
            %swap3A_407 = tpu.memref_slice %arg16[%swap3A_405, %swap3A_406] : memref<1x128xf32, #tpu.memory_space<vmem>> -> memref<1x128xf32, #tpu.memory_space<vmem>>
            %swap3A_408 = tpu.memref_squeeze %swap3A_407 : memref<1x128xf32, #tpu.memory_space<vmem>> -> memref<128xf32, #tpu.memory_space<vmem>>
            %swap3A_409 = arith.constant 0 : index
            %swap3A_410 = tpu.vector_load %swap3A_408[%swap3A_409] {strides = array<i32>} : memref<128xf32, #tpu.memory_space<vmem>>, vector<16xf32>,
            %swap3A_411 = vector.shape_cast %swap3A_410 : vector<16xf32> to vector<16xf32>
            %swap3A_412 = vector.shape_cast %while3A_212 : vector<16xf32> to vector<16xf32>
            tpu.vector_store %swap3A_408[%swap3A_409], %swap3A_412 {strides = array<i32>} : memref<128xf32, #tpu.memory_space<vmem>>, vector<16xf32>,
            %swap3A_413 = arith.constant 0 : i32
            %swap3A_414 = arith.constant 0 : i32
            %swap3A_415 = tpu.memref_slice %arg16[%swap3A_413, %swap3A_414] : memref<1x128xf32, #tpu.memory_space<vmem>> -> memref<1x128xf32, #tpu.memory_space<vmem>>
            %swap3A_416 = tpu.memref_squeeze %swap3A_415 : memref<1x128xf32, #tpu.memory_space<vmem>> -> memref<128xf32, #tpu.memory_space<vmem>>
            %swap3A_417 = arith.constant 16 : index
            %swap3A_418 = tpu.vector_load %swap3A_416[%swap3A_417] {strides = array<i32>} : memref<128xf32, #tpu.memory_space<vmem>>, vector<16xf32>,
            %swap3A_419 = vector.shape_cast %swap3A_418 : vector<16xf32> to vector<16xf32>
            %swap3A_420 = vector.shape_cast %while3A_213 : vector<16xf32> to vector<16xf32>
            tpu.vector_store %swap3A_416[%swap3A_417], %swap3A_420 {strides = array<i32>} : memref<128xf32, #tpu.memory_space<vmem>>, vector<16xf32>,
            %swap3A_421 = arith.constant 0 : i32
            %swap3A_422 = arith.constant 0 : i32
            %swap3A_423 = tpu.memref_slice %arg16[%swap3A_421, %swap3A_422] : memref<1x128xf32, #tpu.memory_space<vmem>> -> memref<1x128xf32, #tpu.memory_space<vmem>>
            %swap3A_424 = tpu.memref_squeeze %swap3A_423 : memref<1x128xf32, #tpu.memory_space<vmem>> -> memref<128xf32, #tpu.memory_space<vmem>>
            %swap3A_425 = arith.constant 32 : index
            %swap3A_426 = tpu.vector_load %swap3A_424[%swap3A_425] {strides = array<i32>} : memref<128xf32, #tpu.memory_space<vmem>>, vector<16xf32>,
            %swap3A_427 = vector.shape_cast %swap3A_426 : vector<16xf32> to vector<16xf32>
            %swap3A_428 = vector.shape_cast %while3A_214 : vector<16xf32> to vector<16xf32>
            tpu.vector_store %swap3A_424[%swap3A_425], %swap3A_428 {strides = array<i32>} : memref<128xf32, #tpu.memory_space<vmem>>, vector<16xf32>,
            %swap3A_429 = arith.constant 0 : i32
            %swap3A_430 = arith.constant 0 : i32
            %swap3A_431 = tpu.memref_slice %arg16[%swap3A_429, %swap3A_430] : memref<1x128xf32, #tpu.memory_space<vmem>> -> memref<1x128xf32, #tpu.memory_space<vmem>>
            %swap3A_432 = tpu.memref_squeeze %swap3A_431 : memref<1x128xf32, #tpu.memory_space<vmem>> -> memref<128xf32, #tpu.memory_space<vmem>>
            %swap3A_433 = arith.constant 48 : index
            %swap3A_434 = tpu.vector_load %swap3A_432[%swap3A_433] {strides = array<i32>} : memref<128xf32, #tpu.memory_space<vmem>>, vector<16xf32>,
            %swap3A_435 = vector.shape_cast %swap3A_434 : vector<16xf32> to vector<16xf32>
            %swap3A_436 = vector.shape_cast %while3A_215 : vector<16xf32> to vector<16xf32>
            tpu.vector_store %swap3A_432[%swap3A_433], %swap3A_436 {strides = array<i32>} : memref<128xf32, #tpu.memory_space<vmem>>, vector<16xf32>,
            %swap3A_437 = arith.constant 0 : i32
            %swap3A_438 = arith.constant 0 : i32
            %swap3A_439 = tpu.memref_slice %arg16[%swap3A_437, %swap3A_438] : memref<1x128xf32, #tpu.memory_space<vmem>> -> memref<1x128xf32, #tpu.memory_space<vmem>>
            %swap3A_440 = tpu.memref_squeeze %swap3A_439 : memref<1x128xf32, #tpu.memory_space<vmem>> -> memref<128xf32, #tpu.memory_space<vmem>>
            %swap3A_441 = arith.constant 64 : index
            %swap3A_442 = tpu.vector_load %swap3A_440[%swap3A_441] {strides = array<i32>} : memref<128xf32, #tpu.memory_space<vmem>>, vector<16xf32>,
            %swap3A_443 = vector.shape_cast %swap3A_442 : vector<16xf32> to vector<16xf32>
            %swap3A_444 = vector.shape_cast %while3A_216 : vector<16xf32> to vector<16xf32>
            tpu.vector_store %swap3A_440[%swap3A_441], %swap3A_444 {strides = array<i32>} : memref<128xf32, #tpu.memory_space<vmem>>, vector<16xf32>,
            %swap3A_445 = arith.constant 0 : i32
            %swap3A_446 = arith.constant 0 : i32
            %swap3A_447 = tpu.memref_slice %arg16[%swap3A_445, %swap3A_446] : memref<1x128xf32, #tpu.memory_space<vmem>> -> memref<1x128xf32, #tpu.memory_space<vmem>>
            %swap3A_448 = tpu.memref_squeeze %swap3A_447 : memref<1x128xf32, #tpu.memory_space<vmem>> -> memref<128xf32, #tpu.memory_space<vmem>>
            %swap3A_449 = arith.constant 80 : index
            %swap3A_450 = tpu.vector_load %swap3A_448[%swap3A_449] {strides = array<i32>} : memref<128xf32, #tpu.memory_space<vmem>>, vector<16xf32>,
            %swap3A_451 = vector.shape_cast %swap3A_450 : vector<16xf32> to vector<16xf32>
            %swap3A_452 = vector.shape_cast %while3A_217 : vector<16xf32> to vector<16xf32>
            tpu.vector_store %swap3A_448[%swap3A_449], %swap3A_452 {strides = array<i32>} : memref<128xf32, #tpu.memory_space<vmem>>, vector<16xf32>,
            %swap3A_453 = arith.constant 0 : i32
            %swap3A_454 = arith.constant 0 : i32
            %swap3A_455 = tpu.memref_slice %arg16[%swap3A_453, %swap3A_454] : memref<1x128xf32, #tpu.memory_space<vmem>> -> memref<1x128xf32, #tpu.memory_space<vmem>>
            %swap3A_456 = tpu.memref_squeeze %swap3A_455 : memref<1x128xf32, #tpu.memory_space<vmem>> -> memref<128xf32, #tpu.memory_space<vmem>>
            %swap3A_457 = arith.constant 96 : index
            %swap3A_458 = tpu.vector_load %swap3A_456[%swap3A_457] {strides = array<i32>} : memref<128xf32, #tpu.memory_space<vmem>>, vector<16xf32>,
            %swap3A_459 = vector.shape_cast %swap3A_458 : vector<16xf32> to vector<16xf32>
            %swap3A_460 = vector.shape_cast %while3A_218 : vector<16xf32> to vector<16xf32>
            tpu.vector_store %swap3A_456[%swap3A_457], %swap3A_460 {strides = array<i32>} : memref<128xf32, #tpu.memory_space<vmem>>, vector<16xf32>,
            %swap3A_461 = arith.constant 0 : i32
            %swap3A_462 = arith.constant 0 : i32
            %swap3A_463 = tpu.memref_slice %arg16[%swap3A_461, %swap3A_462] : memref<1x128xf32, #tpu.memory_space<vmem>> -> memref<1x128xf32, #tpu.memory_space<vmem>>
            %swap3A_464 = tpu.memref_squeeze %swap3A_463 : memref<1x128xf32, #tpu.memory_space<vmem>> -> memref<128xf32, #tpu.memory_space<vmem>>
            %swap3A_465 = arith.constant 112 : index
            %swap3A_466 = tpu.vector_load %swap3A_464[%swap3A_465] {strides = array<i32>} : memref<128xf32, #tpu.memory_space<vmem>>, vector<16xf32>,
            %swap3A_467 = vector.shape_cast %swap3A_466 : vector<16xf32> to vector<16xf32>
            %swap3A_468 = vector.shape_cast %while3A_219 : vector<16xf32> to vector<16xf32>
            tpu.vector_store %swap3A_464[%swap3A_465], %swap3A_468 {strides = array<i32>} : memref<128xf32, #tpu.memory_space<vmem>>, vector<16xf32>,
            %mul3A_469 = arith.constant 2 : i32
            %mul3A_470 = arith.muli %mul3A_469, %add3A : i32
            %add3A_471 = arith.constant 0 : i32
            %add3A_472 = arith.addi %mul3A_470, %add3A_471 : i32
            "tpu.region"() ({
              %run_scoped3A = tpu.sem_alloc : memref<!tpu.dma_semaphore, #tpu.memory_space<semaphore_mem>>
              %dma_start3A_484 = arith.constant 0 : i32
              %dma_start3A_485 = tpu.memref_slice %arg8[%add3A_472, %dma_start3A_484] : memref<64x128xf32, #tpu.memory_space<hbm>> -> memref<1x128xf32, #tpu.memory_space<hbm>>
              %dma_start3A_486 = arith.constant 0 : i32
              %dma_start3A_487 = tpu.memref_slice %arg8[%add3A_472, %dma_start3A_486] : memref<64x128xf32, #tpu.memory_space<hbm>> -> memref<1x128xf32, #tpu.memory_space<hbm>>
              tpu.enqueue_dma source(%arg16 : memref<1x128xf32, #tpu.memory_space<vmem>>) target(%dma_start3A_487 : memref<1x128xf32, #tpu.memory_space<hbm>>) target_semaphore(%run_scoped3A : memref<!tpu.dma_semaphore, #tpu.memory_space<semaphore_mem>>)
              %dma_wait3A_488 = arith.constant 0 : i32
              %dma_wait3A_489 = tpu.memref_slice %arg8[%add3A_472, %dma_wait3A_488] : memref<64x128xf32, #tpu.memory_space<hbm>> -> memref<1x128xf32, #tpu.memory_space<hbm>>
              %dma_wait3A_490 = arith.constant 0 : i32
              %dma_wait3A_491 = tpu.memref_slice %arg8[%add3A_472, %dma_wait3A_490] : memref<64x128xf32, #tpu.memory_space<hbm>> -> memref<1x128xf32, #tpu.memory_space<hbm>>
              tpu.wait_dma2 semaphore(%run_scoped3A : memref<!tpu.dma_semaphore, #tpu.memory_space<semaphore_mem>>) src(%arg16 : memref<1x128xf32, #tpu.memory_space<vmem>>) dst(%dma_wait3A_491 : memref<1x128xf32, #tpu.memory_space<hbm>>)
              tpu.yield
            }) : () -> ()
            %broadcast_in_dim3A_473 = vector.broadcast %while3A_207 : i32 to vector<16xi32>
            %swap3A_474 = arith.constant 0 : i32
            %swap3A_475 = arith.index_cast %swap3A_474 : i32 to index
            %swap3A_476 = arith.constant 0 : index
            %swap3A_477 = tpu.vector_load %arg17[%swap3A_475, %swap3A_476] {strides = array<i32>} : memref<1x16xi32, #tpu.memory_space<vmem>>, vector<1x16xi32>,
            %swap3A_478 = vector.shape_cast %swap3A_477 : vector<1x16xi32> to vector<16xi32>
            %swap3A_479 = vector.shape_cast %broadcast_in_dim3A_473 : vector<16xi32> to vector<1x16xi32>
            tpu.vector_store %arg17[%swap3A_475, %swap3A_476], %swap3A_479 {strides = array<i32>} : memref<1x16xi32, #tpu.memory_space<vmem>>, vector<1x16xi32>,
            %mul3A_480 = arith.constant 2 : i32
            %mul3A_481 = arith.muli %mul3A_480, %add3A : i32
            %add3A_482 = arith.constant 0 : i32
            %add3A_483 = arith.addi %mul3A_481, %add3A_482 : i32
            "tpu.region"() ({
              %run_scoped3A = tpu.sem_alloc : memref<!tpu.dma_semaphore, #tpu.memory_space<semaphore_mem>>
              %dma_start3A_484 = arith.constant 0 : i32
              %dma_start3A_485 = tpu.memref_slice %arg9[%add3A_483, %dma_start3A_484] : memref<64x16xi32, #tpu.memory_space<hbm>> -> memref<1x16xi32, #tpu.memory_space<hbm>>
              %dma_start3A_486 = arith.constant 0 : i32
              %dma_start3A_487 = tpu.memref_slice %arg9[%add3A_483, %dma_start3A_486] : memref<64x16xi32, #tpu.memory_space<hbm>> -> memref<1x16xi32, #tpu.memory_space<hbm>>
              tpu.enqueue_dma source(%arg17 : memref<1x16xi32, #tpu.memory_space<vmem>>) target(%dma_start3A_487 : memref<1x16xi32, #tpu.memory_space<hbm>>) target_semaphore(%run_scoped3A : memref<!tpu.dma_semaphore, #tpu.memory_space<semaphore_mem>>)
              %dma_wait3A_488 = arith.constant 0 : i32
              %dma_wait3A_489 = tpu.memref_slice %arg9[%add3A_483, %dma_wait3A_488] : memref<64x16xi32, #tpu.memory_space<hbm>> -> memref<1x16xi32, #tpu.memory_space<hbm>>
              %dma_wait3A_490 = arith.constant 0 : i32
              %dma_wait3A_491 = tpu.memref_slice %arg9[%add3A_483, %dma_wait3A_490] : memref<64x16xi32, #tpu.memory_space<hbm>> -> memref<1x16xi32, #tpu.memory_space<hbm>>
              tpu.wait_dma2 semaphore(%run_scoped3A : memref<!tpu.dma_semaphore, #tpu.memory_space<semaphore_mem>>) src(%arg17 : memref<1x16xi32, #tpu.memory_space<vmem>>) dst(%dma_wait3A_491 : memref<1x16xi32, #tpu.memory_space<hbm>>)
              tpu.yield
            }) : () -> ()
          } else {
          }
          %gt3A_400 = arith.constant 0 : i32
          %gt3A_401 = arith.cmpi sgt, %while3A_208, %gt3A_400 : i32
          %convert_element_type3A_402 = arith.extui %gt3A_401 : i1 to i32
          %cond3A_403 = arith.constant 0 : i32
          %cond3A_404 = arith.cmpi ne, %convert_element_type3A_402, %cond3A_403 : i32
          scf.if %cond3A_404 {
            %swap3A_405 = arith.constant 0 : i32
            %swap3A_406 = tpu.memref_slice %arg14[%while3A_209, %swap3A_405] : memref<64x128xf32, #tpu.memory_space<vmem>> -> memref<1x128xf32, #tpu.memory_space<vmem>>
            %swap3A_407 = tpu.memref_squeeze %swap3A_406 : memref<1x128xf32, #tpu.memory_space<vmem>> -> memref<128xf32, #tpu.memory_space<vmem>>
            %swap3A_408 = arith.constant 0 : index
            %swap3A_409 = tpu.vector_load %swap3A_407[%swap3A_408] {strides = array<i32>} : memref<128xf32, #tpu.memory_space<vmem>>, vector<16xf32>,
            %swap3A_410 = vector.shape_cast %swap3A_409 : vector<16xf32> to vector<16xf32>
            %swap3A_411 = vector.shape_cast %while3A_212 : vector<16xf32> to vector<16xf32>
            tpu.vector_store %swap3A_407[%swap3A_408], %swap3A_411 {strides = array<i32>} : memref<128xf32, #tpu.memory_space<vmem>>, vector<16xf32>,
            %swap3A_412 = arith.constant 0 : i32
            %swap3A_413 = tpu.memref_slice %arg14[%while3A_209, %swap3A_412] : memref<64x128xf32, #tpu.memory_space<vmem>> -> memref<1x128xf32, #tpu.memory_space<vmem>>
            %swap3A_414 = tpu.memref_squeeze %swap3A_413 : memref<1x128xf32, #tpu.memory_space<vmem>> -> memref<128xf32, #tpu.memory_space<vmem>>
            %swap3A_415 = arith.constant 16 : index
            %swap3A_416 = tpu.vector_load %swap3A_414[%swap3A_415] {strides = array<i32>} : memref<128xf32, #tpu.memory_space<vmem>>, vector<16xf32>,
            %swap3A_417 = vector.shape_cast %swap3A_416 : vector<16xf32> to vector<16xf32>
            %swap3A_418 = vector.shape_cast %while3A_213 : vector<16xf32> to vector<16xf32>
            tpu.vector_store %swap3A_414[%swap3A_415], %swap3A_418 {strides = array<i32>} : memref<128xf32, #tpu.memory_space<vmem>>, vector<16xf32>,
            %swap3A_419 = arith.constant 0 : i32
            %swap3A_420 = tpu.memref_slice %arg14[%while3A_209, %swap3A_419] : memref<64x128xf32, #tpu.memory_space<vmem>> -> memref<1x128xf32, #tpu.memory_space<vmem>>
            %swap3A_421 = tpu.memref_squeeze %swap3A_420 : memref<1x128xf32, #tpu.memory_space<vmem>> -> memref<128xf32, #tpu.memory_space<vmem>>
            %swap3A_422 = arith.constant 32 : index
            %swap3A_423 = tpu.vector_load %swap3A_421[%swap3A_422] {strides = array<i32>} : memref<128xf32, #tpu.memory_space<vmem>>, vector<16xf32>,
            %swap3A_424 = vector.shape_cast %swap3A_423 : vector<16xf32> to vector<16xf32>
            %swap3A_425 = vector.shape_cast %while3A_214 : vector<16xf32> to vector<16xf32>
            tpu.vector_store %swap3A_421[%swap3A_422], %swap3A_425 {strides = array<i32>} : memref<128xf32, #tpu.memory_space<vmem>>, vector<16xf32>,
            %swap3A_426 = arith.constant 0 : i32
            %swap3A_427 = tpu.memref_slice %arg14[%while3A_209, %swap3A_426] : memref<64x128xf32, #tpu.memory_space<vmem>> -> memref<1x128xf32, #tpu.memory_space<vmem>>
            %swap3A_428 = tpu.memref_squeeze %swap3A_427 : memref<1x128xf32, #tpu.memory_space<vmem>> -> memref<128xf32, #tpu.memory_space<vmem>>
            %swap3A_429 = arith.constant 48 : index
            %swap3A_430 = tpu.vector_load %swap3A_428[%swap3A_429] {strides = array<i32>} : memref<128xf32, #tpu.memory_space<vmem>>, vector<16xf32>,
            %swap3A_431 = vector.shape_cast %swap3A_430 : vector<16xf32> to vector<16xf32>
            %swap3A_432 = vector.shape_cast %while3A_215 : vector<16xf32> to vector<16xf32>
            tpu.vector_store %swap3A_428[%swap3A_429], %swap3A_432 {strides = array<i32>} : memref<128xf32, #tpu.memory_space<vmem>>, vector<16xf32>,
            %swap3A_433 = arith.constant 0 : i32
            %swap3A_434 = tpu.memref_slice %arg14[%while3A_209, %swap3A_433] : memref<64x128xf32, #tpu.memory_space<vmem>> -> memref<1x128xf32, #tpu.memory_space<vmem>>
            %swap3A_435 = tpu.memref_squeeze %swap3A_434 : memref<1x128xf32, #tpu.memory_space<vmem>> -> memref<128xf32, #tpu.memory_space<vmem>>
            %swap3A_436 = arith.constant 64 : index
            %swap3A_437 = tpu.vector_load %swap3A_435[%swap3A_436] {strides = array<i32>} : memref<128xf32, #tpu.memory_space<vmem>>, vector<16xf32>,
            %swap3A_438 = vector.shape_cast %swap3A_437 : vector<16xf32> to vector<16xf32>
            %swap3A_439 = vector.shape_cast %while3A_216 : vector<16xf32> to vector<16xf32>
            tpu.vector_store %swap3A_435[%swap3A_436], %swap3A_439 {strides = array<i32>} : memref<128xf32, #tpu.memory_space<vmem>>, vector<16xf32>,
            %swap3A_440 = arith.constant 0 : i32
            %swap3A_441 = tpu.memref_slice %arg14[%while3A_209, %swap3A_440] : memref<64x128xf32, #tpu.memory_space<vmem>> -> memref<1x128xf32, #tpu.memory_space<vmem>>
            %swap3A_442 = tpu.memref_squeeze %swap3A_441 : memref<1x128xf32, #tpu.memory_space<vmem>> -> memref<128xf32, #tpu.memory_space<vmem>>
            %swap3A_443 = arith.constant 80 : index
            %swap3A_444 = tpu.vector_load %swap3A_442[%swap3A_443] {strides = array<i32>} : memref<128xf32, #tpu.memory_space<vmem>>, vector<16xf32>,
            %swap3A_445 = vector.shape_cast %swap3A_444 : vector<16xf32> to vector<16xf32>
            %swap3A_446 = vector.shape_cast %while3A_217 : vector<16xf32> to vector<16xf32>
            tpu.vector_store %swap3A_442[%swap3A_443], %swap3A_446 {strides = array<i32>} : memref<128xf32, #tpu.memory_space<vmem>>, vector<16xf32>,
            %swap3A_447 = arith.constant 0 : i32
            %swap3A_448 = tpu.memref_slice %arg14[%while3A_209, %swap3A_447] : memref<64x128xf32, #tpu.memory_space<vmem>> -> memref<1x128xf32, #tpu.memory_space<vmem>>
            %swap3A_449 = tpu.memref_squeeze %swap3A_448 : memref<1x128xf32, #tpu.memory_space<vmem>> -> memref<128xf32, #tpu.memory_space<vmem>>
            %swap3A_450 = arith.constant 96 : index
            %swap3A_451 = tpu.vector_load %swap3A_449[%swap3A_450] {strides = array<i32>} : memref<128xf32, #tpu.memory_space<vmem>>, vector<16xf32>,
            %swap3A_452 = vector.shape_cast %swap3A_451 : vector<16xf32> to vector<16xf32>
            %swap3A_453 = vector.shape_cast %while3A_218 : vector<16xf32> to vector<16xf32>
            tpu.vector_store %swap3A_449[%swap3A_450], %swap3A_453 {strides = array<i32>} : memref<128xf32, #tpu.memory_space<vmem>>, vector<16xf32>,
            %swap3A_454 = arith.constant 0 : i32
            %swap3A_455 = tpu.memref_slice %arg14[%while3A_209, %swap3A_454] : memref<64x128xf32, #tpu.memory_space<vmem>> -> memref<1x128xf32, #tpu.memory_space<vmem>>
            %swap3A_456 = tpu.memref_squeeze %swap3A_455 : memref<1x128xf32, #tpu.memory_space<vmem>> -> memref<128xf32, #tpu.memory_space<vmem>>
            %swap3A_457 = arith.constant 112 : index
            %swap3A_458 = tpu.vector_load %swap3A_456[%swap3A_457] {strides = array<i32>} : memref<128xf32, #tpu.memory_space<vmem>>, vector<16xf32>,
            %swap3A_459 = vector.shape_cast %swap3A_458 : vector<16xf32> to vector<16xf32>
            %swap3A_460 = vector.shape_cast %while3A_219 : vector<16xf32> to vector<16xf32>
            tpu.vector_store %swap3A_456[%swap3A_457], %swap3A_460 {strides = array<i32>} : memref<128xf32, #tpu.memory_space<vmem>>, vector<16xf32>,
            %dma_start3A_461 = arith.constant 0 : i32
            %dma_start3A_462 = tpu.memref_slice %arg14[%while3A_209, %dma_start3A_461] : memref<64x128xf32, #tpu.memory_space<vmem>> -> memref<1x128xf32, #tpu.memory_space<vmem>>
            %dma_start3A_463 = arith.constant 0 : i32
            %dma_start3A_464 = tpu.memref_slice %arg7[%while3A_207, %dma_start3A_463] : memref<10000x128xf32, #tpu.memory_space<hbm>> -> memref<1x128xf32, #tpu.memory_space<hbm>>
            %dma_start3A_465 = arith.constant 0 : i32
            %dma_start3A_466 = tpu.memref_slice %arg7[%while3A_207, %dma_start3A_465] : memref<10000x128xf32, #tpu.memory_space<hbm>> -> memref<1x128xf32, #tpu.memory_space<hbm>>
            %dma_start3A_467 = arith.constant 0 : i32
            %dma_start3A_468 = tpu.memref_slice %arg14[%while3A_209, %dma_start3A_467] : memref<64x128xf32, #tpu.memory_space<vmem>> -> memref<1x128xf32, #tpu.memory_space<vmem>>
            tpu.enqueue_dma source(%dma_start3A_468 : memref<1x128xf32, #tpu.memory_space<vmem>>) target(%dma_start3A_466 : memref<1x128xf32, #tpu.memory_space<hbm>>) target_semaphore(%arg20 : memref<!tpu.dma_semaphore, #tpu.memory_space<semaphore_mem>>)
          } else {
          }
        } else {
        }
        %ge3A_238 = arith.constant 0 : i32
        %ge3A_239 = arith.cmpi sge, %while3A_207, %ge3A_238 : i32
        %add3A_240 = arith.constant 1 : i32
        %add3A_241 = arith.addi %while3A_207, %add3A_240 : i32
        %eq3A_242 = arith.constant 0 : i32
        %eq3A_243 = arith.cmpi eq, %add3A, %eq3A_242 : i32
        %jit3A = arith.constant 0 : i32
        %select_n3A = arith.select %eq3A_243, %jit3A, %squeeze3A_225 : i32
        %select_n3A_244 = arith.select %ge3A_239, %add3A_241, %select_n3A : i32
        %gt3A_245 = arith.cmpi sgt, %squeeze3A_225, %select_n3A_244 : i32
        %and3A_246 = arith.andi %and3A_232, %gt3A_245 : i1
        %convert_element_type3A_247 = arith.extui %and3A_246 : i1 to i32
        %cond3A_248 = arith.constant 0 : i32
        %cond3A_249 = arith.cmpi ne, %convert_element_type3A_247, %cond3A_248 : i32
        scf.if %cond3A_249 {
          %while3A_395 = arith.constant 0 : i32
          %while3A_396 = arith.subi %squeeze3A_225, %select_n3A_244 : i32
          %while3A_397 = arith.addi %select_n3A_244, %while3A_396 : i32
          %while3A_398 = arith.constant 1 : i32
          %while3A_399 = arith.divsi %while3A_396, %while3A_398 : i32
          %while3A_400 = arith.muli %while3A_399, %while3A_398 : i32
          %while3A_401 = arith.addi %select_n3A_244, %while3A_400 : i32
          %while3A_402 = arith.constant 1 : i32
          %while3A_403 = scf.for %while3A_406 = %select_n3A_244 to %while3A_401 step %while3A_402 iter_args(%while3A_407 = %while3A_395) -> (i32)  : i32 {
            %dma_start3A_408 = arith.constant 0 : i32
            %dma_start3A_409 = tpu.memref_slice %arg7[%while3A_406, %dma_start3A_408] : memref<10000x128xf32, #tpu.memory_space<hbm>> -> memref<1x128xf32, #tpu.memory_space<hbm>>
            %dma_start3A_410 = arith.constant 0 : i32
            %dma_start3A_411 = tpu.memref_slice %arg7[%while3A_406, %dma_start3A_410] : memref<10000x128xf32, #tpu.memory_space<hbm>> -> memref<1x128xf32, #tpu.memory_space<hbm>>
            tpu.enqueue_dma source(%arg15 : memref<1x128xf32, #tpu.memory_space<vmem>>) target(%dma_start3A_411 : memref<1x128xf32, #tpu.memory_space<hbm>>) target_semaphore(%arg21 : memref<!tpu.dma_semaphore, #tpu.memory_space<semaphore_mem>>)
            %while3A_412 = arith.constant 0 : i32
            scf.yield %while3A_412 : i32
          }
          %while3A_404 = arith.constant 1 : i32
          %while3A_405 = scf.for %while3A_406 = %while3A_401 to %while3A_397 step %while3A_404 iter_args(%while3A_407 = %while3A_403) -> (i32)  : i32 {
            %dma_start3A_408 = arith.constant 0 : i32
            %dma_start3A_409 = tpu.memref_slice %arg7[%while3A_406, %dma_start3A_408] : memref<10000x128xf32, #tpu.memory_space<hbm>> -> memref<1x128xf32, #tpu.memory_space<hbm>>
            %dma_start3A_410 = arith.constant 0 : i32
            %dma_start3A_411 = tpu.memref_slice %arg7[%while3A_406, %dma_start3A_410] : memref<10000x128xf32, #tpu.memory_space<hbm>> -> memref<1x128xf32, #tpu.memory_space<hbm>>
            tpu.enqueue_dma source(%arg15 : memref<1x128xf32, #tpu.memory_space<vmem>>) target(%dma_start3A_411 : memref<1x128xf32, #tpu.memory_space<hbm>>) target_semaphore(%arg21 : memref<!tpu.dma_semaphore, #tpu.memory_space<semaphore_mem>>)
            %while3A_412 = arith.constant 0 : i32
            scf.yield %while3A_412 : i32
          }
        } else {
        }
        %ge3A_250 = arith.constant 0 : i32
        %ge3A_251 = arith.cmpi sge, %while3A_207, %ge3A_250 : i32
        %gt3A_252 = arith.constant 0 : i32
        %gt3A_253 = arith.cmpi sgt, %while3A_208, %gt3A_252 : i32
        %and3A_254 = arith.andi %ge3A_251, %gt3A_253 : i1
        %and3A_255 = arith.andi %and3A_232, %and3A_254 : i1
        %add3A_256 = arith.constant 1 : i32
        %add3A_257 = arith.addi %while3A_209, %add3A_256 : i32
        %rem3A_258 = arith.constant 64 : i32
        %rem3A_259 = arith.remsi %add3A_257, %rem3A_258 : i32
        %select_n3A_260 = arith.select %and3A_255, %rem3A_259, %while3A_209 : i32
        %add3A_261 = arith.constant 1 : i32
        %add3A_262 = arith.addi %while3A_210, %add3A_261 : i32
        %select_n3A_263 = arith.select %and3A_255, %add3A_262, %while3A_210 : i32
        %eq3A_264 = arith.constant 0 : i32
        %eq3A_265 = arith.cmpi eq, %select_n3A_260, %eq3A_264 : i32
        %and3A_266 = arith.andi %and3A_255, %eq3A_265 : i1
        %convert_element_type3A_267 = arith.extui %and3A_266 : i1 to i32
        %cond3A_268 = arith.constant 0 : i32
        %cond3A_269 = arith.cmpi ne, %convert_element_type3A_267, %cond3A_268 : i32
        scf.if %cond3A_269 {
          %dma_wait3A_395 = arith.constant 0 : i32
          %dma_wait3A_396 = arith.constant 0 : i32
          %dma_wait3A_397 = tpu.memref_slice %arg7[%dma_wait3A_395, %dma_wait3A_396] : memref<10000x128xf32, #tpu.memory_space<hbm>> -> memref<64x128xf32, #tpu.memory_space<hbm>>
          %dma_wait3A_398 = arith.constant 0 : i32
          %dma_wait3A_399 = arith.constant 0 : i32
          %dma_wait3A_400 = tpu.memref_slice %arg7[%dma_wait3A_398, %dma_wait3A_399] : memref<10000x128xf32, #tpu.memory_space<hbm>> -> memref<64x128xf32, #tpu.memory_space<hbm>>
          tpu.wait_dma2 semaphore(%arg20 : memref<!tpu.dma_semaphore, #tpu.memory_space<semaphore_mem>>) src(%dma_wait3A_400 : memref<64x128xf32, #tpu.memory_space<hbm>>) dst(%arg14 : memref<64x128xf32, #tpu.memory_space<vmem>>)
        } else {
        }
        %gt3A_270 = arith.cmpi sgt, %squeeze3A_225, %select_n3A_244 : i32
        %and3A_271 = arith.andi %and3A_232, %gt3A_270 : i1
        %sub3A_272 = arith.subi %squeeze3A_225, %select_n3A_244 : i32
        %jit3A_273 = arith.constant 0 : i32
        %select_n3A_274 = arith.select %and3A_271, %sub3A_272, %jit3A_273 : i32
        %add3A_275 = arith.addi %while3A_211, %select_n3A_274 : i32
        %ge3A_276 = arith.constant 0 : i32
        %ge3A_277 = arith.cmpi sge, %while3A_207, %ge3A_276 : i32
        %and3A_278 = arith.andi %and3A_232, %ge3A_277 : i1
        %add3A_279 = arith.constant 1 : i32
        %add3A_280 = arith.addi %while3A_208, %add3A_279 : i32
        %select_n3A_281 = arith.select %and3A_278, %add3A_280, %while3A_208 : i32
        %select_n3A_282 = arith.select %and3A_232, %squeeze3A_225, %while3A_207 : i32
        %select_n3A_283 = arith.select %and3A_232, %broadcast_in_dim3A_17, %while3A_212 : vector<16xf32>
        %get3A_284 = arith.constant 0 : i32
        %get3A_285 = arith.constant 0 : i32
        %get3A_286 = tpu.memref_slice %arg13[%rem3A_173, %get3A_284, %get3A_285] : memref<2x120x128xf32, #tpu.memory_space<vmem>> -> memref<1x120x128xf32, #tpu.memory_space<vmem>>
        %get3A_287 = tpu.memref_squeeze %get3A_286 : memref<1x120x128xf32, #tpu.memory_space<vmem>> -> memref<120x128xf32, #tpu.memory_space<vmem>>
        %get3A_288 = arith.constant 0 : i32
        %get3A_289 = tpu.memref_slice %get3A_287[%while3A_206, %get3A_288] : memref<120x128xf32, #tpu.memory_space<vmem>> -> memref<1x128xf32, #tpu.memory_space<vmem>>
        %get3A_290 = tpu.memref_squeeze %get3A_289 : memref<1x128xf32, #tpu.memory_space<vmem>> -> memref<128xf32, #tpu.memory_space<vmem>>
        %get3A_291 = arith.constant 0 : index
        %get3A_292 = tpu.vector_load %get3A_290[%get3A_291] {strides = array<i32>} : memref<128xf32, #tpu.memory_space<vmem>>, vector<16xf32>,
        %get3A_293 = vector.shape_cast %get3A_292 : vector<16xf32> to vector<16xf32>
        %mul3A_294 = vector.broadcast %squeeze3A_231 : f32 to vector<16xf32>
        %mul3A_295 = arith.mulf %get3A_293, %mul3A_294 : vector<16xf32>
        %add3A_296 = arith.addf %select_n3A_283, %mul3A_295 : vector<16xf32>
        %select_n3A_297 = arith.select %and3A_232, %broadcast_in_dim3A_17, %while3A_213 : vector<16xf32>
        %get3A_298 = arith.constant 0 : i32
        %get3A_299 = arith.constant 0 : i32
        %get3A_300 = tpu.memref_slice %arg13[%rem3A_173, %get3A_298, %get3A_299] : memref<2x120x128xf32, #tpu.memory_space<vmem>> -> memref<1x120x128xf32, #tpu.memory_space<vmem>>
        %get3A_301 = tpu.memref_squeeze %get3A_300 : memref<1x120x128xf32, #tpu.memory_space<vmem>> -> memref<120x128xf32, #tpu.memory_space<vmem>>
        %get3A_302 = arith.constant 0 : i32
        %get3A_303 = tpu.memref_slice %get3A_301[%while3A_206, %get3A_302] : memref<120x128xf32, #tpu.memory_space<vmem>> -> memref<1x128xf32, #tpu.memory_space<vmem>>
        %get3A_304 = tpu.memref_squeeze %get3A_303 : memref<1x128xf32, #tpu.memory_space<vmem>> -> memref<128xf32, #tpu.memory_space<vmem>>
        %get3A_305 = arith.constant 16 : index
        %get3A_306 = tpu.vector_load %get3A_304[%get3A_305] {strides = array<i32>} : memref<128xf32, #tpu.memory_space<vmem>>, vector<16xf32>,
        %get3A_307 = vector.shape_cast %get3A_306 : vector<16xf32> to vector<16xf32>
        %mul3A_308 = vector.broadcast %squeeze3A_231 : f32 to vector<16xf32>
        %mul3A_309 = arith.mulf %get3A_307, %mul3A_308 : vector<16xf32>
        %add3A_310 = arith.addf %select_n3A_297, %mul3A_309 : vector<16xf32>
        %select_n3A_311 = arith.select %and3A_232, %broadcast_in_dim3A_17, %while3A_214 : vector<16xf32>
        %get3A_312 = arith.constant 0 : i32
        %get3A_313 = arith.constant 0 : i32
        %get3A_314 = tpu.memref_slice %arg13[%rem3A_173, %get3A_312, %get3A_313] : memref<2x120x128xf32, #tpu.memory_space<vmem>> -> memref<1x120x128xf32, #tpu.memory_space<vmem>>
        %get3A_315 = tpu.memref_squeeze %get3A_314 : memref<1x120x128xf32, #tpu.memory_space<vmem>> -> memref<120x128xf32, #tpu.memory_space<vmem>>
        %get3A_316 = arith.constant 0 : i32
        %get3A_317 = tpu.memref_slice %get3A_315[%while3A_206, %get3A_316] : memref<120x128xf32, #tpu.memory_space<vmem>> -> memref<1x128xf32, #tpu.memory_space<vmem>>
        %get3A_318 = tpu.memref_squeeze %get3A_317 : memref<1x128xf32, #tpu.memory_space<vmem>> -> memref<128xf32, #tpu.memory_space<vmem>>
        %get3A_319 = arith.constant 32 : index
        %get3A_320 = tpu.vector_load %get3A_318[%get3A_319] {strides = array<i32>} : memref<128xf32, #tpu.memory_space<vmem>>, vector<16xf32>,
        %get3A_321 = vector.shape_cast %get3A_320 : vector<16xf32> to vector<16xf32>
        %mul3A_322 = vector.broadcast %squeeze3A_231 : f32 to vector<16xf32>
        %mul3A_323 = arith.mulf %get3A_321, %mul3A_322 : vector<16xf32>
        %add3A_324 = arith.addf %select_n3A_311, %mul3A_323 : vector<16xf32>
        %select_n3A_325 = arith.select %and3A_232, %broadcast_in_dim3A_17, %while3A_215 : vector<16xf32>
        %get3A_326 = arith.constant 0 : i32
        %get3A_327 = arith.constant 0 : i32
        %get3A_328 = tpu.memref_slice %arg13[%rem3A_173, %get3A_326, %get3A_327] : memref<2x120x128xf32, #tpu.memory_space<vmem>> -> memref<1x120x128xf32, #tpu.memory_space<vmem>>
        %get3A_329 = tpu.memref_squeeze %get3A_328 : memref<1x120x128xf32, #tpu.memory_space<vmem>> -> memref<120x128xf32, #tpu.memory_space<vmem>>
        %get3A_330 = arith.constant 0 : i32
        %get3A_331 = tpu.memref_slice %get3A_329[%while3A_206, %get3A_330] : memref<120x128xf32, #tpu.memory_space<vmem>> -> memref<1x128xf32, #tpu.memory_space<vmem>>
        %get3A_332 = tpu.memref_squeeze %get3A_331 : memref<1x128xf32, #tpu.memory_space<vmem>> -> memref<128xf32, #tpu.memory_space<vmem>>
        %get3A_333 = arith.constant 48 : index
        %get3A_334 = tpu.vector_load %get3A_332[%get3A_333] {strides = array<i32>} : memref<128xf32, #tpu.memory_space<vmem>>, vector<16xf32>,
        %get3A_335 = vector.shape_cast %get3A_334 : vector<16xf32> to vector<16xf32>
        %mul3A_336 = vector.broadcast %squeeze3A_231 : f32 to vector<16xf32>
        %mul3A_337 = arith.mulf %get3A_335, %mul3A_336 : vector<16xf32>
        %add3A_338 = arith.addf %select_n3A_325, %mul3A_337 : vector<16xf32>
        %select_n3A_339 = arith.select %and3A_232, %broadcast_in_dim3A_17, %while3A_216 : vector<16xf32>
        %get3A_340 = arith.constant 0 : i32
        %get3A_341 = arith.constant 0 : i32
        %get3A_342 = tpu.memref_slice %arg13[%rem3A_173, %get3A_340, %get3A_341] : memref<2x120x128xf32, #tpu.memory_space<vmem>> -> memref<1x120x128xf32, #tpu.memory_space<vmem>>
        %get3A_343 = tpu.memref_squeeze %get3A_342 : memref<1x120x128xf32, #tpu.memory_space<vmem>> -> memref<120x128xf32, #tpu.memory_space<vmem>>
        %get3A_344 = arith.constant 0 : i32
        %get3A_345 = tpu.memref_slice %get3A_343[%while3A_206, %get3A_344] : memref<120x128xf32, #tpu.memory_space<vmem>> -> memref<1x128xf32, #tpu.memory_space<vmem>>
        %get3A_346 = tpu.memref_squeeze %get3A_345 : memref<1x128xf32, #tpu.memory_space<vmem>> -> memref<128xf32, #tpu.memory_space<vmem>>
        %get3A_347 = arith.constant 64 : index
        %get3A_348 = tpu.vector_load %get3A_346[%get3A_347] {strides = array<i32>} : memref<128xf32, #tpu.memory_space<vmem>>, vector<16xf32>,
        %get3A_349 = vector.shape_cast %get3A_348 : vector<16xf32> to vector<16xf32>
        %mul3A_350 = vector.broadcast %squeeze3A_231 : f32 to vector<16xf32>
        %mul3A_351 = arith.mulf %get3A_349, %mul3A_350 : vector<16xf32>
        %add3A_352 = arith.addf %select_n3A_339, %mul3A_351 : vector<16xf32>
        %select_n3A_353 = arith.select %and3A_232, %broadcast_in_dim3A_17, %while3A_217 : vector<16xf32>
        %get3A_354 = arith.constant 0 : i32
        %get3A_355 = arith.constant 0 : i32
        %get3A_356 = tpu.memref_slice %arg13[%rem3A_173, %get3A_354, %get3A_355] : memref<2x120x128xf32, #tpu.memory_space<vmem>> -> memref<1x120x128xf32, #tpu.memory_space<vmem>>
        %get3A_357 = tpu.memref_squeeze %get3A_356 : memref<1x120x128xf32, #tpu.memory_space<vmem>> -> memref<120x128xf32, #tpu.memory_space<vmem>>
        %get3A_358 = arith.constant 0 : i32
        %get3A_359 = tpu.memref_slice %get3A_357[%while3A_206, %get3A_358] : memref<120x128xf32, #tpu.memory_space<vmem>> -> memref<1x128xf32, #tpu.memory_space<vmem>>
        %get3A_360 = tpu.memref_squeeze %get3A_359 : memref<1x128xf32, #tpu.memory_space<vmem>> -> memref<128xf32, #tpu.memory_space<vmem>>
        %get3A_361 = arith.constant 80 : index
        %get3A_362 = tpu.vector_load %get3A_360[%get3A_361] {strides = array<i32>} : memref<128xf32, #tpu.memory_space<vmem>>, vector<16xf32>,
        %get3A_363 = vector.shape_cast %get3A_362 : vector<16xf32> to vector<16xf32>
        %mul3A_364 = vector.broadcast %squeeze3A_231 : f32 to vector<16xf32>
        %mul3A_365 = arith.mulf %get3A_363, %mul3A_364 : vector<16xf32>
        %add3A_366 = arith.addf %select_n3A_353, %mul3A_365 : vector<16xf32>
        %select_n3A_367 = arith.select %and3A_232, %broadcast_in_dim3A_17, %while3A_218 : vector<16xf32>
        %get3A_368 = arith.constant 0 : i32
        %get3A_369 = arith.constant 0 : i32
        %get3A_370 = tpu.memref_slice %arg13[%rem3A_173, %get3A_368, %get3A_369] : memref<2x120x128xf32, #tpu.memory_space<vmem>> -> memref<1x120x128xf32, #tpu.memory_space<vmem>>
        %get3A_371 = tpu.memref_squeeze %get3A_370 : memref<1x120x128xf32, #tpu.memory_space<vmem>> -> memref<120x128xf32, #tpu.memory_space<vmem>>
        %get3A_372 = arith.constant 0 : i32
        %get3A_373 = tpu.memref_slice %get3A_371[%while3A_206, %get3A_372] : memref<120x128xf32, #tpu.memory_space<vmem>> -> memref<1x128xf32, #tpu.memory_space<vmem>>
        %get3A_374 = tpu.memref_squeeze %get3A_373 : memref<1x128xf32, #tpu.memory_space<vmem>> -> memref<128xf32, #tpu.memory_space<vmem>>
        %get3A_375 = arith.constant 96 : index
        %get3A_376 = tpu.vector_load %get3A_374[%get3A_375] {strides = array<i32>} : memref<128xf32, #tpu.memory_space<vmem>>, vector<16xf32>,
        %get3A_377 = vector.shape_cast %get3A_376 : vector<16xf32> to vector<16xf32>
        %mul3A_378 = vector.broadcast %squeeze3A_231 : f32 to vector<16xf32>
        %mul3A_379 = arith.mulf %get3A_377, %mul3A_378 : vector<16xf32>
        %add3A_380 = arith.addf %select_n3A_367, %mul3A_379 : vector<16xf32>
        %select_n3A_381 = arith.select %and3A_232, %broadcast_in_dim3A_17, %while3A_219 : vector<16xf32>
        %get3A_382 = arith.constant 0 : i32
        %get3A_383 = arith.constant 0 : i32
        %get3A_384 = tpu.memref_slice %arg13[%rem3A_173, %get3A_382, %get3A_383] : memref<2x120x128xf32, #tpu.memory_space<vmem>> -> memref<1x120x128xf32, #tpu.memory_space<vmem>>
        %get3A_385 = tpu.memref_squeeze %get3A_384 : memref<1x120x128xf32, #tpu.memory_space<vmem>> -> memref<120x128xf32, #tpu.memory_space<vmem>>
        %get3A_386 = arith.constant 0 : i32
        %get3A_387 = tpu.memref_slice %get3A_385[%while3A_206, %get3A_386] : memref<120x128xf32, #tpu.memory_space<vmem>> -> memref<1x128xf32, #tpu.memory_space<vmem>>
        %get3A_388 = tpu.memref_squeeze %get3A_387 : memref<1x128xf32, #tpu.memory_space<vmem>> -> memref<128xf32, #tpu.memory_space<vmem>>
        %get3A_389 = arith.constant 112 : index
        %get3A_390 = tpu.vector_load %get3A_388[%get3A_389] {strides = array<i32>} : memref<128xf32, #tpu.memory_space<vmem>>, vector<16xf32>,
        %get3A_391 = vector.shape_cast %get3A_390 : vector<16xf32> to vector<16xf32>
        %mul3A_392 = vector.broadcast %squeeze3A_231 : f32 to vector<16xf32>
        %mul3A_393 = arith.mulf %get3A_391, %mul3A_392 : vector<16xf32>
        %add3A_394 = arith.addf %select_n3A_381, %mul3A_393 : vector<16xf32>
        scf.yield %select_n3A_282, %select_n3A_281, %select_n3A_260, %select_n3A_263, %add3A_275, %add3A_296, %add3A_310, %add3A_324, %add3A_338, %add3A_352, %add3A_366, %add3A_380, %add3A_394 : i32, i32, i32, i32, i32, vector<16xf32>, vector<16xf32>, vector<16xf32>, vector<16xf32>, vector<16xf32>, vector<16xf32>, vector<16xf32>, vector<16xf32>
      }
      %while3A_204 = arith.constant 1 : i32
      %while3A_205:13 = scf.for %while3A_206 = %while3A_201 to %while3A_197 step %while3A_204 iter_args(%while3A_207 = %while3A_203#0, %while3A_208 = %while3A_203#1, %while3A_209 = %while3A_203#2, %while3A_210 = %while3A_203#3, %while3A_211 = %while3A_203#4, %while3A_212 = %while3A_203#5, %while3A_213 = %while3A_203#6, %while3A_214 = %while3A_203#7, %while3A_215 = %while3A_203#8, %while3A_216 = %while3A_203#9, %while3A_217 = %while3A_203#10, %while3A_218 = %while3A_203#11, %while3A_219 = %while3A_203#12) -> (i32, i32, i32, i32, i32, vector<16xf32>, vector<16xf32>, vector<16xf32>, vector<16xf32>, vector<16xf32>, vector<16xf32>, vector<16xf32>, vector<16xf32>)  : i32 {
        %add3A_220 = arith.addi %multiple_of3A_176, %while3A_206 : i32
        %get3A_221 = arith.index_cast %add3A_220 : i32 to index
        %get3A_222 = tpu.vector_load %arg11[%get3A_221] {strides = array<i32>} : memref<5056xi32, #tpu.memory_space<vmem>>, vector<16xi32>,
        %get3A_223 = vector.shape_cast %get3A_222 : vector<16xi32> to vector<16xi32>
        %slice3A_224 = vector.extract_strided_slice %get3A_223 {offsets = [0], sizes = [1], strides = [1]} : vector<16xi32> to vector<1xi32>
        %squeeze3A_225 = vector.extract %slice3A_224[0] : i32 from vector<1xi32>
        %add3A_226 = arith.addi %multiple_of3A_176, %while3A_206 : i32
        %get3A_227 = arith.index_cast %add3A_226 : i32 to index
        %get3A_228 = tpu.vector_load %arg12[%get3A_227] {strides = array<i32>} : memref<5056xf32, #tpu.memory_space<vmem>>, vector<16xf32>,
        %get3A_229 = vector.shape_cast %get3A_228 : vector<16xf32> to vector<16xf32>
        %slice3A_230 = vector.extract_strided_slice %get3A_229 {offsets = [0], sizes = [1], strides = [1]} : vector<16xf32> to vector<1xf32>
        %squeeze3A_231 = vector.extract %slice3A_230[0] : f32 from vector<1xf32>
        %ne3A = arith.cmpi ne, %squeeze3A_225, %while3A_207 : i32
        %and3A = arith.constant true
        %and3A_232 = arith.andi %ne3A, %and3A : i1
        %ge3A = arith.constant 0 : i32
        %ge3A_233 = arith.cmpi sge, %while3A_207, %ge3A : i32
        %and3A_234 = arith.andi %and3A_232, %ge3A_233 : i1
        %convert_element_type3A_235 = arith.extui %and3A_234 : i1 to i32
        %cond3A_236 = arith.constant 0 : i32
        %cond3A_237 = arith.cmpi ne, %convert_element_type3A_235, %cond3A_236 : i32
        scf.if %cond3A_237 {
          %eq3A_395 = arith.constant 0 : i32
          %eq3A_396 = arith.cmpi eq, %while3A_208, %eq3A_395 : i32
          %convert_element_type3A_397 = arith.extui %eq3A_396 : i1 to i32
          %cond3A_398 = arith.constant 0 : i32
          %cond3A_399 = arith.cmpi ne, %convert_element_type3A_397, %cond3A_398 : i32
          scf.if %cond3A_399 {
            %swap3A_405 = arith.constant 0 : i32
            %swap3A_406 = arith.constant 0 : i32
            %swap3A_407 = tpu.memref_slice %arg16[%swap3A_405, %swap3A_406] : memref<1x128xf32, #tpu.memory_space<vmem>> -> memref<1x128xf32, #tpu.memory_space<vmem>>
            %swap3A_408 = tpu.memref_squeeze %swap3A_407 : memref<1x128xf32, #tpu.memory_space<vmem>> -> memref<128xf32, #tpu.memory_space<vmem>>
            %swap3A_409 = arith.constant 0 : index
            %swap3A_410 = tpu.vector_load %swap3A_408[%swap3A_409] {strides = array<i32>} : memref<128xf32, #tpu.memory_space<vmem>>, vector<16xf32>,
            %swap3A_411 = vector.shape_cast %swap3A_410 : vector<16xf32> to vector<16xf32>
            %swap3A_412 = vector.shape_cast %while3A_212 : vector<16xf32> to vector<16xf32>
            tpu.vector_store %swap3A_408[%swap3A_409], %swap3A_412 {strides = array<i32>} : memref<128xf32, #tpu.memory_space<vmem>>, vector<16xf32>,
            %swap3A_413 = arith.constant 0 : i32
            %swap3A_414 = arith.constant 0 : i32
            %swap3A_415 = tpu.memref_slice %arg16[%swap3A_413, %swap3A_414] : memref<1x128xf32, #tpu.memory_space<vmem>> -> memref<1x128xf32, #tpu.memory_space<vmem>>
            %swap3A_416 = tpu.memref_squeeze %swap3A_415 : memref<1x128xf32, #tpu.memory_space<vmem>> -> memref<128xf32, #tpu.memory_space<vmem>>
            %swap3A_417 = arith.constant 16 : index
            %swap3A_418 = tpu.vector_load %swap3A_416[%swap3A_417] {strides = array<i32>} : memref<128xf32, #tpu.memory_space<vmem>>, vector<16xf32>,
            %swap3A_419 = vector.shape_cast %swap3A_418 : vector<16xf32> to vector<16xf32>
            %swap3A_420 = vector.shape_cast %while3A_213 : vector<16xf32> to vector<16xf32>
            tpu.vector_store %swap3A_416[%swap3A_417], %swap3A_420 {strides = array<i32>} : memref<128xf32, #tpu.memory_space<vmem>>, vector<16xf32>,
            %swap3A_421 = arith.constant 0 : i32
            %swap3A_422 = arith.constant 0 : i32
            %swap3A_423 = tpu.memref_slice %arg16[%swap3A_421, %swap3A_422] : memref<1x128xf32, #tpu.memory_space<vmem>> -> memref<1x128xf32, #tpu.memory_space<vmem>>
            %swap3A_424 = tpu.memref_squeeze %swap3A_423 : memref<1x128xf32, #tpu.memory_space<vmem>> -> memref<128xf32, #tpu.memory_space<vmem>>
            %swap3A_425 = arith.constant 32 : index
            %swap3A_426 = tpu.vector_load %swap3A_424[%swap3A_425] {strides = array<i32>} : memref<128xf32, #tpu.memory_space<vmem>>, vector<16xf32>,
            %swap3A_427 = vector.shape_cast %swap3A_426 : vector<16xf32> to vector<16xf32>
            %swap3A_428 = vector.shape_cast %while3A_214 : vector<16xf32> to vector<16xf32>
            tpu.vector_store %swap3A_424[%swap3A_425], %swap3A_428 {strides = array<i32>} : memref<128xf32, #tpu.memory_space<vmem>>, vector<16xf32>,
            %swap3A_429 = arith.constant 0 : i32
            %swap3A_430 = arith.constant 0 : i32
            %swap3A_431 = tpu.memref_slice %arg16[%swap3A_429, %swap3A_430] : memref<1x128xf32, #tpu.memory_space<vmem>> -> memref<1x128xf32, #tpu.memory_space<vmem>>
            %swap3A_432 = tpu.memref_squeeze %swap3A_431 : memref<1x128xf32, #tpu.memory_space<vmem>> -> memref<128xf32, #tpu.memory_space<vmem>>
            %swap3A_433 = arith.constant 48 : index
            %swap3A_434 = tpu.vector_load %swap3A_432[%swap3A_433] {strides = array<i32>} : memref<128xf32, #tpu.memory_space<vmem>>, vector<16xf32>,
            %swap3A_435 = vector.shape_cast %swap3A_434 : vector<16xf32> to vector<16xf32>
            %swap3A_436 = vector.shape_cast %while3A_215 : vector<16xf32> to vector<16xf32>
            tpu.vector_store %swap3A_432[%swap3A_433], %swap3A_436 {strides = array<i32>} : memref<128xf32, #tpu.memory_space<vmem>>, vector<16xf32>,
            %swap3A_437 = arith.constant 0 : i32
            %swap3A_438 = arith.constant 0 : i32
            %swap3A_439 = tpu.memref_slice %arg16[%swap3A_437, %swap3A_438] : memref<1x128xf32, #tpu.memory_space<vmem>> -> memref<1x128xf32, #tpu.memory_space<vmem>>
            %swap3A_440 = tpu.memref_squeeze %swap3A_439 : memref<1x128xf32, #tpu.memory_space<vmem>> -> memref<128xf32, #tpu.memory_space<vmem>>
            %swap3A_441 = arith.constant 64 : index
            %swap3A_442 = tpu.vector_load %swap3A_440[%swap3A_441] {strides = array<i32>} : memref<128xf32, #tpu.memory_space<vmem>>, vector<16xf32>,
            %swap3A_443 = vector.shape_cast %swap3A_442 : vector<16xf32> to vector<16xf32>
            %swap3A_444 = vector.shape_cast %while3A_216 : vector<16xf32> to vector<16xf32>
            tpu.vector_store %swap3A_440[%swap3A_441], %swap3A_444 {strides = array<i32>} : memref<128xf32, #tpu.memory_space<vmem>>, vector<16xf32>,
            %swap3A_445 = arith.constant 0 : i32
            %swap3A_446 = arith.constant 0 : i32
            %swap3A_447 = tpu.memref_slice %arg16[%swap3A_445, %swap3A_446] : memref<1x128xf32, #tpu.memory_space<vmem>> -> memref<1x128xf32, #tpu.memory_space<vmem>>
            %swap3A_448 = tpu.memref_squeeze %swap3A_447 : memref<1x128xf32, #tpu.memory_space<vmem>> -> memref<128xf32, #tpu.memory_space<vmem>>
            %swap3A_449 = arith.constant 80 : index
            %swap3A_450 = tpu.vector_load %swap3A_448[%swap3A_449] {strides = array<i32>} : memref<128xf32, #tpu.memory_space<vmem>>, vector<16xf32>,
            %swap3A_451 = vector.shape_cast %swap3A_450 : vector<16xf32> to vector<16xf32>
            %swap3A_452 = vector.shape_cast %while3A_217 : vector<16xf32> to vector<16xf32>
            tpu.vector_store %swap3A_448[%swap3A_449], %swap3A_452 {strides = array<i32>} : memref<128xf32, #tpu.memory_space<vmem>>, vector<16xf32>,
            %swap3A_453 = arith.constant 0 : i32
            %swap3A_454 = arith.constant 0 : i32
            %swap3A_455 = tpu.memref_slice %arg16[%swap3A_453, %swap3A_454] : memref<1x128xf32, #tpu.memory_space<vmem>> -> memref<1x128xf32, #tpu.memory_space<vmem>>
            %swap3A_456 = tpu.memref_squeeze %swap3A_455 : memref<1x128xf32, #tpu.memory_space<vmem>> -> memref<128xf32, #tpu.memory_space<vmem>>
            %swap3A_457 = arith.constant 96 : index
            %swap3A_458 = tpu.vector_load %swap3A_456[%swap3A_457] {strides = array<i32>} : memref<128xf32, #tpu.memory_space<vmem>>, vector<16xf32>,
            %swap3A_459 = vector.shape_cast %swap3A_458 : vector<16xf32> to vector<16xf32>
            %swap3A_460 = vector.shape_cast %while3A_218 : vector<16xf32> to vector<16xf32>
            tpu.vector_store %swap3A_456[%swap3A_457], %swap3A_460 {strides = array<i32>} : memref<128xf32, #tpu.memory_space<vmem>>, vector<16xf32>,
            %swap3A_461 = arith.constant 0 : i32
            %swap3A_462 = arith.constant 0 : i32
            %swap3A_463 = tpu.memref_slice %arg16[%swap3A_461, %swap3A_462] : memref<1x128xf32, #tpu.memory_space<vmem>> -> memref<1x128xf32, #tpu.memory_space<vmem>>
            %swap3A_464 = tpu.memref_squeeze %swap3A_463 : memref<1x128xf32, #tpu.memory_space<vmem>> -> memref<128xf32, #tpu.memory_space<vmem>>
            %swap3A_465 = arith.constant 112 : index
            %swap3A_466 = tpu.vector_load %swap3A_464[%swap3A_465] {strides = array<i32>} : memref<128xf32, #tpu.memory_space<vmem>>, vector<16xf32>,
            %swap3A_467 = vector.shape_cast %swap3A_466 : vector<16xf32> to vector<16xf32>
            %swap3A_468 = vector.shape_cast %while3A_219 : vector<16xf32> to vector<16xf32>
            tpu.vector_store %swap3A_464[%swap3A_465], %swap3A_468 {strides = array<i32>} : memref<128xf32, #tpu.memory_space<vmem>>, vector<16xf32>,
            %mul3A_469 = arith.constant 2 : i32
            %mul3A_470 = arith.muli %mul3A_469, %add3A : i32
            %add3A_471 = arith.constant 0 : i32
            %add3A_472 = arith.addi %mul3A_470, %add3A_471 : i32
            "tpu.region"() ({
              %run_scoped3A = tpu.sem_alloc : memref<!tpu.dma_semaphore, #tpu.memory_space<semaphore_mem>>
              %dma_start3A_484 = arith.constant 0 : i32
              %dma_start3A_485 = tpu.memref_slice %arg8[%add3A_472, %dma_start3A_484] : memref<64x128xf32, #tpu.memory_space<hbm>> -> memref<1x128xf32, #tpu.memory_space<hbm>>
              %dma_start3A_486 = arith.constant 0 : i32
              %dma_start3A_487 = tpu.memref_slice %arg8[%add3A_472, %dma_start3A_486] : memref<64x128xf32, #tpu.memory_space<hbm>> -> memref<1x128xf32, #tpu.memory_space<hbm>>
              tpu.enqueue_dma source(%arg16 : memref<1x128xf32, #tpu.memory_space<vmem>>) target(%dma_start3A_487 : memref<1x128xf32, #tpu.memory_space<hbm>>) target_semaphore(%run_scoped3A : memref<!tpu.dma_semaphore, #tpu.memory_space<semaphore_mem>>)
              %dma_wait3A_488 = arith.constant 0 : i32
              %dma_wait3A_489 = tpu.memref_slice %arg8[%add3A_472, %dma_wait3A_488] : memref<64x128xf32, #tpu.memory_space<hbm>> -> memref<1x128xf32, #tpu.memory_space<hbm>>
              %dma_wait3A_490 = arith.constant 0 : i32
              %dma_wait3A_491 = tpu.memref_slice %arg8[%add3A_472, %dma_wait3A_490] : memref<64x128xf32, #tpu.memory_space<hbm>> -> memref<1x128xf32, #tpu.memory_space<hbm>>
              tpu.wait_dma2 semaphore(%run_scoped3A : memref<!tpu.dma_semaphore, #tpu.memory_space<semaphore_mem>>) src(%arg16 : memref<1x128xf32, #tpu.memory_space<vmem>>) dst(%dma_wait3A_491 : memref<1x128xf32, #tpu.memory_space<hbm>>)
              tpu.yield
            }) : () -> ()
            %broadcast_in_dim3A_473 = vector.broadcast %while3A_207 : i32 to vector<16xi32>
            %swap3A_474 = arith.constant 0 : i32
            %swap3A_475 = arith.index_cast %swap3A_474 : i32 to index
            %swap3A_476 = arith.constant 0 : index
            %swap3A_477 = tpu.vector_load %arg17[%swap3A_475, %swap3A_476] {strides = array<i32>} : memref<1x16xi32, #tpu.memory_space<vmem>>, vector<1x16xi32>,
            %swap3A_478 = vector.shape_cast %swap3A_477 : vector<1x16xi32> to vector<16xi32>
            %swap3A_479 = vector.shape_cast %broadcast_in_dim3A_473 : vector<16xi32> to vector<1x16xi32>
            tpu.vector_store %arg17[%swap3A_475, %swap3A_476], %swap3A_479 {strides = array<i32>} : memref<1x16xi32, #tpu.memory_space<vmem>>, vector<1x16xi32>,
            %mul3A_480 = arith.constant 2 : i32
            %mul3A_481 = arith.muli %mul3A_480, %add3A : i32
            %add3A_482 = arith.constant 0 : i32
            %add3A_483 = arith.addi %mul3A_481, %add3A_482 : i32
            "tpu.region"() ({
              %run_scoped3A = tpu.sem_alloc : memref<!tpu.dma_semaphore, #tpu.memory_space<semaphore_mem>>
              %dma_start3A_484 = arith.constant 0 : i32
              %dma_start3A_485 = tpu.memref_slice %arg9[%add3A_483, %dma_start3A_484] : memref<64x16xi32, #tpu.memory_space<hbm>> -> memref<1x16xi32, #tpu.memory_space<hbm>>
              %dma_start3A_486 = arith.constant 0 : i32
              %dma_start3A_487 = tpu.memref_slice %arg9[%add3A_483, %dma_start3A_486] : memref<64x16xi32, #tpu.memory_space<hbm>> -> memref<1x16xi32, #tpu.memory_space<hbm>>
              tpu.enqueue_dma source(%arg17 : memref<1x16xi32, #tpu.memory_space<vmem>>) target(%dma_start3A_487 : memref<1x16xi32, #tpu.memory_space<hbm>>) target_semaphore(%run_scoped3A : memref<!tpu.dma_semaphore, #tpu.memory_space<semaphore_mem>>)
              %dma_wait3A_488 = arith.constant 0 : i32
              %dma_wait3A_489 = tpu.memref_slice %arg9[%add3A_483, %dma_wait3A_488] : memref<64x16xi32, #tpu.memory_space<hbm>> -> memref<1x16xi32, #tpu.memory_space<hbm>>
              %dma_wait3A_490 = arith.constant 0 : i32
              %dma_wait3A_491 = tpu.memref_slice %arg9[%add3A_483, %dma_wait3A_490] : memref<64x16xi32, #tpu.memory_space<hbm>> -> memref<1x16xi32, #tpu.memory_space<hbm>>
              tpu.wait_dma2 semaphore(%run_scoped3A : memref<!tpu.dma_semaphore, #tpu.memory_space<semaphore_mem>>) src(%arg17 : memref<1x16xi32, #tpu.memory_space<vmem>>) dst(%dma_wait3A_491 : memref<1x16xi32, #tpu.memory_space<hbm>>)
              tpu.yield
            }) : () -> ()
          } else {
          }
          %gt3A_400 = arith.constant 0 : i32
          %gt3A_401 = arith.cmpi sgt, %while3A_208, %gt3A_400 : i32
          %convert_element_type3A_402 = arith.extui %gt3A_401 : i1 to i32
          %cond3A_403 = arith.constant 0 : i32
          %cond3A_404 = arith.cmpi ne, %convert_element_type3A_402, %cond3A_403 : i32
          scf.if %cond3A_404 {
            %swap3A_405 = arith.constant 0 : i32
            %swap3A_406 = tpu.memref_slice %arg14[%while3A_209, %swap3A_405] : memref<64x128xf32, #tpu.memory_space<vmem>> -> memref<1x128xf32, #tpu.memory_space<vmem>>
            %swap3A_407 = tpu.memref_squeeze %swap3A_406 : memref<1x128xf32, #tpu.memory_space<vmem>> -> memref<128xf32, #tpu.memory_space<vmem>>
            %swap3A_408 = arith.constant 0 : index
            %swap3A_409 = tpu.vector_load %swap3A_407[%swap3A_408] {strides = array<i32>} : memref<128xf32, #tpu.memory_space<vmem>>, vector<16xf32>,
            %swap3A_410 = vector.shape_cast %swap3A_409 : vector<16xf32> to vector<16xf32>
            %swap3A_411 = vector.shape_cast %while3A_212 : vector<16xf32> to vector<16xf32>
            tpu.vector_store %swap3A_407[%swap3A_408], %swap3A_411 {strides = array<i32>} : memref<128xf32, #tpu.memory_space<vmem>>, vector<16xf32>,
            %swap3A_412 = arith.constant 0 : i32
            %swap3A_413 = tpu.memref_slice %arg14[%while3A_209, %swap3A_412] : memref<64x128xf32, #tpu.memory_space<vmem>> -> memref<1x128xf32, #tpu.memory_space<vmem>>
            %swap3A_414 = tpu.memref_squeeze %swap3A_413 : memref<1x128xf32, #tpu.memory_space<vmem>> -> memref<128xf32, #tpu.memory_space<vmem>>
            %swap3A_415 = arith.constant 16 : index
            %swap3A_416 = tpu.vector_load %swap3A_414[%swap3A_415] {strides = array<i32>} : memref<128xf32, #tpu.memory_space<vmem>>, vector<16xf32>,
            %swap3A_417 = vector.shape_cast %swap3A_416 : vector<16xf32> to vector<16xf32>
            %swap3A_418 = vector.shape_cast %while3A_213 : vector<16xf32> to vector<16xf32>
            tpu.vector_store %swap3A_414[%swap3A_415], %swap3A_418 {strides = array<i32>} : memref<128xf32, #tpu.memory_space<vmem>>, vector<16xf32>,
            %swap3A_419 = arith.constant 0 : i32
            %swap3A_420 = tpu.memref_slice %arg14[%while3A_209, %swap3A_419] : memref<64x128xf32, #tpu.memory_space<vmem>> -> memref<1x128xf32, #tpu.memory_space<vmem>>
            %swap3A_421 = tpu.memref_squeeze %swap3A_420 : memref<1x128xf32, #tpu.memory_space<vmem>> -> memref<128xf32, #tpu.memory_space<vmem>>
            %swap3A_422 = arith.constant 32 : index
            %swap3A_423 = tpu.vector_load %swap3A_421[%swap3A_422] {strides = array<i32>} : memref<128xf32, #tpu.memory_space<vmem>>, vector<16xf32>,
            %swap3A_424 = vector.shape_cast %swap3A_423 : vector<16xf32> to vector<16xf32>
            %swap3A_425 = vector.shape_cast %while3A_214 : vector<16xf32> to vector<16xf32>
            tpu.vector_store %swap3A_421[%swap3A_422], %swap3A_425 {strides = array<i32>} : memref<128xf32, #tpu.memory_space<vmem>>, vector<16xf32>,
            %swap3A_426 = arith.constant 0 : i32
            %swap3A_427 = tpu.memref_slice %arg14[%while3A_209, %swap3A_426] : memref<64x128xf32, #tpu.memory_space<vmem>> -> memref<1x128xf32, #tpu.memory_space<vmem>>
            %swap3A_428 = tpu.memref_squeeze %swap3A_427 : memref<1x128xf32, #tpu.memory_space<vmem>> -> memref<128xf32, #tpu.memory_space<vmem>>
            %swap3A_429 = arith.constant 48 : index
            %swap3A_430 = tpu.vector_load %swap3A_428[%swap3A_429] {strides = array<i32>} : memref<128xf32, #tpu.memory_space<vmem>>, vector<16xf32>,
            %swap3A_431 = vector.shape_cast %swap3A_430 : vector<16xf32> to vector<16xf32>
            %swap3A_432 = vector.shape_cast %while3A_215 : vector<16xf32> to vector<16xf32>
            tpu.vector_store %swap3A_428[%swap3A_429], %swap3A_432 {strides = array<i32>} : memref<128xf32, #tpu.memory_space<vmem>>, vector<16xf32>,
            %swap3A_433 = arith.constant 0 : i32
            %swap3A_434 = tpu.memref_slice %arg14[%while3A_209, %swap3A_433] : memref<64x128xf32, #tpu.memory_space<vmem>> -> memref<1x128xf32, #tpu.memory_space<vmem>>
            %swap3A_435 = tpu.memref_squeeze %swap3A_434 : memref<1x128xf32, #tpu.memory_space<vmem>> -> memref<128xf32, #tpu.memory_space<vmem>>
            %swap3A_436 = arith.constant 64 : index
            %swap3A_437 = tpu.vector_load %swap3A_435[%swap3A_436] {strides = array<i32>} : memref<128xf32, #tpu.memory_space<vmem>>, vector<16xf32>,
            %swap3A_438 = vector.shape_cast %swap3A_437 : vector<16xf32> to vector<16xf32>
            %swap3A_439 = vector.shape_cast %while3A_216 : vector<16xf32> to vector<16xf32>
            tpu.vector_store %swap3A_435[%swap3A_436], %swap3A_439 {strides = array<i32>} : memref<128xf32, #tpu.memory_space<vmem>>, vector<16xf32>,
            %swap3A_440 = arith.constant 0 : i32
            %swap3A_441 = tpu.memref_slice %arg14[%while3A_209, %swap3A_440] : memref<64x128xf32, #tpu.memory_space<vmem>> -> memref<1x128xf32, #tpu.memory_space<vmem>>
            %swap3A_442 = tpu.memref_squeeze %swap3A_441 : memref<1x128xf32, #tpu.memory_space<vmem>> -> memref<128xf32, #tpu.memory_space<vmem>>
            %swap3A_443 = arith.constant 80 : index
            %swap3A_444 = tpu.vector_load %swap3A_442[%swap3A_443] {strides = array<i32>} : memref<128xf32, #tpu.memory_space<vmem>>, vector<16xf32>,
            %swap3A_445 = vector.shape_cast %swap3A_444 : vector<16xf32> to vector<16xf32>
            %swap3A_446 = vector.shape_cast %while3A_217 : vector<16xf32> to vector<16xf32>
            tpu.vector_store %swap3A_442[%swap3A_443], %swap3A_446 {strides = array<i32>} : memref<128xf32, #tpu.memory_space<vmem>>, vector<16xf32>,
            %swap3A_447 = arith.constant 0 : i32
            %swap3A_448 = tpu.memref_slice %arg14[%while3A_209, %swap3A_447] : memref<64x128xf32, #tpu.memory_space<vmem>> -> memref<1x128xf32, #tpu.memory_space<vmem>>
            %swap3A_449 = tpu.memref_squeeze %swap3A_448 : memref<1x128xf32, #tpu.memory_space<vmem>> -> memref<128xf32, #tpu.memory_space<vmem>>
            %swap3A_450 = arith.constant 96 : index
            %swap3A_451 = tpu.vector_load %swap3A_449[%swap3A_450] {strides = array<i32>} : memref<128xf32, #tpu.memory_space<vmem>>, vector<16xf32>,
            %swap3A_452 = vector.shape_cast %swap3A_451 : vector<16xf32> to vector<16xf32>
            %swap3A_453 = vector.shape_cast %while3A_218 : vector<16xf32> to vector<16xf32>
            tpu.vector_store %swap3A_449[%swap3A_450], %swap3A_453 {strides = array<i32>} : memref<128xf32, #tpu.memory_space<vmem>>, vector<16xf32>,
            %swap3A_454 = arith.constant 0 : i32
            %swap3A_455 = tpu.memref_slice %arg14[%while3A_209, %swap3A_454] : memref<64x128xf32, #tpu.memory_space<vmem>> -> memref<1x128xf32, #tpu.memory_space<vmem>>
            %swap3A_456 = tpu.memref_squeeze %swap3A_455 : memref<1x128xf32, #tpu.memory_space<vmem>> -> memref<128xf32, #tpu.memory_space<vmem>>
            %swap3A_457 = arith.constant 112 : index
            %swap3A_458 = tpu.vector_load %swap3A_456[%swap3A_457] {strides = array<i32>} : memref<128xf32, #tpu.memory_space<vmem>>, vector<16xf32>,
            %swap3A_459 = vector.shape_cast %swap3A_458 : vector<16xf32> to vector<16xf32>
            %swap3A_460 = vector.shape_cast %while3A_219 : vector<16xf32> to vector<16xf32>
            tpu.vector_store %swap3A_456[%swap3A_457], %swap3A_460 {strides = array<i32>} : memref<128xf32, #tpu.memory_space<vmem>>, vector<16xf32>,
            %dma_start3A_461 = arith.constant 0 : i32
            %dma_start3A_462 = tpu.memref_slice %arg14[%while3A_209, %dma_start3A_461] : memref<64x128xf32, #tpu.memory_space<vmem>> -> memref<1x128xf32, #tpu.memory_space<vmem>>
            %dma_start3A_463 = arith.constant 0 : i32
            %dma_start3A_464 = tpu.memref_slice %arg7[%while3A_207, %dma_start3A_463] : memref<10000x128xf32, #tpu.memory_space<hbm>> -> memref<1x128xf32, #tpu.memory_space<hbm>>
            %dma_start3A_465 = arith.constant 0 : i32
            %dma_start3A_466 = tpu.memref_slice %arg7[%while3A_207, %dma_start3A_465] : memref<10000x128xf32, #tpu.memory_space<hbm>> -> memref<1x128xf32, #tpu.memory_space<hbm>>
            %dma_start3A_467 = arith.constant 0 : i32
            %dma_start3A_468 = tpu.memref_slice %arg14[%while3A_209, %dma_start3A_467] : memref<64x128xf32, #tpu.memory_space<vmem>> -> memref<1x128xf32, #tpu.memory_space<vmem>>
            tpu.enqueue_dma source(%dma_start3A_468 : memref<1x128xf32, #tpu.memory_space<vmem>>) target(%dma_start3A_466 : memref<1x128xf32, #tpu.memory_space<hbm>>) target_semaphore(%arg20 : memref<!tpu.dma_semaphore, #tpu.memory_space<semaphore_mem>>)
          } else {
          }
        } else {
        }
        %ge3A_238 = arith.constant 0 : i32
        %ge3A_239 = arith.cmpi sge, %while3A_207, %ge3A_238 : i32
        %add3A_240 = arith.constant 1 : i32
        %add3A_241 = arith.addi %while3A_207, %add3A_240 : i32
        %eq3A_242 = arith.constant 0 : i32
        %eq3A_243 = arith.cmpi eq, %add3A, %eq3A_242 : i32
        %jit3A = arith.constant 0 : i32
        %select_n3A = arith.select %eq3A_243, %jit3A, %squeeze3A_225 : i32
        %select_n3A_244 = arith.select %ge3A_239, %add3A_241, %select_n3A : i32
        %gt3A_245 = arith.cmpi sgt, %squeeze3A_225, %select_n3A_244 : i32
        %and3A_246 = arith.andi %and3A_232, %gt3A_245 : i1
        %convert_element_type3A_247 = arith.extui %and3A_246 : i1 to i32
        %cond3A_248 = arith.constant 0 : i32
        %cond3A_249 = arith.cmpi ne, %convert_element_type3A_247, %cond3A_248 : i32
        scf.if %cond3A_249 {
          %while3A_395 = arith.constant 0 : i32
          %while3A_396 = arith.subi %squeeze3A_225, %select_n3A_244 : i32
          %while3A_397 = arith.addi %select_n3A_244, %while3A_396 : i32
          %while3A_398 = arith.constant 1 : i32
          %while3A_399 = arith.divsi %while3A_396, %while3A_398 : i32
          %while3A_400 = arith.muli %while3A_399, %while3A_398 : i32
          %while3A_401 = arith.addi %select_n3A_244, %while3A_400 : i32
          %while3A_402 = arith.constant 1 : i32
          %while3A_403 = scf.for %while3A_406 = %select_n3A_244 to %while3A_401 step %while3A_402 iter_args(%while3A_407 = %while3A_395) -> (i32)  : i32 {
            %dma_start3A_408 = arith.constant 0 : i32
            %dma_start3A_409 = tpu.memref_slice %arg7[%while3A_406, %dma_start3A_408] : memref<10000x128xf32, #tpu.memory_space<hbm>> -> memref<1x128xf32, #tpu.memory_space<hbm>>
            %dma_start3A_410 = arith.constant 0 : i32
            %dma_start3A_411 = tpu.memref_slice %arg7[%while3A_406, %dma_start3A_410] : memref<10000x128xf32, #tpu.memory_space<hbm>> -> memref<1x128xf32, #tpu.memory_space<hbm>>
            tpu.enqueue_dma source(%arg15 : memref<1x128xf32, #tpu.memory_space<vmem>>) target(%dma_start3A_411 : memref<1x128xf32, #tpu.memory_space<hbm>>) target_semaphore(%arg21 : memref<!tpu.dma_semaphore, #tpu.memory_space<semaphore_mem>>)
            %while3A_412 = arith.constant 0 : i32
            scf.yield %while3A_412 : i32
          }
          %while3A_404 = arith.constant 1 : i32
          %while3A_405 = scf.for %while3A_406 = %while3A_401 to %while3A_397 step %while3A_404 iter_args(%while3A_407 = %while3A_403) -> (i32)  : i32 {
            %dma_start3A_408 = arith.constant 0 : i32
            %dma_start3A_409 = tpu.memref_slice %arg7[%while3A_406, %dma_start3A_408] : memref<10000x128xf32, #tpu.memory_space<hbm>> -> memref<1x128xf32, #tpu.memory_space<hbm>>
            %dma_start3A_410 = arith.constant 0 : i32
            %dma_start3A_411 = tpu.memref_slice %arg7[%while3A_406, %dma_start3A_410] : memref<10000x128xf32, #tpu.memory_space<hbm>> -> memref<1x128xf32, #tpu.memory_space<hbm>>
            tpu.enqueue_dma source(%arg15 : memref<1x128xf32, #tpu.memory_space<vmem>>) target(%dma_start3A_411 : memref<1x128xf32, #tpu.memory_space<hbm>>) target_semaphore(%arg21 : memref<!tpu.dma_semaphore, #tpu.memory_space<semaphore_mem>>)
            %while3A_412 = arith.constant 0 : i32
            scf.yield %while3A_412 : i32
          }
        } else {
        }
        %ge3A_250 = arith.constant 0 : i32
        %ge3A_251 = arith.cmpi sge, %while3A_207, %ge3A_250 : i32
        %gt3A_252 = arith.constant 0 : i32
        %gt3A_253 = arith.cmpi sgt, %while3A_208, %gt3A_252 : i32
        %and3A_254 = arith.andi %ge3A_251, %gt3A_253 : i1
        %and3A_255 = arith.andi %and3A_232, %and3A_254 : i1
        %add3A_256 = arith.constant 1 : i32
        %add3A_257 = arith.addi %while3A_209, %add3A_256 : i32
        %rem3A_258 = arith.constant 64 : i32
        %rem3A_259 = arith.remsi %add3A_257, %rem3A_258 : i32
        %select_n3A_260 = arith.select %and3A_255, %rem3A_259, %while3A_209 : i32
        %add3A_261 = arith.constant 1 : i32
        %add3A_262 = arith.addi %while3A_210, %add3A_261 : i32
        %select_n3A_263 = arith.select %and3A_255, %add3A_262, %while3A_210 : i32
        %eq3A_264 = arith.constant 0 : i32
        %eq3A_265 = arith.cmpi eq, %select_n3A_260, %eq3A_264 : i32
        %and3A_266 = arith.andi %and3A_255, %eq3A_265 : i1
        %convert_element_type3A_267 = arith.extui %and3A_266 : i1 to i32
        %cond3A_268 = arith.constant 0 : i32
        %cond3A_269 = arith.cmpi ne, %convert_element_type3A_267, %cond3A_268 : i32
        scf.if %cond3A_269 {
          %dma_wait3A_395 = arith.constant 0 : i32
          %dma_wait3A_396 = arith.constant 0 : i32
          %dma_wait3A_397 = tpu.memref_slice %arg7[%dma_wait3A_395, %dma_wait3A_396] : memref<10000x128xf32, #tpu.memory_space<hbm>> -> memref<64x128xf32, #tpu.memory_space<hbm>>
          %dma_wait3A_398 = arith.constant 0 : i32
          %dma_wait3A_399 = arith.constant 0 : i32
          %dma_wait3A_400 = tpu.memref_slice %arg7[%dma_wait3A_398, %dma_wait3A_399] : memref<10000x128xf32, #tpu.memory_space<hbm>> -> memref<64x128xf32, #tpu.memory_space<hbm>>
          tpu.wait_dma2 semaphore(%arg20 : memref<!tpu.dma_semaphore, #tpu.memory_space<semaphore_mem>>) src(%dma_wait3A_400 : memref<64x128xf32, #tpu.memory_space<hbm>>) dst(%arg14 : memref<64x128xf32, #tpu.memory_space<vmem>>)
        } else {
        }
        %gt3A_270 = arith.cmpi sgt, %squeeze3A_225, %select_n3A_244 : i32
        %and3A_271 = arith.andi %and3A_232, %gt3A_270 : i1
        %sub3A_272 = arith.subi %squeeze3A_225, %select_n3A_244 : i32
        %jit3A_273 = arith.constant 0 : i32
        %select_n3A_274 = arith.select %and3A_271, %sub3A_272, %jit3A_273 : i32
        %add3A_275 = arith.addi %while3A_211, %select_n3A_274 : i32
        %ge3A_276 = arith.constant 0 : i32
        %ge3A_277 = arith.cmpi sge, %while3A_207, %ge3A_276 : i32
        %and3A_278 = arith.andi %and3A_232, %ge3A_277 : i1
        %add3A_279 = arith.constant 1 : i32
        %add3A_280 = arith.addi %while3A_208, %add3A_279 : i32
        %select_n3A_281 = arith.select %and3A_278, %add3A_280, %while3A_208 : i32
        %select_n3A_282 = arith.select %and3A_232, %squeeze3A_225, %while3A_207 : i32
        %select_n3A_283 = arith.select %and3A_232, %broadcast_in_dim3A_17, %while3A_212 : vector<16xf32>
        %get3A_284 = arith.constant 0 : i32
        %get3A_285 = arith.constant 0 : i32
        %get3A_286 = tpu.memref_slice %arg13[%rem3A_173, %get3A_284, %get3A_285] : memref<2x120x128xf32, #tpu.memory_space<vmem>> -> memref<1x120x128xf32, #tpu.memory_space<vmem>>
        %get3A_287 = tpu.memref_squeeze %get3A_286 : memref<1x120x128xf32, #tpu.memory_space<vmem>> -> memref<120x128xf32, #tpu.memory_space<vmem>>
        %get3A_288 = arith.constant 0 : i32
        %get3A_289 = tpu.memref_slice %get3A_287[%while3A_206, %get3A_288] : memref<120x128xf32, #tpu.memory_space<vmem>> -> memref<1x128xf32, #tpu.memory_space<vmem>>
        %get3A_290 = tpu.memref_squeeze %get3A_289 : memref<1x128xf32, #tpu.memory_space<vmem>> -> memref<128xf32, #tpu.memory_space<vmem>>
        %get3A_291 = arith.constant 0 : index
        %get3A_292 = tpu.vector_load %get3A_290[%get3A_291] {strides = array<i32>} : memref<128xf32, #tpu.memory_space<vmem>>, vector<16xf32>,
        %get3A_293 = vector.shape_cast %get3A_292 : vector<16xf32> to vector<16xf32>
        %mul3A_294 = vector.broadcast %squeeze3A_231 : f32 to vector<16xf32>
        %mul3A_295 = arith.mulf %get3A_293, %mul3A_294 : vector<16xf32>
        %add3A_296 = arith.addf %select_n3A_283, %mul3A_295 : vector<16xf32>
        %select_n3A_297 = arith.select %and3A_232, %broadcast_in_dim3A_17, %while3A_213 : vector<16xf32>
        %get3A_298 = arith.constant 0 : i32
        %get3A_299 = arith.constant 0 : i32
        %get3A_300 = tpu.memref_slice %arg13[%rem3A_173, %get3A_298, %get3A_299] : memref<2x120x128xf32, #tpu.memory_space<vmem>> -> memref<1x120x128xf32, #tpu.memory_space<vmem>>
        %get3A_301 = tpu.memref_squeeze %get3A_300 : memref<1x120x128xf32, #tpu.memory_space<vmem>> -> memref<120x128xf32, #tpu.memory_space<vmem>>
        %get3A_302 = arith.constant 0 : i32
        %get3A_303 = tpu.memref_slice %get3A_301[%while3A_206, %get3A_302] : memref<120x128xf32, #tpu.memory_space<vmem>> -> memref<1x128xf32, #tpu.memory_space<vmem>>
        %get3A_304 = tpu.memref_squeeze %get3A_303 : memref<1x128xf32, #tpu.memory_space<vmem>> -> memref<128xf32, #tpu.memory_space<vmem>>
        %get3A_305 = arith.constant 16 : index
        %get3A_306 = tpu.vector_load %get3A_304[%get3A_305] {strides = array<i32>} : memref<128xf32, #tpu.memory_space<vmem>>, vector<16xf32>,
        %get3A_307 = vector.shape_cast %get3A_306 : vector<16xf32> to vector<16xf32>
        %mul3A_308 = vector.broadcast %squeeze3A_231 : f32 to vector<16xf32>
        %mul3A_309 = arith.mulf %get3A_307, %mul3A_308 : vector<16xf32>
        %add3A_310 = arith.addf %select_n3A_297, %mul3A_309 : vector<16xf32>
        %select_n3A_311 = arith.select %and3A_232, %broadcast_in_dim3A_17, %while3A_214 : vector<16xf32>
        %get3A_312 = arith.constant 0 : i32
        %get3A_313 = arith.constant 0 : i32
        %get3A_314 = tpu.memref_slice %arg13[%rem3A_173, %get3A_312, %get3A_313] : memref<2x120x128xf32, #tpu.memory_space<vmem>> -> memref<1x120x128xf32, #tpu.memory_space<vmem>>
        %get3A_315 = tpu.memref_squeeze %get3A_314 : memref<1x120x128xf32, #tpu.memory_space<vmem>> -> memref<120x128xf32, #tpu.memory_space<vmem>>
        %get3A_316 = arith.constant 0 : i32
        %get3A_317 = tpu.memref_slice %get3A_315[%while3A_206, %get3A_316] : memref<120x128xf32, #tpu.memory_space<vmem>> -> memref<1x128xf32, #tpu.memory_space<vmem>>
        %get3A_318 = tpu.memref_squeeze %get3A_317 : memref<1x128xf32, #tpu.memory_space<vmem>> -> memref<128xf32, #tpu.memory_space<vmem>>
        %get3A_319 = arith.constant 32 : index
        %get3A_320 = tpu.vector_load %get3A_318[%get3A_319] {strides = array<i32>} : memref<128xf32, #tpu.memory_space<vmem>>, vector<16xf32>,
        %get3A_321 = vector.shape_cast %get3A_320 : vector<16xf32> to vector<16xf32>
        %mul3A_322 = vector.broadcast %squeeze3A_231 : f32 to vector<16xf32>
        %mul3A_323 = arith.mulf %get3A_321, %mul3A_322 : vector<16xf32>
        %add3A_324 = arith.addf %select_n3A_311, %mul3A_323 : vector<16xf32>
        %select_n3A_325 = arith.select %and3A_232, %broadcast_in_dim3A_17, %while3A_215 : vector<16xf32>
        %get3A_326 = arith.constant 0 : i32
        %get3A_327 = arith.constant 0 : i32
        %get3A_328 = tpu.memref_slice %arg13[%rem3A_173, %get3A_326, %get3A_327] : memref<2x120x128xf32, #tpu.memory_space<vmem>> -> memref<1x120x128xf32, #tpu.memory_space<vmem>>
        %get3A_329 = tpu.memref_squeeze %get3A_328 : memref<1x120x128xf32, #tpu.memory_space<vmem>> -> memref<120x128xf32, #tpu.memory_space<vmem>>
        %get3A_330 = arith.constant 0 : i32
        %get3A_331 = tpu.memref_slice %get3A_329[%while3A_206, %get3A_330] : memref<120x128xf32, #tpu.memory_space<vmem>> -> memref<1x128xf32, #tpu.memory_space<vmem>>
        %get3A_332 = tpu.memref_squeeze %get3A_331 : memref<1x128xf32, #tpu.memory_space<vmem>> -> memref<128xf32, #tpu.memory_space<vmem>>
        %get3A_333 = arith.constant 48 : index
        %get3A_334 = tpu.vector_load %get3A_332[%get3A_333] {strides = array<i32>} : memref<128xf32, #tpu.memory_space<vmem>>, vector<16xf32>,
        %get3A_335 = vector.shape_cast %get3A_334 : vector<16xf32> to vector<16xf32>
        %mul3A_336 = vector.broadcast %squeeze3A_231 : f32 to vector<16xf32>
        %mul3A_337 = arith.mulf %get3A_335, %mul3A_336 : vector<16xf32>
        %add3A_338 = arith.addf %select_n3A_325, %mul3A_337 : vector<16xf32>
        %select_n3A_339 = arith.select %and3A_232, %broadcast_in_dim3A_17, %while3A_216 : vector<16xf32>
        %get3A_340 = arith.constant 0 : i32
        %get3A_341 = arith.constant 0 : i32
        %get3A_342 = tpu.memref_slice %arg13[%rem3A_173, %get3A_340, %get3A_341] : memref<2x120x128xf32, #tpu.memory_space<vmem>> -> memref<1x120x128xf32, #tpu.memory_space<vmem>>
        %get3A_343 = tpu.memref_squeeze %get3A_342 : memref<1x120x128xf32, #tpu.memory_space<vmem>> -> memref<120x128xf32, #tpu.memory_space<vmem>>
        %get3A_344 = arith.constant 0 : i32
        %get3A_345 = tpu.memref_slice %get3A_343[%while3A_206, %get3A_344] : memref<120x128xf32, #tpu.memory_space<vmem>> -> memref<1x128xf32, #tpu.memory_space<vmem>>
        %get3A_346 = tpu.memref_squeeze %get3A_345 : memref<1x128xf32, #tpu.memory_space<vmem>> -> memref<128xf32, #tpu.memory_space<vmem>>
        %get3A_347 = arith.constant 64 : index
        %get3A_348 = tpu.vector_load %get3A_346[%get3A_347] {strides = array<i32>} : memref<128xf32, #tpu.memory_space<vmem>>, vector<16xf32>,
        %get3A_349 = vector.shape_cast %get3A_348 : vector<16xf32> to vector<16xf32>
        %mul3A_350 = vector.broadcast %squeeze3A_231 : f32 to vector<16xf32>
        %mul3A_351 = arith.mulf %get3A_349, %mul3A_350 : vector<16xf32>
        %add3A_352 = arith.addf %select_n3A_339, %mul3A_351 : vector<16xf32>
        %select_n3A_353 = arith.select %and3A_232, %broadcast_in_dim3A_17, %while3A_217 : vector<16xf32>
        %get3A_354 = arith.constant 0 : i32
        %get3A_355 = arith.constant 0 : i32
        %get3A_356 = tpu.memref_slice %arg13[%rem3A_173, %get3A_354, %get3A_355] : memref<2x120x128xf32, #tpu.memory_space<vmem>> -> memref<1x120x128xf32, #tpu.memory_space<vmem>>
        %get3A_357 = tpu.memref_squeeze %get3A_356 : memref<1x120x128xf32, #tpu.memory_space<vmem>> -> memref<120x128xf32, #tpu.memory_space<vmem>>
        %get3A_358 = arith.constant 0 : i32
        %get3A_359 = tpu.memref_slice %get3A_357[%while3A_206, %get3A_358] : memref<120x128xf32, #tpu.memory_space<vmem>> -> memref<1x128xf32, #tpu.memory_space<vmem>>
        %get3A_360 = tpu.memref_squeeze %get3A_359 : memref<1x128xf32, #tpu.memory_space<vmem>> -> memref<128xf32, #tpu.memory_space<vmem>>
        %get3A_361 = arith.constant 80 : index
        %get3A_362 = tpu.vector_load %get3A_360[%get3A_361] {strides = array<i32>} : memref<128xf32, #tpu.memory_space<vmem>>, vector<16xf32>,
        %get3A_363 = vector.shape_cast %get3A_362 : vector<16xf32> to vector<16xf32>
        %mul3A_364 = vector.broadcast %squeeze3A_231 : f32 to vector<16xf32>
        %mul3A_365 = arith.mulf %get3A_363, %mul3A_364 : vector<16xf32>
        %add3A_366 = arith.addf %select_n3A_353, %mul3A_365 : vector<16xf32>
        %select_n3A_367 = arith.select %and3A_232, %broadcast_in_dim3A_17, %while3A_218 : vector<16xf32>
        %get3A_368 = arith.constant 0 : i32
        %get3A_369 = arith.constant 0 : i32
        %get3A_370 = tpu.memref_slice %arg13[%rem3A_173, %get3A_368, %get3A_369] : memref<2x120x128xf32, #tpu.memory_space<vmem>> -> memref<1x120x128xf32, #tpu.memory_space<vmem>>
        %get3A_371 = tpu.memref_squeeze %get3A_370 : memref<1x120x128xf32, #tpu.memory_space<vmem>> -> memref<120x128xf32, #tpu.memory_space<vmem>>
        %get3A_372 = arith.constant 0 : i32
        %get3A_373 = tpu.memref_slice %get3A_371[%while3A_206, %get3A_372] : memref<120x128xf32, #tpu.memory_space<vmem>> -> memref<1x128xf32, #tpu.memory_space<vmem>>
        %get3A_374 = tpu.memref_squeeze %get3A_373 : memref<1x128xf32, #tpu.memory_space<vmem>> -> memref<128xf32, #tpu.memory_space<vmem>>
        %get3A_375 = arith.constant 96 : index
        %get3A_376 = tpu.vector_load %get3A_374[%get3A_375] {strides = array<i32>} : memref<128xf32, #tpu.memory_space<vmem>>, vector<16xf32>,
        %get3A_377 = vector.shape_cast %get3A_376 : vector<16xf32> to vector<16xf32>
        %mul3A_378 = vector.broadcast %squeeze3A_231 : f32 to vector<16xf32>
        %mul3A_379 = arith.mulf %get3A_377, %mul3A_378 : vector<16xf32>
        %add3A_380 = arith.addf %select_n3A_367, %mul3A_379 : vector<16xf32>
        %select_n3A_381 = arith.select %and3A_232, %broadcast_in_dim3A_17, %while3A_219 : vector<16xf32>
        %get3A_382 = arith.constant 0 : i32
        %get3A_383 = arith.constant 0 : i32
        %get3A_384 = tpu.memref_slice %arg13[%rem3A_173, %get3A_382, %get3A_383] : memref<2x120x128xf32, #tpu.memory_space<vmem>> -> memref<1x120x128xf32, #tpu.memory_space<vmem>>
        %get3A_385 = tpu.memref_squeeze %get3A_384 : memref<1x120x128xf32, #tpu.memory_space<vmem>> -> memref<120x128xf32, #tpu.memory_space<vmem>>
        %get3A_386 = arith.constant 0 : i32
        %get3A_387 = tpu.memref_slice %get3A_385[%while3A_206, %get3A_386] : memref<120x128xf32, #tpu.memory_space<vmem>> -> memref<1x128xf32, #tpu.memory_space<vmem>>
        %get3A_388 = tpu.memref_squeeze %get3A_387 : memref<1x128xf32, #tpu.memory_space<vmem>> -> memref<128xf32, #tpu.memory_space<vmem>>
        %get3A_389 = arith.constant 112 : index
        %get3A_390 = tpu.vector_load %get3A_388[%get3A_389] {strides = array<i32>} : memref<128xf32, #tpu.memory_space<vmem>>, vector<16xf32>,
        %get3A_391 = vector.shape_cast %get3A_390 : vector<16xf32> to vector<16xf32>
        %mul3A_392 = vector.broadcast %squeeze3A_231 : f32 to vector<16xf32>
        %mul3A_393 = arith.mulf %get3A_391, %mul3A_392 : vector<16xf32>
        %add3A_394 = arith.addf %select_n3A_381, %mul3A_393 : vector<16xf32>
        scf.yield %select_n3A_282, %select_n3A_281, %select_n3A_260, %select_n3A_263, %add3A_275, %add3A_296, %add3A_310, %add3A_324, %add3A_338, %add3A_352, %add3A_366, %add3A_380, %add3A_394 : i32, i32, i32, i32, i32, vector<16xf32>, vector<16xf32>, vector<16xf32>, vector<16xf32>, vector<16xf32>, vector<16xf32>, vector<16xf32>, vector<16xf32>
      }
      scf.yield %while3A_205#0, %while3A_205#1, %while3A_205#2, %while3A_205#3, %while3A_205#4, %while3A_205#5, %while3A_205#6, %while3A_205#7, %while3A_205#8, %while3A_205#9, %while3A_205#10, %while3A_205#11, %while3A_205#12 : i32, i32, i32, i32, i32, vector<16xf32>, vector<16xf32>, vector<16xf32>, vector<16xf32>, vector<16xf32>, vector<16xf32>, vector<16xf32>, vector<16xf32>
    }
    %while3A_113 = arith.constant 1 : i32
    %while3A_114:13 = scf.for %while3A_158 = %while3A_110 to %while3A_106 step %while3A_113 iter_args(%while3A_159 = %while3A_112#0, %while3A_160 = %while3A_112#1, %while3A_161 = %while3A_112#2, %while3A_162 = %while3A_112#3, %while3A_163 = %while3A_112#4, %while3A_164 = %while3A_112#5, %while3A_165 = %while3A_112#6, %while3A_166 = %while3A_112#7, %while3A_167 = %while3A_112#8, %while3A_168 = %while3A_112#9, %while3A_169 = %while3A_112#10, %while3A_170 = %while3A_112#11, %while3A_171 = %while3A_112#12) -> (i32, i32, i32, i32, i32, vector<16xf32>, vector<16xf32>, vector<16xf32>, vector<16xf32>, vector<16xf32>, vector<16xf32>, vector<16xf32>, vector<16xf32>)  : i32 {
      %rem3A_172 = arith.constant 2 : i32
      %rem3A_173 = arith.remsi %while3A_158, %rem3A_172 : i32
      %mul3A_174 = arith.constant 120 : i32
      %mul3A_175 = arith.muli %while3A_158, %mul3A_174 : i32
      %multiple_of3A_176 = tpu.assume_multiple %mul3A_175, 8 : i32
      %dma_wait3A = arith.constant 0 : i32
      %dma_wait3A_177 = arith.constant 0 : i32
      %dma_wait3A_178 = tpu.memref_slice %arg13[%rem3A_173, %dma_wait3A, %dma_wait3A_177] : memref<2x120x128xf32, #tpu.memory_space<vmem>> -> memref<1x120x128xf32, #tpu.memory_space<vmem>>
      %dma_wait3A_179 = tpu.memref_squeeze %dma_wait3A_178 : memref<1x120x128xf32, #tpu.memory_space<vmem>> -> memref<120x128xf32, #tpu.memory_space<vmem>>
      %dma_wait3A_180 = tpu.memref_slice %arg10[%multiple_of3A_176] : memref<5056xi32, #tpu.memory_space<vmem>> -> memref<120xi32, #tpu.memory_space<vmem>>
      %dma_wait3A_181 = arith.constant 0 : i32
      %dma_wait3A_182 = arith.constant 0 : i32
      %dma_wait3A_183 = tpu.memref_slice %arg2[%dma_wait3A_181, %dma_wait3A_182] : memref<10000x128xf32, #tpu.memory_space<hbm>> -> memref<10000x128xf32, #tpu.memory_space<hbm>>
      %dma_wait3A_184 = tpu.memref_slice %arg19[%rem3A_173] : memref<2x!tpu.dma_semaphore, #tpu.memory_space<semaphore_mem>> -> memref<1x!tpu.dma_semaphore, #tpu.memory_space<semaphore_mem>>
      %dma_wait3A_185 = tpu.memref_squeeze %dma_wait3A_184 : memref<1x!tpu.dma_semaphore, #tpu.memory_space<semaphore_mem>> -> memref<!tpu.dma_semaphore, #tpu.memory_space<semaphore_mem>>
      tpu.wait_indirect_dma semaphore(%dma_wait3A_185 : memref<!tpu.dma_semaphore, #tpu.memory_space<semaphore_mem>>) src(%dma_wait3A_183 : memref<10000x128xf32, #tpu.memory_space<hbm>>) dst(%dma_wait3A_179 : memref<120x128xf32, #tpu.memory_space<vmem>>)
      %add3A_186 = arith.constant 1 : i32
      %add3A_187 = arith.addi %while3A_158, %add3A_186 : i32
      %lt3A = arith.cmpi slt, %add3A_187, %div3A_83 : i32
      %convert_element_type3A_188 = arith.extui %lt3A : i1 to i32
      %cond3A_189 = arith.constant 0 : i32
      %cond3A_190 = arith.cmpi ne, %convert_element_type3A_188, %cond3A_189 : i32
      scf.if %cond3A_190 {
        %add3A_206 = arith.constant 1 : i32
        %add3A_207 = arith.addi %while3A_158, %add3A_206 : i32
        %mul3A_208 = arith.constant 120 : i32
        %mul3A_209 = arith.muli %add3A_207, %mul3A_208 : i32
        %multiple_of3A_210 = tpu.assume_multiple %mul3A_209, 8 : i32
        %rem3A_211 = arith.constant 2 : i32
        %rem3A_212 = arith.remsi %add3A_207, %rem3A_211 : i32
        %rem3A_213 = arith.constant 2 : i32
        %rem3A_214 = arith.remsi %add3A_207, %rem3A_213 : i32
        %dma_start3A_215 = arith.constant 0 : i32
        %dma_start3A_216 = arith.constant 0 : i32
        %dma_start3A_217 = tpu.memref_slice %arg13[%rem3A_212, %dma_start3A_215, %dma_start3A_216] : memref<2x120x128xf32, #tpu.memory_space<vmem>> -> memref<1x120x128xf32, #tpu.memory_space<vmem>>
        %dma_start3A_218 = tpu.memref_squeeze %dma_start3A_217 : memref<1x120x128xf32, #tpu.memory_space<vmem>> -> memref<120x128xf32, #tpu.memory_space<vmem>>
        %dma_start3A_219 = tpu.memref_slice %arg10[%multiple_of3A_210] : memref<5056xi32, #tpu.memory_space<vmem>> -> memref<120xi32, #tpu.memory_space<vmem>>
        %dma_start3A_220 = arith.constant 0 : i32
        %dma_start3A_221 = arith.constant 0 : i32
        %dma_start3A_222 = tpu.memref_slice %arg2[%dma_start3A_220, %dma_start3A_221] : memref<10000x128xf32, #tpu.memory_space<hbm>> -> memref<10000x128xf32, #tpu.memory_space<hbm>>
        %dma_start3A_223 = tpu.memref_slice %arg19[%rem3A_214] : memref<2x!tpu.dma_semaphore, #tpu.memory_space<semaphore_mem>> -> memref<1x!tpu.dma_semaphore, #tpu.memory_space<semaphore_mem>>
        %dma_start3A_224 = tpu.memref_squeeze %dma_start3A_223 : memref<1x!tpu.dma_semaphore, #tpu.memory_space<semaphore_mem>> -> memref<!tpu.dma_semaphore, #tpu.memory_space<semaphore_mem>>
        tpu.enqueue_indirect_dma source(%dma_start3A_222 : memref<10000x128xf32, #tpu.memory_space<hbm>>) target(%dma_start3A_218 : memref<120x128xf32, #tpu.memory_space<vmem>>) offsets(%dma_start3A_219 : memref<120xi32, #tpu.memory_space<vmem>>) semaphore(%dma_start3A_224 : memref<!tpu.dma_semaphore, #tpu.memory_space<semaphore_mem>>)
      } else {
      }
      %mul3A_191 = arith.constant 120 : i32
      %mul3A_192 = arith.muli %while3A_158, %mul3A_191 : i32
      %sub3A_193 = arith.subi %sub3A, %mul3A_192 : i32
      %min3A = arith.constant 120 : i32
      %min3A_194 = arith.minsi %min3A, %sub3A_193 : i32
      %while3A_195 = arith.constant 0 : i32
      %while3A_196 = arith.subi %min3A_194, %while3A_195 : i32
      %while3A_197 = arith.addi %while3A_195, %while3A_196 : i32
      %while3A_198 = arith.constant 1 : i32
      %while3A_199 = arith.divsi %while3A_196, %while3A_198 : i32
      %while3A_200 = arith.muli %while3A_199, %while3A_198 : i32
      %while3A_201 = arith.addi %while3A_195, %while3A_200 : i32
      %while3A_202 = arith.constant 1 : i32
      %while3A_203:13 = scf.for %while3A_206 = %while3A_195 to %while3A_201 step %while3A_202 iter_args(%while3A_207 = %while3A_159, %while3A_208 = %while3A_160, %while3A_209 = %while3A_161, %while3A_210 = %while3A_162, %while3A_211 = %while3A_163, %while3A_212 = %while3A_164, %while3A_213 = %while3A_165, %while3A_214 = %while3A_166, %while3A_215 = %while3A_167, %while3A_216 = %while3A_168, %while3A_217 = %while3A_169, %while3A_218 = %while3A_170, %while3A_219 = %while3A_171) -> (i32, i32, i32, i32, i32, vector<16xf32>, vector<16xf32>, vector<16xf32>, vector<16xf32>, vector<16xf32>, vector<16xf32>, vector<16xf32>, vector<16xf32>)  : i32 {
        %add3A_220 = arith.addi %multiple_of3A_176, %while3A_206 : i32
        %get3A_221 = arith.index_cast %add3A_220 : i32 to index
        %get3A_222 = tpu.vector_load %arg11[%get3A_221] {strides = array<i32>} : memref<5056xi32, #tpu.memory_space<vmem>>, vector<16xi32>,
        %get3A_223 = vector.shape_cast %get3A_222 : vector<16xi32> to vector<16xi32>
        %slice3A_224 = vector.extract_strided_slice %get3A_223 {offsets = [0], sizes = [1], strides = [1]} : vector<16xi32> to vector<1xi32>
        %squeeze3A_225 = vector.extract %slice3A_224[0] : i32 from vector<1xi32>
        %add3A_226 = arith.addi %multiple_of3A_176, %while3A_206 : i32
        %get3A_227 = arith.index_cast %add3A_226 : i32 to index
        %get3A_228 = tpu.vector_load %arg12[%get3A_227] {strides = array<i32>} : memref<5056xf32, #tpu.memory_space<vmem>>, vector<16xf32>,
        %get3A_229 = vector.shape_cast %get3A_228 : vector<16xf32> to vector<16xf32>
        %slice3A_230 = vector.extract_strided_slice %get3A_229 {offsets = [0], sizes = [1], strides = [1]} : vector<16xf32> to vector<1xf32>
        %squeeze3A_231 = vector.extract %slice3A_230[0] : f32 from vector<1xf32>
        %ne3A = arith.cmpi ne, %squeeze3A_225, %while3A_207 : i32
        %and3A = arith.constant true
        %and3A_232 = arith.andi %ne3A, %and3A : i1
        %ge3A = arith.constant 0 : i32
        %ge3A_233 = arith.cmpi sge, %while3A_207, %ge3A : i32
        %and3A_234 = arith.andi %and3A_232, %ge3A_233 : i1
        %convert_element_type3A_235 = arith.extui %and3A_234 : i1 to i32
        %cond3A_236 = arith.constant 0 : i32
        %cond3A_237 = arith.cmpi ne, %convert_element_type3A_235, %cond3A_236 : i32
        scf.if %cond3A_237 {
          %eq3A_395 = arith.constant 0 : i32
          %eq3A_396 = arith.cmpi eq, %while3A_208, %eq3A_395 : i32
          %convert_element_type3A_397 = arith.extui %eq3A_396 : i1 to i32
          %cond3A_398 = arith.constant 0 : i32
          %cond3A_399 = arith.cmpi ne, %convert_element_type3A_397, %cond3A_398 : i32
          scf.if %cond3A_399 {
            %swap3A_405 = arith.constant 0 : i32
            %swap3A_406 = arith.constant 0 : i32
            %swap3A_407 = tpu.memref_slice %arg16[%swap3A_405, %swap3A_406] : memref<1x128xf32, #tpu.memory_space<vmem>> -> memref<1x128xf32, #tpu.memory_space<vmem>>
            %swap3A_408 = tpu.memref_squeeze %swap3A_407 : memref<1x128xf32, #tpu.memory_space<vmem>> -> memref<128xf32, #tpu.memory_space<vmem>>
            %swap3A_409 = arith.constant 0 : index
            %swap3A_410 = tpu.vector_load %swap3A_408[%swap3A_409] {strides = array<i32>} : memref<128xf32, #tpu.memory_space<vmem>>, vector<16xf32>,
            %swap3A_411 = vector.shape_cast %swap3A_410 : vector<16xf32> to vector<16xf32>
            %swap3A_412 = vector.shape_cast %while3A_212 : vector<16xf32> to vector<16xf32>
            tpu.vector_store %swap3A_408[%swap3A_409], %swap3A_412 {strides = array<i32>} : memref<128xf32, #tpu.memory_space<vmem>>, vector<16xf32>,
            %swap3A_413 = arith.constant 0 : i32
            %swap3A_414 = arith.constant 0 : i32
            %swap3A_415 = tpu.memref_slice %arg16[%swap3A_413, %swap3A_414] : memref<1x128xf32, #tpu.memory_space<vmem>> -> memref<1x128xf32, #tpu.memory_space<vmem>>
            %swap3A_416 = tpu.memref_squeeze %swap3A_415 : memref<1x128xf32, #tpu.memory_space<vmem>> -> memref<128xf32, #tpu.memory_space<vmem>>
            %swap3A_417 = arith.constant 16 : index
            %swap3A_418 = tpu.vector_load %swap3A_416[%swap3A_417] {strides = array<i32>} : memref<128xf32, #tpu.memory_space<vmem>>, vector<16xf32>,
            %swap3A_419 = vector.shape_cast %swap3A_418 : vector<16xf32> to vector<16xf32>
            %swap3A_420 = vector.shape_cast %while3A_213 : vector<16xf32> to vector<16xf32>
            tpu.vector_store %swap3A_416[%swap3A_417], %swap3A_420 {strides = array<i32>} : memref<128xf32, #tpu.memory_space<vmem>>, vector<16xf32>,
            %swap3A_421 = arith.constant 0 : i32
            %swap3A_422 = arith.constant 0 : i32
            %swap3A_423 = tpu.memref_slice %arg16[%swap3A_421, %swap3A_422] : memref<1x128xf32, #tpu.memory_space<vmem>> -> memref<1x128xf32, #tpu.memory_space<vmem>>
            %swap3A_424 = tpu.memref_squeeze %swap3A_423 : memref<1x128xf32, #tpu.memory_space<vmem>> -> memref<128xf32, #tpu.memory_space<vmem>>
            %swap3A_425 = arith.constant 32 : index
            %swap3A_426 = tpu.vector_load %swap3A_424[%swap3A_425] {strides = array<i32>} : memref<128xf32, #tpu.memory_space<vmem>>, vector<16xf32>,
            %swap3A_427 = vector.shape_cast %swap3A_426 : vector<16xf32> to vector<16xf32>
            %swap3A_428 = vector.shape_cast %while3A_214 : vector<16xf32> to vector<16xf32>
            tpu.vector_store %swap3A_424[%swap3A_425], %swap3A_428 {strides = array<i32>} : memref<128xf32, #tpu.memory_space<vmem>>, vector<16xf32>,
            %swap3A_429 = arith.constant 0 : i32
            %swap3A_430 = arith.constant 0 : i32
            %swap3A_431 = tpu.memref_slice %arg16[%swap3A_429, %swap3A_430] : memref<1x128xf32, #tpu.memory_space<vmem>> -> memref<1x128xf32, #tpu.memory_space<vmem>>
            %swap3A_432 = tpu.memref_squeeze %swap3A_431 : memref<1x128xf32, #tpu.memory_space<vmem>> -> memref<128xf32, #tpu.memory_space<vmem>>
            %swap3A_433 = arith.constant 48 : index
            %swap3A_434 = tpu.vector_load %swap3A_432[%swap3A_433] {strides = array<i32>} : memref<128xf32, #tpu.memory_space<vmem>>, vector<16xf32>,
            %swap3A_435 = vector.shape_cast %swap3A_434 : vector<16xf32> to vector<16xf32>
            %swap3A_436 = vector.shape_cast %while3A_215 : vector<16xf32> to vector<16xf32>
            tpu.vector_store %swap3A_432[%swap3A_433], %swap3A_436 {strides = array<i32>} : memref<128xf32, #tpu.memory_space<vmem>>, vector<16xf32>,
            %swap3A_437 = arith.constant 0 : i32
            %swap3A_438 = arith.constant 0 : i32
            %swap3A_439 = tpu.memref_slice %arg16[%swap3A_437, %swap3A_438] : memref<1x128xf32, #tpu.memory_space<vmem>> -> memref<1x128xf32, #tpu.memory_space<vmem>>
            %swap3A_440 = tpu.memref_squeeze %swap3A_439 : memref<1x128xf32, #tpu.memory_space<vmem>> -> memref<128xf32, #tpu.memory_space<vmem>>
            %swap3A_441 = arith.constant 64 : index
            %swap3A_442 = tpu.vector_load %swap3A_440[%swap3A_441] {strides = array<i32>} : memref<128xf32, #tpu.memory_space<vmem>>, vector<16xf32>,
            %swap3A_443 = vector.shape_cast %swap3A_442 : vector<16xf32> to vector<16xf32>
            %swap3A_444 = vector.shape_cast %while3A_216 : vector<16xf32> to vector<16xf32>
            tpu.vector_store %swap3A_440[%swap3A_441], %swap3A_444 {strides = array<i32>} : memref<128xf32, #tpu.memory_space<vmem>>, vector<16xf32>,
            %swap3A_445 = arith.constant 0 : i32
            %swap3A_446 = arith.constant 0 : i32
            %swap3A_447 = tpu.memref_slice %arg16[%swap3A_445, %swap3A_446] : memref<1x128xf32, #tpu.memory_space<vmem>> -> memref<1x128xf32, #tpu.memory_space<vmem>>
            %swap3A_448 = tpu.memref_squeeze %swap3A_447 : memref<1x128xf32, #tpu.memory_space<vmem>> -> memref<128xf32, #tpu.memory_space<vmem>>
            %swap3A_449 = arith.constant 80 : index
            %swap3A_450 = tpu.vector_load %swap3A_448[%swap3A_449] {strides = array<i32>} : memref<128xf32, #tpu.memory_space<vmem>>, vector<16xf32>,
            %swap3A_451 = vector.shape_cast %swap3A_450 : vector<16xf32> to vector<16xf32>
            %swap3A_452 = vector.shape_cast %while3A_217 : vector<16xf32> to vector<16xf32>
            tpu.vector_store %swap3A_448[%swap3A_449], %swap3A_452 {strides = array<i32>} : memref<128xf32, #tpu.memory_space<vmem>>, vector<16xf32>,
            %swap3A_453 = arith.constant 0 : i32
            %swap3A_454 = arith.constant 0 : i32
            %swap3A_455 = tpu.memref_slice %arg16[%swap3A_453, %swap3A_454] : memref<1x128xf32, #tpu.memory_space<vmem>> -> memref<1x128xf32, #tpu.memory_space<vmem>>
            %swap3A_456 = tpu.memref_squeeze %swap3A_455 : memref<1x128xf32, #tpu.memory_space<vmem>> -> memref<128xf32, #tpu.memory_space<vmem>>
            %swap3A_457 = arith.constant 96 : index
            %swap3A_458 = tpu.vector_load %swap3A_456[%swap3A_457] {strides = array<i32>} : memref<128xf32, #tpu.memory_space<vmem>>, vector<16xf32>,
            %swap3A_459 = vector.shape_cast %swap3A_458 : vector<16xf32> to vector<16xf32>
            %swap3A_460 = vector.shape_cast %while3A_218 : vector<16xf32> to vector<16xf32>
            tpu.vector_store %swap3A_456[%swap3A_457], %swap3A_460 {strides = array<i32>} : memref<128xf32, #tpu.memory_space<vmem>>, vector<16xf32>,
            %swap3A_461 = arith.constant 0 : i32
            %swap3A_462 = arith.constant 0 : i32
            %swap3A_463 = tpu.memref_slice %arg16[%swap3A_461, %swap3A_462] : memref<1x128xf32, #tpu.memory_space<vmem>> -> memref<1x128xf32, #tpu.memory_space<vmem>>
            %swap3A_464 = tpu.memref_squeeze %swap3A_463 : memref<1x128xf32, #tpu.memory_space<vmem>> -> memref<128xf32, #tpu.memory_space<vmem>>
            %swap3A_465 = arith.constant 112 : index
            %swap3A_466 = tpu.vector_load %swap3A_464[%swap3A_465] {strides = array<i32>} : memref<128xf32, #tpu.memory_space<vmem>>, vector<16xf32>,
            %swap3A_467 = vector.shape_cast %swap3A_466 : vector<16xf32> to vector<16xf32>
            %swap3A_468 = vector.shape_cast %while3A_219 : vector<16xf32> to vector<16xf32>
            tpu.vector_store %swap3A_464[%swap3A_465], %swap3A_468 {strides = array<i32>} : memref<128xf32, #tpu.memory_space<vmem>>, vector<16xf32>,
            %mul3A_469 = arith.constant 2 : i32
            %mul3A_470 = arith.muli %mul3A_469, %add3A : i32
            %add3A_471 = arith.constant 0 : i32
            %add3A_472 = arith.addi %mul3A_470, %add3A_471 : i32
            "tpu.region"() ({
              %run_scoped3A = tpu.sem_alloc : memref<!tpu.dma_semaphore, #tpu.memory_space<semaphore_mem>>
              %dma_start3A_484 = arith.constant 0 : i32
              %dma_start3A_485 = tpu.memref_slice %arg8[%add3A_472, %dma_start3A_484] : memref<64x128xf32, #tpu.memory_space<hbm>> -> memref<1x128xf32, #tpu.memory_space<hbm>>
              %dma_start3A_486 = arith.constant 0 : i32
              %dma_start3A_487 = tpu.memref_slice %arg8[%add3A_472, %dma_start3A_486] : memref<64x128xf32, #tpu.memory_space<hbm>> -> memref<1x128xf32, #tpu.memory_space<hbm>>
              tpu.enqueue_dma source(%arg16 : memref<1x128xf32, #tpu.memory_space<vmem>>) target(%dma_start3A_487 : memref<1x128xf32, #tpu.memory_space<hbm>>) target_semaphore(%run_scoped3A : memref<!tpu.dma_semaphore, #tpu.memory_space<semaphore_mem>>)
              %dma_wait3A_488 = arith.constant 0 : i32
              %dma_wait3A_489 = tpu.memref_slice %arg8[%add3A_472, %dma_wait3A_488] : memref<64x128xf32, #tpu.memory_space<hbm>> -> memref<1x128xf32, #tpu.memory_space<hbm>>
              %dma_wait3A_490 = arith.constant 0 : i32
              %dma_wait3A_491 = tpu.memref_slice %arg8[%add3A_472, %dma_wait3A_490] : memref<64x128xf32, #tpu.memory_space<hbm>> -> memref<1x128xf32, #tpu.memory_space<hbm>>
              tpu.wait_dma2 semaphore(%run_scoped3A : memref<!tpu.dma_semaphore, #tpu.memory_space<semaphore_mem>>) src(%arg16 : memref<1x128xf32, #tpu.memory_space<vmem>>) dst(%dma_wait3A_491 : memref<1x128xf32, #tpu.memory_space<hbm>>)
              tpu.yield
            }) : () -> ()
            %broadcast_in_dim3A_473 = vector.broadcast %while3A_207 : i32 to vector<16xi32>
            %swap3A_474 = arith.constant 0 : i32
            %swap3A_475 = arith.index_cast %swap3A_474 : i32 to index
            %swap3A_476 = arith.constant 0 : index
            %swap3A_477 = tpu.vector_load %arg17[%swap3A_475, %swap3A_476] {strides = array<i32>} : memref<1x16xi32, #tpu.memory_space<vmem>>, vector<1x16xi32>,
            %swap3A_478 = vector.shape_cast %swap3A_477 : vector<1x16xi32> to vector<16xi32>
            %swap3A_479 = vector.shape_cast %broadcast_in_dim3A_473 : vector<16xi32> to vector<1x16xi32>
            tpu.vector_store %arg17[%swap3A_475, %swap3A_476], %swap3A_479 {strides = array<i32>} : memref<1x16xi32, #tpu.memory_space<vmem>>, vector<1x16xi32>,
            %mul3A_480 = arith.constant 2 : i32
            %mul3A_481 = arith.muli %mul3A_480, %add3A : i32
            %add3A_482 = arith.constant 0 : i32
            %add3A_483 = arith.addi %mul3A_481, %add3A_482 : i32
            "tpu.region"() ({
              %run_scoped3A = tpu.sem_alloc : memref<!tpu.dma_semaphore, #tpu.memory_space<semaphore_mem>>
              %dma_start3A_484 = arith.constant 0 : i32
              %dma_start3A_485 = tpu.memref_slice %arg9[%add3A_483, %dma_start3A_484] : memref<64x16xi32, #tpu.memory_space<hbm>> -> memref<1x16xi32, #tpu.memory_space<hbm>>
              %dma_start3A_486 = arith.constant 0 : i32
              %dma_start3A_487 = tpu.memref_slice %arg9[%add3A_483, %dma_start3A_486] : memref<64x16xi32, #tpu.memory_space<hbm>> -> memref<1x16xi32, #tpu.memory_space<hbm>>
              tpu.enqueue_dma source(%arg17 : memref<1x16xi32, #tpu.memory_space<vmem>>) target(%dma_start3A_487 : memref<1x16xi32, #tpu.memory_space<hbm>>) target_semaphore(%run_scoped3A : memref<!tpu.dma_semaphore, #tpu.memory_space<semaphore_mem>>)
              %dma_wait3A_488 = arith.constant 0 : i32
              %dma_wait3A_489 = tpu.memref_slice %arg9[%add3A_483, %dma_wait3A_488] : memref<64x16xi32, #tpu.memory_space<hbm>> -> memref<1x16xi32, #tpu.memory_space<hbm>>
              %dma_wait3A_490 = arith.constant 0 : i32
              %dma_wait3A_491 = tpu.memref_slice %arg9[%add3A_483, %dma_wait3A_490] : memref<64x16xi32, #tpu.memory_space<hbm>> -> memref<1x16xi32, #tpu.memory_space<hbm>>
              tpu.wait_dma2 semaphore(%run_scoped3A : memref<!tpu.dma_semaphore, #tpu.memory_space<semaphore_mem>>) src(%arg17 : memref<1x16xi32, #tpu.memory_space<vmem>>) dst(%dma_wait3A_491 : memref<1x16xi32, #tpu.memory_space<hbm>>)
              tpu.yield
            }) : () -> ()
          } else {
          }
          %gt3A_400 = arith.constant 0 : i32
          %gt3A_401 = arith.cmpi sgt, %while3A_208, %gt3A_400 : i32
          %convert_element_type3A_402 = arith.extui %gt3A_401 : i1 to i32
          %cond3A_403 = arith.constant 0 : i32
          %cond3A_404 = arith.cmpi ne, %convert_element_type3A_402, %cond3A_403 : i32
          scf.if %cond3A_404 {
            %swap3A_405 = arith.constant 0 : i32
            %swap3A_406 = tpu.memref_slice %arg14[%while3A_209, %swap3A_405] : memref<64x128xf32, #tpu.memory_space<vmem>> -> memref<1x128xf32, #tpu.memory_space<vmem>>
            %swap3A_407 = tpu.memref_squeeze %swap3A_406 : memref<1x128xf32, #tpu.memory_space<vmem>> -> memref<128xf32, #tpu.memory_space<vmem>>
            %swap3A_408 = arith.constant 0 : index
            %swap3A_409 = tpu.vector_load %swap3A_407[%swap3A_408] {strides = array<i32>} : memref<128xf32, #tpu.memory_space<vmem>>, vector<16xf32>,
            %swap3A_410 = vector.shape_cast %swap3A_409 : vector<16xf32> to vector<16xf32>
            %swap3A_411 = vector.shape_cast %while3A_212 : vector<16xf32> to vector<16xf32>
            tpu.vector_store %swap3A_407[%swap3A_408], %swap3A_411 {strides = array<i32>} : memref<128xf32, #tpu.memory_space<vmem>>, vector<16xf32>,
            %swap3A_412 = arith.constant 0 : i32
            %swap3A_413 = tpu.memref_slice %arg14[%while3A_209, %swap3A_412] : memref<64x128xf32, #tpu.memory_space<vmem>> -> memref<1x128xf32, #tpu.memory_space<vmem>>
            %swap3A_414 = tpu.memref_squeeze %swap3A_413 : memref<1x128xf32, #tpu.memory_space<vmem>> -> memref<128xf32, #tpu.memory_space<vmem>>
            %swap3A_415 = arith.constant 16 : index
            %swap3A_416 = tpu.vector_load %swap3A_414[%swap3A_415] {strides = array<i32>} : memref<128xf32, #tpu.memory_space<vmem>>, vector<16xf32>,
            %swap3A_417 = vector.shape_cast %swap3A_416 : vector<16xf32> to vector<16xf32>
            %swap3A_418 = vector.shape_cast %while3A_213 : vector<16xf32> to vector<16xf32>
            tpu.vector_store %swap3A_414[%swap3A_415], %swap3A_418 {strides = array<i32>} : memref<128xf32, #tpu.memory_space<vmem>>, vector<16xf32>,
            %swap3A_419 = arith.constant 0 : i32
            %swap3A_420 = tpu.memref_slice %arg14[%while3A_209, %swap3A_419] : memref<64x128xf32, #tpu.memory_space<vmem>> -> memref<1x128xf32, #tpu.memory_space<vmem>>
            %swap3A_421 = tpu.memref_squeeze %swap3A_420 : memref<1x128xf32, #tpu.memory_space<vmem>> -> memref<128xf32, #tpu.memory_space<vmem>>
            %swap3A_422 = arith.constant 32 : index
            %swap3A_423 = tpu.vector_load %swap3A_421[%swap3A_422] {strides = array<i32>} : memref<128xf32, #tpu.memory_space<vmem>>, vector<16xf32>,
            %swap3A_424 = vector.shape_cast %swap3A_423 : vector<16xf32> to vector<16xf32>
            %swap3A_425 = vector.shape_cast %while3A_214 : vector<16xf32> to vector<16xf32>
            tpu.vector_store %swap3A_421[%swap3A_422], %swap3A_425 {strides = array<i32>} : memref<128xf32, #tpu.memory_space<vmem>>, vector<16xf32>,
            %swap3A_426 = arith.constant 0 : i32
            %swap3A_427 = tpu.memref_slice %arg14[%while3A_209, %swap3A_426] : memref<64x128xf32, #tpu.memory_space<vmem>> -> memref<1x128xf32, #tpu.memory_space<vmem>>
            %swap3A_428 = tpu.memref_squeeze %swap3A_427 : memref<1x128xf32, #tpu.memory_space<vmem>> -> memref<128xf32, #tpu.memory_space<vmem>>
            %swap3A_429 = arith.constant 48 : index
            %swap3A_430 = tpu.vector_load %swap3A_428[%swap3A_429] {strides = array<i32>} : memref<128xf32, #tpu.memory_space<vmem>>, vector<16xf32>,
            %swap3A_431 = vector.shape_cast %swap3A_430 : vector<16xf32> to vector<16xf32>
            %swap3A_432 = vector.shape_cast %while3A_215 : vector<16xf32> to vector<16xf32>
            tpu.vector_store %swap3A_428[%swap3A_429], %swap3A_432 {strides = array<i32>} : memref<128xf32, #tpu.memory_space<vmem>>, vector<16xf32>,
            %swap3A_433 = arith.constant 0 : i32
            %swap3A_434 = tpu.memref_slice %arg14[%while3A_209, %swap3A_433] : memref<64x128xf32, #tpu.memory_space<vmem>> -> memref<1x128xf32, #tpu.memory_space<vmem>>
            %swap3A_435 = tpu.memref_squeeze %swap3A_434 : memref<1x128xf32, #tpu.memory_space<vmem>> -> memref<128xf32, #tpu.memory_space<vmem>>
            %swap3A_436 = arith.constant 64 : index
            %swap3A_437 = tpu.vector_load %swap3A_435[%swap3A_436] {strides = array<i32>} : memref<128xf32, #tpu.memory_space<vmem>>, vector<16xf32>,
            %swap3A_438 = vector.shape_cast %swap3A_437 : vector<16xf32> to vector<16xf32>
            %swap3A_439 = vector.shape_cast %while3A_216 : vector<16xf32> to vector<16xf32>
            tpu.vector_store %swap3A_435[%swap3A_436], %swap3A_439 {strides = array<i32>} : memref<128xf32, #tpu.memory_space<vmem>>, vector<16xf32>,
            %swap3A_440 = arith.constant 0 : i32
            %swap3A_441 = tpu.memref_slice %arg14[%while3A_209, %swap3A_440] : memref<64x128xf32, #tpu.memory_space<vmem>> -> memref<1x128xf32, #tpu.memory_space<vmem>>
            %swap3A_442 = tpu.memref_squeeze %swap3A_441 : memref<1x128xf32, #tpu.memory_space<vmem>> -> memref<128xf32, #tpu.memory_space<vmem>>
            %swap3A_443 = arith.constant 80 : index
            %swap3A_444 = tpu.vector_load %swap3A_442[%swap3A_443] {strides = array<i32>} : memref<128xf32, #tpu.memory_space<vmem>>, vector<16xf32>,
            %swap3A_445 = vector.shape_cast %swap3A_444 : vector<16xf32> to vector<16xf32>
            %swap3A_446 = vector.shape_cast %while3A_217 : vector<16xf32> to vector<16xf32>
            tpu.vector_store %swap3A_442[%swap3A_443], %swap3A_446 {strides = array<i32>} : memref<128xf32, #tpu.memory_space<vmem>>, vector<16xf32>,
            %swap3A_447 = arith.constant 0 : i32
            %swap3A_448 = tpu.memref_slice %arg14[%while3A_209, %swap3A_447] : memref<64x128xf32, #tpu.memory_space<vmem>> -> memref<1x128xf32, #tpu.memory_space<vmem>>
            %swap3A_449 = tpu.memref_squeeze %swap3A_448 : memref<1x128xf32, #tpu.memory_space<vmem>> -> memref<128xf32, #tpu.memory_space<vmem>>
            %swap3A_450 = arith.constant 96 : index
            %swap3A_451 = tpu.vector_load %swap3A_449[%swap3A_450] {strides = array<i32>} : memref<128xf32, #tpu.memory_space<vmem>>, vector<16xf32>,
            %swap3A_452 = vector.shape_cast %swap3A_451 : vector<16xf32> to vector<16xf32>
            %swap3A_453 = vector.shape_cast %while3A_218 : vector<16xf32> to vector<16xf32>
            tpu.vector_store %swap3A_449[%swap3A_450], %swap3A_453 {strides = array<i32>} : memref<128xf32, #tpu.memory_space<vmem>>, vector<16xf32>,
            %swap3A_454 = arith.constant 0 : i32
            %swap3A_455 = tpu.memref_slice %arg14[%while3A_209, %swap3A_454] : memref<64x128xf32, #tpu.memory_space<vmem>> -> memref<1x128xf32, #tpu.memory_space<vmem>>
            %swap3A_456 = tpu.memref_squeeze %swap3A_455 : memref<1x128xf32, #tpu.memory_space<vmem>> -> memref<128xf32, #tpu.memory_space<vmem>>
            %swap3A_457 = arith.constant 112 : index
            %swap3A_458 = tpu.vector_load %swap3A_456[%swap3A_457] {strides = array<i32>} : memref<128xf32, #tpu.memory_space<vmem>>, vector<16xf32>,
            %swap3A_459 = vector.shape_cast %swap3A_458 : vector<16xf32> to vector<16xf32>
            %swap3A_460 = vector.shape_cast %while3A_219 : vector<16xf32> to vector<16xf32>
            tpu.vector_store %swap3A_456[%swap3A_457], %swap3A_460 {strides = array<i32>} : memref<128xf32, #tpu.memory_space<vmem>>, vector<16xf32>,
            %dma_start3A_461 = arith.constant 0 : i32
            %dma_start3A_462 = tpu.memref_slice %arg14[%while3A_209, %dma_start3A_461] : memref<64x128xf32, #tpu.memory_space<vmem>> -> memref<1x128xf32, #tpu.memory_space<vmem>>
            %dma_start3A_463 = arith.constant 0 : i32
            %dma_start3A_464 = tpu.memref_slice %arg7[%while3A_207, %dma_start3A_463] : memref<10000x128xf32, #tpu.memory_space<hbm>> -> memref<1x128xf32, #tpu.memory_space<hbm>>
            %dma_start3A_465 = arith.constant 0 : i32
            %dma_start3A_466 = tpu.memref_slice %arg7[%while3A_207, %dma_start3A_465] : memref<10000x128xf32, #tpu.memory_space<hbm>> -> memref<1x128xf32, #tpu.memory_space<hbm>>
            %dma_start3A_467 = arith.constant 0 : i32
            %dma_start3A_468 = tpu.memref_slice %arg14[%while3A_209, %dma_start3A_467] : memref<64x128xf32, #tpu.memory_space<vmem>> -> memref<1x128xf32, #tpu.memory_space<vmem>>
            tpu.enqueue_dma source(%dma_start3A_468 : memref<1x128xf32, #tpu.memory_space<vmem>>) target(%dma_start3A_466 : memref<1x128xf32, #tpu.memory_space<hbm>>) target_semaphore(%arg20 : memref<!tpu.dma_semaphore, #tpu.memory_space<semaphore_mem>>)
          } else {
          }
        } else {
        }
        %ge3A_238 = arith.constant 0 : i32
        %ge3A_239 = arith.cmpi sge, %while3A_207, %ge3A_238 : i32
        %add3A_240 = arith.constant 1 : i32
        %add3A_241 = arith.addi %while3A_207, %add3A_240 : i32
        %eq3A_242 = arith.constant 0 : i32
        %eq3A_243 = arith.cmpi eq, %add3A, %eq3A_242 : i32
        %jit3A = arith.constant 0 : i32
        %select_n3A = arith.select %eq3A_243, %jit3A, %squeeze3A_225 : i32
        %select_n3A_244 = arith.select %ge3A_239, %add3A_241, %select_n3A : i32
        %gt3A_245 = arith.cmpi sgt, %squeeze3A_225, %select_n3A_244 : i32
        %and3A_246 = arith.andi %and3A_232, %gt3A_245 : i1
        %convert_element_type3A_247 = arith.extui %and3A_246 : i1 to i32
        %cond3A_248 = arith.constant 0 : i32
        %cond3A_249 = arith.cmpi ne, %convert_element_type3A_247, %cond3A_248 : i32
        scf.if %cond3A_249 {
          %while3A_395 = arith.constant 0 : i32
          %while3A_396 = arith.subi %squeeze3A_225, %select_n3A_244 : i32
          %while3A_397 = arith.addi %select_n3A_244, %while3A_396 : i32
          %while3A_398 = arith.constant 1 : i32
          %while3A_399 = arith.divsi %while3A_396, %while3A_398 : i32
          %while3A_400 = arith.muli %while3A_399, %while3A_398 : i32
          %while3A_401 = arith.addi %select_n3A_244, %while3A_400 : i32
          %while3A_402 = arith.constant 1 : i32
          %while3A_403 = scf.for %while3A_406 = %select_n3A_244 to %while3A_401 step %while3A_402 iter_args(%while3A_407 = %while3A_395) -> (i32)  : i32 {
            %dma_start3A_408 = arith.constant 0 : i32
            %dma_start3A_409 = tpu.memref_slice %arg7[%while3A_406, %dma_start3A_408] : memref<10000x128xf32, #tpu.memory_space<hbm>> -> memref<1x128xf32, #tpu.memory_space<hbm>>
            %dma_start3A_410 = arith.constant 0 : i32
            %dma_start3A_411 = tpu.memref_slice %arg7[%while3A_406, %dma_start3A_410] : memref<10000x128xf32, #tpu.memory_space<hbm>> -> memref<1x128xf32, #tpu.memory_space<hbm>>
            tpu.enqueue_dma source(%arg15 : memref<1x128xf32, #tpu.memory_space<vmem>>) target(%dma_start3A_411 : memref<1x128xf32, #tpu.memory_space<hbm>>) target_semaphore(%arg21 : memref<!tpu.dma_semaphore, #tpu.memory_space<semaphore_mem>>)
            %while3A_412 = arith.constant 0 : i32
            scf.yield %while3A_412 : i32
          }
          %while3A_404 = arith.constant 1 : i32
          %while3A_405 = scf.for %while3A_406 = %while3A_401 to %while3A_397 step %while3A_404 iter_args(%while3A_407 = %while3A_403) -> (i32)  : i32 {
            %dma_start3A_408 = arith.constant 0 : i32
            %dma_start3A_409 = tpu.memref_slice %arg7[%while3A_406, %dma_start3A_408] : memref<10000x128xf32, #tpu.memory_space<hbm>> -> memref<1x128xf32, #tpu.memory_space<hbm>>
            %dma_start3A_410 = arith.constant 0 : i32
            %dma_start3A_411 = tpu.memref_slice %arg7[%while3A_406, %dma_start3A_410] : memref<10000x128xf32, #tpu.memory_space<hbm>> -> memref<1x128xf32, #tpu.memory_space<hbm>>
            tpu.enqueue_dma source(%arg15 : memref<1x128xf32, #tpu.memory_space<vmem>>) target(%dma_start3A_411 : memref<1x128xf32, #tpu.memory_space<hbm>>) target_semaphore(%arg21 : memref<!tpu.dma_semaphore, #tpu.memory_space<semaphore_mem>>)
            %while3A_412 = arith.constant 0 : i32
            scf.yield %while3A_412 : i32
          }
        } else {
        }
        %ge3A_250 = arith.constant 0 : i32
        %ge3A_251 = arith.cmpi sge, %while3A_207, %ge3A_250 : i32
        %gt3A_252 = arith.constant 0 : i32
        %gt3A_253 = arith.cmpi sgt, %while3A_208, %gt3A_252 : i32
        %and3A_254 = arith.andi %ge3A_251, %gt3A_253 : i1
        %and3A_255 = arith.andi %and3A_232, %and3A_254 : i1
        %add3A_256 = arith.constant 1 : i32
        %add3A_257 = arith.addi %while3A_209, %add3A_256 : i32
        %rem3A_258 = arith.constant 64 : i32
        %rem3A_259 = arith.remsi %add3A_257, %rem3A_258 : i32
        %select_n3A_260 = arith.select %and3A_255, %rem3A_259, %while3A_209 : i32
        %add3A_261 = arith.constant 1 : i32
        %add3A_262 = arith.addi %while3A_210, %add3A_261 : i32
        %select_n3A_263 = arith.select %and3A_255, %add3A_262, %while3A_210 : i32
        %eq3A_264 = arith.constant 0 : i32
        %eq3A_265 = arith.cmpi eq, %select_n3A_260, %eq3A_264 : i32
        %and3A_266 = arith.andi %and3A_255, %eq3A_265 : i1
        %convert_element_type3A_267 = arith.extui %and3A_266 : i1 to i32
        %cond3A_268 = arith.constant 0 : i32
        %cond3A_269 = arith.cmpi ne, %convert_element_type3A_267, %cond3A_268 : i32
        scf.if %cond3A_269 {
          %dma_wait3A_395 = arith.constant 0 : i32
          %dma_wait3A_396 = arith.constant 0 : i32
          %dma_wait3A_397 = tpu.memref_slice %arg7[%dma_wait3A_395, %dma_wait3A_396] : memref<10000x128xf32, #tpu.memory_space<hbm>> -> memref<64x128xf32, #tpu.memory_space<hbm>>
          %dma_wait3A_398 = arith.constant 0 : i32
          %dma_wait3A_399 = arith.constant 0 : i32
          %dma_wait3A_400 = tpu.memref_slice %arg7[%dma_wait3A_398, %dma_wait3A_399] : memref<10000x128xf32, #tpu.memory_space<hbm>> -> memref<64x128xf32, #tpu.memory_space<hbm>>
          tpu.wait_dma2 semaphore(%arg20 : memref<!tpu.dma_semaphore, #tpu.memory_space<semaphore_mem>>) src(%dma_wait3A_400 : memref<64x128xf32, #tpu.memory_space<hbm>>) dst(%arg14 : memref<64x128xf32, #tpu.memory_space<vmem>>)
        } else {
        }
        %gt3A_270 = arith.cmpi sgt, %squeeze3A_225, %select_n3A_244 : i32
        %and3A_271 = arith.andi %and3A_232, %gt3A_270 : i1
        %sub3A_272 = arith.subi %squeeze3A_225, %select_n3A_244 : i32
        %jit3A_273 = arith.constant 0 : i32
        %select_n3A_274 = arith.select %and3A_271, %sub3A_272, %jit3A_273 : i32
        %add3A_275 = arith.addi %while3A_211, %select_n3A_274 : i32
        %ge3A_276 = arith.constant 0 : i32
        %ge3A_277 = arith.cmpi sge, %while3A_207, %ge3A_276 : i32
        %and3A_278 = arith.andi %and3A_232, %ge3A_277 : i1
        %add3A_279 = arith.constant 1 : i32
        %add3A_280 = arith.addi %while3A_208, %add3A_279 : i32
        %select_n3A_281 = arith.select %and3A_278, %add3A_280, %while3A_208 : i32
        %select_n3A_282 = arith.select %and3A_232, %squeeze3A_225, %while3A_207 : i32
        %select_n3A_283 = arith.select %and3A_232, %broadcast_in_dim3A_17, %while3A_212 : vector<16xf32>
        %get3A_284 = arith.constant 0 : i32
        %get3A_285 = arith.constant 0 : i32
        %get3A_286 = tpu.memref_slice %arg13[%rem3A_173, %get3A_284, %get3A_285] : memref<2x120x128xf32, #tpu.memory_space<vmem>> -> memref<1x120x128xf32, #tpu.memory_space<vmem>>
        %get3A_287 = tpu.memref_squeeze %get3A_286 : memref<1x120x128xf32, #tpu.memory_space<vmem>> -> memref<120x128xf32, #tpu.memory_space<vmem>>
        %get3A_288 = arith.constant 0 : i32
        %get3A_289 = tpu.memref_slice %get3A_287[%while3A_206, %get3A_288] : memref<120x128xf32, #tpu.memory_space<vmem>> -> memref<1x128xf32, #tpu.memory_space<vmem>>
        %get3A_290 = tpu.memref_squeeze %get3A_289 : memref<1x128xf32, #tpu.memory_space<vmem>> -> memref<128xf32, #tpu.memory_space<vmem>>
        %get3A_291 = arith.constant 0 : index
        %get3A_292 = tpu.vector_load %get3A_290[%get3A_291] {strides = array<i32>} : memref<128xf32, #tpu.memory_space<vmem>>, vector<16xf32>,
        %get3A_293 = vector.shape_cast %get3A_292 : vector<16xf32> to vector<16xf32>
        %mul3A_294 = vector.broadcast %squeeze3A_231 : f32 to vector<16xf32>
        %mul3A_295 = arith.mulf %get3A_293, %mul3A_294 : vector<16xf32>
        %add3A_296 = arith.addf %select_n3A_283, %mul3A_295 : vector<16xf32>
        %select_n3A_297 = arith.select %and3A_232, %broadcast_in_dim3A_17, %while3A_213 : vector<16xf32>
        %get3A_298 = arith.constant 0 : i32
        %get3A_299 = arith.constant 0 : i32
        %get3A_300 = tpu.memref_slice %arg13[%rem3A_173, %get3A_298, %get3A_299] : memref<2x120x128xf32, #tpu.memory_space<vmem>> -> memref<1x120x128xf32, #tpu.memory_space<vmem>>
        %get3A_301 = tpu.memref_squeeze %get3A_300 : memref<1x120x128xf32, #tpu.memory_space<vmem>> -> memref<120x128xf32, #tpu.memory_space<vmem>>
        %get3A_302 = arith.constant 0 : i32
        %get3A_303 = tpu.memref_slice %get3A_301[%while3A_206, %get3A_302] : memref<120x128xf32, #tpu.memory_space<vmem>> -> memref<1x128xf32, #tpu.memory_space<vmem>>
        %get3A_304 = tpu.memref_squeeze %get3A_303 : memref<1x128xf32, #tpu.memory_space<vmem>> -> memref<128xf32, #tpu.memory_space<vmem>>
        %get3A_305 = arith.constant 16 : index
        %get3A_306 = tpu.vector_load %get3A_304[%get3A_305] {strides = array<i32>} : memref<128xf32, #tpu.memory_space<vmem>>, vector<16xf32>,
        %get3A_307 = vector.shape_cast %get3A_306 : vector<16xf32> to vector<16xf32>
        %mul3A_308 = vector.broadcast %squeeze3A_231 : f32 to vector<16xf32>
        %mul3A_309 = arith.mulf %get3A_307, %mul3A_308 : vector<16xf32>
        %add3A_310 = arith.addf %select_n3A_297, %mul3A_309 : vector<16xf32>
        %select_n3A_311 = arith.select %and3A_232, %broadcast_in_dim3A_17, %while3A_214 : vector<16xf32>
        %get3A_312 = arith.constant 0 : i32
        %get3A_313 = arith.constant 0 : i32
        %get3A_314 = tpu.memref_slice %arg13[%rem3A_173, %get3A_312, %get3A_313] : memref<2x120x128xf32, #tpu.memory_space<vmem>> -> memref<1x120x128xf32, #tpu.memory_space<vmem>>
        %get3A_315 = tpu.memref_squeeze %get3A_314 : memref<1x120x128xf32, #tpu.memory_space<vmem>> -> memref<120x128xf32, #tpu.memory_space<vmem>>
        %get3A_316 = arith.constant 0 : i32
        %get3A_317 = tpu.memref_slice %get3A_315[%while3A_206, %get3A_316] : memref<120x128xf32, #tpu.memory_space<vmem>> -> memref<1x128xf32, #tpu.memory_space<vmem>>
        %get3A_318 = tpu.memref_squeeze %get3A_317 : memref<1x128xf32, #tpu.memory_space<vmem>> -> memref<128xf32, #tpu.memory_space<vmem>>
        %get3A_319 = arith.constant 32 : index
        %get3A_320 = tpu.vector_load %get3A_318[%get3A_319] {strides = array<i32>} : memref<128xf32, #tpu.memory_space<vmem>>, vector<16xf32>,
        %get3A_321 = vector.shape_cast %get3A_320 : vector<16xf32> to vector<16xf32>
        %mul3A_322 = vector.broadcast %squeeze3A_231 : f32 to vector<16xf32>
        %mul3A_323 = arith.mulf %get3A_321, %mul3A_322 : vector<16xf32>
        %add3A_324 = arith.addf %select_n3A_311, %mul3A_323 : vector<16xf32>
        %select_n3A_325 = arith.select %and3A_232, %broadcast_in_dim3A_17, %while3A_215 : vector<16xf32>
        %get3A_326 = arith.constant 0 : i32
        %get3A_327 = arith.constant 0 : i32
        %get3A_328 = tpu.memref_slice %arg13[%rem3A_173, %get3A_326, %get3A_327] : memref<2x120x128xf32, #tpu.memory_space<vmem>> -> memref<1x120x128xf32, #tpu.memory_space<vmem>>
        %get3A_329 = tpu.memref_squeeze %get3A_328 : memref<1x120x128xf32, #tpu.memory_space<vmem>> -> memref<120x128xf32, #tpu.memory_space<vmem>>
        %get3A_330 = arith.constant 0 : i32
        %get3A_331 = tpu.memref_slice %get3A_329[%while3A_206, %get3A_330] : memref<120x128xf32, #tpu.memory_space<vmem>> -> memref<1x128xf32, #tpu.memory_space<vmem>>
        %get3A_332 = tpu.memref_squeeze %get3A_331 : memref<1x128xf32, #tpu.memory_space<vmem>> -> memref<128xf32, #tpu.memory_space<vmem>>
        %get3A_333 = arith.constant 48 : index
        %get3A_334 = tpu.vector_load %get3A_332[%get3A_333] {strides = array<i32>} : memref<128xf32, #tpu.memory_space<vmem>>, vector<16xf32>,
        %get3A_335 = vector.shape_cast %get3A_334 : vector<16xf32> to vector<16xf32>
        %mul3A_336 = vector.broadcast %squeeze3A_231 : f32 to vector<16xf32>
        %mul3A_337 = arith.mulf %get3A_335, %mul3A_336 : vector<16xf32>
        %add3A_338 = arith.addf %select_n3A_325, %mul3A_337 : vector<16xf32>
        %select_n3A_339 = arith.select %and3A_232, %broadcast_in_dim3A_17, %while3A_216 : vector<16xf32>
        %get3A_340 = arith.constant 0 : i32
        %get3A_341 = arith.constant 0 : i32
        %get3A_342 = tpu.memref_slice %arg13[%rem3A_173, %get3A_340, %get3A_341] : memref<2x120x128xf32, #tpu.memory_space<vmem>> -> memref<1x120x128xf32, #tpu.memory_space<vmem>>
        %get3A_343 = tpu.memref_squeeze %get3A_342 : memref<1x120x128xf32, #tpu.memory_space<vmem>> -> memref<120x128xf32, #tpu.memory_space<vmem>>
        %get3A_344 = arith.constant 0 : i32
        %get3A_345 = tpu.memref_slice %get3A_343[%while3A_206, %get3A_344] : memref<120x128xf32, #tpu.memory_space<vmem>> -> memref<1x128xf32, #tpu.memory_space<vmem>>
        %get3A_346 = tpu.memref_squeeze %get3A_345 : memref<1x128xf32, #tpu.memory_space<vmem>> -> memref<128xf32, #tpu.memory_space<vmem>>
        %get3A_347 = arith.constant 64 : index
        %get3A_348 = tpu.vector_load %get3A_346[%get3A_347] {strides = array<i32>} : memref<128xf32, #tpu.memory_space<vmem>>, vector<16xf32>,
        %get3A_349 = vector.shape_cast %get3A_348 : vector<16xf32> to vector<16xf32>
        %mul3A_350 = vector.broadcast %squeeze3A_231 : f32 to vector<16xf32>
        %mul3A_351 = arith.mulf %get3A_349, %mul3A_350 : vector<16xf32>
        %add3A_352 = arith.addf %select_n3A_339, %mul3A_351 : vector<16xf32>
        %select_n3A_353 = arith.select %and3A_232, %broadcast_in_dim3A_17, %while3A_217 : vector<16xf32>
        %get3A_354 = arith.constant 0 : i32
        %get3A_355 = arith.constant 0 : i32
        %get3A_356 = tpu.memref_slice %arg13[%rem3A_173, %get3A_354, %get3A_355] : memref<2x120x128xf32, #tpu.memory_space<vmem>> -> memref<1x120x128xf32, #tpu.memory_space<vmem>>
        %get3A_357 = tpu.memref_squeeze %get3A_356 : memref<1x120x128xf32, #tpu.memory_space<vmem>> -> memref<120x128xf32, #tpu.memory_space<vmem>>
        %get3A_358 = arith.constant 0 : i32
        %get3A_359 = tpu.memref_slice %get3A_357[%while3A_206, %get3A_358] : memref<120x128xf32, #tpu.memory_space<vmem>> -> memref<1x128xf32, #tpu.memory_space<vmem>>
        %get3A_360 = tpu.memref_squeeze %get3A_359 : memref<1x128xf32, #tpu.memory_space<vmem>> -> memref<128xf32, #tpu.memory_space<vmem>>
        %get3A_361 = arith.constant 80 : index
        %get3A_362 = tpu.vector_load %get3A_360[%get3A_361] {strides = array<i32>} : memref<128xf32, #tpu.memory_space<vmem>>, vector<16xf32>,
        %get3A_363 = vector.shape_cast %get3A_362 : vector<16xf32> to vector<16xf32>
        %mul3A_364 = vector.broadcast %squeeze3A_231 : f32 to vector<16xf32>
        %mul3A_365 = arith.mulf %get3A_363, %mul3A_364 : vector<16xf32>
        %add3A_366 = arith.addf %select_n3A_353, %mul3A_365 : vector<16xf32>
        %select_n3A_367 = arith.select %and3A_232, %broadcast_in_dim3A_17, %while3A_218 : vector<16xf32>
        %get3A_368 = arith.constant 0 : i32
        %get3A_369 = arith.constant 0 : i32
        %get3A_370 = tpu.memref_slice %arg13[%rem3A_173, %get3A_368, %get3A_369] : memref<2x120x128xf32, #tpu.memory_space<vmem>> -> memref<1x120x128xf32, #tpu.memory_space<vmem>>
        %get3A_371 = tpu.memref_squeeze %get3A_370 : memref<1x120x128xf32, #tpu.memory_space<vmem>> -> memref<120x128xf32, #tpu.memory_space<vmem>>
        %get3A_372 = arith.constant 0 : i32
        %get3A_373 = tpu.memref_slice %get3A_371[%while3A_206, %get3A_372] : memref<120x128xf32, #tpu.memory_space<vmem>> -> memref<1x128xf32, #tpu.memory_space<vmem>>
        %get3A_374 = tpu.memref_squeeze %get3A_373 : memref<1x128xf32, #tpu.memory_space<vmem>> -> memref<128xf32, #tpu.memory_space<vmem>>
        %get3A_375 = arith.constant 96 : index
        %get3A_376 = tpu.vector_load %get3A_374[%get3A_375] {strides = array<i32>} : memref<128xf32, #tpu.memory_space<vmem>>, vector<16xf32>,
        %get3A_377 = vector.shape_cast %get3A_376 : vector<16xf32> to vector<16xf32>
        %mul3A_378 = vector.broadcast %squeeze3A_231 : f32 to vector<16xf32>
        %mul3A_379 = arith.mulf %get3A_377, %mul3A_378 : vector<16xf32>
        %add3A_380 = arith.addf %select_n3A_367, %mul3A_379 : vector<16xf32>
        %select_n3A_381 = arith.select %and3A_232, %broadcast_in_dim3A_17, %while3A_219 : vector<16xf32>
        %get3A_382 = arith.constant 0 : i32
        %get3A_383 = arith.constant 0 : i32
        %get3A_384 = tpu.memref_slice %arg13[%rem3A_173, %get3A_382, %get3A_383] : memref<2x120x128xf32, #tpu.memory_space<vmem>> -> memref<1x120x128xf32, #tpu.memory_space<vmem>>
        %get3A_385 = tpu.memref_squeeze %get3A_384 : memref<1x120x128xf32, #tpu.memory_space<vmem>> -> memref<120x128xf32, #tpu.memory_space<vmem>>
        %get3A_386 = arith.constant 0 : i32
        %get3A_387 = tpu.memref_slice %get3A_385[%while3A_206, %get3A_386] : memref<120x128xf32, #tpu.memory_space<vmem>> -> memref<1x128xf32, #tpu.memory_space<vmem>>
        %get3A_388 = tpu.memref_squeeze %get3A_387 : memref<1x128xf32, #tpu.memory_space<vmem>> -> memref<128xf32, #tpu.memory_space<vmem>>
        %get3A_389 = arith.constant 112 : index
        %get3A_390 = tpu.vector_load %get3A_388[%get3A_389] {strides = array<i32>} : memref<128xf32, #tpu.memory_space<vmem>>, vector<16xf32>,
        %get3A_391 = vector.shape_cast %get3A_390 : vector<16xf32> to vector<16xf32>
        %mul3A_392 = vector.broadcast %squeeze3A_231 : f32 to vector<16xf32>
        %mul3A_393 = arith.mulf %get3A_391, %mul3A_392 : vector<16xf32>
        %add3A_394 = arith.addf %select_n3A_381, %mul3A_393 : vector<16xf32>
        scf.yield %select_n3A_282, %select_n3A_281, %select_n3A_260, %select_n3A_263, %add3A_275, %add3A_296, %add3A_310, %add3A_324, %add3A_338, %add3A_352, %add3A_366, %add3A_380, %add3A_394 : i32, i32, i32, i32, i32, vector<16xf32>, vector<16xf32>, vector<16xf32>, vector<16xf32>, vector<16xf32>, vector<16xf32>, vector<16xf32>, vector<16xf32>
      }
      %while3A_204 = arith.constant 1 : i32
      %while3A_205:13 = scf.for %while3A_206 = %while3A_201 to %while3A_197 step %while3A_204 iter_args(%while3A_207 = %while3A_203#0, %while3A_208 = %while3A_203#1, %while3A_209 = %while3A_203#2, %while3A_210 = %while3A_203#3, %while3A_211 = %while3A_203#4, %while3A_212 = %while3A_203#5, %while3A_213 = %while3A_203#6, %while3A_214 = %while3A_203#7, %while3A_215 = %while3A_203#8, %while3A_216 = %while3A_203#9, %while3A_217 = %while3A_203#10, %while3A_218 = %while3A_203#11, %while3A_219 = %while3A_203#12) -> (i32, i32, i32, i32, i32, vector<16xf32>, vector<16xf32>, vector<16xf32>, vector<16xf32>, vector<16xf32>, vector<16xf32>, vector<16xf32>, vector<16xf32>)  : i32 {
        %add3A_220 = arith.addi %multiple_of3A_176, %while3A_206 : i32
        %get3A_221 = arith.index_cast %add3A_220 : i32 to index
        %get3A_222 = tpu.vector_load %arg11[%get3A_221] {strides = array<i32>} : memref<5056xi32, #tpu.memory_space<vmem>>, vector<16xi32>,
        %get3A_223 = vector.shape_cast %get3A_222 : vector<16xi32> to vector<16xi32>
        %slice3A_224 = vector.extract_strided_slice %get3A_223 {offsets = [0], sizes = [1], strides = [1]} : vector<16xi32> to vector<1xi32>
        %squeeze3A_225 = vector.extract %slice3A_224[0] : i32 from vector<1xi32>
        %add3A_226 = arith.addi %multiple_of3A_176, %while3A_206 : i32
        %get3A_227 = arith.index_cast %add3A_226 : i32 to index
        %get3A_228 = tpu.vector_load %arg12[%get3A_227] {strides = array<i32>} : memref<5056xf32, #tpu.memory_space<vmem>>, vector<16xf32>,
        %get3A_229 = vector.shape_cast %get3A_228 : vector<16xf32> to vector<16xf32>
        %slice3A_230 = vector.extract_strided_slice %get3A_229 {offsets = [0], sizes = [1], strides = [1]} : vector<16xf32> to vector<1xf32>
        %squeeze3A_231 = vector.extract %slice3A_230[0] : f32 from vector<1xf32>
        %ne3A = arith.cmpi ne, %squeeze3A_225, %while3A_207 : i32
        %and3A = arith.constant true
        %and3A_232 = arith.andi %ne3A, %and3A : i1
        %ge3A = arith.constant 0 : i32
        %ge3A_233 = arith.cmpi sge, %while3A_207, %ge3A : i32
        %and3A_234 = arith.andi %and3A_232, %ge3A_233 : i1
        %convert_element_type3A_235 = arith.extui %and3A_234 : i1 to i32
        %cond3A_236 = arith.constant 0 : i32
        %cond3A_237 = arith.cmpi ne, %convert_element_type3A_235, %cond3A_236 : i32
        scf.if %cond3A_237 {
          %eq3A_395 = arith.constant 0 : i32
          %eq3A_396 = arith.cmpi eq, %while3A_208, %eq3A_395 : i32
          %convert_element_type3A_397 = arith.extui %eq3A_396 : i1 to i32
          %cond3A_398 = arith.constant 0 : i32
          %cond3A_399 = arith.cmpi ne, %convert_element_type3A_397, %cond3A_398 : i32
          scf.if %cond3A_399 {
            %swap3A_405 = arith.constant 0 : i32
            %swap3A_406 = arith.constant 0 : i32
            %swap3A_407 = tpu.memref_slice %arg16[%swap3A_405, %swap3A_406] : memref<1x128xf32, #tpu.memory_space<vmem>> -> memref<1x128xf32, #tpu.memory_space<vmem>>
            %swap3A_408 = tpu.memref_squeeze %swap3A_407 : memref<1x128xf32, #tpu.memory_space<vmem>> -> memref<128xf32, #tpu.memory_space<vmem>>
            %swap3A_409 = arith.constant 0 : index
            %swap3A_410 = tpu.vector_load %swap3A_408[%swap3A_409] {strides = array<i32>} : memref<128xf32, #tpu.memory_space<vmem>>, vector<16xf32>,
            %swap3A_411 = vector.shape_cast %swap3A_410 : vector<16xf32> to vector<16xf32>
            %swap3A_412 = vector.shape_cast %while3A_212 : vector<16xf32> to vector<16xf32>
            tpu.vector_store %swap3A_408[%swap3A_409], %swap3A_412 {strides = array<i32>} : memref<128xf32, #tpu.memory_space<vmem>>, vector<16xf32>,
            %swap3A_413 = arith.constant 0 : i32
            %swap3A_414 = arith.constant 0 : i32
            %swap3A_415 = tpu.memref_slice %arg16[%swap3A_413, %swap3A_414] : memref<1x128xf32, #tpu.memory_space<vmem>> -> memref<1x128xf32, #tpu.memory_space<vmem>>
            %swap3A_416 = tpu.memref_squeeze %swap3A_415 : memref<1x128xf32, #tpu.memory_space<vmem>> -> memref<128xf32, #tpu.memory_space<vmem>>
            %swap3A_417 = arith.constant 16 : index
            %swap3A_418 = tpu.vector_load %swap3A_416[%swap3A_417] {strides = array<i32>} : memref<128xf32, #tpu.memory_space<vmem>>, vector<16xf32>,
            %swap3A_419 = vector.shape_cast %swap3A_418 : vector<16xf32> to vector<16xf32>
            %swap3A_420 = vector.shape_cast %while3A_213 : vector<16xf32> to vector<16xf32>
            tpu.vector_store %swap3A_416[%swap3A_417], %swap3A_420 {strides = array<i32>} : memref<128xf32, #tpu.memory_space<vmem>>, vector<16xf32>,
            %swap3A_421 = arith.constant 0 : i32
            %swap3A_422 = arith.constant 0 : i32
            %swap3A_423 = tpu.memref_slice %arg16[%swap3A_421, %swap3A_422] : memref<1x128xf32, #tpu.memory_space<vmem>> -> memref<1x128xf32, #tpu.memory_space<vmem>>
            %swap3A_424 = tpu.memref_squeeze %swap3A_423 : memref<1x128xf32, #tpu.memory_space<vmem>> -> memref<128xf32, #tpu.memory_space<vmem>>
            %swap3A_425 = arith.constant 32 : index
            %swap3A_426 = tpu.vector_load %swap3A_424[%swap3A_425] {strides = array<i32>} : memref<128xf32, #tpu.memory_space<vmem>>, vector<16xf32>,
            %swap3A_427 = vector.shape_cast %swap3A_426 : vector<16xf32> to vector<16xf32>
            %swap3A_428 = vector.shape_cast %while3A_214 : vector<16xf32> to vector<16xf32>
            tpu.vector_store %swap3A_424[%swap3A_425], %swap3A_428 {strides = array<i32>} : memref<128xf32, #tpu.memory_space<vmem>>, vector<16xf32>,
            %swap3A_429 = arith.constant 0 : i32
            %swap3A_430 = arith.constant 0 : i32
            %swap3A_431 = tpu.memref_slice %arg16[%swap3A_429, %swap3A_430] : memref<1x128xf32, #tpu.memory_space<vmem>> -> memref<1x128xf32, #tpu.memory_space<vmem>>
            %swap3A_432 = tpu.memref_squeeze %swap3A_431 : memref<1x128xf32, #tpu.memory_space<vmem>> -> memref<128xf32, #tpu.memory_space<vmem>>
            %swap3A_433 = arith.constant 48 : index
            %swap3A_434 = tpu.vector_load %swap3A_432[%swap3A_433] {strides = array<i32>} : memref<128xf32, #tpu.memory_space<vmem>>, vector<16xf32>,
            %swap3A_435 = vector.shape_cast %swap3A_434 : vector<16xf32> to vector<16xf32>
            %swap3A_436 = vector.shape_cast %while3A_215 : vector<16xf32> to vector<16xf32>
            tpu.vector_store %swap3A_432[%swap3A_433], %swap3A_436 {strides = array<i32>} : memref<128xf32, #tpu.memory_space<vmem>>, vector<16xf32>,
            %swap3A_437 = arith.constant 0 : i32
            %swap3A_438 = arith.constant 0 : i32
            %swap3A_439 = tpu.memref_slice %arg16[%swap3A_437, %swap3A_438] : memref<1x128xf32, #tpu.memory_space<vmem>> -> memref<1x128xf32, #tpu.memory_space<vmem>>
            %swap3A_440 = tpu.memref_squeeze %swap3A_439 : memref<1x128xf32, #tpu.memory_space<vmem>> -> memref<128xf32, #tpu.memory_space<vmem>>
            %swap3A_441 = arith.constant 64 : index
            %swap3A_442 = tpu.vector_load %swap3A_440[%swap3A_441] {strides = array<i32>} : memref<128xf32, #tpu.memory_space<vmem>>, vector<16xf32>,
            %swap3A_443 = vector.shape_cast %swap3A_442 : vector<16xf32> to vector<16xf32>
            %swap3A_444 = vector.shape_cast %while3A_216 : vector<16xf32> to vector<16xf32>
            tpu.vector_store %swap3A_440[%swap3A_441], %swap3A_444 {strides = array<i32>} : memref<128xf32, #tpu.memory_space<vmem>>, vector<16xf32>,
            %swap3A_445 = arith.constant 0 : i32
            %swap3A_446 = arith.constant 0 : i32
            %swap3A_447 = tpu.memref_slice %arg16[%swap3A_445, %swap3A_446] : memref<1x128xf32, #tpu.memory_space<vmem>> -> memref<1x128xf32, #tpu.memory_space<vmem>>
            %swap3A_448 = tpu.memref_squeeze %swap3A_447 : memref<1x128xf32, #tpu.memory_space<vmem>> -> memref<128xf32, #tpu.memory_space<vmem>>
            %swap3A_449 = arith.constant 80 : index
            %swap3A_450 = tpu.vector_load %swap3A_448[%swap3A_449] {strides = array<i32>} : memref<128xf32, #tpu.memory_space<vmem>>, vector<16xf32>,
            %swap3A_451 = vector.shape_cast %swap3A_450 : vector<16xf32> to vector<16xf32>
            %swap3A_452 = vector.shape_cast %while3A_217 : vector<16xf32> to vector<16xf32>
            tpu.vector_store %swap3A_448[%swap3A_449], %swap3A_452 {strides = array<i32>} : memref<128xf32, #tpu.memory_space<vmem>>, vector<16xf32>,
            %swap3A_453 = arith.constant 0 : i32
            %swap3A_454 = arith.constant 0 : i32
            %swap3A_455 = tpu.memref_slice %arg16[%swap3A_453, %swap3A_454] : memref<1x128xf32, #tpu.memory_space<vmem>> -> memref<1x128xf32, #tpu.memory_space<vmem>>
            %swap3A_456 = tpu.memref_squeeze %swap3A_455 : memref<1x128xf32, #tpu.memory_space<vmem>> -> memref<128xf32, #tpu.memory_space<vmem>>
            %swap3A_457 = arith.constant 96 : index
            %swap3A_458 = tpu.vector_load %swap3A_456[%swap3A_457] {strides = array<i32>} : memref<128xf32, #tpu.memory_space<vmem>>, vector<16xf32>,
            %swap3A_459 = vector.shape_cast %swap3A_458 : vector<16xf32> to vector<16xf32>
            %swap3A_460 = vector.shape_cast %while3A_218 : vector<16xf32> to vector<16xf32>
            tpu.vector_store %swap3A_456[%swap3A_457], %swap3A_460 {strides = array<i32>} : memref<128xf32, #tpu.memory_space<vmem>>, vector<16xf32>,
            %swap3A_461 = arith.constant 0 : i32
            %swap3A_462 = arith.constant 0 : i32
            %swap3A_463 = tpu.memref_slice %arg16[%swap3A_461, %swap3A_462] : memref<1x128xf32, #tpu.memory_space<vmem>> -> memref<1x128xf32, #tpu.memory_space<vmem>>
            %swap3A_464 = tpu.memref_squeeze %swap3A_463 : memref<1x128xf32, #tpu.memory_space<vmem>> -> memref<128xf32, #tpu.memory_space<vmem>>
            %swap3A_465 = arith.constant 112 : index
            %swap3A_466 = tpu.vector_load %swap3A_464[%swap3A_465] {strides = array<i32>} : memref<128xf32, #tpu.memory_space<vmem>>, vector<16xf32>,
            %swap3A_467 = vector.shape_cast %swap3A_466 : vector<16xf32> to vector<16xf32>
            %swap3A_468 = vector.shape_cast %while3A_219 : vector<16xf32> to vector<16xf32>
            tpu.vector_store %swap3A_464[%swap3A_465], %swap3A_468 {strides = array<i32>} : memref<128xf32, #tpu.memory_space<vmem>>, vector<16xf32>,
            %mul3A_469 = arith.constant 2 : i32
            %mul3A_470 = arith.muli %mul3A_469, %add3A : i32
            %add3A_471 = arith.constant 0 : i32
            %add3A_472 = arith.addi %mul3A_470, %add3A_471 : i32
            "tpu.region"() ({
              %run_scoped3A = tpu.sem_alloc : memref<!tpu.dma_semaphore, #tpu.memory_space<semaphore_mem>>
              %dma_start3A_484 = arith.constant 0 : i32
              %dma_start3A_485 = tpu.memref_slice %arg8[%add3A_472, %dma_start3A_484] : memref<64x128xf32, #tpu.memory_space<hbm>> -> memref<1x128xf32, #tpu.memory_space<hbm>>
              %dma_start3A_486 = arith.constant 0 : i32
              %dma_start3A_487 = tpu.memref_slice %arg8[%add3A_472, %dma_start3A_486] : memref<64x128xf32, #tpu.memory_space<hbm>> -> memref<1x128xf32, #tpu.memory_space<hbm>>
              tpu.enqueue_dma source(%arg16 : memref<1x128xf32, #tpu.memory_space<vmem>>) target(%dma_start3A_487 : memref<1x128xf32, #tpu.memory_space<hbm>>) target_semaphore(%run_scoped3A : memref<!tpu.dma_semaphore, #tpu.memory_space<semaphore_mem>>)
              %dma_wait3A_488 = arith.constant 0 : i32
              %dma_wait3A_489 = tpu.memref_slice %arg8[%add3A_472, %dma_wait3A_488] : memref<64x128xf32, #tpu.memory_space<hbm>> -> memref<1x128xf32, #tpu.memory_space<hbm>>
              %dma_wait3A_490 = arith.constant 0 : i32
              %dma_wait3A_491 = tpu.memref_slice %arg8[%add3A_472, %dma_wait3A_490] : memref<64x128xf32, #tpu.memory_space<hbm>> -> memref<1x128xf32, #tpu.memory_space<hbm>>
              tpu.wait_dma2 semaphore(%run_scoped3A : memref<!tpu.dma_semaphore, #tpu.memory_space<semaphore_mem>>) src(%arg16 : memref<1x128xf32, #tpu.memory_space<vmem>>) dst(%dma_wait3A_491 : memref<1x128xf32, #tpu.memory_space<hbm>>)
              tpu.yield
            }) : () -> ()
            %broadcast_in_dim3A_473 = vector.broadcast %while3A_207 : i32 to vector<16xi32>
            %swap3A_474 = arith.constant 0 : i32
            %swap3A_475 = arith.index_cast %swap3A_474 : i32 to index
            %swap3A_476 = arith.constant 0 : index
            %swap3A_477 = tpu.vector_load %arg17[%swap3A_475, %swap3A_476] {strides = array<i32>} : memref<1x16xi32, #tpu.memory_space<vmem>>, vector<1x16xi32>,
            %swap3A_478 = vector.shape_cast %swap3A_477 : vector<1x16xi32> to vector<16xi32>
            %swap3A_479 = vector.shape_cast %broadcast_in_dim3A_473 : vector<16xi32> to vector<1x16xi32>
            tpu.vector_store %arg17[%swap3A_475, %swap3A_476], %swap3A_479 {strides = array<i32>} : memref<1x16xi32, #tpu.memory_space<vmem>>, vector<1x16xi32>,
            %mul3A_480 = arith.constant 2 : i32
            %mul3A_481 = arith.muli %mul3A_480, %add3A : i32
            %add3A_482 = arith.constant 0 : i32
            %add3A_483 = arith.addi %mul3A_481, %add3A_482 : i32
            "tpu.region"() ({
              %run_scoped3A = tpu.sem_alloc : memref<!tpu.dma_semaphore, #tpu.memory_space<semaphore_mem>>
              %dma_start3A_484 = arith.constant 0 : i32
              %dma_start3A_485 = tpu.memref_slice %arg9[%add3A_483, %dma_start3A_484] : memref<64x16xi32, #tpu.memory_space<hbm>> -> memref<1x16xi32, #tpu.memory_space<hbm>>
              %dma_start3A_486 = arith.constant 0 : i32
              %dma_start3A_487 = tpu.memref_slice %arg9[%add3A_483, %dma_start3A_486] : memref<64x16xi32, #tpu.memory_space<hbm>> -> memref<1x16xi32, #tpu.memory_space<hbm>>
              tpu.enqueue_dma source(%arg17 : memref<1x16xi32, #tpu.memory_space<vmem>>) target(%dma_start3A_487 : memref<1x16xi32, #tpu.memory_space<hbm>>) target_semaphore(%run_scoped3A : memref<!tpu.dma_semaphore, #tpu.memory_space<semaphore_mem>>)
              %dma_wait3A_488 = arith.constant 0 : i32
              %dma_wait3A_489 = tpu.memref_slice %arg9[%add3A_483, %dma_wait3A_488] : memref<64x16xi32, #tpu.memory_space<hbm>> -> memref<1x16xi32, #tpu.memory_space<hbm>>
              %dma_wait3A_490 = arith.constant 0 : i32
              %dma_wait3A_491 = tpu.memref_slice %arg9[%add3A_483, %dma_wait3A_490] : memref<64x16xi32, #tpu.memory_space<hbm>> -> memref<1x16xi32, #tpu.memory_space<hbm>>
              tpu.wait_dma2 semaphore(%run_scoped3A : memref<!tpu.dma_semaphore, #tpu.memory_space<semaphore_mem>>) src(%arg17 : memref<1x16xi32, #tpu.memory_space<vmem>>) dst(%dma_wait3A_491 : memref<1x16xi32, #tpu.memory_space<hbm>>)
              tpu.yield
            }) : () -> ()
          } else {
          }
          %gt3A_400 = arith.constant 0 : i32
          %gt3A_401 = arith.cmpi sgt, %while3A_208, %gt3A_400 : i32
          %convert_element_type3A_402 = arith.extui %gt3A_401 : i1 to i32
          %cond3A_403 = arith.constant 0 : i32
          %cond3A_404 = arith.cmpi ne, %convert_element_type3A_402, %cond3A_403 : i32
          scf.if %cond3A_404 {
            %swap3A_405 = arith.constant 0 : i32
            %swap3A_406 = tpu.memref_slice %arg14[%while3A_209, %swap3A_405] : memref<64x128xf32, #tpu.memory_space<vmem>> -> memref<1x128xf32, #tpu.memory_space<vmem>>
            %swap3A_407 = tpu.memref_squeeze %swap3A_406 : memref<1x128xf32, #tpu.memory_space<vmem>> -> memref<128xf32, #tpu.memory_space<vmem>>
            %swap3A_408 = arith.constant 0 : index
            %swap3A_409 = tpu.vector_load %swap3A_407[%swap3A_408] {strides = array<i32>} : memref<128xf32, #tpu.memory_space<vmem>>, vector<16xf32>,
            %swap3A_410 = vector.shape_cast %swap3A_409 : vector<16xf32> to vector<16xf32>
            %swap3A_411 = vector.shape_cast %while3A_212 : vector<16xf32> to vector<16xf32>
            tpu.vector_store %swap3A_407[%swap3A_408], %swap3A_411 {strides = array<i32>} : memref<128xf32, #tpu.memory_space<vmem>>, vector<16xf32>,
            %swap3A_412 = arith.constant 0 : i32
            %swap3A_413 = tpu.memref_slice %arg14[%while3A_209, %swap3A_412] : memref<64x128xf32, #tpu.memory_space<vmem>> -> memref<1x128xf32, #tpu.memory_space<vmem>>
            %swap3A_414 = tpu.memref_squeeze %swap3A_413 : memref<1x128xf32, #tpu.memory_space<vmem>> -> memref<128xf32, #tpu.memory_space<vmem>>
            %swap3A_415 = arith.constant 16 : index
            %swap3A_416 = tpu.vector_load %swap3A_414[%swap3A_415] {strides = array<i32>} : memref<128xf32, #tpu.memory_space<vmem>>, vector<16xf32>,
            %swap3A_417 = vector.shape_cast %swap3A_416 : vector<16xf32> to vector<16xf32>
            %swap3A_418 = vector.shape_cast %while3A_213 : vector<16xf32> to vector<16xf32>
            tpu.vector_store %swap3A_414[%swap3A_415], %swap3A_418 {strides = array<i32>} : memref<128xf32, #tpu.memory_space<vmem>>, vector<16xf32>,
            %swap3A_419 = arith.constant 0 : i32
            %swap3A_420 = tpu.memref_slice %arg14[%while3A_209, %swap3A_419] : memref<64x128xf32, #tpu.memory_space<vmem>> -> memref<1x128xf32, #tpu.memory_space<vmem>>
            %swap3A_421 = tpu.memref_squeeze %swap3A_420 : memref<1x128xf32, #tpu.memory_space<vmem>> -> memref<128xf32, #tpu.memory_space<vmem>>
            %swap3A_422 = arith.constant 32 : index
            %swap3A_423 = tpu.vector_load %swap3A_421[%swap3A_422] {strides = array<i32>} : memref<128xf32, #tpu.memory_space<vmem>>, vector<16xf32>,
            %swap3A_424 = vector.shape_cast %swap3A_423 : vector<16xf32> to vector<16xf32>
            %swap3A_425 = vector.shape_cast %while3A_214 : vector<16xf32> to vector<16xf32>
            tpu.vector_store %swap3A_421[%swap3A_422], %swap3A_425 {strides = array<i32>} : memref<128xf32, #tpu.memory_space<vmem>>, vector<16xf32>,
            %swap3A_426 = arith.constant 0 : i32
            %swap3A_427 = tpu.memref_slice %arg14[%while3A_209, %swap3A_426] : memref<64x128xf32, #tpu.memory_space<vmem>> -> memref<1x128xf32, #tpu.memory_space<vmem>>
            %swap3A_428 = tpu.memref_squeeze %swap3A_427 : memref<1x128xf32, #tpu.memory_space<vmem>> -> memref<128xf32, #tpu.memory_space<vmem>>
            %swap3A_429 = arith.constant 48 : index
            %swap3A_430 = tpu.vector_load %swap3A_428[%swap3A_429] {strides = array<i32>} : memref<128xf32, #tpu.memory_space<vmem>>, vector<16xf32>,
            %swap3A_431 = vector.shape_cast %swap3A_430 : vector<16xf32> to vector<16xf32>
            %swap3A_432 = vector.shape_cast %while3A_215 : vector<16xf32> to vector<16xf32>
            tpu.vector_store %swap3A_428[%swap3A_429], %swap3A_432 {strides = array<i32>} : memref<128xf32, #tpu.memory_space<vmem>>, vector<16xf32>,
            %swap3A_433 = arith.constant 0 : i32
            %swap3A_434 = tpu.memref_slice %arg14[%while3A_209, %swap3A_433] : memref<64x128xf32, #tpu.memory_space<vmem>> -> memref<1x128xf32, #tpu.memory_space<vmem>>
            %swap3A_435 = tpu.memref_squeeze %swap3A_434 : memref<1x128xf32, #tpu.memory_space<vmem>> -> memref<128xf32, #tpu.memory_space<vmem>>
            %swap3A_436 = arith.constant 64 : index
            %swap3A_437 = tpu.vector_load %swap3A_435[%swap3A_436] {strides = array<i32>} : memref<128xf32, #tpu.memory_space<vmem>>, vector<16xf32>,
            %swap3A_438 = vector.shape_cast %swap3A_437 : vector<16xf32> to vector<16xf32>
            %swap3A_439 = vector.shape_cast %while3A_216 : vector<16xf32> to vector<16xf32>
            tpu.vector_store %swap3A_435[%swap3A_436], %swap3A_439 {strides = array<i32>} : memref<128xf32, #tpu.memory_space<vmem>>, vector<16xf32>,
            %swap3A_440 = arith.constant 0 : i32
            %swap3A_441 = tpu.memref_slice %arg14[%while3A_209, %swap3A_440] : memref<64x128xf32, #tpu.memory_space<vmem>> -> memref<1x128xf32, #tpu.memory_space<vmem>>
            %swap3A_442 = tpu.memref_squeeze %swap3A_441 : memref<1x128xf32, #tpu.memory_space<vmem>> -> memref<128xf32, #tpu.memory_space<vmem>>
            %swap3A_443 = arith.constant 80 : index
            %swap3A_444 = tpu.vector_load %swap3A_442[%swap3A_443] {strides = array<i32>} : memref<128xf32, #tpu.memory_space<vmem>>, vector<16xf32>,
            %swap3A_445 = vector.shape_cast %swap3A_444 : vector<16xf32> to vector<16xf32>
            %swap3A_446 = vector.shape_cast %while3A_217 : vector<16xf32> to vector<16xf32>
            tpu.vector_store %swap3A_442[%swap3A_443], %swap3A_446 {strides = array<i32>} : memref<128xf32, #tpu.memory_space<vmem>>, vector<16xf32>,
            %swap3A_447 = arith.constant 0 : i32
            %swap3A_448 = tpu.memref_slice %arg14[%while3A_209, %swap3A_447] : memref<64x128xf32, #tpu.memory_space<vmem>> -> memref<1x128xf32, #tpu.memory_space<vmem>>
            %swap3A_449 = tpu.memref_squeeze %swap3A_448 : memref<1x128xf32, #tpu.memory_space<vmem>> -> memref<128xf32, #tpu.memory_space<vmem>>
            %swap3A_450 = arith.constant 96 : index
            %swap3A_451 = tpu.vector_load %swap3A_449[%swap3A_450] {strides = array<i32>} : memref<128xf32, #tpu.memory_space<vmem>>, vector<16xf32>,
            %swap3A_452 = vector.shape_cast %swap3A_451 : vector<16xf32> to vector<16xf32>
            %swap3A_453 = vector.shape_cast %while3A_218 : vector<16xf32> to vector<16xf32>
            tpu.vector_store %swap3A_449[%swap3A_450], %swap3A_453 {strides = array<i32>} : memref<128xf32, #tpu.memory_space<vmem>>, vector<16xf32>,
            %swap3A_454 = arith.constant 0 : i32
            %swap3A_455 = tpu.memref_slice %arg14[%while3A_209, %swap3A_454] : memref<64x128xf32, #tpu.memory_space<vmem>> -> memref<1x128xf32, #tpu.memory_space<vmem>>
            %swap3A_456 = tpu.memref_squeeze %swap3A_455 : memref<1x128xf32, #tpu.memory_space<vmem>> -> memref<128xf32, #tpu.memory_space<vmem>>
            %swap3A_457 = arith.constant 112 : index
            %swap3A_458 = tpu.vector_load %swap3A_456[%swap3A_457] {strides = array<i32>} : memref<128xf32, #tpu.memory_space<vmem>>, vector<16xf32>,
            %swap3A_459 = vector.shape_cast %swap3A_458 : vector<16xf32> to vector<16xf32>
            %swap3A_460 = vector.shape_cast %while3A_219 : vector<16xf32> to vector<16xf32>
            tpu.vector_store %swap3A_456[%swap3A_457], %swap3A_460 {strides = array<i32>} : memref<128xf32, #tpu.memory_space<vmem>>, vector<16xf32>,
            %dma_start3A_461 = arith.constant 0 : i32
            %dma_start3A_462 = tpu.memref_slice %arg14[%while3A_209, %dma_start3A_461] : memref<64x128xf32, #tpu.memory_space<vmem>> -> memref<1x128xf32, #tpu.memory_space<vmem>>
            %dma_start3A_463 = arith.constant 0 : i32
            %dma_start3A_464 = tpu.memref_slice %arg7[%while3A_207, %dma_start3A_463] : memref<10000x128xf32, #tpu.memory_space<hbm>> -> memref<1x128xf32, #tpu.memory_space<hbm>>
            %dma_start3A_465 = arith.constant 0 : i32
            %dma_start3A_466 = tpu.memref_slice %arg7[%while3A_207, %dma_start3A_465] : memref<10000x128xf32, #tpu.memory_space<hbm>> -> memref<1x128xf32, #tpu.memory_space<hbm>>
            %dma_start3A_467 = arith.constant 0 : i32
            %dma_start3A_468 = tpu.memref_slice %arg14[%while3A_209, %dma_start3A_467] : memref<64x128xf32, #tpu.memory_space<vmem>> -> memref<1x128xf32, #tpu.memory_space<vmem>>
            tpu.enqueue_dma source(%dma_start3A_468 : memref<1x128xf32, #tpu.memory_space<vmem>>) target(%dma_start3A_466 : memref<1x128xf32, #tpu.memory_space<hbm>>) target_semaphore(%arg20 : memref<!tpu.dma_semaphore, #tpu.memory_space<semaphore_mem>>)
          } else {
          }
        } else {
        }
        %ge3A_238 = arith.constant 0 : i32
        %ge3A_239 = arith.cmpi sge, %while3A_207, %ge3A_238 : i32
        %add3A_240 = arith.constant 1 : i32
        %add3A_241 = arith.addi %while3A_207, %add3A_240 : i32
        %eq3A_242 = arith.constant 0 : i32
        %eq3A_243 = arith.cmpi eq, %add3A, %eq3A_242 : i32
        %jit3A = arith.constant 0 : i32
        %select_n3A = arith.select %eq3A_243, %jit3A, %squeeze3A_225 : i32
        %select_n3A_244 = arith.select %ge3A_239, %add3A_241, %select_n3A : i32
        %gt3A_245 = arith.cmpi sgt, %squeeze3A_225, %select_n3A_244 : i32
        %and3A_246 = arith.andi %and3A_232, %gt3A_245 : i1
        %convert_element_type3A_247 = arith.extui %and3A_246 : i1 to i32
        %cond3A_248 = arith.constant 0 : i32
        %cond3A_249 = arith.cmpi ne, %convert_element_type3A_247, %cond3A_248 : i32
        scf.if %cond3A_249 {
          %while3A_395 = arith.constant 0 : i32
          %while3A_396 = arith.subi %squeeze3A_225, %select_n3A_244 : i32
          %while3A_397 = arith.addi %select_n3A_244, %while3A_396 : i32
          %while3A_398 = arith.constant 1 : i32
          %while3A_399 = arith.divsi %while3A_396, %while3A_398 : i32
          %while3A_400 = arith.muli %while3A_399, %while3A_398 : i32
          %while3A_401 = arith.addi %select_n3A_244, %while3A_400 : i32
          %while3A_402 = arith.constant 1 : i32
          %while3A_403 = scf.for %while3A_406 = %select_n3A_244 to %while3A_401 step %while3A_402 iter_args(%while3A_407 = %while3A_395) -> (i32)  : i32 {
            %dma_start3A_408 = arith.constant 0 : i32
            %dma_start3A_409 = tpu.memref_slice %arg7[%while3A_406, %dma_start3A_408] : memref<10000x128xf32, #tpu.memory_space<hbm>> -> memref<1x128xf32, #tpu.memory_space<hbm>>
            %dma_start3A_410 = arith.constant 0 : i32
            %dma_start3A_411 = tpu.memref_slice %arg7[%while3A_406, %dma_start3A_410] : memref<10000x128xf32, #tpu.memory_space<hbm>> -> memref<1x128xf32, #tpu.memory_space<hbm>>
            tpu.enqueue_dma source(%arg15 : memref<1x128xf32, #tpu.memory_space<vmem>>) target(%dma_start3A_411 : memref<1x128xf32, #tpu.memory_space<hbm>>) target_semaphore(%arg21 : memref<!tpu.dma_semaphore, #tpu.memory_space<semaphore_mem>>)
            %while3A_412 = arith.constant 0 : i32
            scf.yield %while3A_412 : i32
          }
          %while3A_404 = arith.constant 1 : i32
          %while3A_405 = scf.for %while3A_406 = %while3A_401 to %while3A_397 step %while3A_404 iter_args(%while3A_407 = %while3A_403) -> (i32)  : i32 {
            %dma_start3A_408 = arith.constant 0 : i32
            %dma_start3A_409 = tpu.memref_slice %arg7[%while3A_406, %dma_start3A_408] : memref<10000x128xf32, #tpu.memory_space<hbm>> -> memref<1x128xf32, #tpu.memory_space<hbm>>
            %dma_start3A_410 = arith.constant 0 : i32
            %dma_start3A_411 = tpu.memref_slice %arg7[%while3A_406, %dma_start3A_410] : memref<10000x128xf32, #tpu.memory_space<hbm>> -> memref<1x128xf32, #tpu.memory_space<hbm>>
            tpu.enqueue_dma source(%arg15 : memref<1x128xf32, #tpu.memory_space<vmem>>) target(%dma_start3A_411 : memref<1x128xf32, #tpu.memory_space<hbm>>) target_semaphore(%arg21 : memref<!tpu.dma_semaphore, #tpu.memory_space<semaphore_mem>>)
            %while3A_412 = arith.constant 0 : i32
            scf.yield %while3A_412 : i32
          }
        } else {
        }
        %ge3A_250 = arith.constant 0 : i32
        %ge3A_251 = arith.cmpi sge, %while3A_207, %ge3A_250 : i32
        %gt3A_252 = arith.constant 0 : i32
        %gt3A_253 = arith.cmpi sgt, %while3A_208, %gt3A_252 : i32
        %and3A_254 = arith.andi %ge3A_251, %gt3A_253 : i1
        %and3A_255 = arith.andi %and3A_232, %and3A_254 : i1
        %add3A_256 = arith.constant 1 : i32
        %add3A_257 = arith.addi %while3A_209, %add3A_256 : i32
        %rem3A_258 = arith.constant 64 : i32
        %rem3A_259 = arith.remsi %add3A_257, %rem3A_258 : i32
        %select_n3A_260 = arith.select %and3A_255, %rem3A_259, %while3A_209 : i32
        %add3A_261 = arith.constant 1 : i32
        %add3A_262 = arith.addi %while3A_210, %add3A_261 : i32
        %select_n3A_263 = arith.select %and3A_255, %add3A_262, %while3A_210 : i32
        %eq3A_264 = arith.constant 0 : i32
        %eq3A_265 = arith.cmpi eq, %select_n3A_260, %eq3A_264 : i32
        %and3A_266 = arith.andi %and3A_255, %eq3A_265 : i1
        %convert_element_type3A_267 = arith.extui %and3A_266 : i1 to i32
        %cond3A_268 = arith.constant 0 : i32
        %cond3A_269 = arith.cmpi ne, %convert_element_type3A_267, %cond3A_268 : i32
        scf.if %cond3A_269 {
          %dma_wait3A_395 = arith.constant 0 : i32
          %dma_wait3A_396 = arith.constant 0 : i32
          %dma_wait3A_397 = tpu.memref_slice %arg7[%dma_wait3A_395, %dma_wait3A_396] : memref<10000x128xf32, #tpu.memory_space<hbm>> -> memref<64x128xf32, #tpu.memory_space<hbm>>
          %dma_wait3A_398 = arith.constant 0 : i32
          %dma_wait3A_399 = arith.constant 0 : i32
          %dma_wait3A_400 = tpu.memref_slice %arg7[%dma_wait3A_398, %dma_wait3A_399] : memref<10000x128xf32, #tpu.memory_space<hbm>> -> memref<64x128xf32, #tpu.memory_space<hbm>>
          tpu.wait_dma2 semaphore(%arg20 : memref<!tpu.dma_semaphore, #tpu.memory_space<semaphore_mem>>) src(%dma_wait3A_400 : memref<64x128xf32, #tpu.memory_space<hbm>>) dst(%arg14 : memref<64x128xf32, #tpu.memory_space<vmem>>)
        } else {
        }
        %gt3A_270 = arith.cmpi sgt, %squeeze3A_225, %select_n3A_244 : i32
        %and3A_271 = arith.andi %and3A_232, %gt3A_270 : i1
        %sub3A_272 = arith.subi %squeeze3A_225, %select_n3A_244 : i32
        %jit3A_273 = arith.constant 0 : i32
        %select_n3A_274 = arith.select %and3A_271, %sub3A_272, %jit3A_273 : i32
        %add3A_275 = arith.addi %while3A_211, %select_n3A_274 : i32
        %ge3A_276 = arith.constant 0 : i32
        %ge3A_277 = arith.cmpi sge, %while3A_207, %ge3A_276 : i32
        %and3A_278 = arith.andi %and3A_232, %ge3A_277 : i1
        %add3A_279 = arith.constant 1 : i32
        %add3A_280 = arith.addi %while3A_208, %add3A_279 : i32
        %select_n3A_281 = arith.select %and3A_278, %add3A_280, %while3A_208 : i32
        %select_n3A_282 = arith.select %and3A_232, %squeeze3A_225, %while3A_207 : i32
        %select_n3A_283 = arith.select %and3A_232, %broadcast_in_dim3A_17, %while3A_212 : vector<16xf32>
        %get3A_284 = arith.constant 0 : i32
        %get3A_285 = arith.constant 0 : i32
        %get3A_286 = tpu.memref_slice %arg13[%rem3A_173, %get3A_284, %get3A_285] : memref<2x120x128xf32, #tpu.memory_space<vmem>> -> memref<1x120x128xf32, #tpu.memory_space<vmem>>
        %get3A_287 = tpu.memref_squeeze %get3A_286 : memref<1x120x128xf32, #tpu.memory_space<vmem>> -> memref<120x128xf32, #tpu.memory_space<vmem>>
        %get3A_288 = arith.constant 0 : i32
        %get3A_289 = tpu.memref_slice %get3A_287[%while3A_206, %get3A_288] : memref<120x128xf32, #tpu.memory_space<vmem>> -> memref<1x128xf32, #tpu.memory_space<vmem>>
        %get3A_290 = tpu.memref_squeeze %get3A_289 : memref<1x128xf32, #tpu.memory_space<vmem>> -> memref<128xf32, #tpu.memory_space<vmem>>
        %get3A_291 = arith.constant 0 : index
        %get3A_292 = tpu.vector_load %get3A_290[%get3A_291] {strides = array<i32>} : memref<128xf32, #tpu.memory_space<vmem>>, vector<16xf32>,
        %get3A_293 = vector.shape_cast %get3A_292 : vector<16xf32> to vector<16xf32>
        %mul3A_294 = vector.broadcast %squeeze3A_231 : f32 to vector<16xf32>
        %mul3A_295 = arith.mulf %get3A_293, %mul3A_294 : vector<16xf32>
        %add3A_296 = arith.addf %select_n3A_283, %mul3A_295 : vector<16xf32>
        %select_n3A_297 = arith.select %and3A_232, %broadcast_in_dim3A_17, %while3A_213 : vector<16xf32>
        %get3A_298 = arith.constant 0 : i32
        %get3A_299 = arith.constant 0 : i32
        %get3A_300 = tpu.memref_slice %arg13[%rem3A_173, %get3A_298, %get3A_299] : memref<2x120x128xf32, #tpu.memory_space<vmem>> -> memref<1x120x128xf32, #tpu.memory_space<vmem>>
        %get3A_301 = tpu.memref_squeeze %get3A_300 : memref<1x120x128xf32, #tpu.memory_space<vmem>> -> memref<120x128xf32, #tpu.memory_space<vmem>>
        %get3A_302 = arith.constant 0 : i32
        %get3A_303 = tpu.memref_slice %get3A_301[%while3A_206, %get3A_302] : memref<120x128xf32, #tpu.memory_space<vmem>> -> memref<1x128xf32, #tpu.memory_space<vmem>>
        %get3A_304 = tpu.memref_squeeze %get3A_303 : memref<1x128xf32, #tpu.memory_space<vmem>> -> memref<128xf32, #tpu.memory_space<vmem>>
        %get3A_305 = arith.constant 16 : index
        %get3A_306 = tpu.vector_load %get3A_304[%get3A_305] {strides = array<i32>} : memref<128xf32, #tpu.memory_space<vmem>>, vector<16xf32>,
        %get3A_307 = vector.shape_cast %get3A_306 : vector<16xf32> to vector<16xf32>
        %mul3A_308 = vector.broadcast %squeeze3A_231 : f32 to vector<16xf32>
        %mul3A_309 = arith.mulf %get3A_307, %mul3A_308 : vector<16xf32>
        %add3A_310 = arith.addf %select_n3A_297, %mul3A_309 : vector<16xf32>
        %select_n3A_311 = arith.select %and3A_232, %broadcast_in_dim3A_17, %while3A_214 : vector<16xf32>
        %get3A_312 = arith.constant 0 : i32
        %get3A_313 = arith.constant 0 : i32
        %get3A_314 = tpu.memref_slice %arg13[%rem3A_173, %get3A_312, %get3A_313] : memref<2x120x128xf32, #tpu.memory_space<vmem>> -> memref<1x120x128xf32, #tpu.memory_space<vmem>>
        %get3A_315 = tpu.memref_squeeze %get3A_314 : memref<1x120x128xf32, #tpu.memory_space<vmem>> -> memref<120x128xf32, #tpu.memory_space<vmem>>
        %get3A_316 = arith.constant 0 : i32
        %get3A_317 = tpu.memref_slice %get3A_315[%while3A_206, %get3A_316] : memref<120x128xf32, #tpu.memory_space<vmem>> -> memref<1x128xf32, #tpu.memory_space<vmem>>
        %get3A_318 = tpu.memref_squeeze %get3A_317 : memref<1x128xf32, #tpu.memory_space<vmem>> -> memref<128xf32, #tpu.memory_space<vmem>>
        %get3A_319 = arith.constant 32 : index
        %get3A_320 = tpu.vector_load %get3A_318[%get3A_319] {strides = array<i32>} : memref<128xf32, #tpu.memory_space<vmem>>, vector<16xf32>,
        %get3A_321 = vector.shape_cast %get3A_320 : vector<16xf32> to vector<16xf32>
        %mul3A_322 = vector.broadcast %squeeze3A_231 : f32 to vector<16xf32>
        %mul3A_323 = arith.mulf %get3A_321, %mul3A_322 : vector<16xf32>
        %add3A_324 = arith.addf %select_n3A_311, %mul3A_323 : vector<16xf32>
        %select_n3A_325 = arith.select %and3A_232, %broadcast_in_dim3A_17, %while3A_215 : vector<16xf32>
        %get3A_326 = arith.constant 0 : i32
        %get3A_327 = arith.constant 0 : i32
        %get3A_328 = tpu.memref_slice %arg13[%rem3A_173, %get3A_326, %get3A_327] : memref<2x120x128xf32, #tpu.memory_space<vmem>> -> memref<1x120x128xf32, #tpu.memory_space<vmem>>
        %get3A_329 = tpu.memref_squeeze %get3A_328 : memref<1x120x128xf32, #tpu.memory_space<vmem>> -> memref<120x128xf32, #tpu.memory_space<vmem>>
        %get3A_330 = arith.constant 0 : i32
        %get3A_331 = tpu.memref_slice %get3A_329[%while3A_206, %get3A_330] : memref<120x128xf32, #tpu.memory_space<vmem>> -> memref<1x128xf32, #tpu.memory_space<vmem>>
        %get3A_332 = tpu.memref_squeeze %get3A_331 : memref<1x128xf32, #tpu.memory_space<vmem>> -> memref<128xf32, #tpu.memory_space<vmem>>
        %get3A_333 = arith.constant 48 : index
        %get3A_334 = tpu.vector_load %get3A_332[%get3A_333] {strides = array<i32>} : memref<128xf32, #tpu.memory_space<vmem>>, vector<16xf32>,
        %get3A_335 = vector.shape_cast %get3A_334 : vector<16xf32> to vector<16xf32>
        %mul3A_336 = vector.broadcast %squeeze3A_231 : f32 to vector<16xf32>
        %mul3A_337 = arith.mulf %get3A_335, %mul3A_336 : vector<16xf32>
        %add3A_338 = arith.addf %select_n3A_325, %mul3A_337 : vector<16xf32>
        %select_n3A_339 = arith.select %and3A_232, %broadcast_in_dim3A_17, %while3A_216 : vector<16xf32>
        %get3A_340 = arith.constant 0 : i32
        %get3A_341 = arith.constant 0 : i32
        %get3A_342 = tpu.memref_slice %arg13[%rem3A_173, %get3A_340, %get3A_341] : memref<2x120x128xf32, #tpu.memory_space<vmem>> -> memref<1x120x128xf32, #tpu.memory_space<vmem>>
        %get3A_343 = tpu.memref_squeeze %get3A_342 : memref<1x120x128xf32, #tpu.memory_space<vmem>> -> memref<120x128xf32, #tpu.memory_space<vmem>>
        %get3A_344 = arith.constant 0 : i32
        %get3A_345 = tpu.memref_slice %get3A_343[%while3A_206, %get3A_344] : memref<120x128xf32, #tpu.memory_space<vmem>> -> memref<1x128xf32, #tpu.memory_space<vmem>>
        %get3A_346 = tpu.memref_squeeze %get3A_345 : memref<1x128xf32, #tpu.memory_space<vmem>> -> memref<128xf32, #tpu.memory_space<vmem>>
        %get3A_347 = arith.constant 64 : index
        %get3A_348 = tpu.vector_load %get3A_346[%get3A_347] {strides = array<i32>} : memref<128xf32, #tpu.memory_space<vmem>>, vector<16xf32>,
        %get3A_349 = vector.shape_cast %get3A_348 : vector<16xf32> to vector<16xf32>
        %mul3A_350 = vector.broadcast %squeeze3A_231 : f32 to vector<16xf32>
        %mul3A_351 = arith.mulf %get3A_349, %mul3A_350 : vector<16xf32>
        %add3A_352 = arith.addf %select_n3A_339, %mul3A_351 : vector<16xf32>
        %select_n3A_353 = arith.select %and3A_232, %broadcast_in_dim3A_17, %while3A_217 : vector<16xf32>
        %get3A_354 = arith.constant 0 : i32
        %get3A_355 = arith.constant 0 : i32
        %get3A_356 = tpu.memref_slice %arg13[%rem3A_173, %get3A_354, %get3A_355] : memref<2x120x128xf32, #tpu.memory_space<vmem>> -> memref<1x120x128xf32, #tpu.memory_space<vmem>>
        %get3A_357 = tpu.memref_squeeze %get3A_356 : memref<1x120x128xf32, #tpu.memory_space<vmem>> -> memref<120x128xf32, #tpu.memory_space<vmem>>
        %get3A_358 = arith.constant 0 : i32
        %get3A_359 = tpu.memref_slice %get3A_357[%while3A_206, %get3A_358] : memref<120x128xf32, #tpu.memory_space<vmem>> -> memref<1x128xf32, #tpu.memory_space<vmem>>
        %get3A_360 = tpu.memref_squeeze %get3A_359 : memref<1x128xf32, #tpu.memory_space<vmem>> -> memref<128xf32, #tpu.memory_space<vmem>>
        %get3A_361 = arith.constant 80 : index
        %get3A_362 = tpu.vector_load %get3A_360[%get3A_361] {strides = array<i32>} : memref<128xf32, #tpu.memory_space<vmem>>, vector<16xf32>,
        %get3A_363 = vector.shape_cast %get3A_362 : vector<16xf32> to vector<16xf32>
        %mul3A_364 = vector.broadcast %squeeze3A_231 : f32 to vector<16xf32>
        %mul3A_365 = arith.mulf %get3A_363, %mul3A_364 : vector<16xf32>
        %add3A_366 = arith.addf %select_n3A_353, %mul3A_365 : vector<16xf32>
        %select_n3A_367 = arith.select %and3A_232, %broadcast_in_dim3A_17, %while3A_218 : vector<16xf32>
        %get3A_368 = arith.constant 0 : i32
        %get3A_369 = arith.constant 0 : i32
        %get3A_370 = tpu.memref_slice %arg13[%rem3A_173, %get3A_368, %get3A_369] : memref<2x120x128xf32, #tpu.memory_space<vmem>> -> memref<1x120x128xf32, #tpu.memory_space<vmem>>
        %get3A_371 = tpu.memref_squeeze %get3A_370 : memref<1x120x128xf32, #tpu.memory_space<vmem>> -> memref<120x128xf32, #tpu.memory_space<vmem>>
        %get3A_372 = arith.constant 0 : i32
        %get3A_373 = tpu.memref_slice %get3A_371[%while3A_206, %get3A_372] : memref<120x128xf32, #tpu.memory_space<vmem>> -> memref<1x128xf32, #tpu.memory_space<vmem>>
        %get3A_374 = tpu.memref_squeeze %get3A_373 : memref<1x128xf32, #tpu.memory_space<vmem>> -> memref<128xf32, #tpu.memory_space<vmem>>
        %get3A_375 = arith.constant 96 : index
        %get3A_376 = tpu.vector_load %get3A_374[%get3A_375] {strides = array<i32>} : memref<128xf32, #tpu.memory_space<vmem>>, vector<16xf32>,
        %get3A_377 = vector.shape_cast %get3A_376 : vector<16xf32> to vector<16xf32>
        %mul3A_378 = vector.broadcast %squeeze3A_231 : f32 to vector<16xf32>
        %mul3A_379 = arith.mulf %get3A_377, %mul3A_378 : vector<16xf32>
        %add3A_380 = arith.addf %select_n3A_367, %mul3A_379 : vector<16xf32>
        %select_n3A_381 = arith.select %and3A_232, %broadcast_in_dim3A_17, %while3A_219 : vector<16xf32>
        %get3A_382 = arith.constant 0 : i32
        %get3A_383 = arith.constant 0 : i32
        %get3A_384 = tpu.memref_slice %arg13[%rem3A_173, %get3A_382, %get3A_383] : memref<2x120x128xf32, #tpu.memory_space<vmem>> -> memref<1x120x128xf32, #tpu.memory_space<vmem>>
        %get3A_385 = tpu.memref_squeeze %get3A_384 : memref<1x120x128xf32, #tpu.memory_space<vmem>> -> memref<120x128xf32, #tpu.memory_space<vmem>>
        %get3A_386 = arith.constant 0 : i32
        %get3A_387 = tpu.memref_slice %get3A_385[%while3A_206, %get3A_386] : memref<120x128xf32, #tpu.memory_space<vmem>> -> memref<1x128xf32, #tpu.memory_space<vmem>>
        %get3A_388 = tpu.memref_squeeze %get3A_387 : memref<1x128xf32, #tpu.memory_space<vmem>> -> memref<128xf32, #tpu.memory_space<vmem>>
        %get3A_389 = arith.constant 112 : index
        %get3A_390 = tpu.vector_load %get3A_388[%get3A_389] {strides = array<i32>} : memref<128xf32, #tpu.memory_space<vmem>>, vector<16xf32>,
        %get3A_391 = vector.shape_cast %get3A_390 : vector<16xf32> to vector<16xf32>
        %mul3A_392 = vector.broadcast %squeeze3A_231 : f32 to vector<16xf32>
        %mul3A_393 = arith.mulf %get3A_391, %mul3A_392 : vector<16xf32>
        %add3A_394 = arith.addf %select_n3A_381, %mul3A_393 : vector<16xf32>
        scf.yield %select_n3A_282, %select_n3A_281, %select_n3A_260, %select_n3A_263, %add3A_275, %add3A_296, %add3A_310, %add3A_324, %add3A_338, %add3A_352, %add3A_366, %add3A_380, %add3A_394 : i32, i32, i32, i32, i32, vector<16xf32>, vector<16xf32>, vector<16xf32>, vector<16xf32>, vector<16xf32>, vector<16xf32>, vector<16xf32>, vector<16xf32>
      }
      scf.yield %while3A_205#0, %while3A_205#1, %while3A_205#2, %while3A_205#3, %while3A_205#4, %while3A_205#5, %while3A_205#6, %while3A_205#7, %while3A_205#8, %while3A_205#9, %while3A_205#10, %while3A_205#11, %while3A_205#12 : i32, i32, i32, i32, i32, vector<16xf32>, vector<16xf32>, vector<16xf32>, vector<16xf32>, vector<16xf32>, vector<16xf32>, vector<16xf32>, vector<16xf32>
    }
    %eq3A = arith.constant 0 : i32
    %eq3A_115 = arith.cmpi eq, %while3A_114#1, %eq3A : i32
    %convert_element_type3A = arith.extui %eq3A_115 : i1 to i32
    %cond3A = arith.constant 0 : i32
    %cond3A_116 = arith.cmpi ne, %convert_element_type3A, %cond3A : i32
    scf.if %cond3A_116 {
      %swap3A_158 = arith.constant 0 : i32
      %swap3A_159 = arith.constant 0 : i32
      %swap3A_160 = tpu.memref_slice %arg16[%swap3A_158, %swap3A_159] : memref<1x128xf32, #tpu.memory_space<vmem>> -> memref<1x128xf32, #tpu.memory_space<vmem>>
      %swap3A_161 = tpu.memref_squeeze %swap3A_160 : memref<1x128xf32, #tpu.memory_space<vmem>> -> memref<128xf32, #tpu.memory_space<vmem>>
      %swap3A_162 = arith.constant 0 : index
      %swap3A_163 = tpu.vector_load %swap3A_161[%swap3A_162] {strides = array<i32>} : memref<128xf32, #tpu.memory_space<vmem>>, vector<16xf32>,
      %swap3A_164 = vector.shape_cast %swap3A_163 : vector<16xf32> to vector<16xf32>
      %swap3A_165 = vector.shape_cast %while3A_114#5 : vector<16xf32> to vector<16xf32>
      tpu.vector_store %swap3A_161[%swap3A_162], %swap3A_165 {strides = array<i32>} : memref<128xf32, #tpu.memory_space<vmem>>, vector<16xf32>,
      %swap3A_166 = arith.constant 0 : i32
      %swap3A_167 = arith.constant 0 : i32
      %swap3A_168 = tpu.memref_slice %arg16[%swap3A_166, %swap3A_167] : memref<1x128xf32, #tpu.memory_space<vmem>> -> memref<1x128xf32, #tpu.memory_space<vmem>>
      %swap3A_169 = tpu.memref_squeeze %swap3A_168 : memref<1x128xf32, #tpu.memory_space<vmem>> -> memref<128xf32, #tpu.memory_space<vmem>>
      %swap3A_170 = arith.constant 16 : index
      %swap3A_171 = tpu.vector_load %swap3A_169[%swap3A_170] {strides = array<i32>} : memref<128xf32, #tpu.memory_space<vmem>>, vector<16xf32>,
      %swap3A_172 = vector.shape_cast %swap3A_171 : vector<16xf32> to vector<16xf32>
      %swap3A_173 = vector.shape_cast %while3A_114#6 : vector<16xf32> to vector<16xf32>
      tpu.vector_store %swap3A_169[%swap3A_170], %swap3A_173 {strides = array<i32>} : memref<128xf32, #tpu.memory_space<vmem>>, vector<16xf32>,
      %swap3A_174 = arith.constant 0 : i32
      %swap3A_175 = arith.constant 0 : i32
      %swap3A_176 = tpu.memref_slice %arg16[%swap3A_174, %swap3A_175] : memref<1x128xf32, #tpu.memory_space<vmem>> -> memref<1x128xf32, #tpu.memory_space<vmem>>
      %swap3A_177 = tpu.memref_squeeze %swap3A_176 : memref<1x128xf32, #tpu.memory_space<vmem>> -> memref<128xf32, #tpu.memory_space<vmem>>
      %swap3A_178 = arith.constant 32 : index
      %swap3A_179 = tpu.vector_load %swap3A_177[%swap3A_178] {strides = array<i32>} : memref<128xf32, #tpu.memory_space<vmem>>, vector<16xf32>,
      %swap3A_180 = vector.shape_cast %swap3A_179 : vector<16xf32> to vector<16xf32>
      %swap3A_181 = vector.shape_cast %while3A_114#7 : vector<16xf32> to vector<16xf32>
      tpu.vector_store %swap3A_177[%swap3A_178], %swap3A_181 {strides = array<i32>} : memref<128xf32, #tpu.memory_space<vmem>>, vector<16xf32>,
      %swap3A_182 = arith.constant 0 : i32
      %swap3A_183 = arith.constant 0 : i32
      %swap3A_184 = tpu.memref_slice %arg16[%swap3A_182, %swap3A_183] : memref<1x128xf32, #tpu.memory_space<vmem>> -> memref<1x128xf32, #tpu.memory_space<vmem>>
      %swap3A_185 = tpu.memref_squeeze %swap3A_184 : memref<1x128xf32, #tpu.memory_space<vmem>> -> memref<128xf32, #tpu.memory_space<vmem>>
      %swap3A_186 = arith.constant 48 : index
      %swap3A_187 = tpu.vector_load %swap3A_185[%swap3A_186] {strides = array<i32>} : memref<128xf32, #tpu.memory_space<vmem>>, vector<16xf32>,
      %swap3A_188 = vector.shape_cast %swap3A_187 : vector<16xf32> to vector<16xf32>
      %swap3A_189 = vector.shape_cast %while3A_114#8 : vector<16xf32> to vector<16xf32>
      tpu.vector_store %swap3A_185[%swap3A_186], %swap3A_189 {strides = array<i32>} : memref<128xf32, #tpu.memory_space<vmem>>, vector<16xf32>,
      %swap3A_190 = arith.constant 0 : i32
      %swap3A_191 = arith.constant 0 : i32
      %swap3A_192 = tpu.memref_slice %arg16[%swap3A_190, %swap3A_191] : memref<1x128xf32, #tpu.memory_space<vmem>> -> memref<1x128xf32, #tpu.memory_space<vmem>>
      %swap3A_193 = tpu.memref_squeeze %swap3A_192 : memref<1x128xf32, #tpu.memory_space<vmem>> -> memref<128xf32, #tpu.memory_space<vmem>>
      %swap3A_194 = arith.constant 64 : index
      %swap3A_195 = tpu.vector_load %swap3A_193[%swap3A_194] {strides = array<i32>} : memref<128xf32, #tpu.memory_space<vmem>>, vector<16xf32>,
      %swap3A_196 = vector.shape_cast %swap3A_195 : vector<16xf32> to vector<16xf32>
      %swap3A_197 = vector.shape_cast %while3A_114#9 : vector<16xf32> to vector<16xf32>
      tpu.vector_store %swap3A_193[%swap3A_194], %swap3A_197 {strides = array<i32>} : memref<128xf32, #tpu.memory_space<vmem>>, vector<16xf32>,
      %swap3A_198 = arith.constant 0 : i32
      %swap3A_199 = arith.constant 0 : i32
      %swap3A_200 = tpu.memref_slice %arg16[%swap3A_198, %swap3A_199] : memref<1x128xf32, #tpu.memory_space<vmem>> -> memref<1x128xf32, #tpu.memory_space<vmem>>
      %swap3A_201 = tpu.memref_squeeze %swap3A_200 : memref<1x128xf32, #tpu.memory_space<vmem>> -> memref<128xf32, #tpu.memory_space<vmem>>
      %swap3A_202 = arith.constant 80 : index
      %swap3A_203 = tpu.vector_load %swap3A_201[%swap3A_202] {strides = array<i32>} : memref<128xf32, #tpu.memory_space<vmem>>, vector<16xf32>,
      %swap3A_204 = vector.shape_cast %swap3A_203 : vector<16xf32> to vector<16xf32>
      %swap3A_205 = vector.shape_cast %while3A_114#10 : vector<16xf32> to vector<16xf32>
      tpu.vector_store %swap3A_201[%swap3A_202], %swap3A_205 {strides = array<i32>} : memref<128xf32, #tpu.memory_space<vmem>>, vector<16xf32>,
      %swap3A_206 = arith.constant 0 : i32
      %swap3A_207 = arith.constant 0 : i32
      %swap3A_208 = tpu.memref_slice %arg16[%swap3A_206, %swap3A_207] : memref<1x128xf32, #tpu.memory_space<vmem>> -> memref<1x128xf32, #tpu.memory_space<vmem>>
      %swap3A_209 = tpu.memref_squeeze %swap3A_208 : memref<1x128xf32, #tpu.memory_space<vmem>> -> memref<128xf32, #tpu.memory_space<vmem>>
      %swap3A_210 = arith.constant 96 : index
      %swap3A_211 = tpu.vector_load %swap3A_209[%swap3A_210] {strides = array<i32>} : memref<128xf32, #tpu.memory_space<vmem>>, vector<16xf32>,
      %swap3A_212 = vector.shape_cast %swap3A_211 : vector<16xf32> to vector<16xf32>
      %swap3A_213 = vector.shape_cast %while3A_114#11 : vector<16xf32> to vector<16xf32>
      tpu.vector_store %swap3A_209[%swap3A_210], %swap3A_213 {strides = array<i32>} : memref<128xf32, #tpu.memory_space<vmem>>, vector<16xf32>,
      %swap3A_214 = arith.constant 0 : i32
      %swap3A_215 = arith.constant 0 : i32
      %swap3A_216 = tpu.memref_slice %arg16[%swap3A_214, %swap3A_215] : memref<1x128xf32, #tpu.memory_space<vmem>> -> memref<1x128xf32, #tpu.memory_space<vmem>>
      %swap3A_217 = tpu.memref_squeeze %swap3A_216 : memref<1x128xf32, #tpu.memory_space<vmem>> -> memref<128xf32, #tpu.memory_space<vmem>>
      %swap3A_218 = arith.constant 112 : index
      %swap3A_219 = tpu.vector_load %swap3A_217[%swap3A_218] {strides = array<i32>} : memref<128xf32, #tpu.memory_space<vmem>>, vector<16xf32>,
      %swap3A_220 = vector.shape_cast %swap3A_219 : vector<16xf32> to vector<16xf32>
      %swap3A_221 = vector.shape_cast %while3A_114#12 : vector<16xf32> to vector<16xf32>
      tpu.vector_store %swap3A_217[%swap3A_218], %swap3A_221 {strides = array<i32>} : memref<128xf32, #tpu.memory_space<vmem>>, vector<16xf32>,
      %mul3A_222 = arith.constant 2 : i32
      %mul3A_223 = arith.muli %mul3A_222, %add3A : i32
      %add3A_224 = arith.constant 0 : i32
      %add3A_225 = arith.addi %mul3A_223, %add3A_224 : i32
      "tpu.region"() ({
        %run_scoped3A = tpu.sem_alloc : memref<!tpu.dma_semaphore, #tpu.memory_space<semaphore_mem>>
        %dma_start3A_249 = arith.constant 0 : i32
        %dma_start3A_250 = tpu.memref_slice %arg8[%add3A_225, %dma_start3A_249] : memref<64x128xf32, #tpu.memory_space<hbm>> -> memref<1x128xf32, #tpu.memory_space<hbm>>
        %dma_start3A_251 = arith.constant 0 : i32
        %dma_start3A_252 = tpu.memref_slice %arg8[%add3A_225, %dma_start3A_251] : memref<64x128xf32, #tpu.memory_space<hbm>> -> memref<1x128xf32, #tpu.memory_space<hbm>>
        tpu.enqueue_dma source(%arg16 : memref<1x128xf32, #tpu.memory_space<vmem>>) target(%dma_start3A_252 : memref<1x128xf32, #tpu.memory_space<hbm>>) target_semaphore(%run_scoped3A : memref<!tpu.dma_semaphore, #tpu.memory_space<semaphore_mem>>)
        %dma_wait3A = arith.constant 0 : i32
        %dma_wait3A_253 = tpu.memref_slice %arg8[%add3A_225, %dma_wait3A] : memref<64x128xf32, #tpu.memory_space<hbm>> -> memref<1x128xf32, #tpu.memory_space<hbm>>
        %dma_wait3A_254 = arith.constant 0 : i32
        %dma_wait3A_255 = tpu.memref_slice %arg8[%add3A_225, %dma_wait3A_254] : memref<64x128xf32, #tpu.memory_space<hbm>> -> memref<1x128xf32, #tpu.memory_space<hbm>>
        tpu.wait_dma2 semaphore(%run_scoped3A : memref<!tpu.dma_semaphore, #tpu.memory_space<semaphore_mem>>) src(%arg16 : memref<1x128xf32, #tpu.memory_space<vmem>>) dst(%dma_wait3A_255 : memref<1x128xf32, #tpu.memory_space<hbm>>)
        tpu.yield
      }) : () -> ()
      %broadcast_in_dim3A_226 = vector.broadcast %while3A_114#0 : i32 to vector<16xi32>
      %swap3A_227 = arith.constant 0 : i32
      %swap3A_228 = arith.index_cast %swap3A_227 : i32 to index
      %swap3A_229 = arith.constant 0 : index
      %swap3A_230 = tpu.vector_load %arg17[%swap3A_228, %swap3A_229] {strides = array<i32>} : memref<1x16xi32, #tpu.memory_space<vmem>>, vector<1x16xi32>,
      %swap3A_231 = vector.shape_cast %swap3A_230 : vector<1x16xi32> to vector<16xi32>
      %swap3A_232 = vector.shape_cast %broadcast_in_dim3A_226 : vector<16xi32> to vector<1x16xi32>
      tpu.vector_store %arg17[%swap3A_228, %swap3A_229], %swap3A_232 {strides = array<i32>} : memref<1x16xi32, #tpu.memory_space<vmem>>, vector<1x16xi32>,
      %mul3A_233 = arith.constant 2 : i32
      %mul3A_234 = arith.muli %mul3A_233, %add3A : i32
      %add3A_235 = arith.constant 0 : i32
      %add3A_236 = arith.addi %mul3A_234, %add3A_235 : i32
      "tpu.region"() ({
        %run_scoped3A = tpu.sem_alloc : memref<!tpu.dma_semaphore, #tpu.memory_space<semaphore_mem>>
        %dma_start3A_249 = arith.constant 0 : i32
        %dma_start3A_250 = tpu.memref_slice %arg9[%add3A_236, %dma_start3A_249] : memref<64x16xi32, #tpu.memory_space<hbm>> -> memref<1x16xi32, #tpu.memory_space<hbm>>
        %dma_start3A_251 = arith.constant 0 : i32
        %dma_start3A_252 = tpu.memref_slice %arg9[%add3A_236, %dma_start3A_251] : memref<64x16xi32, #tpu.memory_space<hbm>> -> memref<1x16xi32, #tpu.memory_space<hbm>>
        tpu.enqueue_dma source(%arg17 : memref<1x16xi32, #tpu.memory_space<vmem>>) target(%dma_start3A_252 : memref<1x16xi32, #tpu.memory_space<hbm>>) target_semaphore(%run_scoped3A : memref<!tpu.dma_semaphore, #tpu.memory_space<semaphore_mem>>)
        %dma_wait3A = arith.constant 0 : i32
        %dma_wait3A_253 = tpu.memref_slice %arg9[%add3A_236, %dma_wait3A] : memref<64x16xi32, #tpu.memory_space<hbm>> -> memref<1x16xi32, #tpu.memory_space<hbm>>
        %dma_wait3A_254 = arith.constant 0 : i32
        %dma_wait3A_255 = tpu.memref_slice %arg9[%add3A_236, %dma_wait3A_254] : memref<64x16xi32, #tpu.memory_space<hbm>> -> memref<1x16xi32, #tpu.memory_space<hbm>>
        tpu.wait_dma2 semaphore(%run_scoped3A : memref<!tpu.dma_semaphore, #tpu.memory_space<semaphore_mem>>) src(%arg17 : memref<1x16xi32, #tpu.memory_space<vmem>>) dst(%dma_wait3A_255 : memref<1x16xi32, #tpu.memory_space<hbm>>)
        tpu.yield
      }) : () -> ()
      %broadcast_in_dim3A_237 = arith.constant -1 : i32
      %broadcast_in_dim3A_238 = vector.broadcast %broadcast_in_dim3A_237 : i32 to vector<16xi32>
      %swap3A_239 = arith.constant 0 : i32
      %swap3A_240 = arith.index_cast %swap3A_239 : i32 to index
      %swap3A_241 = arith.constant 0 : index
      %swap3A_242 = tpu.vector_load %arg17[%swap3A_240, %swap3A_241] {strides = array<i32>} : memref<1x16xi32, #tpu.memory_space<vmem>>, vector<1x16xi32>,
      %swap3A_243 = vector.shape_cast %swap3A_242 : vector<1x16xi32> to vector<16xi32>
      %swap3A_244 = vector.shape_cast %broadcast_in_dim3A_238 : vector<16xi32> to vector<1x16xi32>
      tpu.vector_store %arg17[%swap3A_240, %swap3A_241], %swap3A_244 {strides = array<i32>} : memref<1x16xi32, #tpu.memory_space<vmem>>, vector<1x16xi32>,
      %mul3A_245 = arith.constant 2 : i32
      %mul3A_246 = arith.muli %mul3A_245, %add3A : i32
      %add3A_247 = arith.constant 1 : i32
      %add3A_248 = arith.addi %mul3A_246, %add3A_247 : i32
      "tpu.region"() ({
        %run_scoped3A = tpu.sem_alloc : memref<!tpu.dma_semaphore, #tpu.memory_space<semaphore_mem>>
        %dma_start3A_249 = arith.constant 0 : i32
        %dma_start3A_250 = tpu.memref_slice %arg9[%add3A_248, %dma_start3A_249] : memref<64x16xi32, #tpu.memory_space<hbm>> -> memref<1x16xi32, #tpu.memory_space<hbm>>
        %dma_start3A_251 = arith.constant 0 : i32
        %dma_start3A_252 = tpu.memref_slice %arg9[%add3A_248, %dma_start3A_251] : memref<64x16xi32, #tpu.memory_space<hbm>> -> memref<1x16xi32, #tpu.memory_space<hbm>>
        tpu.enqueue_dma source(%arg17 : memref<1x16xi32, #tpu.memory_space<vmem>>) target(%dma_start3A_252 : memref<1x16xi32, #tpu.memory_space<hbm>>) target_semaphore(%run_scoped3A : memref<!tpu.dma_semaphore, #tpu.memory_space<semaphore_mem>>)
        %dma_wait3A = arith.constant 0 : i32
        %dma_wait3A_253 = tpu.memref_slice %arg9[%add3A_248, %dma_wait3A] : memref<64x16xi32, #tpu.memory_space<hbm>> -> memref<1x16xi32, #tpu.memory_space<hbm>>
        %dma_wait3A_254 = arith.constant 0 : i32
        %dma_wait3A_255 = tpu.memref_slice %arg9[%add3A_248, %dma_wait3A_254] : memref<64x16xi32, #tpu.memory_space<hbm>> -> memref<1x16xi32, #tpu.memory_space<hbm>>
        tpu.wait_dma2 semaphore(%run_scoped3A : memref<!tpu.dma_semaphore, #tpu.memory_space<semaphore_mem>>) src(%arg17 : memref<1x16xi32, #tpu.memory_space<vmem>>) dst(%dma_wait3A_255 : memref<1x16xi32, #tpu.memory_space<hbm>>)
        tpu.yield
      }) : () -> ()
    } else {
    }
    %gt3A = arith.constant 0 : i32
    %gt3A_117 = arith.cmpi sgt, %while3A_114#1, %gt3A : i32
    %convert_element_type3A_118 = arith.extui %gt3A_117 : i1 to i32
    %cond3A_119 = arith.constant 0 : i32
    %cond3A_120 = arith.cmpi ne, %convert_element_type3A_118, %cond3A_119 : i32
    scf.if %cond3A_120 {
      %swap3A_158 = arith.constant 0 : i32
      %swap3A_159 = arith.constant 0 : i32
      %swap3A_160 = tpu.memref_slice %arg16[%swap3A_158, %swap3A_159] : memref<1x128xf32, #tpu.memory_space<vmem>> -> memref<1x128xf32, #tpu.memory_space<vmem>>
      %swap3A_161 = tpu.memref_squeeze %swap3A_160 : memref<1x128xf32, #tpu.memory_space<vmem>> -> memref<128xf32, #tpu.memory_space<vmem>>
      %swap3A_162 = arith.constant 0 : index
      %swap3A_163 = tpu.vector_load %swap3A_161[%swap3A_162] {strides = array<i32>} : memref<128xf32, #tpu.memory_space<vmem>>, vector<16xf32>,
      %swap3A_164 = vector.shape_cast %swap3A_163 : vector<16xf32> to vector<16xf32>
      %swap3A_165 = vector.shape_cast %while3A_114#5 : vector<16xf32> to vector<16xf32>
      tpu.vector_store %swap3A_161[%swap3A_162], %swap3A_165 {strides = array<i32>} : memref<128xf32, #tpu.memory_space<vmem>>, vector<16xf32>,
      %swap3A_166 = arith.constant 0 : i32
      %swap3A_167 = arith.constant 0 : i32
      %swap3A_168 = tpu.memref_slice %arg16[%swap3A_166, %swap3A_167] : memref<1x128xf32, #tpu.memory_space<vmem>> -> memref<1x128xf32, #tpu.memory_space<vmem>>
      %swap3A_169 = tpu.memref_squeeze %swap3A_168 : memref<1x128xf32, #tpu.memory_space<vmem>> -> memref<128xf32, #tpu.memory_space<vmem>>
      %swap3A_170 = arith.constant 16 : index
      %swap3A_171 = tpu.vector_load %swap3A_169[%swap3A_170] {strides = array<i32>} : memref<128xf32, #tpu.memory_space<vmem>>, vector<16xf32>,
      %swap3A_172 = vector.shape_cast %swap3A_171 : vector<16xf32> to vector<16xf32>
      %swap3A_173 = vector.shape_cast %while3A_114#6 : vector<16xf32> to vector<16xf32>
      tpu.vector_store %swap3A_169[%swap3A_170], %swap3A_173 {strides = array<i32>} : memref<128xf32, #tpu.memory_space<vmem>>, vector<16xf32>,
      %swap3A_174 = arith.constant 0 : i32
      %swap3A_175 = arith.constant 0 : i32
      %swap3A_176 = tpu.memref_slice %arg16[%swap3A_174, %swap3A_175] : memref<1x128xf32, #tpu.memory_space<vmem>> -> memref<1x128xf32, #tpu.memory_space<vmem>>
      %swap3A_177 = tpu.memref_squeeze %swap3A_176 : memref<1x128xf32, #tpu.memory_space<vmem>> -> memref<128xf32, #tpu.memory_space<vmem>>
      %swap3A_178 = arith.constant 32 : index
      %swap3A_179 = tpu.vector_load %swap3A_177[%swap3A_178] {strides = array<i32>} : memref<128xf32, #tpu.memory_space<vmem>>, vector<16xf32>,
      %swap3A_180 = vector.shape_cast %swap3A_179 : vector<16xf32> to vector<16xf32>
      %swap3A_181 = vector.shape_cast %while3A_114#7 : vector<16xf32> to vector<16xf32>
      tpu.vector_store %swap3A_177[%swap3A_178], %swap3A_181 {strides = array<i32>} : memref<128xf32, #tpu.memory_space<vmem>>, vector<16xf32>,
      %swap3A_182 = arith.constant 0 : i32
      %swap3A_183 = arith.constant 0 : i32
      %swap3A_184 = tpu.memref_slice %arg16[%swap3A_182, %swap3A_183] : memref<1x128xf32, #tpu.memory_space<vmem>> -> memref<1x128xf32, #tpu.memory_space<vmem>>
      %swap3A_185 = tpu.memref_squeeze %swap3A_184 : memref<1x128xf32, #tpu.memory_space<vmem>> -> memref<128xf32, #tpu.memory_space<vmem>>
      %swap3A_186 = arith.constant 48 : index
      %swap3A_187 = tpu.vector_load %swap3A_185[%swap3A_186] {strides = array<i32>} : memref<128xf32, #tpu.memory_space<vmem>>, vector<16xf32>,
      %swap3A_188 = vector.shape_cast %swap3A_187 : vector<16xf32> to vector<16xf32>
      %swap3A_189 = vector.shape_cast %while3A_114#8 : vector<16xf32> to vector<16xf32>
      tpu.vector_store %swap3A_185[%swap3A_186], %swap3A_189 {strides = array<i32>} : memref<128xf32, #tpu.memory_space<vmem>>, vector<16xf32>,
      %swap3A_190 = arith.constant 0 : i32
      %swap3A_191 = arith.constant 0 : i32
      %swap3A_192 = tpu.memref_slice %arg16[%swap3A_190, %swap3A_191] : memref<1x128xf32, #tpu.memory_space<vmem>> -> memref<1x128xf32, #tpu.memory_space<vmem>>
      %swap3A_193 = tpu.memref_squeeze %swap3A_192 : memref<1x128xf32, #tpu.memory_space<vmem>> -> memref<128xf32, #tpu.memory_space<vmem>>
      %swap3A_194 = arith.constant 64 : index
      %swap3A_195 = tpu.vector_load %swap3A_193[%swap3A_194] {strides = array<i32>} : memref<128xf32, #tpu.memory_space<vmem>>, vector<16xf32>,
      %swap3A_196 = vector.shape_cast %swap3A_195 : vector<16xf32> to vector<16xf32>
      %swap3A_197 = vector.shape_cast %while3A_114#9 : vector<16xf32> to vector<16xf32>
      tpu.vector_store %swap3A_193[%swap3A_194], %swap3A_197 {strides = array<i32>} : memref<128xf32, #tpu.memory_space<vmem>>, vector<16xf32>,
      %swap3A_198 = arith.constant 0 : i32
      %swap3A_199 = arith.constant 0 : i32
      %swap3A_200 = tpu.memref_slice %arg16[%swap3A_198, %swap3A_199] : memref<1x128xf32, #tpu.memory_space<vmem>> -> memref<1x128xf32, #tpu.memory_space<vmem>>
      %swap3A_201 = tpu.memref_squeeze %swap3A_200 : memref<1x128xf32, #tpu.memory_space<vmem>> -> memref<128xf32, #tpu.memory_space<vmem>>
      %swap3A_202 = arith.constant 80 : index
      %swap3A_203 = tpu.vector_load %swap3A_201[%swap3A_202] {strides = array<i32>} : memref<128xf32, #tpu.memory_space<vmem>>, vector<16xf32>,
      %swap3A_204 = vector.shape_cast %swap3A_203 : vector<16xf32> to vector<16xf32>
      %swap3A_205 = vector.shape_cast %while3A_114#10 : vector<16xf32> to vector<16xf32>
      tpu.vector_store %swap3A_201[%swap3A_202], %swap3A_205 {strides = array<i32>} : memref<128xf32, #tpu.memory_space<vmem>>, vector<16xf32>,
      %swap3A_206 = arith.constant 0 : i32
      %swap3A_207 = arith.constant 0 : i32
      %swap3A_208 = tpu.memref_slice %arg16[%swap3A_206, %swap3A_207] : memref<1x128xf32, #tpu.memory_space<vmem>> -> memref<1x128xf32, #tpu.memory_space<vmem>>
      %swap3A_209 = tpu.memref_squeeze %swap3A_208 : memref<1x128xf32, #tpu.memory_space<vmem>> -> memref<128xf32, #tpu.memory_space<vmem>>
      %swap3A_210 = arith.constant 96 : index
      %swap3A_211 = tpu.vector_load %swap3A_209[%swap3A_210] {strides = array<i32>} : memref<128xf32, #tpu.memory_space<vmem>>, vector<16xf32>,
      %swap3A_212 = vector.shape_cast %swap3A_211 : vector<16xf32> to vector<16xf32>
      %swap3A_213 = vector.shape_cast %while3A_114#11 : vector<16xf32> to vector<16xf32>
      tpu.vector_store %swap3A_209[%swap3A_210], %swap3A_213 {strides = array<i32>} : memref<128xf32, #tpu.memory_space<vmem>>, vector<16xf32>,
      %swap3A_214 = arith.constant 0 : i32
      %swap3A_215 = arith.constant 0 : i32
      %swap3A_216 = tpu.memref_slice %arg16[%swap3A_214, %swap3A_215] : memref<1x128xf32, #tpu.memory_space<vmem>> -> memref<1x128xf32, #tpu.memory_space<vmem>>
      %swap3A_217 = tpu.memref_squeeze %swap3A_216 : memref<1x128xf32, #tpu.memory_space<vmem>> -> memref<128xf32, #tpu.memory_space<vmem>>
      %swap3A_218 = arith.constant 112 : index
      %swap3A_219 = tpu.vector_load %swap3A_217[%swap3A_218] {strides = array<i32>} : memref<128xf32, #tpu.memory_space<vmem>>, vector<16xf32>,
      %swap3A_220 = vector.shape_cast %swap3A_219 : vector<16xf32> to vector<16xf32>
      %swap3A_221 = vector.shape_cast %while3A_114#12 : vector<16xf32> to vector<16xf32>
      tpu.vector_store %swap3A_217[%swap3A_218], %swap3A_221 {strides = array<i32>} : memref<128xf32, #tpu.memory_space<vmem>>, vector<16xf32>,
      %mul3A_222 = arith.constant 2 : i32
      %mul3A_223 = arith.muli %mul3A_222, %add3A : i32
      %add3A_224 = arith.constant 1 : i32
      %add3A_225 = arith.addi %mul3A_223, %add3A_224 : i32
      "tpu.region"() ({
        %run_scoped3A = tpu.sem_alloc : memref<!tpu.dma_semaphore, #tpu.memory_space<semaphore_mem>>
        %dma_start3A_237 = arith.constant 0 : i32
        %dma_start3A_238 = tpu.memref_slice %arg8[%add3A_225, %dma_start3A_237] : memref<64x128xf32, #tpu.memory_space<hbm>> -> memref<1x128xf32, #tpu.memory_space<hbm>>
        %dma_start3A_239 = arith.constant 0 : i32
        %dma_start3A_240 = tpu.memref_slice %arg8[%add3A_225, %dma_start3A_239] : memref<64x128xf32, #tpu.memory_space<hbm>> -> memref<1x128xf32, #tpu.memory_space<hbm>>
        tpu.enqueue_dma source(%arg16 : memref<1x128xf32, #tpu.memory_space<vmem>>) target(%dma_start3A_240 : memref<1x128xf32, #tpu.memory_space<hbm>>) target_semaphore(%run_scoped3A : memref<!tpu.dma_semaphore, #tpu.memory_space<semaphore_mem>>)
        %dma_wait3A = arith.constant 0 : i32
        %dma_wait3A_241 = tpu.memref_slice %arg8[%add3A_225, %dma_wait3A] : memref<64x128xf32, #tpu.memory_space<hbm>> -> memref<1x128xf32, #tpu.memory_space<hbm>>
        %dma_wait3A_242 = arith.constant 0 : i32
        %dma_wait3A_243 = tpu.memref_slice %arg8[%add3A_225, %dma_wait3A_242] : memref<64x128xf32, #tpu.memory_space<hbm>> -> memref<1x128xf32, #tpu.memory_space<hbm>>
        tpu.wait_dma2 semaphore(%run_scoped3A : memref<!tpu.dma_semaphore, #tpu.memory_space<semaphore_mem>>) src(%arg16 : memref<1x128xf32, #tpu.memory_space<vmem>>) dst(%dma_wait3A_243 : memref<1x128xf32, #tpu.memory_space<hbm>>)
        tpu.yield
      }) : () -> ()
      %broadcast_in_dim3A_226 = vector.broadcast %while3A_114#0 : i32 to vector<16xi32>
      %swap3A_227 = arith.constant 0 : i32
      %swap3A_228 = arith.index_cast %swap3A_227 : i32 to index
      %swap3A_229 = arith.constant 0 : index
      %swap3A_230 = tpu.vector_load %arg17[%swap3A_228, %swap3A_229] {strides = array<i32>} : memref<1x16xi32, #tpu.memory_space<vmem>>, vector<1x16xi32>,
      %swap3A_231 = vector.shape_cast %swap3A_230 : vector<1x16xi32> to vector<16xi32>
      %swap3A_232 = vector.shape_cast %broadcast_in_dim3A_226 : vector<16xi32> to vector<1x16xi32>
      tpu.vector_store %arg17[%swap3A_228, %swap3A_229], %swap3A_232 {strides = array<i32>} : memref<1x16xi32, #tpu.memory_space<vmem>>, vector<1x16xi32>,
      %mul3A_233 = arith.constant 2 : i32
      %mul3A_234 = arith.muli %mul3A_233, %add3A : i32
      %add3A_235 = arith.constant 1 : i32
      %add3A_236 = arith.addi %mul3A_234, %add3A_235 : i32
      "tpu.region"() ({
        %run_scoped3A = tpu.sem_alloc : memref<!tpu.dma_semaphore, #tpu.memory_space<semaphore_mem>>
        %dma_start3A_237 = arith.constant 0 : i32
        %dma_start3A_238 = tpu.memref_slice %arg9[%add3A_236, %dma_start3A_237] : memref<64x16xi32, #tpu.memory_space<hbm>> -> memref<1x16xi32, #tpu.memory_space<hbm>>
        %dma_start3A_239 = arith.constant 0 : i32
        %dma_start3A_240 = tpu.memref_slice %arg9[%add3A_236, %dma_start3A_239] : memref<64x16xi32, #tpu.memory_space<hbm>> -> memref<1x16xi32, #tpu.memory_space<hbm>>
        tpu.enqueue_dma source(%arg17 : memref<1x16xi32, #tpu.memory_space<vmem>>) target(%dma_start3A_240 : memref<1x16xi32, #tpu.memory_space<hbm>>) target_semaphore(%run_scoped3A : memref<!tpu.dma_semaphore, #tpu.memory_space<semaphore_mem>>)
        %dma_wait3A = arith.constant 0 : i32
        %dma_wait3A_241 = tpu.memref_slice %arg9[%add3A_236, %dma_wait3A] : memref<64x16xi32, #tpu.memory_space<hbm>> -> memref<1x16xi32, #tpu.memory_space<hbm>>
        %dma_wait3A_242 = arith.constant 0 : i32
        %dma_wait3A_243 = tpu.memref_slice %arg9[%add3A_236, %dma_wait3A_242] : memref<64x16xi32, #tpu.memory_space<hbm>> -> memref<1x16xi32, #tpu.memory_space<hbm>>
        tpu.wait_dma2 semaphore(%run_scoped3A : memref<!tpu.dma_semaphore, #tpu.memory_space<semaphore_mem>>) src(%arg17 : memref<1x16xi32, #tpu.memory_space<vmem>>) dst(%dma_wait3A_243 : memref<1x16xi32, #tpu.memory_space<hbm>>)
        tpu.yield
      }) : () -> ()
    } else {
    }
    %add3A_121 = arith.constant 1 : i32
    %add3A_122 = arith.addi %while3A_114#0, %add3A_121 : i32
    %gt3A_123 = arith.cmpi sgt, %squeeze3A_16, %add3A_122 : i32
    %convert_element_type3A_124 = arith.extui %gt3A_123 : i1 to i32
    %cond3A_125 = arith.constant 0 : i32
    %cond3A_126 = arith.cmpi ne, %convert_element_type3A_124, %cond3A_125 : i32
    scf.if %cond3A_126 {
      %add3A_158 = arith.constant 1 : i32
      %add3A_159 = arith.addi %while3A_114#0, %add3A_158 : i32
      %while3A_160 = arith.constant 0 : i32
      %while3A_161 = arith.subi %squeeze3A_16, %add3A_159 : i32
      %while3A_162 = arith.addi %add3A_159, %while3A_161 : i32
      %while3A_163 = arith.constant 1 : i32
      %while3A_164 = arith.divsi %while3A_161, %while3A_163 : i32
      %while3A_165 = arith.muli %while3A_164, %while3A_163 : i32
      %while3A_166 = arith.addi %add3A_159, %while3A_165 : i32
      %while3A_167 = arith.constant 1 : i32
      %while3A_168 = scf.for %while3A_171 = %add3A_159 to %while3A_166 step %while3A_167 iter_args(%while3A_172 = %while3A_160) -> (i32)  : i32 {
        %dma_start3A_173 = arith.constant 0 : i32
        %dma_start3A_174 = tpu.memref_slice %arg7[%while3A_171, %dma_start3A_173] : memref<10000x128xf32, #tpu.memory_space<hbm>> -> memref<1x128xf32, #tpu.memory_space<hbm>>
        %dma_start3A_175 = arith.constant 0 : i32
        %dma_start3A_176 = tpu.memref_slice %arg7[%while3A_171, %dma_start3A_175] : memref<10000x128xf32, #tpu.memory_space<hbm>> -> memref<1x128xf32, #tpu.memory_space<hbm>>
        tpu.enqueue_dma source(%arg15 : memref<1x128xf32, #tpu.memory_space<vmem>>) target(%dma_start3A_176 : memref<1x128xf32, #tpu.memory_space<hbm>>) target_semaphore(%arg21 : memref<!tpu.dma_semaphore, #tpu.memory_space<semaphore_mem>>)
        %while3A_177 = arith.constant 0 : i32
        scf.yield %while3A_177 : i32
      }
      %while3A_169 = arith.constant 1 : i32
      %while3A_170 = scf.for %while3A_171 = %while3A_166 to %while3A_162 step %while3A_169 iter_args(%while3A_172 = %while3A_168) -> (i32)  : i32 {
        %dma_start3A_173 = arith.constant 0 : i32
        %dma_start3A_174 = tpu.memref_slice %arg7[%while3A_171, %dma_start3A_173] : memref<10000x128xf32, #tpu.memory_space<hbm>> -> memref<1x128xf32, #tpu.memory_space<hbm>>
        %dma_start3A_175 = arith.constant 0 : i32
        %dma_start3A_176 = tpu.memref_slice %arg7[%while3A_171, %dma_start3A_175] : memref<10000x128xf32, #tpu.memory_space<hbm>> -> memref<1x128xf32, #tpu.memory_space<hbm>>
        tpu.enqueue_dma source(%arg15 : memref<1x128xf32, #tpu.memory_space<vmem>>) target(%dma_start3A_176 : memref<1x128xf32, #tpu.memory_space<hbm>>) target_semaphore(%arg21 : memref<!tpu.dma_semaphore, #tpu.memory_space<semaphore_mem>>)
        %while3A_177 = arith.constant 0 : i32
        scf.yield %while3A_177 : i32
      }
    } else {
    }
    %add3A_127 = arith.constant 1 : i32
    %add3A_128 = arith.addi %while3A_114#0, %add3A_127 : i32
    %sub3A_129 = arith.subi %squeeze3A_16, %add3A_128 : i32
    %max3A = arith.constant 0 : i32
    %max3A_130 = arith.maxsi %sub3A_129, %max3A : i32
    %add3A_131 = arith.addi %while3A_114#4, %max3A_130 : i32
    %rem3A_132 = arith.constant 64 : i32
    %rem3A_133 = arith.remsi %while3A_114#3, %rem3A_132 : i32
    %while3A_134 = arith.constant 0 : i32
    %while3A_135 = arith.constant 0 : i32
    %while3A_136 = arith.subi %rem3A_133, %while3A_134 : i32
    %while3A_137 = arith.addi %while3A_134, %while3A_136 : i32
    %while3A_138 = arith.constant 1 : i32
    %while3A_139 = arith.divsi %while3A_136, %while3A_138 : i32
    %while3A_140 = arith.muli %while3A_139, %while3A_138 : i32
    %while3A_141 = arith.addi %while3A_134, %while3A_140 : i32
    %while3A_142 = arith.constant 1 : i32
    %while3A_143 = scf.for %while3A_158 = %while3A_134 to %while3A_141 step %while3A_142 iter_args(%while3A_159 = %while3A_135) -> (i32)  : i32 {
      %dma_wait3A = arith.constant 0 : i32
      %dma_wait3A_160 = arith.constant 0 : i32
      %dma_wait3A_161 = tpu.memref_slice %arg14[%dma_wait3A, %dma_wait3A_160] : memref<64x128xf32, #tpu.memory_space<vmem>> -> memref<1x128xf32, #tpu.memory_space<vmem>>
      %dma_wait3A_162 = arith.constant 0 : i32
      %dma_wait3A_163 = arith.constant 0 : i32
      %dma_wait3A_164 = tpu.memref_slice %arg7[%dma_wait3A_162, %dma_wait3A_163] : memref<10000x128xf32, #tpu.memory_space<hbm>> -> memref<1x128xf32, #tpu.memory_space<hbm>>
      %dma_wait3A_165 = arith.constant 0 : i32
      %dma_wait3A_166 = arith.constant 0 : i32
      %dma_wait3A_167 = tpu.memref_slice %arg14[%dma_wait3A_165, %dma_wait3A_166] : memref<64x128xf32, #tpu.memory_space<vmem>> -> memref<1x128xf32, #tpu.memory_space<vmem>>
      %dma_wait3A_168 = arith.constant 0 : i32
      %dma_wait3A_169 = arith.constant 0 : i32
      %dma_wait3A_170 = tpu.memref_slice %arg7[%dma_wait3A_168, %dma_wait3A_169] : memref<10000x128xf32, #tpu.memory_space<hbm>> -> memref<1x128xf32, #tpu.memory_space<hbm>>
      tpu.wait_dma2 semaphore(%arg20 : memref<!tpu.dma_semaphore, #tpu.memory_space<semaphore_mem>>) src(%dma_wait3A_170 : memref<1x128xf32, #tpu.memory_space<hbm>>) dst(%dma_wait3A_167 : memref<1x128xf32, #tpu.memory_space<vmem>>)
      %while3A_171 = arith.constant 0 : i32
      scf.yield %while3A_171 : i32
    }
    %while3A_144 = arith.constant 1 : i32
    %while3A_145 = scf.for %while3A_158 = %while3A_141 to %while3A_137 step %while3A_144 iter_args(%while3A_159 = %while3A_143) -> (i32)  : i32 {
      %dma_wait3A = arith.constant 0 : i32
      %dma_wait3A_160 = arith.constant 0 : i32
      %dma_wait3A_161 = tpu.memref_slice %arg14[%dma_wait3A, %dma_wait3A_160] : memref<64x128xf32, #tpu.memory_space<vmem>> -> memref<1x128xf32, #tpu.memory_space<vmem>>
      %dma_wait3A_162 = arith.constant 0 : i32
      %dma_wait3A_163 = arith.constant 0 : i32
      %dma_wait3A_164 = tpu.memref_slice %arg7[%dma_wait3A_162, %dma_wait3A_163] : memref<10000x128xf32, #tpu.memory_space<hbm>> -> memref<1x128xf32, #tpu.memory_space<hbm>>
      %dma_wait3A_165 = arith.constant 0 : i32
      %dma_wait3A_166 = arith.constant 0 : i32
      %dma_wait3A_167 = tpu.memref_slice %arg14[%dma_wait3A_165, %dma_wait3A_166] : memref<64x128xf32, #tpu.memory_space<vmem>> -> memref<1x128xf32, #tpu.memory_space<vmem>>
      %dma_wait3A_168 = arith.constant 0 : i32
      %dma_wait3A_169 = arith.constant 0 : i32
      %dma_wait3A_170 = tpu.memref_slice %arg7[%dma_wait3A_168, %dma_wait3A_169] : memref<10000x128xf32, #tpu.memory_space<hbm>> -> memref<1x128xf32, #tpu.memory_space<hbm>>
      tpu.wait_dma2 semaphore(%arg20 : memref<!tpu.dma_semaphore, #tpu.memory_space<semaphore_mem>>) src(%dma_wait3A_170 : memref<1x128xf32, #tpu.memory_space<hbm>>) dst(%dma_wait3A_167 : memref<1x128xf32, #tpu.memory_space<vmem>>)
      %while3A_171 = arith.constant 0 : i32
      scf.yield %while3A_171 : i32
    }
    %while3A_146 = arith.constant 0 : i32
    %while3A_147 = arith.constant 0 : i32
    %while3A_148 = arith.subi %add3A_131, %while3A_146 : i32
    %while3A_149 = arith.addi %while3A_146, %while3A_148 : i32
    %while3A_150 = arith.constant 1 : i32
    %while3A_151 = arith.divsi %while3A_148, %while3A_150 : i32
    %while3A_152 = arith.muli %while3A_151, %while3A_150 : i32
    %while3A_153 = arith.addi %while3A_146, %while3A_152 : i32
    %while3A_154 = arith.constant 1 : i32
    %while3A_155 = scf.for %while3A_158 = %while3A_146 to %while3A_153 step %while3A_154 iter_args(%while3A_159 = %while3A_147) -> (i32)  : i32 {
      %dma_wait3A = arith.constant 0 : i32
      %dma_wait3A_160 = arith.constant 0 : i32
      %dma_wait3A_161 = tpu.memref_slice %arg7[%dma_wait3A, %dma_wait3A_160] : memref<10000x128xf32, #tpu.memory_space<hbm>> -> memref<1x128xf32, #tpu.memory_space<hbm>>
      %dma_wait3A_162 = arith.constant 0 : i32
      %dma_wait3A_163 = arith.constant 0 : i32
      %dma_wait3A_164 = tpu.memref_slice %arg7[%dma_wait3A_162, %dma_wait3A_163] : memref<10000x128xf32, #tpu.memory_space<hbm>> -> memref<1x128xf32, #tpu.memory_space<hbm>>
      tpu.wait_dma2 semaphore(%arg21 : memref<!tpu.dma_semaphore, #tpu.memory_space<semaphore_mem>>) src(%dma_wait3A_164 : memref<1x128xf32, #tpu.memory_space<hbm>>) dst(%arg15 : memref<1x128xf32, #tpu.memory_space<vmem>>)
      %while3A_165 = arith.constant 0 : i32
      scf.yield %while3A_165 : i32
    }
    %while3A_156 = arith.constant 1 : i32
    %while3A_157 = scf.for %while3A_158 = %while3A_153 to %while3A_149 step %while3A_156 iter_args(%while3A_159 = %while3A_155) -> (i32)  : i32 {
      %dma_wait3A = arith.constant 0 : i32
      %dma_wait3A_160 = arith.constant 0 : i32
      %dma_wait3A_161 = tpu.memref_slice %arg7[%dma_wait3A, %dma_wait3A_160] : memref<10000x128xf32, #tpu.memory_space<hbm>> -> memref<1x128xf32, #tpu.memory_space<hbm>>
      %dma_wait3A_162 = arith.constant 0 : i32
      %dma_wait3A_163 = arith.constant 0 : i32
      %dma_wait3A_164 = tpu.memref_slice %arg7[%dma_wait3A_162, %dma_wait3A_163] : memref<10000x128xf32, #tpu.memory_space<hbm>> -> memref<1x128xf32, #tpu.memory_space<hbm>>
      tpu.wait_dma2 semaphore(%arg21 : memref<!tpu.dma_semaphore, #tpu.memory_space<semaphore_mem>>) src(%dma_wait3A_164 : memref<1x128xf32, #tpu.memory_space<hbm>>) dst(%arg15 : memref<1x128xf32, #tpu.memory_space<vmem>>)
      %while3A_165 = arith.constant 0 : i32
      scf.yield %while3A_165 : i32
    }
    return
  }
}

module attributes {stable_mosaic.version = 14 : i64} {
  func.func @_merge_body(%arg0: memref<10000x128xf32, #tpu.memory_space<vmem>>, %arg1: memref<64x128xf32, #tpu.memory_space<vmem>>, %arg2: memref<64x16xi32, #tpu.memory_space<smem>>, %arg3: memref<10000x128xf32, #tpu.memory_space<vmem>>) attributes {dimension_semantics = [], scalar_prefetch = 0 : i64, scratch_operands = 0 : i64, tpu.core_type = #tpu.core_type<tc>} {
    %broadcast_in_dim3A = arith.constant 0.000000e+00 : f32
    %broadcast_in_dim3A_0 = vector.broadcast %broadcast_in_dim3A : f32 to vector<1x128xf32>
    %get3A = arith.constant 0 : index
    %get3A_1 = arith.constant 0 : index
    %get3A_2 = vector.load %arg0[%get3A, %get3A_1] : memref<10000x128xf32, #tpu.memory_space<vmem>>, vector<10000x128xf32>
    %swap3A = arith.constant 0 : index
    %swap3A_3 = arith.constant 0 : index
    %swap3A_4 = vector.load %arg3[%swap3A, %swap3A_3] : memref<10000x128xf32, #tpu.memory_space<vmem>>, vector<10000x128xf32>
    tpu.vector_store %arg3[%swap3A, %swap3A_3], %get3A_2 {strides = array<i32>} : memref<10000x128xf32, #tpu.memory_space<vmem>>, vector<10000x128xf32>,
    %scan3A = arith.constant -1 : i32
    %scan3A_5 = arith.constant 0 : i32
    %scan3A_6 = arith.constant 64 : i32
    %scan3A_7 = arith.addi %scan3A_5, %scan3A_6 : i32
    %scan3A_8 = arith.constant 1 : i32
    %scan3A_9:2 = scf.for %scan3A_13 = %scan3A_5 to %scan3A_7 step %scan3A_8 iter_args(%scan3A_14 = %scan3A, %scan3A_15 = %broadcast_in_dim3A_0) -> (i32, vector<1x128xf32>)  : i32 {
      %get3A_16 = arith.index_cast %scan3A_13 : i32 to index
      %get3A_17 = arith.constant 0 : index
      %get3A_18 = memref.load %arg2[%get3A_16, %get3A_17] : memref<64x16xi32, #tpu.memory_space<smem>>
      %get3A_19 = arith.index_cast %scan3A_13 : i32 to index
      %get3A_20 = arith.constant 0 : index
      %get3A_21 = vector.load %arg1[%get3A_19, %get3A_20] : memref<64x128xf32, #tpu.memory_space<vmem>>, vector<1x128xf32>
      %ge3A_22 = arith.constant 0 : i32
      %ge3A_23 = arith.cmpi sge, %get3A_18, %ge3A_22 : i32
      %eq3A = arith.cmpi eq, %get3A_18, %scan3A_14 : i32
      %and3A = arith.andi %ge3A_23, %eq3A : i1
      %ne3A = arith.cmpi ne, %get3A_18, %scan3A_14 : i32
      %and3A_24 = arith.andi %ge3A_23, %ne3A : i1
      %ge3A_25 = arith.constant 0 : i32
      %ge3A_26 = arith.cmpi sge, %scan3A_14, %ge3A_25 : i32
      %and3A_27 = arith.andi %and3A_24, %ge3A_26 : i1
      %convert_element_type3A_28 = arith.extui %and3A_27 : i1 to i32
      %cond3A_29 = arith.constant 0 : i32
      %cond3A_30 = arith.cmpi ne, %convert_element_type3A_28, %cond3A_29 : i32
      scf.if %cond3A_30 {
        %swap3A_34 = arith.index_cast %scan3A_14 : i32 to index
        %swap3A_35 = arith.constant 0 : index
        %swap3A_36 = vector.load %arg3[%swap3A_34, %swap3A_35] : memref<10000x128xf32, #tpu.memory_space<vmem>>, vector<1x128xf32>
        tpu.vector_store %arg3[%swap3A_34, %swap3A_35], %scan3A_15 {strides = array<i32>} : memref<10000x128xf32, #tpu.memory_space<vmem>>, vector<1x128xf32>,
      } else {
      }
      %add3A = arith.addf %scan3A_15, %get3A_21 : vector<1x128xf32>
      %add3A_31 = arith.addf %broadcast_in_dim3A_0, %get3A_21 : vector<1x128xf32>
      %select_n3A = arith.select %ge3A_23, %add3A_31, %scan3A_15 : vector<1x128xf32>
      %select_n3A_32 = arith.select %and3A, %add3A, %select_n3A : vector<1x128xf32>
      %select_n3A_33 = arith.select %and3A_24, %get3A_18, %scan3A_14 : i32
      scf.yield %select_n3A_33, %select_n3A_32 : i32, vector<1x128xf32>
    }
    %scan3A_10 = arith.constant 64 : i32
    %ge3A = arith.constant 0 : i32
    %ge3A_11 = arith.cmpi sge, %scan3A_9#0, %ge3A : i32
    %convert_element_type3A = arith.extui %ge3A_11 : i1 to i32
    %cond3A = arith.constant 0 : i32
    %cond3A_12 = arith.cmpi ne, %convert_element_type3A, %cond3A : i32
    scf.if %cond3A_12 {
      %swap3A_13 = arith.index_cast %scan3A_9#0 : i32 to index
      %swap3A_14 = arith.constant 0 : index
      %swap3A_15 = vector.load %arg3[%swap3A_13, %swap3A_14] : memref<10000x128xf32, #tpu.memory_space<vmem>>, vector<1x128xf32>
      tpu.vector_store %arg3[%swap3A_13, %swap3A_14], %scan3A_9#1 {strides = array<i32>} : memref<10000x128xf32, #tpu.memory_space<vmem>>, vector<1x128xf32>,
    } else {
    }
    return
  }
}

module attributes {stable_mosaic.version = 14 : i64} {
  func.func @_norm_body(%arg0: i32, %arg1: memref<400x128xf32, #tpu.memory_space<vmem>>, %arg2: memref<400x128xf32, #tpu.memory_space<vmem>>) attributes {dimension_semantics = [#tpu.dimension_semantics<arbitrary>], iteration_bounds = array<i64: 25>, scalar_prefetch = 0 : i64, scratch_operands = 0 : i64, tpu.core_type = #tpu.core_type<tc>, window_params = [{transform_indices = @transform_0, window_bounds = array<i64: 400, 128>}, {transform_indices = @transform_1, window_bounds = array<i64: 400, 128>}]} {
    %get3A = arith.constant 0 : index
    %get3A_0 = arith.constant 0 : index
    %get3A_1 = vector.load %arg1[%get3A, %get3A_0] : memref<400x128xf32, #tpu.memory_space<vmem>>, vector<400x128xf32>
    %slice3A = vector.extract_strided_slice %get3A_1 {offsets = [0, 0], sizes = [400, 8], strides = [1, 1]} : vector<400x128xf32> to vector<400x8xf32>
    %slice3A_2 = vector.extract_strided_slice %get3A_1 {offsets = [0, 0], sizes = [400, 8], strides = [1, 1]} : vector<400x128xf32> to vector<400x8xf32>
    %mul3A = arith.mulf %slice3A, %slice3A_2 : vector<400x8xf32>
    %slice3A_3 = vector.extract_strided_slice %get3A_1 {offsets = [0, 8], sizes = [400, 8], strides = [1, 1]} : vector<400x128xf32> to vector<400x8xf32>
    %mul3A_4 = arith.mulf %slice3A_3, %slice3A_3 : vector<400x8xf32>
    %add3A = arith.addf %mul3A, %mul3A_4 : vector<400x8xf32>
    %slice3A_5 = vector.extract_strided_slice %get3A_1 {offsets = [0, 16], sizes = [400, 8], strides = [1, 1]} : vector<400x128xf32> to vector<400x8xf32>
    %mul3A_6 = arith.mulf %slice3A_5, %slice3A_5 : vector<400x8xf32>
    %add3A_7 = arith.addf %add3A, %mul3A_6 : vector<400x8xf32>
    %slice3A_8 = vector.extract_strided_slice %get3A_1 {offsets = [0, 24], sizes = [400, 8], strides = [1, 1]} : vector<400x128xf32> to vector<400x8xf32>
    %mul3A_9 = arith.mulf %slice3A_8, %slice3A_8 : vector<400x8xf32>
    %add3A_10 = arith.addf %add3A_7, %mul3A_9 : vector<400x8xf32>
    %slice3A_11 = vector.extract_strided_slice %get3A_1 {offsets = [0, 32], sizes = [400, 8], strides = [1, 1]} : vector<400x128xf32> to vector<400x8xf32>
    %mul3A_12 = arith.mulf %slice3A_11, %slice3A_11 : vector<400x8xf32>
    %add3A_13 = arith.addf %add3A_10, %mul3A_12 : vector<400x8xf32>
    %slice3A_14 = vector.extract_strided_slice %get3A_1 {offsets = [0, 40], sizes = [400, 8], strides = [1, 1]} : vector<400x128xf32> to vector<400x8xf32>
    %mul3A_15 = arith.mulf %slice3A_14, %slice3A_14 : vector<400x8xf32>
    %add3A_16 = arith.addf %add3A_13, %mul3A_15 : vector<400x8xf32>
    %slice3A_17 = vector.extract_strided_slice %get3A_1 {offsets = [0, 48], sizes = [400, 8], strides = [1, 1]} : vector<400x128xf32> to vector<400x8xf32>
    %mul3A_18 = arith.mulf %slice3A_17, %slice3A_17 : vector<400x8xf32>
    %add3A_19 = arith.addf %add3A_16, %mul3A_18 : vector<400x8xf32>
    %slice3A_20 = vector.extract_strided_slice %get3A_1 {offsets = [0, 56], sizes = [400, 8], strides = [1, 1]} : vector<400x128xf32> to vector<400x8xf32>
    %mul3A_21 = arith.mulf %slice3A_20, %slice3A_20 : vector<400x8xf32>
    %add3A_22 = arith.addf %add3A_19, %mul3A_21 : vector<400x8xf32>
    %slice3A_23 = vector.extract_strided_slice %get3A_1 {offsets = [0, 64], sizes = [400, 8], strides = [1, 1]} : vector<400x128xf32> to vector<400x8xf32>
    %mul3A_24 = arith.mulf %slice3A_23, %slice3A_23 : vector<400x8xf32>
    %add3A_25 = arith.addf %add3A_22, %mul3A_24 : vector<400x8xf32>
    %slice3A_26 = vector.extract_strided_slice %get3A_1 {offsets = [0, 72], sizes = [400, 8], strides = [1, 1]} : vector<400x128xf32> to vector<400x8xf32>
    %mul3A_27 = arith.mulf %slice3A_26, %slice3A_26 : vector<400x8xf32>
    %add3A_28 = arith.addf %add3A_25, %mul3A_27 : vector<400x8xf32>
    %slice3A_29 = vector.extract_strided_slice %get3A_1 {offsets = [0, 80], sizes = [400, 8], strides = [1, 1]} : vector<400x128xf32> to vector<400x8xf32>
    %mul3A_30 = arith.mulf %slice3A_29, %slice3A_29 : vector<400x8xf32>
    %add3A_31 = arith.addf %add3A_28, %mul3A_30 : vector<400x8xf32>
    %slice3A_32 = vector.extract_strided_slice %get3A_1 {offsets = [0, 88], sizes = [400, 8], strides = [1, 1]} : vector<400x128xf32> to vector<400x8xf32>
    %mul3A_33 = arith.mulf %slice3A_32, %slice3A_32 : vector<400x8xf32>
    %add3A_34 = arith.addf %add3A_31, %mul3A_33 : vector<400x8xf32>
    %slice3A_35 = vector.extract_strided_slice %get3A_1 {offsets = [0, 96], sizes = [400, 8], strides = [1, 1]} : vector<400x128xf32> to vector<400x8xf32>
    %mul3A_36 = arith.mulf %slice3A_35, %slice3A_35 : vector<400x8xf32>
    %add3A_37 = arith.addf %add3A_34, %mul3A_36 : vector<400x8xf32>
    %slice3A_38 = vector.extract_strided_slice %get3A_1 {offsets = [0, 104], sizes = [400, 8], strides = [1, 1]} : vector<400x128xf32> to vector<400x8xf32>
    %mul3A_39 = arith.mulf %slice3A_38, %slice3A_38 : vector<400x8xf32>
    %add3A_40 = arith.addf %add3A_37, %mul3A_39 : vector<400x8xf32>
    %slice3A_41 = vector.extract_strided_slice %get3A_1 {offsets = [0, 112], sizes = [400, 8], strides = [1, 1]} : vector<400x128xf32> to vector<400x8xf32>
    %mul3A_42 = arith.mulf %slice3A_41, %slice3A_41 : vector<400x8xf32>
    %add3A_43 = arith.addf %add3A_40, %mul3A_42 : vector<400x8xf32>
    %slice3A_44 = vector.extract_strided_slice %get3A_1 {offsets = [0, 120], sizes = [400, 8], strides = [1, 1]} : vector<400x128xf32> to vector<400x8xf32>
    %mul3A_45 = arith.mulf %slice3A_44, %slice3A_44 : vector<400x8xf32>
    %add3A_46 = arith.addf %add3A_43, %mul3A_45 : vector<400x8xf32>
    %slice3A_47 = vector.extract_strided_slice %add3A_46 {offsets = [0, 0], sizes = [400, 4], strides = [1, 1]} : vector<400x8xf32> to vector<400x4xf32>
    %slice3A_48 = vector.extract_strided_slice %add3A_46 {offsets = [0, 4], sizes = [400, 4], strides = [1, 1]} : vector<400x8xf32> to vector<400x4xf32>
    %add3A_49 = arith.addf %slice3A_47, %slice3A_48 : vector<400x4xf32>
    %slice3A_50 = vector.extract_strided_slice %add3A_49 {offsets = [0, 0], sizes = [400, 2], strides = [1, 1]} : vector<400x4xf32> to vector<400x2xf32>
    %slice3A_51 = vector.extract_strided_slice %add3A_49 {offsets = [0, 2], sizes = [400, 2], strides = [1, 1]} : vector<400x4xf32> to vector<400x2xf32>
    %add3A_52 = arith.addf %slice3A_50, %slice3A_51 : vector<400x2xf32>
    %slice3A_53 = vector.extract_strided_slice %add3A_52 {offsets = [0, 0], sizes = [400, 1], strides = [1, 1]} : vector<400x2xf32> to vector<400x1xf32>
    %slice3A_54 = vector.extract_strided_slice %add3A_52 {offsets = [0, 1], sizes = [400, 1], strides = [1, 1]} : vector<400x2xf32> to vector<400x1xf32>
    %add3A_55 = arith.addf %slice3A_53, %slice3A_54 : vector<400x1xf32>
    %sqrt3A = math.sqrt %add3A_55 : vector<400x1xf32>
    %max3A = arith.constant 9.99999996E-13 : f32
    %max3A_56 = vector.broadcast %max3A : f32 to vector<400x1xf32>
    %max3A_57 = arith.maximumf %sqrt3A, %max3A_56 : vector<400x1xf32>
    %div3A = vector.broadcast %max3A_57 : vector<400x1xf32> to vector<400x128xf32>
    %div3A_58 = arith.divf %get3A_1, %div3A : vector<400x128xf32>
    %swap3A = arith.constant 0 : index
    %swap3A_59 = arith.constant 0 : index
    %swap3A_60 = vector.load %arg2[%swap3A, %swap3A_59] : memref<400x128xf32, #tpu.memory_space<vmem>>, vector<400x128xf32>
    tpu.vector_store %arg2[%swap3A, %swap3A_59], %div3A_58 {strides = array<i32>} : memref<400x128xf32, #tpu.memory_space<vmem>>, vector<400x128xf32>,
    return
  }
  func.func @transform_0(%arg0: i32) -> (i32, i32) {
    %c0_i32 = arith.constant 0 : i32
    %c0_i32_0 = arith.constant 0 : i32
    return %arg0, %c0_i32 : i32, i32
  }
  func.func @transform_1(%arg0: i32) -> (i32, i32) {
    %c0_i32 = arith.constant 0 : i32
    %c0_i32_0 = arith.constant 0 : i32
    return %arg0, %c0_i32 : i32, i32
  }
}

module attributes {stable_mosaic.version = 14 : i64} {
  func.func @_scores_body(%arg0: i32, %arg1: memref<400x128xf32, #tpu.memory_space<vmem>>, %arg2: memref<400x1xf32, #tpu.memory_space<vmem>>) attributes {dimension_semantics = [#tpu.dimension_semantics<arbitrary>], iteration_bounds = array<i64: 25>, scalar_prefetch = 0 : i64, scratch_operands = 0 : i64, tpu.core_type = #tpu.core_type<tc>, window_params = [{transform_indices = @transform_0, window_bounds = array<i64: 400, 128>}, {transform_indices = @transform_1, window_bounds = array<i64: 400, 1>}]} {
    %get3A = arith.constant 0 : index
    %get3A_0 = arith.constant 0 : index
    %get3A_1 = vector.load %arg1[%get3A, %get3A_0] : memref<400x128xf32, #tpu.memory_space<vmem>>, vector<400x128xf32>
    %reduce_max3A = arith.constant dense<0xFF800000> : vector<400xf32>
    %reduce_max3A_2 = vector.multi_reduction <maximumf>, %get3A_1, %reduce_max3A [1] : vector<400x128xf32> to vector<400xf32>
    %broadcast_in_dim3A = vector.shape_cast %reduce_max3A_2 : vector<400xf32> to vector<400x1xf32>
    %swap3A = arith.constant 0 : index
    %swap3A_3 = arith.constant 0 : index
    %swap3A_4 = vector.load %arg2[%swap3A, %swap3A_3] : memref<400x1xf32, #tpu.memory_space<vmem>>, vector<400x1xf32>
    tpu.vector_store %arg2[%swap3A, %swap3A_3], %broadcast_in_dim3A {strides = array<i32>} : memref<400x1xf32, #tpu.memory_space<vmem>>, vector<400x1xf32>,
    return
  }
  func.func @transform_0(%arg0: i32) -> (i32, i32) {
    %c0_i32 = arith.constant 0 : i32
    %c0_i32_0 = arith.constant 0 : i32
    return %arg0, %c0_i32 : i32, i32
  }
  func.func @transform_1(%arg0: i32) -> (i32, i32) {
    %c0_i32 = arith.constant 0 : i32
    %c0_i32_0 = arith.constant 0 : i32
    return %arg0, %c0_i32 : i32, i32
  }
}

module attributes {stable_mosaic.version = 14 : i64} {
  func.func @_norm_body(%arg0: i32, %arg1: memref<400x128xf32, #tpu.memory_space<vmem>>, %arg2: memref<400x128xf32, #tpu.memory_space<vmem>>) attributes {dimension_semantics = [#tpu.dimension_semantics<arbitrary>], iteration_bounds = array<i64: 25>, scalar_prefetch = 0 : i64, scratch_operands = 0 : i64, tpu.core_type = #tpu.core_type<tc>, window_params = [{transform_indices = @transform_0, window_bounds = array<i64: 400, 128>}, {transform_indices = @transform_1, window_bounds = array<i64: 400, 128>}]} {
    %get3A = arith.constant 0 : index
    %get3A_0 = arith.constant 0 : index
    %get3A_1 = vector.load %arg1[%get3A, %get3A_0] : memref<400x128xf32, #tpu.memory_space<vmem>>, vector<400x128xf32>
    %slice3A = vector.extract_strided_slice %get3A_1 {offsets = [0, 0], sizes = [400, 8], strides = [1, 1]} : vector<400x128xf32> to vector<400x8xf32>
    %slice3A_2 = vector.extract_strided_slice %get3A_1 {offsets = [0, 0], sizes = [400, 8], strides = [1, 1]} : vector<400x128xf32> to vector<400x8xf32>
    %mul3A = arith.mulf %slice3A, %slice3A_2 : vector<400x8xf32>
    %slice3A_3 = vector.extract_strided_slice %get3A_1 {offsets = [0, 8], sizes = [400, 8], strides = [1, 1]} : vector<400x128xf32> to vector<400x8xf32>
    %mul3A_4 = arith.mulf %slice3A_3, %slice3A_3 : vector<400x8xf32>
    %add3A = arith.addf %mul3A, %mul3A_4 : vector<400x8xf32>
    %slice3A_5 = vector.extract_strided_slice %get3A_1 {offsets = [0, 16], sizes = [400, 8], strides = [1, 1]} : vector<400x128xf32> to vector<400x8xf32>
    %mul3A_6 = arith.mulf %slice3A_5, %slice3A_5 : vector<400x8xf32>
    %add3A_7 = arith.addf %add3A, %mul3A_6 : vector<400x8xf32>
    %slice3A_8 = vector.extract_strided_slice %get3A_1 {offsets = [0, 24], sizes = [400, 8], strides = [1, 1]} : vector<400x128xf32> to vector<400x8xf32>
    %mul3A_9 = arith.mulf %slice3A_8, %slice3A_8 : vector<400x8xf32>
    %add3A_10 = arith.addf %add3A_7, %mul3A_9 : vector<400x8xf32>
    %slice3A_11 = vector.extract_strided_slice %get3A_1 {offsets = [0, 32], sizes = [400, 8], strides = [1, 1]} : vector<400x128xf32> to vector<400x8xf32>
    %mul3A_12 = arith.mulf %slice3A_11, %slice3A_11 : vector<400x8xf32>
    %add3A_13 = arith.addf %add3A_10, %mul3A_12 : vector<400x8xf32>
    %slice3A_14 = vector.extract_strided_slice %get3A_1 {offsets = [0, 40], sizes = [400, 8], strides = [1, 1]} : vector<400x128xf32> to vector<400x8xf32>
    %mul3A_15 = arith.mulf %slice3A_14, %slice3A_14 : vector<400x8xf32>
    %add3A_16 = arith.addf %add3A_13, %mul3A_15 : vector<400x8xf32>
    %slice3A_17 = vector.extract_strided_slice %get3A_1 {offsets = [0, 48], sizes = [400, 8], strides = [1, 1]} : vector<400x128xf32> to vector<400x8xf32>
    %mul3A_18 = arith.mulf %slice3A_17, %slice3A_17 : vector<400x8xf32>
    %add3A_19 = arith.addf %add3A_16, %mul3A_18 : vector<400x8xf32>
    %slice3A_20 = vector.extract_strided_slice %get3A_1 {offsets = [0, 56], sizes = [400, 8], strides = [1, 1]} : vector<400x128xf32> to vector<400x8xf32>
    %mul3A_21 = arith.mulf %slice3A_20, %slice3A_20 : vector<400x8xf32>
    %add3A_22 = arith.addf %add3A_19, %mul3A_21 : vector<400x8xf32>
    %slice3A_23 = vector.extract_strided_slice %get3A_1 {offsets = [0, 64], sizes = [400, 8], strides = [1, 1]} : vector<400x128xf32> to vector<400x8xf32>
    %mul3A_24 = arith.mulf %slice3A_23, %slice3A_23 : vector<400x8xf32>
    %add3A_25 = arith.addf %add3A_22, %mul3A_24 : vector<400x8xf32>
    %slice3A_26 = vector.extract_strided_slice %get3A_1 {offsets = [0, 72], sizes = [400, 8], strides = [1, 1]} : vector<400x128xf32> to vector<400x8xf32>
    %mul3A_27 = arith.mulf %slice3A_26, %slice3A_26 : vector<400x8xf32>
    %add3A_28 = arith.addf %add3A_25, %mul3A_27 : vector<400x8xf32>
    %slice3A_29 = vector.extract_strided_slice %get3A_1 {offsets = [0, 80], sizes = [400, 8], strides = [1, 1]} : vector<400x128xf32> to vector<400x8xf32>
    %mul3A_30 = arith.mulf %slice3A_29, %slice3A_29 : vector<400x8xf32>
    %add3A_31 = arith.addf %add3A_28, %mul3A_30 : vector<400x8xf32>
    %slice3A_32 = vector.extract_strided_slice %get3A_1 {offsets = [0, 88], sizes = [400, 8], strides = [1, 1]} : vector<400x128xf32> to vector<400x8xf32>
    %mul3A_33 = arith.mulf %slice3A_32, %slice3A_32 : vector<400x8xf32>
    %add3A_34 = arith.addf %add3A_31, %mul3A_33 : vector<400x8xf32>
    %slice3A_35 = vector.extract_strided_slice %get3A_1 {offsets = [0, 96], sizes = [400, 8], strides = [1, 1]} : vector<400x128xf32> to vector<400x8xf32>
    %mul3A_36 = arith.mulf %slice3A_35, %slice3A_35 : vector<400x8xf32>
    %add3A_37 = arith.addf %add3A_34, %mul3A_36 : vector<400x8xf32>
    %slice3A_38 = vector.extract_strided_slice %get3A_1 {offsets = [0, 104], sizes = [400, 8], strides = [1, 1]} : vector<400x128xf32> to vector<400x8xf32>
    %mul3A_39 = arith.mulf %slice3A_38, %slice3A_38 : vector<400x8xf32>
    %add3A_40 = arith.addf %add3A_37, %mul3A_39 : vector<400x8xf32>
    %slice3A_41 = vector.extract_strided_slice %get3A_1 {offsets = [0, 112], sizes = [400, 8], strides = [1, 1]} : vector<400x128xf32> to vector<400x8xf32>
    %mul3A_42 = arith.mulf %slice3A_41, %slice3A_41 : vector<400x8xf32>
    %add3A_43 = arith.addf %add3A_40, %mul3A_42 : vector<400x8xf32>
    %slice3A_44 = vector.extract_strided_slice %get3A_1 {offsets = [0, 120], sizes = [400, 8], strides = [1, 1]} : vector<400x128xf32> to vector<400x8xf32>
    %mul3A_45 = arith.mulf %slice3A_44, %slice3A_44 : vector<400x8xf32>
    %add3A_46 = arith.addf %add3A_43, %mul3A_45 : vector<400x8xf32>
    %slice3A_47 = vector.extract_strided_slice %add3A_46 {offsets = [0, 0], sizes = [400, 4], strides = [1, 1]} : vector<400x8xf32> to vector<400x4xf32>
    %slice3A_48 = vector.extract_strided_slice %add3A_46 {offsets = [0, 4], sizes = [400, 4], strides = [1, 1]} : vector<400x8xf32> to vector<400x4xf32>
    %add3A_49 = arith.addf %slice3A_47, %slice3A_48 : vector<400x4xf32>
    %slice3A_50 = vector.extract_strided_slice %add3A_49 {offsets = [0, 0], sizes = [400, 2], strides = [1, 1]} : vector<400x4xf32> to vector<400x2xf32>
    %slice3A_51 = vector.extract_strided_slice %add3A_49 {offsets = [0, 2], sizes = [400, 2], strides = [1, 1]} : vector<400x4xf32> to vector<400x2xf32>
    %add3A_52 = arith.addf %slice3A_50, %slice3A_51 : vector<400x2xf32>
    %slice3A_53 = vector.extract_strided_slice %add3A_52 {offsets = [0, 0], sizes = [400, 1], strides = [1, 1]} : vector<400x2xf32> to vector<400x1xf32>
    %slice3A_54 = vector.extract_strided_slice %add3A_52 {offsets = [0, 1], sizes = [400, 1], strides = [1, 1]} : vector<400x2xf32> to vector<400x1xf32>
    %add3A_55 = arith.addf %slice3A_53, %slice3A_54 : vector<400x1xf32>
    %sqrt3A = math.sqrt %add3A_55 : vector<400x1xf32>
    %max3A = arith.constant 9.99999996E-13 : f32
    %max3A_56 = vector.broadcast %max3A : f32 to vector<400x1xf32>
    %max3A_57 = arith.maximumf %sqrt3A, %max3A_56 : vector<400x1xf32>
    %div3A = vector.broadcast %max3A_57 : vector<400x1xf32> to vector<400x128xf32>
    %div3A_58 = arith.divf %get3A_1, %div3A : vector<400x128xf32>
    %swap3A = arith.constant 0 : index
    %swap3A_59 = arith.constant 0 : index
    %swap3A_60 = vector.load %arg2[%swap3A, %swap3A_59] : memref<400x128xf32, #tpu.memory_space<vmem>>, vector<400x128xf32>
    tpu.vector_store %arg2[%swap3A, %swap3A_59], %div3A_58 {strides = array<i32>} : memref<400x128xf32, #tpu.memory_space<vmem>>, vector<400x128xf32>,
    return
  }
  func.func @transform_0(%arg0: i32) -> (i32, i32) {
    %c0_i32 = arith.constant 0 : i32
    %c0_i32_0 = arith.constant 0 : i32
    return %arg0, %c0_i32 : i32, i32
  }
  func.func @transform_1(%arg0: i32) -> (i32, i32) {
    %c0_i32 = arith.constant 0 : i32
    %c0_i32_0 = arith.constant 0 : i32
    return %arg0, %c0_i32 : i32, i32
  }
}

module attributes {stable_mosaic.version = 14 : i64} {
  func.func @_extract_body(%arg0: memref<10000x128xf32, #tpu.memory_space<vmem>>, %arg1: memref<10000x128xf32, #tpu.memory_space<vmem>>, %arg2: memref<10000x128xf32, #tpu.memory_space<vmem>>, %arg3: memref<10000x1xf32, #tpu.memory_space<vmem>>, %arg4: memref<5x128xf32, #tpu.memory_space<vmem>>, %arg5: memref<5x10000xf32, #tpu.memory_space<vmem>>, %arg6: memref<5x128xf32, #tpu.memory_space<vmem>>, %arg7: memref<8xi32, #tpu.memory_space<smem>>, %arg8: memref<8xf32, #tpu.memory_space<smem>>) attributes {dimension_semantics = [], scalar_prefetch = 0 : i64, scratch_operands = 0 : i64, tpu.core_type = #tpu.core_type<tc>} {
    %get3A = arith.constant 0 : index
    %get3A_0 = arith.constant 0 : index
    %get3A_1 = vector.load %arg3[%get3A, %get3A_0] : memref<10000x1xf32, #tpu.memory_space<vmem>>, vector<10000x1xf32>
    %bitcast_convert_type3A = tpu.bitcast %get3A_1 : vector<10000x1xf32> -> vector<10000x1xi32>
    %shift_right_arithmetic3A = arith.constant 31 : i32
    %shift_right_arithmetic3A_2 = vector.broadcast %shift_right_arithmetic3A : i32 to vector<10000x1xi32>
    %shift_right_arithmetic3A_3 = arith.shrsi %bitcast_convert_type3A, %shift_right_arithmetic3A_2 : vector<10000x1xi32>
    %and3A = arith.constant 2147483647 : i32
    %and3A_4 = vector.broadcast %and3A : i32 to vector<10000x1xi32>
    %and3A_5 = arith.andi %shift_right_arithmetic3A_3, %and3A_4 : vector<10000x1xi32>
    %xor3A = arith.xori %bitcast_convert_type3A, %and3A_5 : vector<10000x1xi32>
    %iota3A = tpu.iota {dimensions = array<i32: 0>} : vector<10000x1xi32>
    %reduce_max3A = vector.shape_cast %xor3A : vector<10000x1xi32> to vector<1x10000x1xi32>
    %reduce_max3A_6 = arith.constant dense<-2147483648> : vector<1xi32>
    %reduce_max3A_7 = vector.multi_reduction <maxsi>, %reduce_max3A, %reduce_max3A_6 [1, 2] : vector<1x10000x1xi32> to vector<1xi32>
    %reduce_max3A_8 = vector.shape_cast %reduce_max3A_7 : vector<1xi32> to vector<1x1x1xi32>
    %reduce_max3A_9 = vector.extract %reduce_max3A_8[0, 0, 0] : i32 from vector<1x1x1xi32>
    %eq3A = vector.broadcast %reduce_max3A_9 : i32 to vector<10000x1xi32>
    %eq3A_10 = arith.cmpi eq, %xor3A, %eq3A : vector<10000x1xi32>
    %jit3A = arith.constant 10000 : i32
    %broadcast_in_dim3A = vector.broadcast %jit3A : i32 to vector<10000x1xi32>
    %select_n3A = arith.select %eq3A_10, %iota3A, %broadcast_in_dim3A : vector<10000x1xi1>, vector<10000x1xi32>
    %reduce_min3A = vector.shape_cast %select_n3A : vector<10000x1xi32> to vector<1x10000x1xi32>
    %reduce_min3A_11 = arith.constant dense<2147483647> : vector<1xi32>
    %reduce_min3A_12 = vector.multi_reduction <minsi>, %reduce_min3A, %reduce_min3A_11 [1, 2] : vector<1x10000x1xi32> to vector<1xi32>
    %reduce_min3A_13 = vector.shape_cast %reduce_min3A_12 : vector<1xi32> to vector<1x1x1xi32>
    %reduce_min3A_14 = vector.extract %reduce_min3A_13[0, 0, 0] : i32 from vector<1x1x1xi32>
    %swap3A = arith.constant 0 : index
    %swap3A_15 = memref.load %arg7[%swap3A] : memref<8xi32, #tpu.memory_space<smem>>
    memref.store %reduce_min3A_14, %arg7[%swap3A] : memref<8xi32, #tpu.memory_space<smem>>
    %eq3A_16 = vector.broadcast %reduce_min3A_14 : i32 to vector<10000x1xi32>
    %eq3A_17 = arith.cmpi eq, %iota3A, %eq3A_16 : vector<10000x1xi32>
    %jit3A_18 = arith.constant -2147483648 : i32
    %broadcast_in_dim3A_19 = vector.broadcast %jit3A_18 : i32 to vector<10000x1xi32>
    %select_n3A_20 = arith.select %eq3A_17, %broadcast_in_dim3A_19, %xor3A : vector<10000x1xi1>, vector<10000x1xi32>
    %reduce_max3A_21 = vector.shape_cast %select_n3A_20 : vector<10000x1xi32> to vector<1x10000x1xi32>
    %reduce_max3A_22 = arith.constant dense<-2147483648> : vector<1xi32>
    %reduce_max3A_23 = vector.multi_reduction <maxsi>, %reduce_max3A_21, %reduce_max3A_22 [1, 2] : vector<1x10000x1xi32> to vector<1xi32>
    %reduce_max3A_24 = vector.shape_cast %reduce_max3A_23 : vector<1xi32> to vector<1x1x1xi32>
    %reduce_max3A_25 = vector.extract %reduce_max3A_24[0, 0, 0] : i32 from vector<1x1x1xi32>
    %eq3A_26 = vector.broadcast %reduce_max3A_25 : i32 to vector<10000x1xi32>
    %eq3A_27 = arith.cmpi eq, %select_n3A_20, %eq3A_26 : vector<10000x1xi32>
    %jit3A_28 = arith.constant 10000 : i32
    %broadcast_in_dim3A_29 = vector.broadcast %jit3A_28 : i32 to vector<10000x1xi32>
    %select_n3A_30 = arith.select %eq3A_27, %iota3A, %broadcast_in_dim3A_29 : vector<10000x1xi1>, vector<10000x1xi32>
    %reduce_min3A_31 = vector.shape_cast %select_n3A_30 : vector<10000x1xi32> to vector<1x10000x1xi32>
    %reduce_min3A_32 = arith.constant dense<2147483647> : vector<1xi32>
    %reduce_min3A_33 = vector.multi_reduction <minsi>, %reduce_min3A_31, %reduce_min3A_32 [1, 2] : vector<1x10000x1xi32> to vector<1xi32>
    %reduce_min3A_34 = vector.shape_cast %reduce_min3A_33 : vector<1xi32> to vector<1x1x1xi32>
    %reduce_min3A_35 = vector.extract %reduce_min3A_34[0, 0, 0] : i32 from vector<1x1x1xi32>
    %swap3A_36 = arith.constant 1 : index
    %swap3A_37 = memref.load %arg7[%swap3A_36] : memref<8xi32, #tpu.memory_space<smem>>
    memref.store %reduce_min3A_35, %arg7[%swap3A_36] : memref<8xi32, #tpu.memory_space<smem>>
    %eq3A_38 = vector.broadcast %reduce_min3A_35 : i32 to vector<10000x1xi32>
    %eq3A_39 = arith.cmpi eq, %iota3A, %eq3A_38 : vector<10000x1xi32>
    %jit3A_40 = arith.constant -2147483648 : i32
    %broadcast_in_dim3A_41 = vector.broadcast %jit3A_40 : i32 to vector<10000x1xi32>
    %select_n3A_42 = arith.select %eq3A_39, %broadcast_in_dim3A_41, %select_n3A_20 : vector<10000x1xi1>, vector<10000x1xi32>
    %reduce_max3A_43 = vector.shape_cast %select_n3A_42 : vector<10000x1xi32> to vector<1x10000x1xi32>
    %reduce_max3A_44 = arith.constant dense<-2147483648> : vector<1xi32>
    %reduce_max3A_45 = vector.multi_reduction <maxsi>, %reduce_max3A_43, %reduce_max3A_44 [1, 2] : vector<1x10000x1xi32> to vector<1xi32>
    %reduce_max3A_46 = vector.shape_cast %reduce_max3A_45 : vector<1xi32> to vector<1x1x1xi32>
    %reduce_max3A_47 = vector.extract %reduce_max3A_46[0, 0, 0] : i32 from vector<1x1x1xi32>
    %eq3A_48 = vector.broadcast %reduce_max3A_47 : i32 to vector<10000x1xi32>
    %eq3A_49 = arith.cmpi eq, %select_n3A_42, %eq3A_48 : vector<10000x1xi32>
    %jit3A_50 = arith.constant 10000 : i32
    %broadcast_in_dim3A_51 = vector.broadcast %jit3A_50 : i32 to vector<10000x1xi32>
    %select_n3A_52 = arith.select %eq3A_49, %iota3A, %broadcast_in_dim3A_51 : vector<10000x1xi1>, vector<10000x1xi32>
    %reduce_min3A_53 = vector.shape_cast %select_n3A_52 : vector<10000x1xi32> to vector<1x10000x1xi32>
    %reduce_min3A_54 = arith.constant dense<2147483647> : vector<1xi32>
    %reduce_min3A_55 = vector.multi_reduction <minsi>, %reduce_min3A_53, %reduce_min3A_54 [1, 2] : vector<1x10000x1xi32> to vector<1xi32>
    %reduce_min3A_56 = vector.shape_cast %reduce_min3A_55 : vector<1xi32> to vector<1x1x1xi32>
    %reduce_min3A_57 = vector.extract %reduce_min3A_56[0, 0, 0] : i32 from vector<1x1x1xi32>
    %swap3A_58 = arith.constant 2 : index
    %swap3A_59 = memref.load %arg7[%swap3A_58] : memref<8xi32, #tpu.memory_space<smem>>
    memref.store %reduce_min3A_57, %arg7[%swap3A_58] : memref<8xi32, #tpu.memory_space<smem>>
    %eq3A_60 = vector.broadcast %reduce_min3A_57 : i32 to vector<10000x1xi32>
    %eq3A_61 = arith.cmpi eq, %iota3A, %eq3A_60 : vector<10000x1xi32>
    %jit3A_62 = arith.constant -2147483648 : i32
    %broadcast_in_dim3A_63 = vector.broadcast %jit3A_62 : i32 to vector<10000x1xi32>
    %select_n3A_64 = arith.select %eq3A_61, %broadcast_in_dim3A_63, %select_n3A_42 : vector<10000x1xi1>, vector<10000x1xi32>
    %reduce_max3A_65 = vector.shape_cast %select_n3A_64 : vector<10000x1xi32> to vector<1x10000x1xi32>
    %reduce_max3A_66 = arith.constant dense<-2147483648> : vector<1xi32>
    %reduce_max3A_67 = vector.multi_reduction <maxsi>, %reduce_max3A_65, %reduce_max3A_66 [1, 2] : vector<1x10000x1xi32> to vector<1xi32>
    %reduce_max3A_68 = vector.shape_cast %reduce_max3A_67 : vector<1xi32> to vector<1x1x1xi32>
    %reduce_max3A_69 = vector.extract %reduce_max3A_68[0, 0, 0] : i32 from vector<1x1x1xi32>
    %eq3A_70 = vector.broadcast %reduce_max3A_69 : i32 to vector<10000x1xi32>
    %eq3A_71 = arith.cmpi eq, %select_n3A_64, %eq3A_70 : vector<10000x1xi32>
    %jit3A_72 = arith.constant 10000 : i32
    %broadcast_in_dim3A_73 = vector.broadcast %jit3A_72 : i32 to vector<10000x1xi32>
    %select_n3A_74 = arith.select %eq3A_71, %iota3A, %broadcast_in_dim3A_73 : vector<10000x1xi1>, vector<10000x1xi32>
    %reduce_min3A_75 = vector.shape_cast %select_n3A_74 : vector<10000x1xi32> to vector<1x10000x1xi32>
    %reduce_min3A_76 = arith.constant dense<2147483647> : vector<1xi32>
    %reduce_min3A_77 = vector.multi_reduction <minsi>, %reduce_min3A_75, %reduce_min3A_76 [1, 2] : vector<1x10000x1xi32> to vector<1xi32>
    %reduce_min3A_78 = vector.shape_cast %reduce_min3A_77 : vector<1xi32> to vector<1x1x1xi32>
    %reduce_min3A_79 = vector.extract %reduce_min3A_78[0, 0, 0] : i32 from vector<1x1x1xi32>
    %swap3A_80 = arith.constant 3 : index
    %swap3A_81 = memref.load %arg7[%swap3A_80] : memref<8xi32, #tpu.memory_space<smem>>
    memref.store %reduce_min3A_79, %arg7[%swap3A_80] : memref<8xi32, #tpu.memory_space<smem>>
    %eq3A_82 = vector.broadcast %reduce_min3A_79 : i32 to vector<10000x1xi32>
    %eq3A_83 = arith.cmpi eq, %iota3A, %eq3A_82 : vector<10000x1xi32>
    %jit3A_84 = arith.constant -2147483648 : i32
    %broadcast_in_dim3A_85 = vector.broadcast %jit3A_84 : i32 to vector<10000x1xi32>
    %select_n3A_86 = arith.select %eq3A_83, %broadcast_in_dim3A_85, %select_n3A_64 : vector<10000x1xi1>, vector<10000x1xi32>
    %reduce_max3A_87 = vector.shape_cast %select_n3A_86 : vector<10000x1xi32> to vector<1x10000x1xi32>
    %reduce_max3A_88 = arith.constant dense<-2147483648> : vector<1xi32>
    %reduce_max3A_89 = vector.multi_reduction <maxsi>, %reduce_max3A_87, %reduce_max3A_88 [1, 2] : vector<1x10000x1xi32> to vector<1xi32>
    %reduce_max3A_90 = vector.shape_cast %reduce_max3A_89 : vector<1xi32> to vector<1x1x1xi32>
    %reduce_max3A_91 = vector.extract %reduce_max3A_90[0, 0, 0] : i32 from vector<1x1x1xi32>
    %eq3A_92 = vector.broadcast %reduce_max3A_91 : i32 to vector<10000x1xi32>
    %eq3A_93 = arith.cmpi eq, %select_n3A_86, %eq3A_92 : vector<10000x1xi32>
    %jit3A_94 = arith.constant 10000 : i32
    %broadcast_in_dim3A_95 = vector.broadcast %jit3A_94 : i32 to vector<10000x1xi32>
    %select_n3A_96 = arith.select %eq3A_93, %iota3A, %broadcast_in_dim3A_95 : vector<10000x1xi1>, vector<10000x1xi32>
    %reduce_min3A_97 = vector.shape_cast %select_n3A_96 : vector<10000x1xi32> to vector<1x10000x1xi32>
    %reduce_min3A_98 = arith.constant dense<2147483647> : vector<1xi32>
    %reduce_min3A_99 = vector.multi_reduction <minsi>, %reduce_min3A_97, %reduce_min3A_98 [1, 2] : vector<1x10000x1xi32> to vector<1xi32>
    %reduce_min3A_100 = vector.shape_cast %reduce_min3A_99 : vector<1xi32> to vector<1x1x1xi32>
    %reduce_min3A_101 = vector.extract %reduce_min3A_100[0, 0, 0] : i32 from vector<1x1x1xi32>
    %swap3A_102 = arith.constant 4 : index
    %swap3A_103 = memref.load %arg7[%swap3A_102] : memref<8xi32, #tpu.memory_space<smem>>
    memref.store %reduce_min3A_101, %arg7[%swap3A_102] : memref<8xi32, #tpu.memory_space<smem>>
    %swap3A_104 = arith.constant 0 : i32
    %swap3A_105 = arith.constant 5 : index
    %swap3A_106 = memref.load %arg7[%swap3A_105] : memref<8xi32, #tpu.memory_space<smem>>
    memref.store %swap3A_104, %arg7[%swap3A_105] : memref<8xi32, #tpu.memory_space<smem>>
    %swap3A_107 = arith.constant 0 : i32
    %swap3A_108 = arith.constant 6 : index
    %swap3A_109 = memref.load %arg7[%swap3A_108] : memref<8xi32, #tpu.memory_space<smem>>
    memref.store %swap3A_107, %arg7[%swap3A_108] : memref<8xi32, #tpu.memory_space<smem>>
    %swap3A_110 = arith.constant 0 : i32
    %swap3A_111 = arith.constant 7 : index
    %swap3A_112 = memref.load %arg7[%swap3A_111] : memref<8xi32, #tpu.memory_space<smem>>
    memref.store %swap3A_110, %arg7[%swap3A_111] : memref<8xi32, #tpu.memory_space<smem>>
    %get3A_113 = arith.index_cast %reduce_min3A_14 : i32 to index
    %get3A_114 = arith.constant 0 : index
    %get3A_115 = vector.load %arg0[%get3A_113, %get3A_114] : memref<10000x128xf32, #tpu.memory_space<vmem>>, vector<1x128xf32>
    %get3A_116 = arith.index_cast %reduce_min3A_35 : i32 to index
    %get3A_117 = arith.constant 0 : index
    %get3A_118 = vector.load %arg0[%get3A_116, %get3A_117] : memref<10000x128xf32, #tpu.memory_space<vmem>>, vector<1x128xf32>
    %get3A_119 = arith.index_cast %reduce_min3A_57 : i32 to index
    %get3A_120 = arith.constant 0 : index
    %get3A_121 = vector.load %arg0[%get3A_119, %get3A_120] : memref<10000x128xf32, #tpu.memory_space<vmem>>, vector<1x128xf32>
    %get3A_122 = arith.index_cast %reduce_min3A_79 : i32 to index
    %get3A_123 = arith.constant 0 : index
    %get3A_124 = vector.load %arg0[%get3A_122, %get3A_123] : memref<10000x128xf32, #tpu.memory_space<vmem>>, vector<1x128xf32>
    %get3A_125 = arith.index_cast %reduce_min3A_101 : i32 to index
    %get3A_126 = arith.constant 0 : index
    %get3A_127 = vector.load %arg0[%get3A_125, %get3A_126] : memref<10000x128xf32, #tpu.memory_space<vmem>>, vector<1x128xf32>
    %concatenate3A = tpu.concatenate %get3A_115, %get3A_118, %get3A_121, %get3A_124, %get3A_127 in 0 : vector<1x128xf32>, vector<1x128xf32>, vector<1x128xf32>, vector<1x128xf32>, vector<1x128xf32> -> vector<5x128xf32>
    %swap3A_128 = arith.constant 0 : index
    %swap3A_129 = arith.constant 0 : index
    %swap3A_130 = vector.load %arg4[%swap3A_128, %swap3A_129] : memref<5x128xf32, #tpu.memory_space<vmem>>, vector<5x128xf32>
    tpu.vector_store %arg4[%swap3A_128, %swap3A_129], %concatenate3A {strides = array<i32>} : memref<5x128xf32, #tpu.memory_space<vmem>>, vector<5x128xf32>,
    %mul3A = arith.mulf %concatenate3A, %concatenate3A : vector<5x128xf32>
    %reduce_sum3A = arith.constant dense<0.000000e+00> : vector<5xf32>
    %reduce_sum3A_131 = vector.multi_reduction <add>, %mul3A, %reduce_sum3A [1] : vector<5x128xf32> to vector<5xf32>
    %broadcast_in_dim3A_132 = vector.shape_cast %reduce_sum3A_131 : vector<5xf32> to vector<5x1xf32>
    %sqrt3A = math.sqrt %broadcast_in_dim3A_132 : vector<5x1xf32>
    %max3A = arith.constant 9.99999996E-13 : f32
    %max3A_133 = vector.broadcast %max3A : f32 to vector<5x1xf32>
    %max3A_134 = arith.maximumf %sqrt3A, %max3A_133 : vector<5x1xf32>
    %div3A = vector.broadcast %max3A_134 : vector<5x1xf32> to vector<5x128xf32>
    %div3A_135 = arith.divf %concatenate3A, %div3A : vector<5x128xf32>
    %get3A_136 = arith.constant 0 : index
    %get3A_137 = arith.constant 0 : index
    %get3A_138 = vector.load %arg1[%get3A_136, %get3A_137] : memref<10000x128xf32, #tpu.memory_space<vmem>>, vector<10000x128xf32>
    %dot_general3A = arith.constant dense<0.000000e+00> : vector<5x10000xf32>
    %dot_general3A_139 = tpu.matmul %div3A_135, %get3A_138, %dot_general3A {dimension_numbers = #tpu.dot_dimension_numbers<[1], [1], [0], [0], [0, 0, 1, 0], [], []>, precision = #tpu.contract_precision<fp32>, transpose_lhs_hint = false} : vector<5x128xf32>, vector<10000x128xf32>, vector<5x10000xf32> -> vector<5x10000xf32>
    %reduce_max3A_140 = arith.constant dense<0xFF800000> : vector<5xf32>
    %reduce_max3A_141 = vector.multi_reduction <maximumf>, %dot_general3A_139, %reduce_max3A_140 [1] : vector<5x10000xf32> to vector<5xf32>
    %broadcast_in_dim3A_142 = vector.shape_cast %reduce_max3A_141 : vector<5xf32> to vector<5x1xf32>
    %sub3A = vector.broadcast %broadcast_in_dim3A_142 : vector<5x1xf32> to vector<5x10000xf32>
    %sub3A_143 = arith.subf %dot_general3A_139, %sub3A : vector<5x10000xf32>
    %exp3A = math.exp %sub3A_143 : vector<5x10000xf32>
    %reduce_sum3A_144 = arith.constant dense<0.000000e+00> : vector<5xf32>
    %reduce_sum3A_145 = vector.multi_reduction <add>, %exp3A, %reduce_sum3A_144 [1] : vector<5x10000xf32> to vector<5xf32>
    %broadcast_in_dim3A_146 = vector.shape_cast %reduce_sum3A_145 : vector<5xf32> to vector<5x1xf32>
    %div3A_147 = vector.broadcast %broadcast_in_dim3A_146 : vector<5x1xf32> to vector<5x10000xf32>
    %div3A_148 = arith.divf %exp3A, %div3A_147 : vector<5x10000xf32>
    %reduce_max3A_149 = arith.constant dense<0xFF800000> : vector<5xf32>
    %reduce_max3A_150 = vector.multi_reduction <maximumf>, %div3A_148, %reduce_max3A_149 [1] : vector<5x10000xf32> to vector<5xf32>
    %broadcast_in_dim3A_151 = vector.shape_cast %reduce_max3A_150 : vector<5xf32> to vector<5x1xf32>
    %max3A_152 = arith.constant 9.99999996E-13 : f32
    %max3A_153 = vector.broadcast %max3A_152 : f32 to vector<5x1xf32>
    %max3A_154 = arith.maximumf %broadcast_in_dim3A_151, %max3A_153 : vector<5x1xf32>
    %div3A_155 = vector.broadcast %max3A_154 : vector<5x1xf32> to vector<5x10000xf32>
    %div3A_156 = arith.divf %div3A_148, %div3A_155 : vector<5x10000xf32>
    %swap3A_157 = arith.constant 0 : index
    %swap3A_158 = arith.constant 0 : index
    %swap3A_159 = vector.load %arg5[%swap3A_157, %swap3A_158] : memref<5x10000xf32, #tpu.memory_space<vmem>>, vector<5x10000xf32>
    tpu.vector_store %arg5[%swap3A_157, %swap3A_158], %div3A_156 {strides = array<i32>} : memref<5x10000xf32, #tpu.memory_space<vmem>>, vector<5x10000xf32>,
    %get3A_160 = arith.constant 0 : index
    %get3A_161 = arith.constant 0 : index
    %get3A_162 = vector.load %arg2[%get3A_160, %get3A_161] : memref<10000x128xf32, #tpu.memory_space<vmem>>, vector<10000x128xf32>
    %dot_general3A_163 = arith.constant dense<0.000000e+00> : vector<5x128xf32>
    %dot_general3A_164 = tpu.matmul %div3A_156, %get3A_162, %dot_general3A_163 {dimension_numbers = #tpu.dot_dimension_numbers<[1], [0], [0], [1], [0, 0, 1, 1], [], []>, precision = #tpu.contract_precision<fp32>, transpose_lhs_hint = false} : vector<5x10000xf32>, vector<10000x128xf32>, vector<5x128xf32> -> vector<5x128xf32>
    %swap3A_165 = arith.constant 0 : index
    %swap3A_166 = arith.constant 0 : index
    %swap3A_167 = vector.load %arg6[%swap3A_165, %swap3A_166] : memref<5x128xf32, #tpu.memory_space<vmem>>, vector<5x128xf32>
    tpu.vector_store %arg6[%swap3A_165, %swap3A_166], %dot_general3A_164 {strides = array<i32>} : memref<5x128xf32, #tpu.memory_space<vmem>>, vector<5x128xf32>,
    %slice3A = vector.extract_strided_slice %div3A_156 {offsets = [0, 0], sizes = [1, 10000], strides = [1, 1]} : vector<5x10000xf32> to vector<1x10000xf32>
    %squeeze3A = vector.shape_cast %slice3A : vector<1x10000xf32> to vector<10000xf32>
    %reduce_max3A_168 = vector.shape_cast %squeeze3A : vector<10000xf32> to vector<1x10000xf32>
    %reduce_max3A_169 = arith.constant dense<0xFF800000> : vector<1xf32>
    %reduce_max3A_170 = vector.multi_reduction <maximumf>, %reduce_max3A_168, %reduce_max3A_169 [1] : vector<1x10000xf32> to vector<1xf32>
    %reduce_max3A_171 = vector.shape_cast %reduce_max3A_170 : vector<1xf32> to vector<1x1xf32>
    %reduce_max3A_172 = vector.extract %reduce_max3A_171[0, 0] : f32 from vector<1x1xf32>
    %swap3A_173 = arith.constant 0 : index
    %swap3A_174 = memref.load %arg8[%swap3A_173] : memref<8xf32, #tpu.memory_space<smem>>
    memref.store %reduce_max3A_172, %arg8[%swap3A_173] : memref<8xf32, #tpu.memory_space<smem>>
    %slice3A_175 = vector.extract_strided_slice %div3A_156 {offsets = [1, 0], sizes = [1, 10000], strides = [1, 1]} : vector<5x10000xf32> to vector<1x10000xf32>
    %squeeze3A_176 = vector.shape_cast %slice3A_175 : vector<1x10000xf32> to vector<10000xf32>
    %reduce_max3A_177 = vector.shape_cast %squeeze3A_176 : vector<10000xf32> to vector<1x10000xf32>
    %reduce_max3A_178 = arith.constant dense<0xFF800000> : vector<1xf32>
    %reduce_max3A_179 = vector.multi_reduction <maximumf>, %reduce_max3A_177, %reduce_max3A_178 [1] : vector<1x10000xf32> to vector<1xf32>
    %reduce_max3A_180 = vector.shape_cast %reduce_max3A_179 : vector<1xf32> to vector<1x1xf32>
    %reduce_max3A_181 = vector.extract %reduce_max3A_180[0, 0] : f32 from vector<1x1xf32>
    %swap3A_182 = arith.constant 1 : index
    %swap3A_183 = memref.load %arg8[%swap3A_182] : memref<8xf32, #tpu.memory_space<smem>>
    memref.store %reduce_max3A_181, %arg8[%swap3A_182] : memref<8xf32, #tpu.memory_space<smem>>
    %slice3A_184 = vector.extract_strided_slice %div3A_156 {offsets = [2, 0], sizes = [1, 10000], strides = [1, 1]} : vector<5x10000xf32> to vector<1x10000xf32>
    %squeeze3A_185 = vector.shape_cast %slice3A_184 : vector<1x10000xf32> to vector<10000xf32>
    %reduce_max3A_186 = vector.shape_cast %squeeze3A_185 : vector<10000xf32> to vector<1x10000xf32>
    %reduce_max3A_187 = arith.constant dense<0xFF800000> : vector<1xf32>
    %reduce_max3A_188 = vector.multi_reduction <maximumf>, %reduce_max3A_186, %reduce_max3A_187 [1] : vector<1x10000xf32> to vector<1xf32>
    %reduce_max3A_189 = vector.shape_cast %reduce_max3A_188 : vector<1xf32> to vector<1x1xf32>
    %reduce_max3A_190 = vector.extract %reduce_max3A_189[0, 0] : f32 from vector<1x1xf32>
    %swap3A_191 = arith.constant 2 : index
    %swap3A_192 = memref.load %arg8[%swap3A_191] : memref<8xf32, #tpu.memory_space<smem>>
    memref.store %reduce_max3A_190, %arg8[%swap3A_191] : memref<8xf32, #tpu.memory_space<smem>>
    %slice3A_193 = vector.extract_strided_slice %div3A_156 {offsets = [3, 0], sizes = [1, 10000], strides = [1, 1]} : vector<5x10000xf32> to vector<1x10000xf32>
    %squeeze3A_194 = vector.shape_cast %slice3A_193 : vector<1x10000xf32> to vector<10000xf32>
    %reduce_max3A_195 = vector.shape_cast %squeeze3A_194 : vector<10000xf32> to vector<1x10000xf32>
    %reduce_max3A_196 = arith.constant dense<0xFF800000> : vector<1xf32>
    %reduce_max3A_197 = vector.multi_reduction <maximumf>, %reduce_max3A_195, %reduce_max3A_196 [1] : vector<1x10000xf32> to vector<1xf32>
    %reduce_max3A_198 = vector.shape_cast %reduce_max3A_197 : vector<1xf32> to vector<1x1xf32>
    %reduce_max3A_199 = vector.extract %reduce_max3A_198[0, 0] : f32 from vector<1x1xf32>
    %swap3A_200 = arith.constant 3 : index
    %swap3A_201 = memref.load %arg8[%swap3A_200] : memref<8xf32, #tpu.memory_space<smem>>
    memref.store %reduce_max3A_199, %arg8[%swap3A_200] : memref<8xf32, #tpu.memory_space<smem>>
    %slice3A_202 = vector.extract_strided_slice %div3A_156 {offsets = [4, 0], sizes = [1, 10000], strides = [1, 1]} : vector<5x10000xf32> to vector<1x10000xf32>
    %squeeze3A_203 = vector.shape_cast %slice3A_202 : vector<1x10000xf32> to vector<10000xf32>
    %reduce_max3A_204 = vector.shape_cast %squeeze3A_203 : vector<10000xf32> to vector<1x10000xf32>
    %reduce_max3A_205 = arith.constant dense<0xFF800000> : vector<1xf32>
    %reduce_max3A_206 = vector.multi_reduction <maximumf>, %reduce_max3A_204, %reduce_max3A_205 [1] : vector<1x10000xf32> to vector<1xf32>
    %reduce_max3A_207 = vector.shape_cast %reduce_max3A_206 : vector<1xf32> to vector<1x1xf32>
    %reduce_max3A_208 = vector.extract %reduce_max3A_207[0, 0] : f32 from vector<1x1xf32>
    %swap3A_209 = arith.constant 4 : index
    %swap3A_210 = memref.load %arg8[%swap3A_209] : memref<8xf32, #tpu.memory_space<smem>>
    memref.store %reduce_max3A_208, %arg8[%swap3A_209] : memref<8xf32, #tpu.memory_space<smem>>
    %swap3A_211 = arith.constant 0.000000e+00 : f32
    %swap3A_212 = arith.constant 5 : index
    %swap3A_213 = memref.load %arg8[%swap3A_212] : memref<8xf32, #tpu.memory_space<smem>>
    memref.store %swap3A_211, %arg8[%swap3A_212] : memref<8xf32, #tpu.memory_space<smem>>
    %swap3A_214 = arith.constant 0.000000e+00 : f32
    %swap3A_215 = arith.constant 6 : index
    %swap3A_216 = memref.load %arg8[%swap3A_215] : memref<8xf32, #tpu.memory_space<smem>>
    memref.store %swap3A_214, %arg8[%swap3A_215] : memref<8xf32, #tpu.memory_space<smem>>
    %swap3A_217 = arith.constant 0.000000e+00 : f32
    %swap3A_218 = arith.constant 7 : index
    %swap3A_219 = memref.load %arg8[%swap3A_218] : memref<8xf32, #tpu.memory_space<smem>>
    memref.store %swap3A_217, %arg8[%swap3A_218] : memref<8xf32, #tpu.memory_space<smem>>
    return
  }
}

</mosaic_0001>

<sc_bundles>
// kernel: closed_call.11.cloned.1.call-start
scs
__scs_entry_jumppad:
0x0: {  	(pc) =	sbr.rel $0x88, $3  }
0x1: {  	(tag) =	ssettag $0x0;
	lr =	simm.s32 $0x1  }
0x2: {  	[smem:$0x3F9E] =	sst lr;
	_ =	strace $0xD0000000  }
0x3: {  	_ = 	snop  }
0x4: {  	_ = 	snop  }
0x5: {  	_ = 	snop  }
0x6: {  	_ = 	snop  }
0x7: {  	_ = 	snop  }
__scs_overlays_trampoline_lowered:
0x8: {  	[smem:$0x3FAD] =	sst s0  }
0x9: {  	[smem:$0x3FAE] =	sst s1  }
0xa: {  	[smem:$0x3FAF] =	sst s2  }
0xb: {  	[smem:$0x3FB0] =	sst s3  }
0xc: {  	[smem:$0x3FB1] =	sst s4  }
0xd: {  	[smem:$0x3FB2] =	sst s5  }
0xe: {  	[smem:$0x3FB3] =	sst s6  }
0xf: {  	[smem:$0x3FB4] =	sst s7  }
0x10: {  	[smem:$0x3FB5] =	sst s8  }
0x11: {  	[smem:$0x3FB6] =	sst s9;
	s0 =	simm.s32 @!p0 $0x0  }
0x12: {  	s1 =	sld [smem:$0x3F9C];
	s0 =	simm.s32 @p0 $0x1  }
0x13: {  	[smem:$0x3FB7] =	sst s0;
	s0 =	simm.s32 @!p1 $0x0  }
0x14: {  	s2 =	sld [smem:$0x3F9B];
	s0 =	simm.s32 @p1 $0x1  }
0x15: {  	[smem:$0x3FB8] =	sst s0;
	s0 =	simm.s32 @!p2 $0x0  }
0x16: {  	s3 =	sld [smem:$0x3FDB];
	s0 =	simm.s32 @p2 $0x1  }
0x17: {  	s4 =	simm.s32 $0x1BF5;
	[smem:$0x3FBA] =	sst s0  }
0x18: {  	s0 =	sld [smem:$0x3F9D];
	_ =	swait.ge [sflag:s4], $0x0  }
0x19: {  	s7 =	sld [smem:$0x3F9E]  }
0x1a: {  	s8 =	sadd.s32 $0xFFFFE003, lr  }
0x1b: {  	s9 =	sadd.s32 $0xFFFFFEF7, lr;
	s5 =	simm.s32 $0xFFFFFFFF;
	p2 =	slt.u32 s8, $0xFFFFF086  }
0x1c: {  	p1 =	slt.u32 s9, $0xF7A;
	s5 =	simm.s32 @!p2 $0x0  }
0x1d: {  	s5 =	simm.s32 @p1 $0x1;
	p0 =	seq.s32 s7, s2  }
0x1e: {  	s7 =	smul.u32 @!p0 $0xF7A, s2;
	p2 =	seq.s32 @!p0 s5, $0x0  }
0x1f: {  	s9 =	smul.u32 $0xF7A, s1;
	s8 =	simm.s32 @!p0 $0x1BF5;
	p2 =	por !p2, p0  }
0x20: {  	[sflag:s8] =	ssyncset.s32 @!p0 $0xFFFFF086;
	s6 =	sadd.s32 @!p0 s3, s7;
	s7 =	simm.s32 @!p0 $0x108  }
0x21: {  	s3 =	sadd.s32 s3, s9;
	s6 =	sadd.s32 @!p0 $0x88, s6;
	s7 =	simm.s32 @p2 $0x1082  }
0x22: {  	[simem:s7], [sflag:s8] =	dma.local @!p0 [hbm:s6], $0xF7A  }
0x23: {  	s9 =	sor.u32 $0xD0000000, s2;
	s6 =	simm.s32 $0x108;
	_ =	swait.ge @!p0 [sflag:s8], $0x0  }
0x24: {  	s3 =	sadd.s32 $0x88, s3;
	s6 =	simm.s32 @!p1 $0x1082;
	[sflag:s4] =	ssyncset.s32 $0xFFFFF086  }
0x25: {  	[simem:s6], [sflag:s4] =	dma.local [hbm:s3], $0xF7A  }
0x26: {  	[smem:$0x3F9E] =	sst s1;
	(tag) =	ssettag s2;
	_ =	strace s9  }
0x27: {  	s1 =	sld [smem:$0x3FAE]  }
0x28: {  	s2 =	sld [smem:$0x3FAF]  }
0x29: {  	s4 =	sld [smem:$0x3FB1]  }
0x2a: {  	p0 =	seq.s32 s5, $0x0;
	s5 =	sld [smem:$0x3FB2]  }
0x2b: {  	s6 =	sld [smem:$0x3FB3]  }
0x2c: {  	s7 =	sld [smem:$0x3FB4]  }
0x2d: {  	s3 =	simm.s32 $0x108;
	s8 =	sld [smem:$0x3FB5]  }
0x2e: {  	s3 =	simm.s32 @!p0 $0x1082;
	s9 =	sld [smem:$0x3FB6]  }
0x2f: {  	lr =	sadd.s32 s0, s3;
	s0 =	sld [smem:$0x3FAD]  }
0x30: {  	s3 =	sld [smem:$0x3FB0]  }
0x31: {  	[smem:$0x3FB9] =	sst s10  }
0x32: {  	s10 =	sld [smem:$0x3FB7];
	_ =	sdelay $0x3  }
0x33: {  	p0 =	seq.s32 s10, $0x1;
	s10 =	sld [smem:$0x3FB9];
	_ =	sdelay $0x3  }
0x34: {  	[smem:$0x3FB9] =	sst s10  }
0x35: {  	s10 =	sld [smem:$0x3FB8];
	_ =	sdelay $0x3  }
0x36: {  	p1 =	seq.s32 s10, $0x1;
	s10 =	sld [smem:$0x3FB9];
	_ =	sdelay $0x3  }
0x37: {  	[smem:$0x3FB9] =	sst s10  }
0x38: {  	s10 =	sld [smem:$0x3FBA]  }
0x39: {  	_ = 	snop;
	(pc) =	sbr.ind lr, $3  }
0x3a: {  	_ = 	snop  }
0x3b: {  	_ = 	snop  }
0x3c: {  	p2 =	seq.s32 s10, $0x1;
	s10 =	sld [smem:$0x3FB9]  }
0x3d: {  	_ =	shalt  }
0x3e: {  	_ =	shalt  }
0x3f: {  	_ =	shalt  }
0x40: {  	_ =	shalt  }
0x41: {  	_ =	shalt  }
0x42: {  	_ =	shalt  }
0x43: {  	_ =	shalt  }
0x44: {  	_ =	shalt  }
0x45: {  	_ =	shalt  }
0x46: {  	_ =	shalt  }
0x47: {  	_ =	shalt  }
0x48: {  	_ =	shalt  }
0x49: {  	_ =	shalt  }
0x4a: {  	_ =	shalt  }
0x4b: {  	_ =	shalt  }
0x4c: {  	_ =	shalt  }
0x4d: {  	_ =	shalt  }
0x4e: {  	_ =	shalt  }
0x4f: {  	_ =	shalt  }
0x50: {  	_ =	shalt  }
0x51: {  	_ =	shalt  }
0x52: {  	_ =	shalt  }
0x53: {  	_ =	shalt  }
0x54: {  	_ =	shalt  }
0x55: {  	_ =	shalt  }
0x56: {  	_ =	shalt  }
0x57: {  	_ =	shalt  }
0x58: {  	_ =	shalt  }
0x59: {  	_ =	shalt  }
0x5a: {  	_ =	shalt  }
0x5b: {  	_ =	shalt  }
0x5c: {  	_ =	shalt  }
0x5d: {  	_ =	shalt  }
0x5e: {  	_ =	shalt  }
0x5f: {  	_ =	shalt  }
0x60: {  	_ =	shalt  }
0x61: {  	_ =	shalt  }
0x62: {  	_ =	shalt  }
0x63: {  	_ =	shalt  }
0x64: {  	_ =	shalt  }
0x65: {  	_ =	shalt  }
0x66: {  	_ =	shalt  }
0x67: {  	_ =	shalt  }
0x68: {  	_ =	shalt  }
0x69: {  	_ =	shalt  }
0x6a: {  	_ =	shalt  }
0x6b: {  	_ =	shalt  }
0x6c: {  	_ =	shalt  }
0x6d: {  	_ =	shalt  }
0x6e: {  	_ =	shalt  }
0x6f: {  	_ =	shalt  }
0x70: {  	_ =	shalt  }
0x71: {  	_ =	shalt  }
0x72: {  	_ =	shalt  }
0x73: {  	_ =	shalt  }
0x74: {  	_ =	shalt  }
0x75: {  	_ =	shalt  }
0x76: {  	_ =	shalt  }
0x77: {  	_ =	shalt  }
0x78: {  	_ =	shalt  }
0x79: {  	_ =	shalt  }
0x7a: {  	_ =	shalt  }
0x7b: {  	_ =	shalt  }
0x7c: {  	_ =	shalt  }
0x7d: {  	_ =	shalt  }
0x7e: {  	_ =	shalt  }
0x7f: {  	_ =	shalt  }
0x80: {  	_ =	shalt  }
0x81: {  	_ =	shalt  }
0x82: {  	_ =	shalt  }
0x83: {  	_ =	shalt  }
0x84: {  	_ =	shalt  }
0x85: {  	_ =	shalt  }
0x86: {  	_ =	shalt  }
0x87: {  	_ =	shalt  }
.Lfunc_end0:
.L_simem_size_0:
called_computation.4_lowered:
.L_overlay_start_0:
0x88: {  	s2 =	sld [smem:$0x3FD9]  }
0x89: {  	s3 =	sld [smem:$0x3FFE];
	_ =	sdelay $0x1  }
0x8a: {  	s1 =	srdreg.scid  }
0x8b: {  	s0 =	sand.u32 $0x1, s1  }
0x8c: {  	s14 =	sshll.u32 s0, $0xA;
	s2 =	sadd.s32 s3, s2  }
0x8d: {  	s2 =	sadd.s32 s2, s14  }
0x8e: {  	[smem:$0x3FC5] =	sst s2  }
0x8f: {  	_ = 	snop  }
0x90: {  	s2 =	sld [smem:$0x3FD0];
	_ =	sdelay $0x2  }
0x91: {  	s15 =	simm.s32 $0xB;
	s4 =	simm.s32 $0x10  }
0x92: {  	[smem:s4], [sflag:s15] =	dma.local [hbm:s2], $0x1  }
0x93: {  	_ =	swait.eq [sflag:s15], $0x1  }
0x94: {  	[sflag:s15] =	ssyncset.done $0x0  }
0x95: {  	s16 =	sld [smem:$0x12];
	[sflag:s15] =	ssyncadd.s32 $0xFFFFFFFF  }
0x96: {  	s17 =	sld [smem:$0x14];
	(tm) =	ssettm $0x1  }
0x97: {  	s18 =	sld [smem:$0x3FFB];
	_ =	sdelay $0x3  }
0x98: {  	_ =	strace s18  }
0x99: {  	s4 =	sld [smem:$0x3FFC];
	_ =	sdelay $0x3  }
0x9a: {  	_ =	strace s4  }
0x9b: {  	s4 =	sld [smem:$0x3FFD];
	_ =	sdelay $0x3  }
0x9c: {  	_ =	strace s4  }
0x9d: {  	_ =	strace $0x8FFFFFFF  }
0x9e: {  	s19 =	sld [smem:$0x3FDB];
	_ =	sdelay $0x1  }
0x9f: {  	s5 =	simm.s32 $_scs_section_size  }
0xa0: {  	s6 =	simm.s32 $_size__tile_overlayer_lowered;
	s7 =	simm.s32 $_tile_overlayer_lowered  }
0xa1: {  	s22 =	simm.s32 $0x1BFF;
	s21 =	sshll.u32 s7, $0x1;
	s4 =	sadd.s32 s5, s19  }
0xa2: {  	s8 =	simm.s32 $0x0;
	s20 =	sshll.u32 s6, $0x1;
	s6 =	sadd.s32 s21, s4  }
0xa3: {  	[timem:s8], [sflag:s22] =	dma.local [hbm:s6], s20  }
0xa4: {  	_ =	swait.ge [sflag:s22], s20  }
0xa5: {  	s5 =	ssub.s32 $0x0, s20;
	[sflag:s22] =	ssyncset.done $0x0  }
0xa6: {  	[sflag:s22] =	ssyncadd.s32 s5;
	_ =	sdelay $0x1  }
0xa7: {  	s23 =	simm.s32 $0x1B8B  }
0xa8: {  	_ =	swait.ge [sflag:s23], $0x1  }
0xa9: {  	[sflag:s23] =	ssyncset.done $0x0  }
0xaa: {  	s25 =	simm.s32 $0x1B8E;
	s24 =	sld [smem:$0x3FFE];
	[sflag:s23] =	ssyncadd.s32 $0xFFFFFFFF  }
0xab: {  	s26 =	simm.s32 $execute0_lowered;
	[smem:$0x3FD2] =	sst s25  }
0xac: {  	s6 =	sshll.u32 s26, $0x1;
	_ =	strace $0x80000052;
	[dreg:$0x1] =	wrdreg $0xFFFFFFFF  }
0xad: {  	s28 =	simm.s32 $_size_execute0_lowered;
	s4 =	sadd.s32 s4, s6;
	[dreg:$0x0] =	wrdreg $0x0  }
0xae: {  	s6 =	sshll.u32 s28, $0x1;
	[dreg:$0x2] =	wrdreg s4  }
0xaf: {  	[dreg:$0x3] =	wrdreg s6  }
0xb0: {  	[dreg:$0x4] =	wrdreg $0xC0  }
0xb1: {  	_ =	task [dreg:s8], $0x5FFFF  }
0xb2: {  	[dreg:$0x1] =	wrdreg $0xFFFFFFFF  }
0xb3: {  	[dreg:$0x0] =	wrdreg $0x60  }
0xb4: {  	[dreg:$0x2] =	wrdreg s24  }
0xb5: {  	[dreg:$0x3] =	wrdreg s17  }
0xb6: {  	[dreg:$0x4] =	wrdreg s16  }
0xb7: {  	[dreg:$0x5] =	wrdreg $0x9  }
0xb8: {  	_ =	task.clear_ibuf [dreg:s8], $0x6FFFF;
	_ =	strace $0x90000052  }
0xb9: {  	s29 =	simm.s32 $0x9;
	_ =	strace $0x80000054  }
0xba: {  	_ =	swait.ge [sflag:s29], $0x1  }
0xbb: {  	[sflag:s29] =	ssyncadd.s32 $0xFFFFFFFF  }
0xbc: {  	_ =	strace $0x90000054  }
0xbd: {  	_ =	sfence  }
0xbe: {  	s30 =	sld [smem:$0x0];
	_ =	sdelay $0x2  }
0xbf: {  	s31 =	sshll.u32 s1, $0xD;
	s1 =	sshrl.u32 s1, $0x2  }
0xc0: {  	s3 =	sand.u32 $0x4000, s31;
	s1 =	sadd.s32 s1, s30  }
0xc1: {  	s0 =	sor.u32 s3, s0;
	s1 =	sshll.u32 s1, $0x11  }
0xc2: {  	s0 =	sor.u32 s1, s0  }
0xc3: {  	s0 =	sadd.s32 $0x8F2B, s0  }
0xc4: {  	[sflag:s0] =	ssyncadd.remote.s32 $0x1  }
0xc5: {  	_ =	sfence.sel $0xFFFF  }
0xc6: {  	[dreg:$0x0] =	wrdreg $0xFFFFFFFF;
	(pc) =	sbr.abs _section_cstart, $3  }
0xc7: {  	[dreg:$0x1] =	wrdreg $0xFFFFFFFF  }
0xc8: {  	_ =	task.clear_ibuf [dreg:s8], $0x2FFFF;
	_ =	strace $0x9FFFFFFF  }
0xc9: {  	(tm) =	ssettm $0x7FFFFFFF  }
tec
execute0_lowered:
.L_overlay_start_1:
0x0: {  	(tag) =	ssettag $0x1  }
0x1: {  	s0 =	rddreg [dreg:$0x0]  }
0x2: {  	s14 =	rddreg [dreg:$0x1]  }
0x3: {  	s1 =	rddreg [dreg:$0x2];
	s2 =	simm.s32 $0x0;
	s3 =	srdreg.scid  }
0x4: {  	s5 =	stileid.u32;
	s6 =	simm.s32 $0xD580;
	s17 =	simm.s32 $0x5  }
0x5: {  	s18 =	simm.s32 $0x1400;
	s19 =	simm.s32 $0x2800;
	s20 =	simm.s32 $0x78  }
0x6: {  	s21 =	simm.s32 $0x3C00;
	s22 =	simm.s32 $0xD400;
	s23 =	simm.s32 $0xD500  }
0x7: {  	s25 =	simm.s32 $0x3;
	s26 =	simm.s32 $0x4;
	s28 =	simm.s32 $0x0  }
0x8: {  	[smem:$0x7FF] =	sst s2;
	s4 =	sadd.s32 $0x16E00, s0;
	s16 =	sadd.s32 $0x2200, s0  }
0x9: {  	s3 =	sand.u32 $0x1, s3;
	s7 =	sadd.s32 $0x11E00, s0;
	s15 =	sadd.s32 $0x7200, s0  }
0xa: {  	s11 =	sshll.u32 s5, $0x5;
	s29 =	sadd.s32 $0xC200, s0;
	s9 =	sshll.u32 s3, $0x4  }
0xb: {  	_ =	strace $0x80000053;
	s3 =	ssub.s32 $0x2, s3;
	s9 =	sor.u32 s5, s9  }
0xc: {  	s11 =	sand.u32 $0x60, s11;
	s12 =	sshrl.u32 s3, $0x1;
	s10 =	sshll.u32 s9, $0x5  }
.Ltmp0:
0xd: {  	s30 =	ssub.s32 s3, s12;
	s10 =	sand.u32 $0x380, s10;
	(pc) =	sbr.rel .LBB2_1-.Ltmp0, $4  }
0xe: {  	[dreg:$0x4] =	wrdreg s29;
	s5 =	smax.u32 s30, $0x1;
	s31 =	sor.u32 s11, s10  }
0xf: {  	s8 =	sadd.s32 $0x3E000, s0;
	[dreg:$0x7] =	wrdreg s5;
	s3 =	sor.u32 $0x10, s31  }
0x10: {  	s11 =	sadd.s32 s1, s31;
	[dreg:$0x5] =	wrdreg s3;
	s1 =	sadd.s32 s1, s3  }
0x11: {  	p0 =	seq.s32 s9, $0x0;
	s12 =	sadd.s32 s29, s31;
	[dreg:$0x6] =	wrdreg s1  }
.LBB2_27:
0x12: {  	[sflag:s26] =	ssyncadd.s32 $0xFFFFFF80  }
.LBB2_28:
0x13: {  	s28 =	sadd.s32 $0x1, s28  }
0x14: {  	p1 =	sne.s32 s28, s5  }
.Ltmp1:
0x15: {  	_ = 	snop;
	(pc) =	sbr.rel @!p1 .LBB2_29-.Ltmp1, $1  }
0x16: {  	_ =	sdelay $0x3  }
.LBB2_1:
0x17: {  	[tilespmem:s6], [sflag:$0x5] =	stream.linear.gather [hbm4b:s14+s2], $0x60, $0x38;
	[tilespmem:$0xD600] =	vst v63  }
0x18: {  	_ =	swait.ge [sflag:s17], $0x60  }
0x19: {  	[sflag:s17] =	ssyncset.done $0x0  }
0x1a: {  	[sflag:s17] =	ssyncadd.s32 $0xFFFFFFA0  }
0x1b: {  	v0 =	vld [tilespmem:s9+$0xD580]  }
0x1c: {  	v1 =	vld [tilespmem:s9+$0xD5A0]  }
0x1d: {  	v2 =	vld [tilespmem:s9+$0xD5C0];
	_ =	sdelay $0x2  }
0x1e: {  	(v2sf) =	vpush v0, $0x0  }
0x1f: {  	(v2sf) =	vpush v1, $0x0  }
0x20: {  	(v2sf) =	vpush v2, $0x0;
	_ =	sdelay $0x6  }
0x21: {  	v0 =	vimm.f32 $0.0e+00  }
0x22: {  	[tilespmem:$0xD400] =	vst v0  }
0x23: {  	[tilespmem:$0xD410] =	vst v0  }
0x24: {  	[tilespmem:$0xD420] =	vst v0  }
0x25: {  	[tilespmem:$0xD430] =	vst v0  }
0x26: {  	[tilespmem:$0xD440] =	vst v0  }
0x27: {  	[tilespmem:$0xD450] =	vst v0;
	s0 =	spop (v2sf)  }
0x28: {  	[tilespmem:$0xD460] =	vst v0;
	s1 =	spop (v2sf);
	s3 =	sshrl.u32 s0, $0x3  }
0x29: {  	[tilespmem:$0xD470] =	vst v0;
	s29 =	spop (v2sf);
	s10 =	sadd.s32 s16, s3  }
0x2a: {  	[tilespmem:s2], [sflag:$0x5] =	stream.linear.gather [hbm4b:s10+s2], $0x13B0, $0x38;
	[tilespmem:$0xD600] =	vst v63  }
0x2b: {  	_ =	swait.ge [sflag:s17], $0x13B0  }
0x2c: {  	[sflag:s17] =	ssyncset.done $0x0  }
0x2d: {  	s30 =	sadd.s32 s7, s3;
	[sflag:s17] =	ssyncadd.s32 $0xFFFFEC50  }
0x2e: {  	[tilespmem:s18], [sflag:$0x5] =	stream.linear.gather [hbm4b:s30+s2], $0x13B0, $0x38;
	[tilespmem:$0xD600] =	vst v63  }
0x2f: {  	s1 =	ssub.s32 s1, s0;
	_ =	swait.ge [sflag:s17], $0x13B0  }
0x30: {  	s0 =	sadd.s32 $0x77, s1;
	[sflag:s17] =	ssyncset.done $0x0  }
0x31: {  	s3 =	sadd.s32 s15, s3;
	p1 =	sgt.s32 s0, $0x77;
	[sflag:s17] =	ssyncadd.s32 $0xFFFFEC50  }
0x32: {  	[tilespmem:s19], [sflag:$0x5] =	stream.linear.gather [hbm4b:s3+s2], $0x13B0, $0x38;
	[tilespmem:$0xD600] =	vst v63  }
.Ltmp2:
0x33: {  	_ = 	snop;
	(pc) =	sbr.rel @!p1 .LBB2_2-.Ltmp2, $4  }
0x34: {  	_ =	swait.ge [sflag:s17], $0x13B0  }
0x35: {  	[sflag:s17] =	ssyncset.done $0x0  }
0x36: {  	s31 =	simm.s32 $0xFFFFFFFF;
	[sflag:s17] =	ssyncadd.s32 $0xFFFFEC50  }
0x37: {  	[tilespmem:s21], [sflag:$0x1] =	stream.indirect.gather [hbm4b:s4+s20], $0x80, s2, s20, $0xb8;
	[tilespmem:$0xD600] =	vst v63  }
0x38: {  	s3 =	smulhi.u32 $0x88888889, s0;
	s10 =	sshra.s32 s0, $0x1F  }
0x39: {  	s10 =	smul.u32 $0x88888889, s10  }
0x3a: {  	s3 =	ssub.s32 s3, s1  }
.Ltmp3:
0x3b: {  	s6 =	smov.u32 s16;
	s3 =	sadd.s32 s10, s3;
	(pc) =	sbr.rel .LBB2_5-.Ltmp3, $4  }
0x3c: {  	s5 =	smov.u32 s14;
	s30 =	simm.s32 $0x0;
	s23 =	sadd.s32 s0, s3  }
0x3d: {  	v1 =	vimm.f32 $0.0e+00;
	s16 =	simm.s32 $0x0;
	s18 =	simm.s32 $0x0;
	s0 =	sadd.s32 $0xFFFFFF89, s23  }
0x3e: {  	v2 =	vimm.f32 $0.0e+00;
	v3 =	vimm.f32 $0.0e+00;
	v4 =	vimm.f32 $0.0e+00;
	s3 =	simm.s32 $0x0;
	s24 =	sshrl.u32 s0, $0x1F;
	s0 =	sshra.s32 s0, $0x6  }
0x3f: {  	v5 =	vimm.f32 $0.0e+00;
	v6 =	vimm.f32 $0.0e+00;
	v7 =	vimm.f32 $0.0e+00;
	s23 =	simm.s32 $0x0;
	s14 =	sadd.s32 s24, s0;
	s0 =	smov.u32 s1  }
.LBB2_4:
0x40: {  	p1 =	seq.s32 s18, s14  }
.Ltmp4:
0x41: {  	_ = 	snop;
	(pc) =	sbr.rel @p1 .LBB2_12-.Ltmp4, $2  }
0x42: {  	_ =	sdelay $0x2  }
0x43: {  	s0 =	sadd.s32 $0xFFFFFF88, s0  }
.LBB2_5:
0x44: {  	s19 =	sand.u32 $0x1, s18;
	s21 =	smul.u32 $0x78, s18;
	s18 =	sadd.s32 $0x1, s18  }
0x45: {  	p1 =	sge.s32 s18, s14  }
0x46: {  	s13 =	sadd.s32 $0x1, s19;
	s10 =	sand.u32 @!p1 $0x1, s18  }
0x47: {  	_ =	swait.ge [sflag:s13], $0x3C00;
	s20 =	smul.u32 @!p1 $0xF000, s10  }
0x48: {  	s24 =	smul.u32 @!p1 $0x1E0, s18;
	[sflag:s13] =	ssyncset.done $0x0  }
0x49: {  	s10 =	sadd.s32 @!p1 $0x1, s10;
	[sflag:s13] =	ssyncadd.s32 $0xFFFFC400;
	s20 =	sshrl.u32 @!p1 s20, $0x2  }
0x4a: {  	s13 =	sadd.s32 @!p1 $0x3C00, s20;
	s20 =	sshra.s32 @!p1 s24, $0x2;
	s24 =	simm.s32 @!p1 $0x78  }
0x4b: {  	[tilespmem:s13], [sflag:s10] =	stream.indirect.gather @!p1 [hbm4b:s4+s24], $0x80, s20, s24, $0xb8;
	[tilespmem:$0xD600] =	vst v63  }
0x4c: {  	s24 =	ssub.s32 s1, s21  }
0x4d: {  	p1 =	slt.s32 s24, $0x1  }
.Ltmp5:
0x4e: {  	_ = 	snop;
	(pc) =	sbr.rel @p1 .LBB2_4-.Ltmp5, $1  }
0x4f: {  	_ =	sdelay $0x3  }
0x50: {  	s10 =	smul.u32 $0xF000, s19  }
.Ltmp6:
0x51: {  	_ = 	snop;
	(pc) =	sbr.rel .LBB2_7-.Ltmp6, $4  }
0x52: {  	_ = 	snop  }
0x53: {  	p1 =	sgt.s32 s0, $0x1;
	s13 =	smov.u32 s0;
	s10 =	sshrl.u32 s10, $0x2  }
0x54: {  	s13 =	simm.s32 @!p1 $0x1;
	s10 =	sadd.s32 $0x3C00, s10  }
0x55: {  	s20 =	simm.s32 $0x0;
	v8 =	vmov s21;
	s19 =	smin.u32 s13, $0x78;
	v9 =	vmov s10  }
.LBB2_10:
0x56: {  	[hbm4b:s13+s2] =	stream.linear.scatter [tilespmem:s22], [sflag:$0x4], $0x80, $0x38;
	[tilespmem:$0xD600] =	vst v63  }
.LBB2_11:
0x57: {  	s10 =	sadd.s32 $0x1, s16  }
0x58: {  	p5 =	sgt.s32 s23, $0x0;
	s13 =	sshra.s32 s10, $0x1F  }
0x59: {  	p3 =	por !p3, !p5;
	s13 =	sshrl.u32 s13, $0x1A  }
0x5a: {  	p3 =	por !p3, !p3;
	s13 =	sadd.s32 s13, s10  }
0x5b: {  	p3 =	por !p3, !p1;
	s13 =	sand.u32 $0xFFFFFFC0, s13  }
0x5c: {  	p3 =	por !p3, !p3;
	s10 =	ssub.s32 s10, s13  }
0x5d: {  	s16 =	smov.u32 @p3 s10  }
0x5e: {  	p5 =	sne.s32 @p3 s16, $0x0  }
0x5f: {  	p5 =	por p5, !p3  }
0x60: {  	s10 =	simm.s32 @!p5 $0x3  }
0x61: {  	_ =	swait.ge @!p5 [sflag:s10], $0x2000  }
0x62: {  	s24 =	sshll.u32 s20, $0x9;
	[sflag:s10] =	ssyncset.done @!p5 $0x0  }
0x63: {  	s24 =	sshra.s32 s24, $0x2;
	[sflag:s10] =	ssyncadd.s32 @!p5 $0xFFFFE000  }
0x64: {  	v11 =	vld.idx.msk [tilespmem:v9+s24+$0x0 ss:$0x1], $0xffff  }
0x65: {  	v12 =	vld.idx.msk [tilespmem:v9+s24+$0x10 ss:$0x1], $0xffff  }
0x66: {  	v13 =	vld.idx.msk [tilespmem:v9+s24+$0x20 ss:$0x1], $0xffff  }
0x67: {  	v14 =	vld.idx.msk [tilespmem:v9+s24+$0x30 ss:$0x1], $0xffff  }
0x68: {  	v15 =	vld.idx.msk [tilespmem:v9+s24+$0x40 ss:$0x1], $0xffff  }
0x69: {  	v16 =	vld.idx.msk [tilespmem:v9+s24+$0x50 ss:$0x1], $0xffff  }
0x6a: {  	v10 =	vbroadcast v10, $0x0;
	v7 =	vpsel p1, $0x0, v7;
	v5 =	vpsel p1, $0x0, v5;
	v17 =	vld.idx.msk [tilespmem:v9+s24+$0x60 ss:$0x1], $0xffff  }
0x6b: {  	v6 =	vpsel p1, $0x0, v6;
	v4 =	vpsel p1, $0x0, v4;
	v3 =	vpsel p1, $0x0, v3;
	v18 =	vld.idx.msk [tilespmem:v9+s24+$0x70 ss:$0x1], $0xffff  }
0x6c: {  	s20 =	sadd.s32 $0x1, s20;
	v2 =	vpsel p1, $0x0, v2;
	v1 =	vpsel p1, $0x0, v1;
	v11 =	vmul.f32 v11, v10  }
0x6d: {  	v0 =	vpsel p1, $0x0, v0;
	p1 =	seq.s32 s20, s19;
	v12 =	vmul.f32 v12, v10;
	v61 =	vmul.f32 v14, v10  }
.Ltmp7:
0x6e: {  	v62 =	vmul.f32 v15, v10;
	v7 =	vadd.f32 v11, v7;
	v11 =	vmul.f32 v13, v10;
	(pc) =	sbr.rel @p1 .LBB2_4-.Ltmp7, $4  }
0x6f: {  	v63 =	vmul.f32 v17, v10;
	v6 =	vadd.f32 v12, v6;
	v4 =	vadd.f32 v61, v4  }
0x70: {  	s13 =	simm.s32 $0x1;
	s10 =	simm.s32 $0x1;
	v5 =	vadd.f32 v11, v5;
	v11 =	vmul.f32 v16, v10;
	v10 =	vmul.f32 v18, v10  }
0x71: {  	s21 =	simm.s32 @!p4 $0x0;
	s13 =	simm.s32 @!p2 $0x0;
	s10 =	simm.s32 @!p3 $0x0;
	v3 =	vadd.f32 v62, v3;
	v1 =	vadd.f32 v63, v1  }
0x72: {  	s30 =	sadd.s32 s30, s21;
	s23 =	sadd.s32 s13, s23;
	s3 =	sadd.s32 s10, s3;
	v2 =	vadd.f32 v11, v2;
	v0 =	vadd.f32 v10, v0  }
.LBB2_7:
0x73: {  	_ =	sdelay $0x3  }
0x74: {  	v10 =	vld.idx.msk [tilespmem:v8+s20+$0x1400 ss:$0x1], $0xffff;
	_ =	sdelay $0x4  }
0x75: {  	(v2sf) =	vpush v10, $0x0;
	_ =	sdelay $0xe  }
0x76: {  	s13 =	smov.u32 s31;
	s31 =	spop (v2sf)  }
0x77: {  	p3 =	sgt.s32 s13, $0xFFFFFFFF;
	p1 =	sne.s32 s31, s13  }
0x78: {  	p2 =	por !p3, !p1  }
0x79: {  	p2 =	por !p2, !p2  }
0x7a: {  	p4 =	sne.s32 @p2 s23, $0x0  }
0x7b: {  	p5 =	por !p4, !p2  }
0x7c: {  	p5 =	slt.s32 @!p5 s23, $0x1  }
0x7d: {  	p5 =	por @p2 p5, !p4  }
0x7e: {  	p5 =	por p5, !p2  }
0x7f: {  	s10 =	sshll.u32 @!p5 s16, $0x9  }
0x80: {  	s10 =	sshra.s32 @!p5 s10, $0x2  }
0x81: {  	v10 =	vld.idx.msk [tilespmem:v8+s20+$0x2800 ss:$0x1], $0xffff;
	[tilespmem:s10+$0xB400] =	vst @!p5 v7  }
0x82: {  	[tilespmem:s10+$0xB410] =	vst @!p5 v6  }
0x83: {  	[tilespmem:s10+$0xB420] =	vst @!p5 v5  }
0x84: {  	[tilespmem:s10+$0xB430] =	vst @!p5 v4  }
0x85: {  	[tilespmem:s10+$0xB440] =	vst @!p5 v3  }
0x86: {  	s21 =	sshll.u32 @!p5 s13, $0x4;
	[tilespmem:s10+$0xB450] =	vst @!p5 v2  }
0x87: {  	s21 =	sand.u32 @!p5 $0x1FFFFFF0, s21;
	[tilespmem:s10+$0xB460] =	vst @!p5 v1  }
0x88: {  	s24 =	sadd.s32 @!p5 $0xB400, s10;
	[tilespmem:s10+$0xB470] =	vst @!p5 v0;
	s10 =	sadd.s32 @!p5 s8, s21;
	s21 =	simm.s32 @!p5 $0x0  }
0x89: {  	[hbm4b:s10+s21] =	stream.linear.scatter @!p5 [tilespmem:s24], [sflag:$0x3], $0x80, $0x38;
	[tilespmem:$0xD600] =	vst v63  }
0x8a: {  	p5 =	por p4, !p2  }
0x8b: {  	[tilespmem:$0xD480] =	vst @!p5 v7  }
0x8c: {  	[tilespmem:$0xD490] =	vst @!p5 v6  }
0x8d: {  	[tilespmem:$0xD4A0] =	vst @!p5 v5  }
0x8e: {  	[tilespmem:$0xD4B0] =	vst @!p5 v4  }
0x8f: {  	[tilespmem:$0xD4C0] =	vst @!p5 v3  }
0x90: {  	[tilespmem:$0xD4D0] =	vst @!p5 v2  }
0x91: {  	[tilespmem:$0xD4E0] =	vst @!p5 v1  }
0x92: {  	[tilespmem:$0xD4F0] =	vst @!p5 v0;
	s10 =	simm.s32 @!p5 $0x0;
	s21 =	simm.s32 @!p5 $0xD480  }
0x93: {  	[hbm4b:s11+s10] =	stream.linear.scatter @!p5 [tilespmem:s21], [sflag:$0x5], $0x80, $0x38;
	[tilespmem:$0xD600] =	vst v63  }
0x94: {  	s21 =	simm.s32 @!p5 $0x5  }
0x95: {  	_ =	swait.ge @!p5 [sflag:s21], $0x80  }
0x96: {  	[sflag:s21] =	ssyncset.done @!p5 $0x0  }
0x97: {  	v11 =	vmov @!p5 s13;
	[sflag:s21] =	ssyncadd.s32 @!p5 $0xFFFFFF80  }
0x98: {  	s24 =	simm.s32 @!p5 $0xD500;
	[tilespmem:$0xD500] =	vst @!p5 v11  }
0x99: {  	[hbm4b:s12+s10] =	stream.linear.scatter @!p5 [tilespmem:s24], [sflag:$0x5], $0x80, $0x38;
	[tilespmem:$0xD600] =	vst v63  }
0x9a: {  	s10 =	smov.u32 s31  }
0x9b: {  	s13 =	sadd.s32 $0x1, s13;
	s10 =	simm.s32 @p0 $0x0  }
0x9c: {  	s10 =	smov.u32 @p3 s13  }
0x9d: {  	p6 =	sgt.s32 s31, s10  }
0x9e: {  	p4 =	por !p1, !p6  }
0x9f: {  	p4 =	por !p4, !p4  }
.Ltmp8:
0xa0: {  	_ = 	snop;
	(pc) =	sbr.rel @!p4 .LBB2_11-.Ltmp8, $4  }
0xa1: {  	_ = 	snop  }
0xa2: {  	_ =	swait.ge @!p5 [sflag:s21], $0x80  }
0xa3: {  	[sflag:s21] =	ssyncset.done @!p5 $0x0  }
0xa4: {  	[sflag:s21] =	ssyncadd.s32 @!p5 $0xFFFFFF80;
	s21 =	ssub.s32 s31, s10  }
0xa5: {  	p5 =	sne.s32 s21, $0x1  }
.Ltmp9:
0xa6: {  	_ = 	snop;
	(pc) =	sbr.rel @!p5 .LBB2_10-.Ltmp9, $4  }
0xa7: {  	_ = 	snop  }
0xa8: {  	s10 =	sshll.u32 s10, $0x4  }
0xa9: {  	s13 =	sand.u32 $0x1FFFFFF0, s10  }
0xaa: {  	s24 =	sadd.s32 $0xFFFFFFFF, s21;
	s10 =	sadd.s32 $0x10, s10;
	s13 =	sadd.s32 s8, s13  }
.LBB2_9:
0xab: {  	[hbm4b:s13+s2] =	stream.linear.scatter [tilespmem:s22], [sflag:$0x4], $0x80, $0x38;
	[tilespmem:$0xD600] =	vst v63  }
0xac: {  	p5 =	sne.s32 s24, $0x1  }
.Ltmp10:
0xad: {  	s24 =	sadd.s32 $0xFFFFFFFF, s24;
	(pc) =	sbr.rel @p5 .LBB2_9-.Ltmp10, $3  }
0xae: {  	_ =	sdelay $0x1  }
0xaf: {  	s13 =	sand.u32 $0x1FFFFFF0, s10  }
0xb0: {  	s10 =	sadd.s32 $0x10, s10;
	s13 =	sadd.s32 s8, s13  }
.Ltmp11:
0xb1: {  	_ = 	snop;
	(pc) =	sbr.rel .LBB2_10-.Ltmp11, $1  }
0xb2: {  	_ =	sdelay $0x3  }
.LBB2_2:
.Ltmp12:
0xb3: {  	(pc) =	sbr.rel .LBB2_14-.Ltmp12, $4  }
0xb4: {  	_ = 	snop  }
0xb5: {  	v1 =	vimm.f32 $0.0e+00  }
0xb6: {  	v2 =	vimm.f32 $0.0e+00;
	v3 =	vimm.f32 $0.0e+00;
	v4 =	vimm.f32 $0.0e+00  }
0xb7: {  	v5 =	vimm.f32 $0.0e+00;
	v6 =	vimm.f32 $0.0e+00;
	v7 =	vimm.f32 $0.0e+00;
	s30 =	simm.s32 $0x0;
	s0 =	simm.s32 $0x0  }
.LBB2_12:
0xb8: {  	p1 =	sne.s32 s23, $0x0  }
.Ltmp13:
0xb9: {  	s0 =	sshra.s32 s3, $0x1F;
	(pc) =	sbr.rel @!p1 .LBB2_13-.Ltmp13, $4  }
0xba: {  	s0 =	sshrl.u32 s0, $0x1A  }
0xbb: {  	s0 =	sadd.s32 s0, s3  }
0xbc: {  	s0 =	sand.u32 $0xFFFFFFC0, s0  }
0xbd: {  	s0 =	ssub.s32 s3, s0  }
0xbe: {  	p1 =	slt.s32 s23, $0x1  }
.Ltmp14:
0xbf: {  	_ = 	snop;
	(pc) =	sbr.rel @p1 .LBB2_16-.Ltmp14, $3  }
0xc0: {  	_ =	sdelay $0x1  }
0xc1: {  	s14 =	smov.u32 s5;
	s16 =	smov.u32 s6;
	s18 =	simm.s32 $0x1400  }
0xc2: {  	s19 =	simm.s32 $0x2800;
	s20 =	simm.s32 $0x78;
	s21 =	simm.s32 $0x3C00  }
0xc3: {  	[tilespmem:$0xD480] =	vst v7  }
0xc4: {  	[tilespmem:$0xD490] =	vst v6  }
0xc5: {  	[tilespmem:$0xD4A0] =	vst v5  }
0xc6: {  	[tilespmem:$0xD4B0] =	vst v4  }
0xc7: {  	[tilespmem:$0xD4C0] =	vst v3  }
0xc8: {  	[tilespmem:$0xD4D0] =	vst v2  }
0xc9: {  	[tilespmem:$0xD4E0] =	vst v1  }
.Ltmp15:
0xca: {  	[tilespmem:$0xD4F0] =	vst v0;
	s1 =	rddreg [dreg:$0x6];
	s3 =	simm.s32 $0xD480;
	(pc) =	sbr.rel .LBB2_18-.Ltmp15, $4  }
0xcb: {  	[hbm4b:s1+s2] =	stream.linear.scatter [tilespmem:s3], [sflag:$0x5], $0x80, $0x38;
	[tilespmem:$0xD600] =	vst v63  }
0xcc: {  	_ =	swait.ge [sflag:s17], $0x80  }
0xcd: {  	s6 =	simm.s32 $0xD580;
	[sflag:s17] =	ssyncset.done $0x0  }
0xce: {  	v0 =	vmov s31;
	s23 =	simm.s32 $0xD500;
	s5 =	rddreg [dreg:$0x7];
	[sflag:s17] =	ssyncadd.s32 $0xFFFFFF80  }
.LBB2_13:
0xcf: {  	s14 =	smov.u32 s5;
	s16 =	smov.u32 s6;
	s5 =	rddreg [dreg:$0x7]  }
0xd0: {  	s6 =	simm.s32 $0xD580;
	s18 =	simm.s32 $0x1400;
	s19 =	simm.s32 $0x2800  }
0xd1: {  	s20 =	simm.s32 $0x78;
	s21 =	simm.s32 $0x3C00;
	s23 =	simm.s32 $0xD500  }
.LBB2_14:
0xd2: {  	[tilespmem:$0xD480] =	vst v7  }
0xd3: {  	[tilespmem:$0xD490] =	vst v6  }
0xd4: {  	[tilespmem:$0xD4A0] =	vst v5  }
0xd5: {  	[tilespmem:$0xD4B0] =	vst v4  }
0xd6: {  	[tilespmem:$0xD4C0] =	vst v3  }
0xd7: {  	[tilespmem:$0xD4D0] =	vst v2  }
0xd8: {  	[tilespmem:$0xD4E0] =	vst v1  }
0xd9: {  	[tilespmem:$0xD4F0] =	vst v0;
	s1 =	simm.s32 $0xD480  }
0xda: {  	[hbm4b:s11+s2] =	stream.linear.scatter [tilespmem:s1], [sflag:$0x5], $0x80, $0x38;
	[tilespmem:$0xD600] =	vst v63  }
0xdb: {  	_ =	swait.ge [sflag:s17], $0x80  }
0xdc: {  	[sflag:s17] =	ssyncset.done $0x0  }
0xdd: {  	v0 =	vmov s31;
	[sflag:s17] =	ssyncadd.s32 $0xFFFFFF80  }
0xde: {  	[tilespmem:$0xD500] =	vst v0  }
0xdf: {  	[hbm4b:s12+s2] =	stream.linear.scatter [tilespmem:s23], [sflag:$0x5], $0x80, $0x38;
	[tilespmem:$0xD600] =	vst v63  }
0xe0: {  	_ =	swait.ge [sflag:s17], $0x80  }
0xe1: {  	[sflag:s17] =	ssyncset.done $0x0  }
0xe2: {  	v0 =	vimm.s32 $0xFFFFFFFF;
	[sflag:s17] =	ssyncadd.s32 $0xFFFFFF80  }
.LBB2_18:
0xe3: {  	s1 =	rddreg [dreg:$0x4]  }
0xe4: {  	s3 =	rddreg [dreg:$0x5]  }
0xe5: {  	[tilespmem:$0xD500] =	vst v0;
	s1 =	sadd.s32 s1, s3  }
0xe6: {  	[hbm4b:s1+s2] =	stream.linear.scatter [tilespmem:s23], [sflag:$0x5], $0x80, $0x38;
	[tilespmem:$0xD600] =	vst v63  }
0xe7: {  	_ =	swait.ge [sflag:s17], $0x80  }
0xe8: {  	[sflag:s17] =	ssyncset.done $0x0  }
0xe9: {  	[sflag:s17] =	ssyncadd.s32 $0xFFFFFF80  }
.LBB2_19:
0xea: {  	s1 =	sadd.s32 $0x1, s31  }
0xeb: {  	p1 =	sle.s32 s29, s1  }
.Ltmp16:
0xec: {  	_ = 	snop;
	(pc) =	sbr.rel @p1 .LBB2_23-.Ltmp16, $1  }
0xed: {  	_ =	sdelay $0x3  }
0xee: {  	s3 =	sxor.u32 $0xFFFFFFFF, s31  }
0xef: {  	s3 =	sadd.s32 s29, s3  }
0xf0: {  	p1 =	sne.s32 s3, $0x1  }
.Ltmp17:
0xf1: {  	_ = 	snop;
	(pc) =	sbr.rel @!p1 .LBB2_22-.Ltmp17, $4  }
0xf2: {  	s10 =	sshll.u32 s31, $0x4  }
0xf3: {  	s10 =	sadd.s32 $0x10, s10  }
0xf4: {  	s13 =	sand.u32 $0x1FFFFFF0, s10  }
0xf5: {  	s3 =	sadd.s32 $0xFFFFFFFF, s3;
	s10 =	sadd.s32 $0x10, s10;
	s13 =	sadd.s32 s8, s13  }
.LBB2_21:
0xf6: {  	[hbm4b:s13+s2] =	stream.linear.scatter [tilespmem:s22], [sflag:$0x4], $0x80, $0x38;
	[tilespmem:$0xD600] =	vst v63  }
0xf7: {  	p1 =	sne.s32 s3, $0x1  }
.Ltmp18:
0xf8: {  	s3 =	sadd.s32 $0xFFFFFFFF, s3;
	(pc) =	sbr.rel @p1 .LBB2_21-.Ltmp18, $3  }
0xf9: {  	_ =	sdelay $0x1  }
0xfa: {  	s13 =	sand.u32 $0x1FFFFFF0, s10  }
0xfb: {  	s10 =	sadd.s32 $0x10, s10;
	s13 =	sadd.s32 s8, s13  }
.LBB2_22:
0xfc: {  	[hbm4b:s13+s2] =	stream.linear.scatter [tilespmem:s22], [sflag:$0x4], $0x80, $0x38;
	[tilespmem:$0xD600] =	vst v63  }
.LBB2_23:
0xfd: {  	p1 =	sgt.s32 s0, $0x0  }
.Ltmp19:
0xfe: {  	_ = 	snop;
	(pc) =	sbr.rel @!p1 .LBB2_24-.Ltmp19, $1  }
0xff: {  	_ =	sdelay $0x3  }
0x100: {  	p1 =	seq.s32 s0, $0x1  }
.Ltmp20:
0x101: {  	_ = 	snop;
	(pc) =	sbr.rel @p1 .LBB2_32-.Ltmp20, $3  }
0x102: {  	_ =	sdelay $0x1  }
0x103: {  	_ =	swait.ge [sflag:s25], $0x80  }
0x104: {  	s0 =	sadd.s32 $0xFFFFFFFF, s0;
	[sflag:s25] =	ssyncset.done $0x0  }
.LBB2_31:
0x105: {  	p1 =	seq.s32 s0, $0x1;
	s0 =	sadd.s32 $0xFFFFFFFF, s0;
	[sflag:s25] =	ssyncadd.s32 $0xFFFFFF80  }
.Ltmp21:
0x106: {  	(pc) =	sbr.rel @!p1 .LBB2_31-.Ltmp21, $3  }
0x107: {  	_ =	sdelay $0x1  }
0x108: {  	_ =	swait.ge [sflag:s25], $0x80  }
0x109: {  	[sflag:s25] =	ssyncset.done $0x0  }
.LBB2_32:
0x10a: {  	[sflag:s25] =	ssyncadd.s32 $0xFFFFFF80  }
.LBB2_24:
0x10b: {  	s0 =	ssub.s32 s29, s1  }
0x10c: {  	p1 =	sgt.s32 s0, $0x0  }
0x10d: {  	s0 =	simm.s32 @!p1 $0x0  }
0x10e: {  	s0 =	sadd.s32 s0, s30  }
0x10f: {  	p1 =	sgt.s32 s0, $0x0  }
.Ltmp22:
0x110: {  	_ = 	snop;
	(pc) =	sbr.rel @!p1 .LBB2_28-.Ltmp22, $1  }
0x111: {  	_ =	sdelay $0x3  }
0x112: {  	p1 =	sne.s32 s0, $0x1  }
.Ltmp23:
0x113: {  	_ = 	snop;
	(pc) =	sbr.rel @!p1 .LBB2_27-.Ltmp23, $3  }
0x114: {  	_ =	sdelay $0x1  }
0x115: {  	_ =	swait.ge [sflag:s26], $0x80  }
0x116: {  	s0 =	sadd.s32 $0xFFFFFFFF, s0;
	[sflag:s26] =	ssyncset.done $0x0  }
.LBB2_26:
0x117: {  	p1 =	sne.s32 s0, $0x1;
	s0 =	sadd.s32 $0xFFFFFFFF, s0;
	[sflag:s26] =	ssyncadd.s32 $0xFFFFFF80  }
.Ltmp24:
0x118: {  	(pc) =	sbr.rel @p1 .LBB2_26-.Ltmp24, $3  }
0x119: {  	_ =	sdelay $0x1  }
0x11a: {  	_ =	swait.ge [sflag:s26], $0x80  }
0x11b: {  	[sflag:s26] =	ssyncset.done $0x0  }
.Ltmp25:
0x11c: {  	_ = 	snop;
	(pc) =	sbr.rel .LBB2_27-.Ltmp25, $1  }
0x11d: {  	_ =	sdelay $0x3  }
.LBB2_16:
.Ltmp26:
0x11e: {  	(pc) =	sbr.rel .LBB2_19-.Ltmp26, $2  }
0x11f: {  	_ =	sdelay $0x2  }
0x120: {  	s5 =	rddreg [dreg:$0x7];
	s6 =	simm.s32 $0xD580;
	s23 =	simm.s32 $0xD500  }
.LBB2_29:
0x121: {  	_ =	sfence.sel $0x180000  }
0x122: {  	[bflag:$0x0] =	sbarrier.arrive $0xFFFF  }
0x123: {  	_ =	strace $0x90000053  }
0x124: {  	s0 =	stileid.u32;
	[bflag:$0x2] =	sbarrier.arrive $0xFFFF  }
0x125: {  	p0 =	sne.s32 s0, $0x0;
	s0 =	rddreg [dreg:$0x3]  }
0x126: {  	s0 =	sadd.s32 @!p0 $0x100000, s0  }
0x127: {  	[sflag:s0] =	ssyncadd.tile.s32 @!p0 $0x1;
	_ =	shalt  }
.Lfunc_end2:
_tile_overlayer_lowered:
.L_overlay_start_2:
0x128: {  	(tag) =	ssettag $0x2  }
0x129: {  	s0 =	rddreg [dreg:$0x0];
	s2 =	stileid.u32  }
0x12a: {  	s1 =	rddreg [dreg:$0x1];
	p0 =	sne.s32 s2, $0x0  }
0x12b: {  	s3 =	rddreg [dreg:$0x2];
	[bflag:$0x3] =	sbarrier.arrive $0xFFFF;
	s2 =	simm.s32 @!p0 $0x1C05  }
0x12c: {  	[timem:s3], [sflag:s2] =	dma.local @!p0 [hbm:s0], s1  }
0x12d: {  	s0 =	simm.s32 @!p0 $0x5  }
0x12e: {  	_ =	swait.ge @!p0 [sflag:s0], s1  }
0x12f: {  	s1 =	ssub.s32 @!p0 $0x0, s1;
	[sflag:s0] =	ssyncset.done @!p0 $0x0  }
0x130: {  	[sflag:s0] =	ssyncadd.s32 @!p0 s1  }
0x131: {  	[bflag:$0x3] =	sbarrier.arrive $0xFFFF  }
0x132: {  	_ =	shalt  }

// kernel: gather_offload_async_start.1
scs
__scs_entry_jumppad:
0x0: {  	(pc) =	sbr.rel $0x88, $3  }
0x1: {  	(tag) =	ssettag $0x0;
	lr =	simm.s32 $0x1  }
0x2: {  	[smem:$0x3F9E] =	sst lr;
	_ =	strace $0xD0000000  }
0x3: {  	_ = 	snop  }
0x4: {  	_ = 	snop  }
0x5: {  	_ = 	snop  }
0x6: {  	_ = 	snop  }
0x7: {  	_ = 	snop  }
__scs_overlays_trampoline_lowered:
0x8: {  	[smem:$0x3FAD] =	sst s0  }
0x9: {  	[smem:$0x3FAE] =	sst s1  }
0xa: {  	[smem:$0x3FAF] =	sst s2  }
0xb: {  	[smem:$0x3FB0] =	sst s3  }
0xc: {  	[smem:$0x3FB1] =	sst s4  }
0xd: {  	[smem:$0x3FB2] =	sst s5  }
0xe: {  	[smem:$0x3FB3] =	sst s6  }
0xf: {  	[smem:$0x3FB4] =	sst s7  }
0x10: {  	[smem:$0x3FB5] =	sst s8  }
0x11: {  	[smem:$0x3FB6] =	sst s9;
	s0 =	simm.s32 @!p0 $0x0  }
0x12: {  	s1 =	sld [smem:$0x3F9C];
	s0 =	simm.s32 @p0 $0x1  }
0x13: {  	[smem:$0x3FB7] =	sst s0;
	s0 =	simm.s32 @!p1 $0x0  }
0x14: {  	s2 =	sld [smem:$0x3F9B];
	s0 =	simm.s32 @p1 $0x1  }
0x15: {  	[smem:$0x3FB8] =	sst s0;
	s0 =	simm.s32 @!p2 $0x0  }
0x16: {  	s3 =	sld [smem:$0x3FDB];
	s0 =	simm.s32 @p2 $0x1  }
0x17: {  	s4 =	simm.s32 $0x1BF5;
	[smem:$0x3FBA] =	sst s0  }
0x18: {  	s0 =	sld [smem:$0x3F9D];
	_ =	swait.ge [sflag:s4], $0x0  }
0x19: {  	s7 =	sld [smem:$0x3F9E]  }
0x1a: {  	s8 =	sadd.s32 $0xFFFFE003, lr  }
0x1b: {  	s9 =	sadd.s32 $0xFFFFFEF7, lr;
	s5 =	simm.s32 $0xFFFFFFFF;
	p2 =	slt.u32 s8, $0xFFFFF086  }
0x1c: {  	p1 =	slt.u32 s9, $0xF7A;
	s5 =	simm.s32 @!p2 $0x0  }
0x1d: {  	s5 =	simm.s32 @p1 $0x1;
	p0 =	seq.s32 s7, s2  }
0x1e: {  	s7 =	smul.u32 @!p0 $0xF7A, s2;
	p2 =	seq.s32 @!p0 s5, $0x0  }
0x1f: {  	s9 =	smul.u32 $0xF7A, s1;
	s8 =	simm.s32 @!p0 $0x1BF5;
	p2 =	por !p2, p0  }
0x20: {  	[sflag:s8] =	ssyncset.s32 @!p0 $0xFFFFF086;
	s6 =	sadd.s32 @!p0 s3, s7;
	s7 =	simm.s32 @!p0 $0x108  }
0x21: {  	s3 =	sadd.s32 s3, s9;
	s6 =	sadd.s32 @!p0 $0x88, s6;
	s7 =	simm.s32 @p2 $0x1082  }
0x22: {  	[simem:s7], [sflag:s8] =	dma.local @!p0 [hbm:s6], $0xF7A  }
0x23: {  	s9 =	sor.u32 $0xD0000000, s2;
	s6 =	simm.s32 $0x108;
	_ =	swait.ge @!p0 [sflag:s8], $0x0  }
0x24: {  	s3 =	sadd.s32 $0x88, s3;
	s6 =	simm.s32 @!p1 $0x1082;
	[sflag:s4] =	ssyncset.s32 $0xFFFFF086  }
0x25: {  	[simem:s6], [sflag:s4] =	dma.local [hbm:s3], $0xF7A  }
0x26: {  	[smem:$0x3F9E] =	sst s1;
	(tag) =	ssettag s2;
	_ =	strace s9  }
0x27: {  	s1 =	sld [smem:$0x3FAE]  }
0x28: {  	s2 =	sld [smem:$0x3FAF]  }
0x29: {  	s4 =	sld [smem:$0x3FB1]  }
0x2a: {  	p0 =	seq.s32 s5, $0x0;
	s5 =	sld [smem:$0x3FB2]  }
0x2b: {  	s6 =	sld [smem:$0x3FB3]  }
0x2c: {  	s7 =	sld [smem:$0x3FB4]  }
0x2d: {  	s3 =	simm.s32 $0x108;
	s8 =	sld [smem:$0x3FB5]  }
0x2e: {  	s3 =	simm.s32 @!p0 $0x1082;
	s9 =	sld [smem:$0x3FB6]  }
0x2f: {  	lr =	sadd.s32 s0, s3;
	s0 =	sld [smem:$0x3FAD]  }
0x30: {  	s3 =	sld [smem:$0x3FB0]  }
0x31: {  	[smem:$0x3FB9] =	sst s10  }
0x32: {  	s10 =	sld [smem:$0x3FB7];
	_ =	sdelay $0x3  }
0x33: {  	p0 =	seq.s32 s10, $0x1;
	s10 =	sld [smem:$0x3FB9];
	_ =	sdelay $0x3  }
0x34: {  	[smem:$0x3FB9] =	sst s10  }
0x35: {  	s10 =	sld [smem:$0x3FB8];
	_ =	sdelay $0x3  }
0x36: {  	p1 =	seq.s32 s10, $0x1;
	s10 =	sld [smem:$0x3FB9];
	_ =	sdelay $0x3  }
0x37: {  	[smem:$0x3FB9] =	sst s10  }
0x38: {  	s10 =	sld [smem:$0x3FBA]  }
0x39: {  	_ = 	snop;
	(pc) =	sbr.ind lr, $3  }
0x3a: {  	_ = 	snop  }
0x3b: {  	_ = 	snop  }
0x3c: {  	p2 =	seq.s32 s10, $0x1;
	s10 =	sld [smem:$0x3FB9]  }
0x3d: {  	_ =	shalt  }
0x3e: {  	_ =	shalt  }
0x3f: {  	_ =	shalt  }
0x40: {  	_ =	shalt  }
0x41: {  	_ =	shalt  }
0x42: {  	_ =	shalt  }
0x43: {  	_ =	shalt  }
0x44: {  	_ =	shalt  }
0x45: {  	_ =	shalt  }
0x46: {  	_ =	shalt  }
0x47: {  	_ =	shalt  }
0x48: {  	_ =	shalt  }
0x49: {  	_ =	shalt  }
0x4a: {  	_ =	shalt  }
0x4b: {  	_ =	shalt  }
0x4c: {  	_ =	shalt  }
0x4d: {  	_ =	shalt  }
0x4e: {  	_ =	shalt  }
0x4f: {  	_ =	shalt  }
0x50: {  	_ =	shalt  }
0x51: {  	_ =	shalt  }
0x52: {  	_ =	shalt  }
0x53: {  	_ =	shalt  }
0x54: {  	_ =	shalt  }
0x55: {  	_ =	shalt  }
0x56: {  	_ =	shalt  }
0x57: {  	_ =	shalt  }
0x58: {  	_ =	shalt  }
0x59: {  	_ =	shalt  }
0x5a: {  	_ =	shalt  }
0x5b: {  	_ =	shalt  }
0x5c: {  	_ =	shalt  }
0x5d: {  	_ =	shalt  }
0x5e: {  	_ =	shalt  }
0x5f: {  	_ =	shalt  }
0x60: {  	_ =	shalt  }
0x61: {  	_ =	shalt  }
0x62: {  	_ =	shalt  }
0x63: {  	_ =	shalt  }
0x64: {  	_ =	shalt  }
0x65: {  	_ =	shalt  }
0x66: {  	_ =	shalt  }
0x67: {  	_ =	shalt  }
0x68: {  	_ =	shalt  }
0x69: {  	_ =	shalt  }
0x6a: {  	_ =	shalt  }
0x6b: {  	_ =	shalt  }
0x6c: {  	_ =	shalt  }
0x6d: {  	_ =	shalt  }
0x6e: {  	_ =	shalt  }
0x6f: {  	_ =	shalt  }
0x70: {  	_ =	shalt  }
0x71: {  	_ =	shalt  }
0x72: {  	_ =	shalt  }
0x73: {  	_ =	shalt  }
0x74: {  	_ =	shalt  }
0x75: {  	_ =	shalt  }
0x76: {  	_ =	shalt  }
0x77: {  	_ =	shalt  }
0x78: {  	_ =	shalt  }
0x79: {  	_ =	shalt  }
0x7a: {  	_ =	shalt  }
0x7b: {  	_ =	shalt  }
0x7c: {  	_ =	shalt  }
0x7d: {  	_ =	shalt  }
0x7e: {  	_ =	shalt  }
0x7f: {  	_ =	shalt  }
0x80: {  	_ =	shalt  }
0x81: {  	_ =	shalt  }
0x82: {  	_ =	shalt  }
0x83: {  	_ =	shalt  }
0x84: {  	_ =	shalt  }
0x85: {  	_ =	shalt  }
0x86: {  	_ =	shalt  }
0x87: {  	_ =	shalt  }
.Lfunc_end0:
.L_simem_size_0:
called_computation.2_lowered:
.L_overlay_start_0:
0x88: {  	s2 =	sld [smem:$0x3FD9]  }
0x89: {  	s3 =	sld [smem:$0x3FFE];
	_ =	sdelay $0x1  }
0x8a: {  	s1 =	srdreg.scid  }
0x8b: {  	s0 =	sand.u32 $0x1, s1  }
0x8c: {  	s16 =	sshll.u32 s0, $0xA;
	s2 =	sadd.s32 s3, s2  }
0x8d: {  	s2 =	sadd.s32 s2, s16  }
0x8e: {  	[smem:$0x3FC5] =	sst s2  }
0x8f: {  	_ = 	snop  }
0x90: {  	(tm) =	ssettm $0x1  }
0x91: {  	s17 =	sld [smem:$0x3FFB];
	_ =	sdelay $0x3  }
0x92: {  	_ =	strace s17  }
0x93: {  	s2 =	sld [smem:$0x3FFC];
	_ =	sdelay $0x3  }
0x94: {  	_ =	strace s2  }
0x95: {  	s2 =	sld [smem:$0x3FFD];
	_ =	sdelay $0x3  }
0x96: {  	_ =	strace s2  }
0x97: {  	_ =	strace $0x8FFFFFFF  }
0x98: {  	s18 =	sld [smem:$0x3FDB];
	_ =	sdelay $0x1  }
0x99: {  	s19 =	simm.s32 $_scs_section_size  }
0x9a: {  	s4 =	simm.s32 $_size__tile_overlayer_lowered;
	s5 =	simm.s32 $_tile_overlayer_lowered  }
0x9b: {  	s22 =	simm.s32 $0x1BFF;
	s21 =	sshll.u32 s5, $0x1;
	s2 =	sadd.s32 s19, s18  }
0x9c: {  	s6 =	simm.s32 $0x0;
	s20 =	sshll.u32 s4, $0x1;
	s4 =	sadd.s32 s21, s2  }
0x9d: {  	[timem:s6], [sflag:s22] =	dma.local [hbm:s4], s20  }
0x9e: {  	_ =	swait.ge [sflag:s22], s20  }
0x9f: {  	s3 =	ssub.s32 $0x0, s20;
	[sflag:s22] =	ssyncset.done $0x0  }
0xa0: {  	[sflag:s22] =	ssyncadd.s32 s3;
	_ =	sdelay $0x1  }
0xa1: {  	s23 =	simm.s32 $0x1B8B  }
0xa2: {  	_ =	swait.ge [sflag:s23], $0x1  }
0xa3: {  	[sflag:s23] =	ssyncset.done $0x0  }
0xa4: {  	s25 =	simm.s32 $0x1B8E;
	s24 =	sld [smem:$0x3FFE];
	[sflag:s23] =	ssyncadd.s32 $0xFFFFFFFF  }
0xa5: {  	s26 =	simm.s32 $execute0_lowered;
	[smem:$0x3FD2] =	sst s25  }
0xa6: {  	s4 =	sshll.u32 s26, $0x1;
	_ =	strace $0x80000049;
	[dreg:$0x1] =	wrdreg $0xFFFFFFFF  }
0xa7: {  	s28 =	simm.s32 $_size_execute0_lowered;
	s2 =	sadd.s32 s2, s4;
	[dreg:$0x0] =	wrdreg $0x0  }
0xa8: {  	s4 =	sshll.u32 s28, $0x1;
	[dreg:$0x2] =	wrdreg s2  }
0xa9: {  	[dreg:$0x3] =	wrdreg s4  }
0xaa: {  	[dreg:$0x4] =	wrdreg $0xC0  }
0xab: {  	_ =	task [dreg:s6], $0x5FFFF  }
0xac: {  	[dreg:$0x1] =	wrdreg $0xFFFFFFFF  }
0xad: {  	[dreg:$0x0] =	wrdreg $0x60  }
0xae: {  	[dreg:$0x2] =	wrdreg s24  }
0xaf: {  	[dreg:$0x3] =	wrdreg $0x9  }
0xb0: {  	_ =	task.clear_ibuf [dreg:s6], $0x4FFFF;
	_ =	strace $0x90000049  }
0xb1: {  	s29 =	simm.s32 $0x9;
	_ =	strace $0x8000004B  }
0xb2: {  	_ =	swait.ge [sflag:s29], $0x1  }
0xb3: {  	[sflag:s29] =	ssyncadd.s32 $0xFFFFFFFF  }
0xb4: {  	_ =	strace $0x9000004B  }
0xb5: {  	_ =	sfence  }
0xb6: {  	s30 =	sld [smem:$0x0];
	_ =	sdelay $0x2  }
0xb7: {  	s31 =	sshll.u32 s1, $0xD;
	s1 =	sshrl.u32 s1, $0x2  }
0xb8: {  	s3 =	sand.u32 $0x4000, s31;
	s1 =	sadd.s32 s1, s30  }
0xb9: {  	s0 =	sor.u32 s3, s0;
	s1 =	sshll.u32 s1, $0x11  }
0xba: {  	s0 =	sor.u32 s1, s0  }
0xbb: {  	s0 =	sadd.s32 $0x8F2B, s0  }
0xbc: {  	[sflag:s0] =	ssyncadd.remote.s32 $0x1  }
0xbd: {  	_ =	sfence.sel $0xFFFF  }
0xbe: {  	[dreg:$0x0] =	wrdreg $0xFFFFFFFF;
	(pc) =	sbr.abs _section_cstart, $3  }
0xbf: {  	[dreg:$0x1] =	wrdreg $0xFFFFFFFF  }
0xc0: {  	_ =	task.clear_ibuf [dreg:s6], $0x2FFFF;
	_ =	strace $0x9FFFFFFF  }
0xc1: {  	(tm) =	ssettm $0x7FFFFFFF  }
tec
execute0_lowered:
.L_overlay_start_1:
0x0: {  	(tag) =	ssettag $0x1  }
0x1: {  	s8 =	rddreg [dreg:$0x0]  }
0x2: {  	s0 =	rddreg [dreg:$0x1];
	_ =	strace $0x8000004A;
	s1 =	stileid.u32  }
0x3: {  	s3 =	srdreg.scid;
	s4 =	simm.s32 $0x1;
	s7 =	simm.s32 $0x1  }
0x4: {  	s9 =	simm.s32 $0x1;
	s10 =	simm.s32 $0x3;
	s13 =	simm.s32 $0x0  }
0x5: {  	s12 =	simm.s32 $0x0;
	s5 =	sand.u32 $0x1, s3;
	s6 =	sshll.u32 s1, $0x1  }
0x6: {  	s2 =	sadd.s32 $0x7E00, s8;
	s3 =	sadd.s32 $0x1BE00, s8;
	s5 =	sor.u32 s6, s5  }
.Ltmp0:
0x7: {  	[sflag:s4] =	ssyncpa.u1 $0x0;
	p0 =	slt.u32 s5, $0x9;
	(pc) =	sbr.rel .LBB2_1-.Ltmp0, $4  }
0x8: {  	s6 =	simm.s32 $0x2;
	s7 =	simm.s32 @!p0 $0x0;
	p0 =	sne.s32 s5, $0x8  }
0x9: {  	[sflag:s6] =	ssyncpa.u1 $0x0;
	s5 =	smul.u32 $0xFA0, s5;
	s9 =	simm.s32 @!p0 $0x0  }
0xa: {  	s8 =	sadd.s32 $0x11E00, s8;
	[sflag:s10] =	ssyncpa.u1 $0x0;
	s7 =	sadd.s32 s9, s7  }
0xb: {  	vm0 =	vmmov $0xffff;
	s10 =	simm.s32 $0x0;
	s11 =	smov.u32 s5;
	s9 =	sadd.s32 $0x1, s7  }
.LBB2_4:
0xc: {  	v2 =	vnsel vm1, $0x0, v2  }
0xd: {  	vm1 =	vgt.s32 v0, $0x0;
	v2 =	vmin.u32 v2, $0x270FF  }
0xe: {  	v0 =	vnsel vm1, $0x0, v0  }
0xf: {  	v0 =	vmin.u32 v0, $0x270FF  }
0x10: {  	[tilespmem:s18], [sflag:$0x1] =	stream.indirect_vreg.gather [hbm4b:s2+s10], $0x1, v1, vm0, $0x4038;
	[tilespmem:$0x3E80] =	vst v63  }
0x11: {  	(ifvalue) =	ssetifvalue $0x7FFFFFFF  }
0x12: {  	[tilespmem:s15], [sflag:$0x1] =	stream.indirect_vreg.gather [hbm4b:s2+s10], $0x1, v2, vm0, $0x4038;
	[tilespmem:$0x3E80] =	vst v63  }
0x13: {  	s29 =	sadd.s32 $0x10, s15;
	(ifvalue) =	ssetifvalue $0x7FFFFFFF  }
0x14: {  	[tilespmem:s29], [sflag:$0x1] =	stream.indirect_vreg.gather [hbm4b:s2+s10], $0x1, v0, vm0, $0x4038;
	[tilespmem:$0x3E80] =	vst v63  }
0x15: {  	_ =	swait.ge [sflag:s4], $0xFA0  }
0x16: {  	s30 =	sshrl.u32 s13, $0x3;
	[sflag:s4] =	ssyncset.done $0x0  }
0x17: {  	s31 =	sand.u32 $0x7, s13;
	s15 =	sadd.s32 s8, s30;
	[sflag:s4] =	ssyncadd.s32 $0xFFFFF060  }
0x18: {  	[hbm4b:s15+s31] =	stream.linear.scatter [tilespmem:s14], [sflag:$0x3], $0xFA0, $0x38;
	[tilespmem:$0x3E80] =	vst v63  }
.LBB2_5:
0x19: {  	s15 =	sadd.s32 $0x1F400, s11  }
0x1a: {  	p1 =	sgt.s32 s15, $0x270FF  }
0x1b: {  	s15 =	smov.u32 @p1 s5;
	p1 =	sne.s32 s12, s9  }
.Ltmp1:
0x1c: {  	p0 =	slt.u32 s12, $0x2;
	(pc) =	sbr.rel @!p1 .LBB2_6-.Ltmp1, $4  }
0x1d: {  	s14 =	simm.s32 @!p0 $0x3  }
0x1e: {  	_ =	swait.ge @!p0 [sflag:s14], $0xFA0  }
0x1f: {  	s16 =	sadd.s32 $0x1, s12;
	s13 =	smov.u32 s11;
	[sflag:s14] =	ssyncset.done @!p0 $0x0  }
0x20: {  	s12 =	smov.u32 s16;
	s11 =	smov.u32 s15;
	[sflag:s14] =	ssyncadd.s32 @!p0 $0xFFFFF060  }
.LBB2_1:
0x21: {  	p0 =	sge.u32 s12, s7  }
0x22: {  	s14 =	sxor.u32 @!p0 $0x1, s12  }
0x23: {  	s14 =	smul.u32 @!p0 $0x3E80, s14  }
0x24: {  	s31 =	sadd.s32 $0xFFFFFFFF, s12;
	s15 =	sshrl.u32 @!p0 s11, $0x3  }
0x25: {  	s16 =	sand.u32 @!p0 $0x7, s11;
	s15 =	sadd.s32 @!p0 s3, s15;
	s14 =	sshra.s32 @!p0 s14, $0x2  }
0x26: {  	[tilespmem:s14], [sflag:$0x2] =	stream.linear.gather @!p0 [hbm4b:s15+s16], $0xFA0, $0x38;
	[tilespmem:$0x3E80] =	vst v63  }
0x27: {  	p0 =	sge.u32 s31, s7  }
.Ltmp2:
0x28: {  	_ = 	snop;
	(pc) =	sbr.rel @p0 .LBB2_5-.Ltmp2, $1  }
0x29: {  	_ =	sdelay $0x3  }
0x2a: {  	s14 =	sand.u32 $0x1, s12  }
0x2b: {  	_ =	swait.ge [sflag:s6], $0xFA0;
	p0 =	seq.s32 s14, $0x1;
	s14 =	simm.s32 $0xFA0  }
0x2c: {  	[sflag:s6] =	ssyncset.done $0x0;
	s14 =	simm.s32 @!p0 $0x0  }
0x2d: {  	[sflag:s6] =	ssyncadd.s32 $0xFFFFF060;
	(ifvalue) =	ssetifvalue $0x7FFFFFFF;
	v0 =	vld.msk [tilespmem:s14+$0x0 ss:$0x1], $0xffff;
	_ =	sdelay $0x4  }
0x2e: {  	s15 =	sadd.s32 $0x10, s14;
	vm1 =	vgt.s32 v0, $0x0  }
0x2f: {  	v2 =	vld.msk [tilespmem:s15+$0x0 ss:$0x1], $0xffff;
	v1 =	vnsel vm1, $0x0, v0  }
0x30: {  	v1 =	vmin.u32 v1, $0x270FF;
	_ =	sdelay $0x2  }
0x31: {  	s17 =	simm.s32 $0x20;
	s14 =	sadd.s32 $0x1F40, s14;
	s16 =	sadd.s32 $0x10, s15  }
0x32: {  	s15 =	sadd.s32 $0x10, s14;
	s18 =	smov.u32 s14;
	v0 =	vld.msk [tilespmem:s16+$0x0 ss:$0x1], $0xffff;
	vm1 =	vgt.s32 v2, $0x0;
	(ifvalue) =	ssetifvalue $0x7FFFFFFF  }
.LBB2_3:
0x33: {  	[tilespmem:s18], [sflag:$0x1] =	stream.indirect_vreg.gather [hbm4b:s2+s10], $0x1, v1, vm0, $0x4038;
	[tilespmem:$0x3E80] =	vst v63  }
0x34: {  	s17 =	sadd.s32 $0x10, s17  }
0x35: {  	v2 =	vnsel vm1, $0x0, v2;
	p0 =	slt.u32 s17, $0xF90  }
.Ltmp3:
0x36: {  	s18 =	smov.u32 s15;
	v1 =	vmin.u32 v2, $0x270FF;
	(pc) =	sbr.rel @p0 .LBB2_3-.Ltmp3, $3  }
0x37: {  	_ =	sdelay $0x1  }
0x38: {  	s16 =	sadd.s32 $0x10, s16  }
0x39: {  	vm1 =	vgt.s32 v0, $0x0;
	s15 =	sadd.s32 $0x10, s15;
	v2 =	vmov v0;
	(ifvalue) =	ssetifvalue $0x7FFFFFFF;
	v0 =	vld.msk [tilespmem:s16+$0x0 ss:$0x1], $0xffff  }
.Ltmp4:
0x3a: {  	_ = 	snop;
	(pc) =	sbr.rel .LBB2_4-.Ltmp4, $1  }
0x3b: {  	_ =	sdelay $0x3  }
.LBB2_6:
0x3c: {  	_ =	sfence.sel $0x180000  }
0x3d: {  	s2 =	simm.s32 $0x2;
	[bflag:$0x0] =	sbarrier.arrive $0xFFFF  }
0x3e: {  	s30 =	simm.s32 $0x3;
	[sflag:s2] =	ssyncpa.u1 $0x1  }
0x3f: {  	s31 =	simm.s32 $0x1;
	[sflag:s30] =	ssyncpa.u1 $0x1  }
0x40: {  	[sflag:s31] =	ssyncpa.u1 $0x1  }
0x41: {  	p0 =	sne.s32 s1, $0x0;
	_ =	strace $0x9000004A  }
0x42: {  	s0 =	sadd.s32 @!p0 $0x100000, s0;
	[bflag:$0x2] =	sbarrier.arrive $0xFFFF  }
0x43: {  	[sflag:s0] =	ssyncadd.tile.s32 @!p0 $0x1;
	_ =	shalt  }
.Lfunc_end2:
_tile_overlayer_lowered:
.L_overlay_start_2:
0x44: {  	(tag) =	ssettag $0x2  }
0x45: {  	s0 =	rddreg [dreg:$0x0];
	s2 =	stileid.u32  }
0x46: {  	s1 =	rddreg [dreg:$0x1];
	p0 =	sne.s32 s2, $0x0  }
0x47: {  	s3 =	rddreg [dreg:$0x2];
	[bflag:$0x3] =	sbarrier.arrive $0xFFFF;
	s2 =	simm.s32 @!p0 $0x1C01  }
0x48: {  	[timem:s3], [sflag:s2] =	dma.local @!p0 [hbm:s0], s1  }
0x49: {  	s0 =	simm.s32 @!p0 $0x1  }
0x4a: {  	_ =	swait.ge @!p0 [sflag:s0], s1  }
0x4b: {  	s1 =	ssub.s32 @!p0 $0x0, s1;
	[sflag:s0] =	ssyncset.done @!p0 $0x0  }
0x4c: {  	[sflag:s0] =	ssyncadd.s32 @!p0 s1  }
0x4d: {  	[bflag:$0x3] =	sbarrier.arrive $0xFFFF  }
0x4e: {  	_ =	shalt  }

// kernel: gather_offload_async_start.2
scs
__scs_entry_jumppad:
0x0: {  	(pc) =	sbr.rel $0x88, $3  }
0x1: {  	(tag) =	ssettag $0x0;
	lr =	simm.s32 $0x1  }
0x2: {  	[smem:$0x3F9E] =	sst lr;
	_ =	strace $0xD0000000  }
0x3: {  	_ = 	snop  }
0x4: {  	_ = 	snop  }
0x5: {  	_ = 	snop  }
0x6: {  	_ = 	snop  }
0x7: {  	_ = 	snop  }
__scs_overlays_trampoline_lowered:
0x8: {  	[smem:$0x3FAD] =	sst s0  }
0x9: {  	[smem:$0x3FAE] =	sst s1  }
0xa: {  	[smem:$0x3FAF] =	sst s2  }
0xb: {  	[smem:$0x3FB0] =	sst s3  }
0xc: {  	[smem:$0x3FB1] =	sst s4  }
0xd: {  	[smem:$0x3FB2] =	sst s5  }
0xe: {  	[smem:$0x3FB3] =	sst s6  }
0xf: {  	[smem:$0x3FB4] =	sst s7  }
0x10: {  	[smem:$0x3FB5] =	sst s8  }
0x11: {  	[smem:$0x3FB6] =	sst s9;
	s0 =	simm.s32 @!p0 $0x0  }
0x12: {  	s1 =	sld [smem:$0x3F9C];
	s0 =	simm.s32 @p0 $0x1  }
0x13: {  	[smem:$0x3FB7] =	sst s0;
	s0 =	simm.s32 @!p1 $0x0  }
0x14: {  	s2 =	sld [smem:$0x3F9B];
	s0 =	simm.s32 @p1 $0x1  }
0x15: {  	[smem:$0x3FB8] =	sst s0;
	s0 =	simm.s32 @!p2 $0x0  }
0x16: {  	s3 =	sld [smem:$0x3FDB];
	s0 =	simm.s32 @p2 $0x1  }
0x17: {  	s4 =	simm.s32 $0x1BF5;
	[smem:$0x3FBA] =	sst s0  }
0x18: {  	s0 =	sld [smem:$0x3F9D];
	_ =	swait.ge [sflag:s4], $0x0  }
0x19: {  	s7 =	sld [smem:$0x3F9E]  }
0x1a: {  	s8 =	sadd.s32 $0xFFFFE003, lr  }
0x1b: {  	s9 =	sadd.s32 $0xFFFFFEF7, lr;
	s5 =	simm.s32 $0xFFFFFFFF;
	p2 =	slt.u32 s8, $0xFFFFF086  }
0x1c: {  	p1 =	slt.u32 s9, $0xF7A;
	s5 =	simm.s32 @!p2 $0x0  }
0x1d: {  	s5 =	simm.s32 @p1 $0x1;
	p0 =	seq.s32 s7, s2  }
0x1e: {  	s7 =	smul.u32 @!p0 $0xF7A, s2;
	p2 =	seq.s32 @!p0 s5, $0x0  }
0x1f: {  	s9 =	smul.u32 $0xF7A, s1;
	s8 =	simm.s32 @!p0 $0x1BF5;
	p2 =	por !p2, p0  }
0x20: {  	[sflag:s8] =	ssyncset.s32 @!p0 $0xFFFFF086;
	s6 =	sadd.s32 @!p0 s3, s7;
	s7 =	simm.s32 @!p0 $0x108  }
0x21: {  	s3 =	sadd.s32 s3, s9;
	s6 =	sadd.s32 @!p0 $0x88, s6;
	s7 =	simm.s32 @p2 $0x1082  }
0x22: {  	[simem:s7], [sflag:s8] =	dma.local @!p0 [hbm:s6], $0xF7A  }
0x23: {  	s9 =	sor.u32 $0xD0000000, s2;
	s6 =	simm.s32 $0x108;
	_ =	swait.ge @!p0 [sflag:s8], $0x0  }
0x24: {  	s3 =	sadd.s32 $0x88, s3;
	s6 =	simm.s32 @!p1 $0x1082;
	[sflag:s4] =	ssyncset.s32 $0xFFFFF086  }
0x25: {  	[simem:s6], [sflag:s4] =	dma.local [hbm:s3], $0xF7A  }
0x26: {  	[smem:$0x3F9E] =	sst s1;
	(tag) =	ssettag s2;
	_ =	strace s9  }
0x27: {  	s1 =	sld [smem:$0x3FAE]  }
0x28: {  	s2 =	sld [smem:$0x3FAF]  }
0x29: {  	s4 =	sld [smem:$0x3FB1]  }
0x2a: {  	p0 =	seq.s32 s5, $0x0;
	s5 =	sld [smem:$0x3FB2]  }
0x2b: {  	s6 =	sld [smem:$0x3FB3]  }
0x2c: {  	s7 =	sld [smem:$0x3FB4]  }
0x2d: {  	s3 =	simm.s32 $0x108;
	s8 =	sld [smem:$0x3FB5]  }
0x2e: {  	s3 =	simm.s32 @!p0 $0x1082;
	s9 =	sld [smem:$0x3FB6]  }
0x2f: {  	lr =	sadd.s32 s0, s3;
	s0 =	sld [smem:$0x3FAD]  }
0x30: {  	s3 =	sld [smem:$0x3FB0]  }
0x31: {  	[smem:$0x3FB9] =	sst s10  }
0x32: {  	s10 =	sld [smem:$0x3FB7];
	_ =	sdelay $0x3  }
0x33: {  	p0 =	seq.s32 s10, $0x1;
	s10 =	sld [smem:$0x3FB9];
	_ =	sdelay $0x3  }
0x34: {  	[smem:$0x3FB9] =	sst s10  }
0x35: {  	s10 =	sld [smem:$0x3FB8];
	_ =	sdelay $0x3  }
0x36: {  	p1 =	seq.s32 s10, $0x1;
	s10 =	sld [smem:$0x3FB9];
	_ =	sdelay $0x3  }
0x37: {  	[smem:$0x3FB9] =	sst s10  }
0x38: {  	s10 =	sld [smem:$0x3FBA]  }
0x39: {  	_ = 	snop;
	(pc) =	sbr.ind lr, $3  }
0x3a: {  	_ = 	snop  }
0x3b: {  	_ = 	snop  }
0x3c: {  	p2 =	seq.s32 s10, $0x1;
	s10 =	sld [smem:$0x3FB9]  }
0x3d: {  	_ =	shalt  }
0x3e: {  	_ =	shalt  }
0x3f: {  	_ =	shalt  }
0x40: {  	_ =	shalt  }
0x41: {  	_ =	shalt  }
0x42: {  	_ =	shalt  }
0x43: {  	_ =	shalt  }
0x44: {  	_ =	shalt  }
0x45: {  	_ =	shalt  }
0x46: {  	_ =	shalt  }
0x47: {  	_ =	shalt  }
0x48: {  	_ =	shalt  }
0x49: {  	_ =	shalt  }
0x4a: {  	_ =	shalt  }
0x4b: {  	_ =	shalt  }
0x4c: {  	_ =	shalt  }
0x4d: {  	_ =	shalt  }
0x4e: {  	_ =	shalt  }
0x4f: {  	_ =	shalt  }
0x50: {  	_ =	shalt  }
0x51: {  	_ =	shalt  }
0x52: {  	_ =	shalt  }
0x53: {  	_ =	shalt  }
0x54: {  	_ =	shalt  }
0x55: {  	_ =	shalt  }
0x56: {  	_ =	shalt  }
0x57: {  	_ =	shalt  }
0x58: {  	_ =	shalt  }
0x59: {  	_ =	shalt  }
0x5a: {  	_ =	shalt  }
0x5b: {  	_ =	shalt  }
0x5c: {  	_ =	shalt  }
0x5d: {  	_ =	shalt  }
0x5e: {  	_ =	shalt  }
0x5f: {  	_ =	shalt  }
0x60: {  	_ =	shalt  }
0x61: {  	_ =	shalt  }
0x62: {  	_ =	shalt  }
0x63: {  	_ =	shalt  }
0x64: {  	_ =	shalt  }
0x65: {  	_ =	shalt  }
0x66: {  	_ =	shalt  }
0x67: {  	_ =	shalt  }
0x68: {  	_ =	shalt  }
0x69: {  	_ =	shalt  }
0x6a: {  	_ =	shalt  }
0x6b: {  	_ =	shalt  }
0x6c: {  	_ =	shalt  }
0x6d: {  	_ =	shalt  }
0x6e: {  	_ =	shalt  }
0x6f: {  	_ =	shalt  }
0x70: {  	_ =	shalt  }
0x71: {  	_ =	shalt  }
0x72: {  	_ =	shalt  }
0x73: {  	_ =	shalt  }
0x74: {  	_ =	shalt  }
0x75: {  	_ =	shalt  }
0x76: {  	_ =	shalt  }
0x77: {  	_ =	shalt  }
0x78: {  	_ =	shalt  }
0x79: {  	_ =	shalt  }
0x7a: {  	_ =	shalt  }
0x7b: {  	_ =	shalt  }
0x7c: {  	_ =	shalt  }
0x7d: {  	_ =	shalt  }
0x7e: {  	_ =	shalt  }
0x7f: {  	_ =	shalt  }
0x80: {  	_ =	shalt  }
0x81: {  	_ =	shalt  }
0x82: {  	_ =	shalt  }
0x83: {  	_ =	shalt  }
0x84: {  	_ =	shalt  }
0x85: {  	_ =	shalt  }
0x86: {  	_ =	shalt  }
0x87: {  	_ =	shalt  }
.Lfunc_end0:
.L_simem_size_0:
called_computation.3_lowered:
.L_overlay_start_0:
0x88: {  	s2 =	sld [smem:$0x3FD9]  }
0x89: {  	s3 =	sld [smem:$0x3FFE];
	_ =	sdelay $0x1  }
0x8a: {  	s1 =	srdreg.scid  }
0x8b: {  	s0 =	sand.u32 $0x1, s1  }
0x8c: {  	s17 =	sshll.u32 s0, $0xA;
	s2 =	sadd.s32 s3, s2  }
0x8d: {  	s2 =	sadd.s32 s2, s17  }
0x8e: {  	[smem:$0x3FC5] =	sst s2  }
0x8f: {  	_ = 	snop  }
0x90: {  	(tm) =	ssettm $0x1  }
0x91: {  	s18 =	sld [smem:$0x3FFB];
	_ =	sdelay $0x3  }
0x92: {  	_ =	strace s18  }
0x93: {  	s2 =	sld [smem:$0x3FFC];
	_ =	sdelay $0x3  }
0x94: {  	_ =	strace s2  }
0x95: {  	s2 =	sld [smem:$0x3FFD];
	_ =	sdelay $0x3  }
0x96: {  	_ =	strace s2  }
0x97: {  	_ =	strace $0x8FFFFFFF  }
0x98: {  	s19 =	sld [smem:$0x3FDB];
	_ =	sdelay $0x1  }
0x99: {  	s20 =	simm.s32 $_scs_section_size  }
0x9a: {  	s4 =	simm.s32 $_size__tile_overlayer_lowered;
	s5 =	simm.s32 $_tile_overlayer_lowered  }
0x9b: {  	s6 =	simm.s32 $0x1BFF;
	s21 =	sshll.u32 s5, $0x1;
	s3 =	sadd.s32 s20, s19  }
0x9c: {  	s22 =	simm.s32 $0x0;
	s4 =	sshll.u32 s4, $0x1;
	s5 =	sadd.s32 s21, s3  }
0x9d: {  	[timem:s22], [sflag:s6] =	dma.local [hbm:s5], s4  }
0x9e: {  	_ =	swait.ge [sflag:s6], s4  }
0x9f: {  	s4 =	ssub.s32 $0x0, s4;
	[sflag:s6] =	ssyncset.done $0x0  }
0xa0: {  	[sflag:s6] =	ssyncadd.s32 s4;
	_ =	sdelay $0x1  }
0xa1: {  	s23 =	simm.s32 $0x1B8B  }
0xa2: {  	_ =	swait.ge [sflag:s23], $0x1  }
0xa3: {  	[sflag:s23] =	ssyncset.done $0x0  }
0xa4: {  	[sflag:s23] =	ssyncadd.s32 $0xFFFFFFFF  }
0xa5: {  	s4 =	sld [smem:$0x0]  }
0xa6: {  	s5 =	sand.u32 $0xFFFFFFFE, s1  }
0xa7: {  	p0 =	sne.s32 s1, s5  }
0xa8: {  	s5 =	sshll.u32 @p0 s5, $0xE  }
0xa9: {  	s5 =	sadd.s32 @p0 $0x11B8D, s5;
	s6 =	sshll.u32 @p0 s4, $0x11  }
0xaa: {  	s5 =	sor.u32 @p0 s6, s5  }
0xab: {  	[sflag:s5] =	ssyncadd.remote.s32 @p0 $0x1;
	_ =	sdelay $0x1  }
0xac: {  	s5 =	simm.s32 @p0 $0x1B8D  }
0xad: {  	_ =	swait.eq @p0 [sflag:s5], $0x1  }
0xae: {  	[sflag:s5] =	ssyncadd.s32 @p0 $0xFFFFFFFF  }
0xaf: {  	s6 =	sshll.u32 @!p0 s1, $0xE  }
0xb0: {  	s6 =	sor.u32 @!p0 $0x4000, s6;
	s5 =	simm.s32 @!p0 $0x1B8D  }
0xb1: {  	s4 =	sshll.u32 @!p0 s4, $0x11;
	s6 =	sadd.s32 @!p0 $0x11B8D, s6;
	_ =	swait.eq @!p0 [sflag:s5], $0x1  }
0xb2: {  	s4 =	sor.u32 @!p0 s4, s6;
	[sflag:s5] =	ssyncadd.s32 @!p0 $0xFFFFFFFF  }
0xb3: {  	s25 =	simm.s32 $0x1B8E;
	s24 =	sld [smem:$0x3FFE];
	[sflag:s4] =	ssyncadd.remote.s32 @!p0 $0x1  }
0xb4: {  	s26 =	simm.s32 $execute0_lowered;
	[smem:$0x3FD2] =	sst s25  }
0xb5: {  	s5 =	sshll.u32 s26, $0x1;
	_ =	strace $0x8000004F;
	[dreg:$0x1] =	wrdreg $0xFFFFFFFF  }
0xb6: {  	s28 =	simm.s32 $_size_execute0_lowered;
	s3 =	sadd.s32 s3, s5;
	[dreg:$0x0] =	wrdreg $0x0  }
0xb7: {  	s5 =	sshll.u32 s28, $0x1;
	[dreg:$0x2] =	wrdreg s3  }
0xb8: {  	[dreg:$0x3] =	wrdreg s5  }
0xb9: {  	[dreg:$0x4] =	wrdreg $0xC0  }
0xba: {  	_ =	task [dreg:s22], $0x5FFFF  }
0xbb: {  	[dreg:$0x1] =	wrdreg $0xFFFFFFFF  }
0xbc: {  	[dreg:$0x0] =	wrdreg $0x60  }
0xbd: {  	[dreg:$0x2] =	wrdreg s24  }
0xbe: {  	[dreg:$0x3] =	wrdreg $0xA  }
0xbf: {  	_ =	task.clear_ibuf [dreg:s22], $0x4FFFF;
	_ =	strace $0x9000004F  }
0xc0: {  	s29 =	simm.s32 $0xA;
	_ =	strace $0x80000051  }
0xc1: {  	_ =	swait.ge [sflag:s29], $0x1  }
0xc2: {  	[sflag:s29] =	ssyncadd.s32 $0xFFFFFFFF  }
0xc3: {  	_ =	strace $0x90000051  }
0xc4: {  	_ =	sfence  }
0xc5: {  	s30 =	sld [smem:$0x0];
	_ =	sdelay $0x2  }
0xc6: {  	s31 =	sshll.u32 s1, $0xD;
	s1 =	sshrl.u32 s1, $0x2  }
0xc7: {  	s4 =	sand.u32 $0x4000, s31;
	s1 =	sadd.s32 s1, s30  }
0xc8: {  	s0 =	sor.u32 s4, s0;
	s1 =	sshll.u32 s1, $0x11  }
0xc9: {  	s0 =	sor.u32 s1, s0  }
0xca: {  	s0 =	sadd.s32 $0x8F2B, s0  }
0xcb: {  	[sflag:s0] =	ssyncadd.remote.s32 $0x1  }
0xcc: {  	_ =	sfence.sel $0xFFFF  }
0xcd: {  	[dreg:$0x0] =	wrdreg $0xFFFFFFFF;
	(pc) =	sbr.abs _section_cstart, $3  }
0xce: {  	[dreg:$0x1] =	wrdreg $0xFFFFFFFF  }
0xcf: {  	_ =	task.clear_ibuf [dreg:s22], $0x2FFFF;
	_ =	strace $0x9FFFFFFF  }
0xd0: {  	(tm) =	ssettm $0x7FFFFFFF  }
0xd1: {  	_ =	shalt  }
tec
execute0_lowered:
.L_overlay_start_1:
0x0: {  	(tag) =	ssettag $0x1  }
0x1: {  	s8 =	rddreg [dreg:$0x0]  }
0x2: {  	s0 =	rddreg [dreg:$0x1];
	_ =	strace $0x80000050;
	s1 =	stileid.u32  }
0x3: {  	s3 =	srdreg.scid;
	s4 =	simm.s32 $0x1;
	s7 =	simm.s32 $0x1  }
0x4: {  	s9 =	simm.s32 $0x1;
	s10 =	simm.s32 $0x3;
	s13 =	simm.s32 $0x0  }
0x5: {  	s12 =	simm.s32 $0x0;
	s5 =	sand.u32 $0x1, s3;
	s6 =	sshll.u32 s1, $0x1  }
0x6: {  	s2 =	sadd.s32 $0xCE00, s8;
	s3 =	sadd.s32 $0x1BE00, s8;
	s5 =	sor.u32 s6, s5  }
.Ltmp0:
0x7: {  	[sflag:s4] =	ssyncpa.u1 $0x0;
	p0 =	slt.u32 s5, $0x9;
	(pc) =	sbr.rel .LBB2_1-.Ltmp0, $4  }
0x8: {  	s6 =	simm.s32 $0x2;
	s7 =	simm.s32 @!p0 $0x0;
	p0 =	sne.s32 s5, $0x8  }
0x9: {  	[sflag:s6] =	ssyncpa.u1 $0x0;
	s5 =	smul.u32 $0xFA0, s5;
	s9 =	simm.s32 @!p0 $0x0  }
0xa: {  	s8 =	sadd.s32 $0x16E00, s8;
	[sflag:s10] =	ssyncpa.u1 $0x0;
	s7 =	sadd.s32 s9, s7  }
0xb: {  	vm0 =	vmmov $0xffff;
	s10 =	simm.s32 $0x0;
	s11 =	smov.u32 s5;
	s9 =	sadd.s32 $0x1, s7  }
.LBB2_4:
0xc: {  	v2 =	vnsel vm1, $0x0, v2  }
0xd: {  	vm1 =	vgt.s32 v0, $0x0;
	v2 =	vmin.u32 v2, $0x270FF  }
0xe: {  	v0 =	vnsel vm1, $0x0, v0  }
0xf: {  	v0 =	vmin.u32 v0, $0x270FF  }
0x10: {  	[tilespmem:s18], [sflag:$0x1] =	stream.indirect_vreg.gather [hbm4b:s2+s10], $0x1, v1, vm0, $0x4038;
	[tilespmem:$0x3E80] =	vst v63  }
0x11: {  	(ifvalue) =	ssetifvalue $0x7FFFFFFF  }
0x12: {  	[tilespmem:s15], [sflag:$0x1] =	stream.indirect_vreg.gather [hbm4b:s2+s10], $0x1, v2, vm0, $0x4038;
	[tilespmem:$0x3E80] =	vst v63  }
0x13: {  	s29 =	sadd.s32 $0x10, s15;
	(ifvalue) =	ssetifvalue $0x7FFFFFFF  }
0x14: {  	[tilespmem:s29], [sflag:$0x1] =	stream.indirect_vreg.gather [hbm4b:s2+s10], $0x1, v0, vm0, $0x4038;
	[tilespmem:$0x3E80] =	vst v63  }
0x15: {  	_ =	swait.ge [sflag:s4], $0xFA0  }
0x16: {  	s30 =	sshrl.u32 s13, $0x3;
	[sflag:s4] =	ssyncset.done $0x0  }
0x17: {  	s31 =	sand.u32 $0x7, s13;
	s15 =	sadd.s32 s8, s30;
	[sflag:s4] =	ssyncadd.s32 $0xFFFFF060  }
0x18: {  	[hbm4b:s15+s31] =	stream.linear.scatter [tilespmem:s14], [sflag:$0x3], $0xFA0, $0x38;
	[tilespmem:$0x3E80] =	vst v63  }
.LBB2_5:
0x19: {  	s15 =	sadd.s32 $0x1F400, s11  }
0x1a: {  	p1 =	sgt.s32 s15, $0x270FF  }
0x1b: {  	s15 =	smov.u32 @p1 s5;
	p1 =	sne.s32 s12, s9  }
.Ltmp1:
0x1c: {  	p0 =	slt.u32 s12, $0x2;
	(pc) =	sbr.rel @!p1 .LBB2_6-.Ltmp1, $4  }
0x1d: {  	s14 =	simm.s32 @!p0 $0x3  }
0x1e: {  	_ =	swait.ge @!p0 [sflag:s14], $0xFA0  }
0x1f: {  	s16 =	sadd.s32 $0x1, s12;
	s13 =	smov.u32 s11;
	[sflag:s14] =	ssyncset.done @!p0 $0x0  }
0x20: {  	s12 =	smov.u32 s16;
	s11 =	smov.u32 s15;
	[sflag:s14] =	ssyncadd.s32 @!p0 $0xFFFFF060  }
.LBB2_1:
0x21: {  	p0 =	sge.u32 s12, s7  }
0x22: {  	s14 =	sxor.u32 @!p0 $0x1, s12  }
0x23: {  	s14 =	smul.u32 @!p0 $0x3E80, s14  }
0x24: {  	s31 =	sadd.s32 $0xFFFFFFFF, s12;
	s15 =	sshrl.u32 @!p0 s11, $0x3  }
0x25: {  	s16 =	sand.u32 @!p0 $0x7, s11;
	s15 =	sadd.s32 @!p0 s3, s15;
	s14 =	sshra.s32 @!p0 s14, $0x2  }
0x26: {  	[tilespmem:s14], [sflag:$0x2] =	stream.linear.gather @!p0 [hbm4b:s15+s16], $0xFA0, $0x38;
	[tilespmem:$0x3E80] =	vst v63  }
0x27: {  	p0 =	sge.u32 s31, s7  }
.Ltmp2:
0x28: {  	_ = 	snop;
	(pc) =	sbr.rel @p0 .LBB2_5-.Ltmp2, $1  }
0x29: {  	_ =	sdelay $0x3  }
0x2a: {  	s14 =	sand.u32 $0x1, s12  }
0x2b: {  	_ =	swait.ge [sflag:s6], $0xFA0;
	p0 =	seq.s32 s14, $0x1;
	s14 =	simm.s32 $0xFA0  }
0x2c: {  	[sflag:s6] =	ssyncset.done $0x0;
	s14 =	simm.s32 @!p0 $0x0  }
0x2d: {  	[sflag:s6] =	ssyncadd.s32 $0xFFFFF060;
	(ifvalue) =	ssetifvalue $0x7FFFFFFF;
	v0 =	vld.msk [tilespmem:s14+$0x0 ss:$0x1], $0xffff;
	_ =	sdelay $0x4  }
0x2e: {  	s15 =	sadd.s32 $0x10, s14;
	vm1 =	vgt.s32 v0, $0x0  }
0x2f: {  	v2 =	vld.msk [tilespmem:s15+$0x0 ss:$0x1], $0xffff;
	v1 =	vnsel vm1, $0x0, v0  }
0x30: {  	v1 =	vmin.u32 v1, $0x270FF;
	_ =	sdelay $0x2  }
0x31: {  	s17 =	simm.s32 $0x20;
	s14 =	sadd.s32 $0x1F40, s14;
	s16 =	sadd.s32 $0x10, s15  }
0x32: {  	s15 =	sadd.s32 $0x10, s14;
	s18 =	smov.u32 s14;
	v0 =	vld.msk [tilespmem:s16+$0x0 ss:$0x1], $0xffff;
	vm1 =	vgt.s32 v2, $0x0;
	(ifvalue) =	ssetifvalue $0x7FFFFFFF  }
.LBB2_3:
0x33: {  	[tilespmem:s18], [sflag:$0x1] =	stream.indirect_vreg.gather [hbm4b:s2+s10], $0x1, v1, vm0, $0x4038;
	[tilespmem:$0x3E80] =	vst v63  }
0x34: {  	s17 =	sadd.s32 $0x10, s17  }
0x35: {  	v2 =	vnsel vm1, $0x0, v2;
	p0 =	slt.u32 s17, $0xF90  }
.Ltmp3:
0x36: {  	s18 =	smov.u32 s15;
	v1 =	vmin.u32 v2, $0x270FF;
	(pc) =	sbr.rel @p0 .LBB2_3-.Ltmp3, $3  }
0x37: {  	_ =	sdelay $0x1  }
0x38: {  	s16 =	sadd.s32 $0x10, s16  }
0x39: {  	vm1 =	vgt.s32 v0, $0x0;
	s15 =	sadd.s32 $0x10, s15;
	v2 =	vmov v0;
	(ifvalue) =	ssetifvalue $0x7FFFFFFF;
	v0 =	vld.msk [tilespmem:s16+$0x0 ss:$0x1], $0xffff  }
.Ltmp4:
0x3a: {  	_ = 	snop;
	(pc) =	sbr.rel .LBB2_4-.Ltmp4, $1  }
0x3b: {  	_ =	sdelay $0x3  }
.LBB2_6:
0x3c: {  	_ =	sfence.sel $0x180000  }
0x3d: {  	s2 =	simm.s32 $0x2;
	[bflag:$0x0] =	sbarrier.arrive $0xFFFF  }
0x3e: {  	s30 =	simm.s32 $0x3;
	[sflag:s2] =	ssyncpa.u1 $0x1  }
0x3f: {  	s31 =	simm.s32 $0x1;
	[sflag:s30] =	ssyncpa.u1 $0x1  }
0x40: {  	[sflag:s31] =	ssyncpa.u1 $0x1  }
0x41: {  	p0 =	sne.s32 s1, $0x0;
	_ =	strace $0x90000050  }
0x42: {  	s0 =	sadd.s32 @!p0 $0x100000, s0;
	[bflag:$0x2] =	sbarrier.arrive $0xFFFF  }
0x43: {  	[sflag:s0] =	ssyncadd.tile.s32 @!p0 $0x1;
	_ =	shalt  }
.Lfunc_end2:
_tile_overlayer_lowered:
.L_overlay_start_2:
0x44: {  	(tag) =	ssettag $0x2  }
0x45: {  	s0 =	rddreg [dreg:$0x0];
	s2 =	stileid.u32  }
0x46: {  	s1 =	rddreg [dreg:$0x1];
	p0 =	sne.s32 s2, $0x0  }
0x47: {  	s3 =	rddreg [dreg:$0x2];
	[bflag:$0x3] =	sbarrier.arrive $0xFFFF;
	s2 =	simm.s32 @!p0 $0x1C01  }
0x48: {  	[timem:s3], [sflag:s2] =	dma.local @!p0 [hbm:s0], s1  }
0x49: {  	s0 =	simm.s32 @!p0 $0x1  }
0x4a: {  	_ =	swait.ge @!p0 [sflag:s0], s1  }
0x4b: {  	s1 =	ssub.s32 @!p0 $0x0, s1;
	[sflag:s0] =	ssyncset.done @!p0 $0x0  }
0x4c: {  	[sflag:s0] =	ssyncadd.s32 @!p0 s1  }
0x4d: {  	[bflag:$0x3] =	sbarrier.arrive $0xFFFF  }
0x4e: {  	_ =	shalt  }

// kernel: gather_offload_async_start
scs
__scs_entry_jumppad:
0x0: {  	(pc) =	sbr.rel $0x88, $3  }
0x1: {  	(tag) =	ssettag $0x0;
	lr =	simm.s32 $0x1  }
0x2: {  	[smem:$0x3F9E] =	sst lr;
	_ =	strace $0xD0000000  }
0x3: {  	_ = 	snop  }
0x4: {  	_ = 	snop  }
0x5: {  	_ = 	snop  }
0x6: {  	_ = 	snop  }
0x7: {  	_ = 	snop  }
__scs_overlays_trampoline_lowered:
0x8: {  	[smem:$0x3FAD] =	sst s0  }
0x9: {  	[smem:$0x3FAE] =	sst s1  }
0xa: {  	[smem:$0x3FAF] =	sst s2  }
0xb: {  	[smem:$0x3FB0] =	sst s3  }
0xc: {  	[smem:$0x3FB1] =	sst s4  }
0xd: {  	[smem:$0x3FB2] =	sst s5  }
0xe: {  	[smem:$0x3FB3] =	sst s6  }
0xf: {  	[smem:$0x3FB4] =	sst s7  }
0x10: {  	[smem:$0x3FB5] =	sst s8  }
0x11: {  	[smem:$0x3FB6] =	sst s9;
	s0 =	simm.s32 @!p0 $0x0  }
0x12: {  	s1 =	sld [smem:$0x3F9C];
	s0 =	simm.s32 @p0 $0x1  }
0x13: {  	[smem:$0x3FB7] =	sst s0;
	s0 =	simm.s32 @!p1 $0x0  }
0x14: {  	s2 =	sld [smem:$0x3F9B];
	s0 =	simm.s32 @p1 $0x1  }
0x15: {  	[smem:$0x3FB8] =	sst s0;
	s0 =	simm.s32 @!p2 $0x0  }
0x16: {  	s3 =	sld [smem:$0x3FDB];
	s0 =	simm.s32 @p2 $0x1  }
0x17: {  	s4 =	simm.s32 $0x1BF5;
	[smem:$0x3FBA] =	sst s0  }
0x18: {  	s0 =	sld [smem:$0x3F9D];
	_ =	swait.ge [sflag:s4], $0x0  }
0x19: {  	s7 =	sld [smem:$0x3F9E]  }
0x1a: {  	s8 =	sadd.s32 $0xFFFFE003, lr  }
0x1b: {  	s9 =	sadd.s32 $0xFFFFFEF7, lr;
	s5 =	simm.s32 $0xFFFFFFFF;
	p2 =	slt.u32 s8, $0xFFFFF086  }
0x1c: {  	p1 =	slt.u32 s9, $0xF7A;
	s5 =	simm.s32 @!p2 $0x0  }
0x1d: {  	s5 =	simm.s32 @p1 $0x1;
	p0 =	seq.s32 s7, s2  }
0x1e: {  	s7 =	smul.u32 @!p0 $0xF7A, s2;
	p2 =	seq.s32 @!p0 s5, $0x0  }
0x1f: {  	s9 =	smul.u32 $0xF7A, s1;
	s8 =	simm.s32 @!p0 $0x1BF5;
	p2 =	por !p2, p0  }
0x20: {  	[sflag:s8] =	ssyncset.s32 @!p0 $0xFFFFF086;
	s6 =	sadd.s32 @!p0 s3, s7;
	s7 =	simm.s32 @!p0 $0x108  }
0x21: {  	s3 =	sadd.s32 s3, s9;
	s6 =	sadd.s32 @!p0 $0x88, s6;
	s7 =	simm.s32 @p2 $0x1082  }
0x22: {  	[simem:s7], [sflag:s8] =	dma.local @!p0 [hbm:s6], $0xF7A  }
0x23: {  	s9 =	sor.u32 $0xD0000000, s2;
	s6 =	simm.s32 $0x108;
	_ =	swait.ge @!p0 [sflag:s8], $0x0  }
0x24: {  	s3 =	sadd.s32 $0x88, s3;
	s6 =	simm.s32 @!p1 $0x1082;
	[sflag:s4] =	ssyncset.s32 $0xFFFFF086  }
0x25: {  	[simem:s6], [sflag:s4] =	dma.local [hbm:s3], $0xF7A  }
0x26: {  	[smem:$0x3F9E] =	sst s1;
	(tag) =	ssettag s2;
	_ =	strace s9  }
0x27: {  	s1 =	sld [smem:$0x3FAE]  }
0x28: {  	s2 =	sld [smem:$0x3FAF]  }
0x29: {  	s4 =	sld [smem:$0x3FB1]  }
0x2a: {  	p0 =	seq.s32 s5, $0x0;
	s5 =	sld [smem:$0x3FB2]  }
0x2b: {  	s6 =	sld [smem:$0x3FB3]  }
0x2c: {  	s7 =	sld [smem:$0x3FB4]  }
0x2d: {  	s3 =	simm.s32 $0x108;
	s8 =	sld [smem:$0x3FB5]  }
0x2e: {  	s3 =	simm.s32 @!p0 $0x1082;
	s9 =	sld [smem:$0x3FB6]  }
0x2f: {  	lr =	sadd.s32 s0, s3;
	s0 =	sld [smem:$0x3FAD]  }
0x30: {  	s3 =	sld [smem:$0x3FB0]  }
0x31: {  	[smem:$0x3FB9] =	sst s10  }
0x32: {  	s10 =	sld [smem:$0x3FB7];
	_ =	sdelay $0x3  }
0x33: {  	p0 =	seq.s32 s10, $0x1;
	s10 =	sld [smem:$0x3FB9];
	_ =	sdelay $0x3  }
0x34: {  	[smem:$0x3FB9] =	sst s10  }
0x35: {  	s10 =	sld [smem:$0x3FB8];
	_ =	sdelay $0x3  }
0x36: {  	p1 =	seq.s32 s10, $0x1;
	s10 =	sld [smem:$0x3FB9];
	_ =	sdelay $0x3  }
0x37: {  	[smem:$0x3FB9] =	sst s10  }
0x38: {  	s10 =	sld [smem:$0x3FBA]  }
0x39: {  	_ = 	snop;
	(pc) =	sbr.ind lr, $3  }
0x3a: {  	_ = 	snop  }
0x3b: {  	_ = 	snop  }
0x3c: {  	p2 =	seq.s32 s10, $0x1;
	s10 =	sld [smem:$0x3FB9]  }
0x3d: {  	_ =	shalt  }
0x3e: {  	_ =	shalt  }
0x3f: {  	_ =	shalt  }
0x40: {  	_ =	shalt  }
0x41: {  	_ =	shalt  }
0x42: {  	_ =	shalt  }
0x43: {  	_ =	shalt  }
0x44: {  	_ =	shalt  }
0x45: {  	_ =	shalt  }
0x46: {  	_ =	shalt  }
0x47: {  	_ =	shalt  }
0x48: {  	_ =	shalt  }
0x49: {  	_ =	shalt  }
0x4a: {  	_ =	shalt  }
0x4b: {  	_ =	shalt  }
0x4c: {  	_ =	shalt  }
0x4d: {  	_ =	shalt  }
0x4e: {  	_ =	shalt  }
0x4f: {  	_ =	shalt  }
0x50: {  	_ =	shalt  }
0x51: {  	_ =	shalt  }
0x52: {  	_ =	shalt  }
0x53: {  	_ =	shalt  }
0x54: {  	_ =	shalt  }
0x55: {  	_ =	shalt  }
0x56: {  	_ =	shalt  }
0x57: {  	_ =	shalt  }
0x58: {  	_ =	shalt  }
0x59: {  	_ =	shalt  }
0x5a: {  	_ =	shalt  }
0x5b: {  	_ =	shalt  }
0x5c: {  	_ =	shalt  }
0x5d: {  	_ =	shalt  }
0x5e: {  	_ =	shalt  }
0x5f: {  	_ =	shalt  }
0x60: {  	_ =	shalt  }
0x61: {  	_ =	shalt  }
0x62: {  	_ =	shalt  }
0x63: {  	_ =	shalt  }
0x64: {  	_ =	shalt  }
0x65: {  	_ =	shalt  }
0x66: {  	_ =	shalt  }
0x67: {  	_ =	shalt  }
0x68: {  	_ =	shalt  }
0x69: {  	_ =	shalt  }
0x6a: {  	_ =	shalt  }
0x6b: {  	_ =	shalt  }
0x6c: {  	_ =	shalt  }
0x6d: {  	_ =	shalt  }
0x6e: {  	_ =	shalt  }
0x6f: {  	_ =	shalt  }
0x70: {  	_ =	shalt  }
0x71: {  	_ =	shalt  }
0x72: {  	_ =	shalt  }
0x73: {  	_ =	shalt  }
0x74: {  	_ =	shalt  }
0x75: {  	_ =	shalt  }
0x76: {  	_ =	shalt  }
0x77: {  	_ =	shalt  }
0x78: {  	_ =	shalt  }
0x79: {  	_ =	shalt  }
0x7a: {  	_ =	shalt  }
0x7b: {  	_ =	shalt  }
0x7c: {  	_ =	shalt  }
0x7d: {  	_ =	shalt  }
0x7e: {  	_ =	shalt  }
0x7f: {  	_ =	shalt  }
0x80: {  	_ =	shalt  }
0x81: {  	_ =	shalt  }
0x82: {  	_ =	shalt  }
0x83: {  	_ =	shalt  }
0x84: {  	_ =	shalt  }
0x85: {  	_ =	shalt  }
0x86: {  	_ =	shalt  }
0x87: {  	_ =	shalt  }
.Lfunc_end0:
.L_simem_size_0:
called_computation.1_lowered:
.L_overlay_start_0:
0x88: {  	s2 =	sld [smem:$0x3FD9]  }
0x89: {  	s3 =	sld [smem:$0x3FFE];
	_ =	sdelay $0x1  }
0x8a: {  	s1 =	srdreg.scid  }
0x8b: {  	s0 =	sand.u32 $0x1, s1  }
0x8c: {  	s16 =	sshll.u32 s0, $0xA;
	s2 =	sadd.s32 s3, s2  }
0x8d: {  	s2 =	sadd.s32 s2, s16  }
0x8e: {  	[smem:$0x3FC5] =	sst s2  }
0x8f: {  	_ = 	snop  }
0x90: {  	(tm) =	ssettm $0x1  }
0x91: {  	s17 =	sld [smem:$0x3FFB];
	_ =	sdelay $0x3  }
0x92: {  	_ =	strace s17  }
0x93: {  	s2 =	sld [smem:$0x3FFC];
	_ =	sdelay $0x3  }
0x94: {  	_ =	strace s2  }
0x95: {  	s2 =	sld [smem:$0x3FFD];
	_ =	sdelay $0x3  }
0x96: {  	_ =	strace s2  }
0x97: {  	_ =	strace $0x8FFFFFFF  }
0x98: {  	s18 =	sld [smem:$0x3FDB];
	_ =	sdelay $0x1  }
0x99: {  	s19 =	simm.s32 $_scs_section_size  }
0x9a: {  	s4 =	simm.s32 $_size__tile_overlayer_lowered;
	s5 =	simm.s32 $_tile_overlayer_lowered  }
0x9b: {  	s22 =	simm.s32 $0x1BFF;
	s21 =	sshll.u32 s5, $0x1;
	s2 =	sadd.s32 s19, s18  }
0x9c: {  	s6 =	simm.s32 $0x0;
	s20 =	sshll.u32 s4, $0x1;
	s4 =	sadd.s32 s21, s2  }
0x9d: {  	[timem:s6], [sflag:s22] =	dma.local [hbm:s4], s20  }
0x9e: {  	_ =	swait.ge [sflag:s22], s20  }
0x9f: {  	s3 =	ssub.s32 $0x0, s20;
	[sflag:s22] =	ssyncset.done $0x0  }
0xa0: {  	[sflag:s22] =	ssyncadd.s32 s3;
	_ =	sdelay $0x1  }
0xa1: {  	s23 =	simm.s32 $0x1B8B  }
0xa2: {  	_ =	swait.ge [sflag:s23], $0x1  }
0xa3: {  	[sflag:s23] =	ssyncset.done $0x0  }
0xa4: {  	s25 =	simm.s32 $0x1B8E;
	s24 =	sld [smem:$0x3FFE];
	[sflag:s23] =	ssyncadd.s32 $0xFFFFFFFF  }
0xa5: {  	s26 =	simm.s32 $execute0_lowered;
	[smem:$0x3FD2] =	sst s25  }
0xa6: {  	s4 =	sshll.u32 s26, $0x1;
	_ =	strace $0x8000004C;
	[dreg:$0x1] =	wrdreg $0xFFFFFFFF  }
0xa7: {  	s28 =	simm.s32 $_size_execute0_lowered;
	s2 =	sadd.s32 s2, s4;
	[dreg:$0x0] =	wrdreg $0x0  }
0xa8: {  	s4 =	sshll.u32 s28, $0x1;
	[dreg:$0x2] =	wrdreg s2  }
0xa9: {  	[dreg:$0x3] =	wrdreg s4  }
0xaa: {  	[dreg:$0x4] =	wrdreg $0xC0  }
0xab: {  	_ =	task [dreg:s6], $0x5FFFF  }
0xac: {  	[dreg:$0x1] =	wrdreg $0xFFFFFFFF  }
0xad: {  	[dreg:$0x0] =	wrdreg $0x60  }
0xae: {  	[dreg:$0x2] =	wrdreg s24  }
0xaf: {  	[dreg:$0x3] =	wrdreg $0x9  }
0xb0: {  	_ =	task.clear_ibuf [dreg:s6], $0x4FFFF;
	_ =	strace $0x9000004C  }
0xb1: {  	s29 =	simm.s32 $0x9;
	_ =	strace $0x8000004E  }
0xb2: {  	_ =	swait.ge [sflag:s29], $0x1  }
0xb3: {  	[sflag:s29] =	ssyncadd.s32 $0xFFFFFFFF  }
0xb4: {  	_ =	strace $0x9000004E  }
0xb5: {  	_ =	sfence  }
0xb6: {  	s30 =	sld [smem:$0x0];
	_ =	sdelay $0x2  }
0xb7: {  	s31 =	sshll.u32 s1, $0xD;
	s1 =	sshrl.u32 s1, $0x2  }
0xb8: {  	s3 =	sand.u32 $0x4000, s31;
	s1 =	sadd.s32 s1, s30  }
0xb9: {  	s0 =	sor.u32 s3, s0;
	s1 =	sshll.u32 s1, $0x11  }
0xba: {  	s0 =	sor.u32 s1, s0  }
0xbb: {  	s0 =	sadd.s32 $0x8F2B, s0  }
0xbc: {  	[sflag:s0] =	ssyncadd.remote.s32 $0x1  }
0xbd: {  	_ =	sfence.sel $0xFFFF  }
0xbe: {  	[dreg:$0x0] =	wrdreg $0xFFFFFFFF;
	(pc) =	sbr.abs _section_cstart, $3  }
0xbf: {  	[dreg:$0x1] =	wrdreg $0xFFFFFFFF  }
0xc0: {  	_ =	task.clear_ibuf [dreg:s6], $0x2FFFF;
	_ =	strace $0x9FFFFFFF  }
0xc1: {  	(tm) =	ssettm $0x7FFFFFFF  }
tec
execute0_lowered:
.L_overlay_start_1:
0x0: {  	(tag) =	ssettag $0x1  }
0x1: {  	s8 =	rddreg [dreg:$0x0]  }
0x2: {  	s0 =	rddreg [dreg:$0x1];
	_ =	strace $0x8000004D;
	s1 =	stileid.u32  }
0x3: {  	s3 =	srdreg.scid;
	s4 =	simm.s32 $0x1;
	s7 =	simm.s32 $0x1  }
0x4: {  	s9 =	simm.s32 $0x1;
	s10 =	simm.s32 $0x3;
	s13 =	simm.s32 $0x0  }
0x5: {  	s12 =	simm.s32 $0x0;
	s5 =	sand.u32 $0x1, s3;
	s6 =	sshll.u32 s1, $0x1  }
0x6: {  	s2 =	sadd.s32 $0x2E00, s8;
	s3 =	sadd.s32 $0x1BE00, s8;
	s5 =	sor.u32 s6, s5  }
.Ltmp0:
0x7: {  	[sflag:s4] =	ssyncpa.u1 $0x0;
	p0 =	slt.u32 s5, $0x9;
	(pc) =	sbr.rel .LBB2_1-.Ltmp0, $4  }
0x8: {  	s6 =	simm.s32 $0x2;
	s7 =	simm.s32 @!p0 $0x0;
	p0 =	sne.s32 s5, $0x8  }
0x9: {  	[sflag:s6] =	ssyncpa.u1 $0x0;
	s5 =	smul.u32 $0xFA0, s5;
	s9 =	simm.s32 @!p0 $0x0  }
0xa: {  	s8 =	sadd.s32 $0x7E00, s8;
	[sflag:s10] =	ssyncpa.u1 $0x0;
	s7 =	sadd.s32 s9, s7  }
0xb: {  	vm0 =	vmmov $0xffff;
	s10 =	simm.s32 $0x0;
	s11 =	smov.u32 s5;
	s9 =	sadd.s32 $0x1, s7  }
.LBB2_4:
0xc: {  	v2 =	vnsel vm1, $0x0, v2  }
0xd: {  	vm1 =	vgt.s32 v0, $0x0;
	v2 =	vmin.u32 v2, $0x270FF  }
0xe: {  	v0 =	vnsel vm1, $0x0, v0  }
0xf: {  	v0 =	vmin.u32 v0, $0x270FF  }
0x10: {  	[tilespmem:s18], [sflag:$0x1] =	stream.indirect_vreg.gather [hbm4b:s2+s10], $0x1, v1, vm0, $0x4038;
	[tilespmem:$0x3E80] =	vst v63  }
0x11: {  	(ifvalue) =	ssetifvalue $0x7FFFFFFF  }
0x12: {  	[tilespmem:s15], [sflag:$0x1] =	stream.indirect_vreg.gather [hbm4b:s2+s10], $0x1, v2, vm0, $0x4038;
	[tilespmem:$0x3E80] =	vst v63  }
0x13: {  	s29 =	sadd.s32 $0x10, s15;
	(ifvalue) =	ssetifvalue $0x7FFFFFFF  }
0x14: {  	[tilespmem:s29], [sflag:$0x1] =	stream.indirect_vreg.gather [hbm4b:s2+s10], $0x1, v0, vm0, $0x4038;
	[tilespmem:$0x3E80] =	vst v63  }
0x15: {  	_ =	swait.ge [sflag:s4], $0xFA0  }
0x16: {  	s30 =	sshrl.u32 s13, $0x3;
	[sflag:s4] =	ssyncset.done $0x0  }
0x17: {  	s31 =	sand.u32 $0x7, s13;
	s15 =	sadd.s32 s8, s30;
	[sflag:s4] =	ssyncadd.s32 $0xFFFFF060  }
0x18: {  	[hbm4b:s15+s31] =	stream.linear.scatter [tilespmem:s14], [sflag:$0x3], $0xFA0, $0x38;
	[tilespmem:$0x3E80] =	vst v63  }
.LBB2_5:
0x19: {  	s15 =	sadd.s32 $0x1F400, s11  }
0x1a: {  	p1 =	sgt.s32 s15, $0x270FF  }
0x1b: {  	s15 =	smov.u32 @p1 s5;
	p1 =	sne.s32 s12, s9  }
.Ltmp1:
0x1c: {  	p0 =	slt.u32 s12, $0x2;
	(pc) =	sbr.rel @!p1 .LBB2_6-.Ltmp1, $4  }
0x1d: {  	s14 =	simm.s32 @!p0 $0x3  }
0x1e: {  	_ =	swait.ge @!p0 [sflag:s14], $0xFA0  }
0x1f: {  	s16 =	sadd.s32 $0x1, s12;
	s13 =	smov.u32 s11;
	[sflag:s14] =	ssyncset.done @!p0 $0x0  }
0x20: {  	s12 =	smov.u32 s16;
	s11 =	smov.u32 s15;
	[sflag:s14] =	ssyncadd.s32 @!p0 $0xFFFFF060  }
.LBB2_1:
0x21: {  	p0 =	sge.u32 s12, s7  }
0x22: {  	s14 =	sxor.u32 @!p0 $0x1, s12  }
0x23: {  	s14 =	smul.u32 @!p0 $0x3E80, s14  }
0x24: {  	s31 =	sadd.s32 $0xFFFFFFFF, s12;
	s15 =	sshrl.u32 @!p0 s11, $0x3  }
0x25: {  	s16 =	sand.u32 @!p0 $0x7, s11;
	s15 =	sadd.s32 @!p0 s3, s15;
	s14 =	sshra.s32 @!p0 s14, $0x2  }
0x26: {  	[tilespmem:s14], [sflag:$0x2] =	stream.linear.gather @!p0 [hbm4b:s15+s16], $0xFA0, $0x38;
	[tilespmem:$0x3E80] =	vst v63  }
0x27: {  	p0 =	sge.u32 s31, s7  }
.Ltmp2:
0x28: {  	_ = 	snop;
	(pc) =	sbr.rel @p0 .LBB2_5-.Ltmp2, $1  }
0x29: {  	_ =	sdelay $0x3  }
0x2a: {  	s14 =	sand.u32 $0x1, s12  }
0x2b: {  	_ =	swait.ge [sflag:s6], $0xFA0;
	p0 =	seq.s32 s14, $0x1;
	s14 =	simm.s32 $0xFA0  }
0x2c: {  	[sflag:s6] =	ssyncset.done $0x0;
	s14 =	simm.s32 @!p0 $0x0  }
0x2d: {  	[sflag:s6] =	ssyncadd.s32 $0xFFFFF060;
	(ifvalue) =	ssetifvalue $0x7FFFFFFF;
	v0 =	vld.msk [tilespmem:s14+$0x0 ss:$0x1], $0xffff;
	_ =	sdelay $0x4  }
0x2e: {  	s15 =	sadd.s32 $0x10, s14;
	vm1 =	vgt.s32 v0, $0x0  }
0x2f: {  	v2 =	vld.msk [tilespmem:s15+$0x0 ss:$0x1], $0xffff;
	v1 =	vnsel vm1, $0x0, v0  }
0x30: {  	v1 =	vmin.u32 v1, $0x270FF;
	_ =	sdelay $0x2  }
0x31: {  	s17 =	simm.s32 $0x20;
	s14 =	sadd.s32 $0x1F40, s14;
	s16 =	sadd.s32 $0x10, s15  }
0x32: {  	s15 =	sadd.s32 $0x10, s14;
	s18 =	smov.u32 s14;
	v0 =	vld.msk [tilespmem:s16+$0x0 ss:$0x1], $0xffff;
	vm1 =	vgt.s32 v2, $0x0;
	(ifvalue) =	ssetifvalue $0x7FFFFFFF  }
.LBB2_3:
0x33: {  	[tilespmem:s18], [sflag:$0x1] =	stream.indirect_vreg.gather [hbm4b:s2+s10], $0x1, v1, vm0, $0x4038;
	[tilespmem:$0x3E80] =	vst v63  }
0x34: {  	s17 =	sadd.s32 $0x10, s17  }
0x35: {  	v2 =	vnsel vm1, $0x0, v2;
	p0 =	slt.u32 s17, $0xF90  }
.Ltmp3:
0x36: {  	s18 =	smov.u32 s15;
	v1 =	vmin.u32 v2, $0x270FF;
	(pc) =	sbr.rel @p0 .LBB2_3-.Ltmp3, $3  }
0x37: {  	_ =	sdelay $0x1  }
0x38: {  	s16 =	sadd.s32 $0x10, s16  }
0x39: {  	vm1 =	vgt.s32 v0, $0x0;
	s15 =	sadd.s32 $0x10, s15;
	v2 =	vmov v0;
	(ifvalue) =	ssetifvalue $0x7FFFFFFF;
	v0 =	vld.msk [tilespmem:s16+$0x0 ss:$0x1], $0xffff  }
.Ltmp4:
0x3a: {  	_ = 	snop;
	(pc) =	sbr.rel .LBB2_4-.Ltmp4, $1  }
0x3b: {  	_ =	sdelay $0x3  }
.LBB2_6:
0x3c: {  	_ =	sfence.sel $0x180000  }
0x3d: {  	s2 =	simm.s32 $0x2;
	[bflag:$0x0] =	sbarrier.arrive $0xFFFF  }
0x3e: {  	s30 =	simm.s32 $0x3;
	[sflag:s2] =	ssyncpa.u1 $0x1  }
0x3f: {  	s31 =	simm.s32 $0x1;
	[sflag:s30] =	ssyncpa.u1 $0x1  }
0x40: {  	[sflag:s31] =	ssyncpa.u1 $0x1  }
0x41: {  	p0 =	sne.s32 s1, $0x0;
	_ =	strace $0x9000004D  }
0x42: {  	s0 =	sadd.s32 @!p0 $0x100000, s0;
	[bflag:$0x2] =	sbarrier.arrive $0xFFFF  }
0x43: {  	[sflag:s0] =	ssyncadd.tile.s32 @!p0 $0x1;
	_ =	shalt  }
.Lfunc_end2:
_tile_overlayer_lowered:
.L_overlay_start_2:
0x44: {  	(tag) =	ssettag $0x2  }
0x45: {  	s0 =	rddreg [dreg:$0x0];
	s2 =	stileid.u32  }
0x46: {  	s1 =	rddreg [dreg:$0x1];
	p0 =	sne.s32 s2, $0x0  }
0x47: {  	s3 =	rddreg [dreg:$0x2];
	[bflag:$0x3] =	sbarrier.arrive $0xFFFF;
	s2 =	simm.s32 @!p0 $0x1C01  }
0x48: {  	[timem:s3], [sflag:s2] =	dma.local @!p0 [hbm:s0], s1  }
0x49: {  	s0 =	simm.s32 @!p0 $0x1  }
0x4a: {  	_ =	swait.ge @!p0 [sflag:s0], s1  }
0x4b: {  	s1 =	ssub.s32 @!p0 $0x0, s1;
	[sflag:s0] =	ssyncset.done @!p0 $0x0  }
0x4c: {  	[sflag:s0] =	ssyncadd.s32 @!p0 s1  }
0x4d: {  	[bflag:$0x3] =	sbarrier.arrive $0xFFFF  }
0x4e: {  	_ =	shalt  }

// kernel: scatter_offload_async_start
scs
__scs_entry_jumppad:
0x0: {  	(pc) =	sbr.rel $0x88, $3  }
0x1: {  	(tag) =	ssettag $0x0;
	lr =	simm.s32 $0x1  }
0x2: {  	[smem:$0x3F9E] =	sst lr;
	_ =	strace $0xD0000000  }
0x3: {  	_ = 	snop  }
0x4: {  	_ = 	snop  }
0x5: {  	_ = 	snop  }
0x6: {  	_ = 	snop  }
0x7: {  	_ = 	snop  }
__scs_overlays_trampoline_lowered:
0x8: {  	[smem:$0x3FAD] =	sst s0  }
0x9: {  	[smem:$0x3FAE] =	sst s1  }
0xa: {  	[smem:$0x3FAF] =	sst s2  }
0xb: {  	[smem:$0x3FB0] =	sst s3  }
0xc: {  	[smem:$0x3FB1] =	sst s4  }
0xd: {  	[smem:$0x3FB2] =	sst s5  }
0xe: {  	[smem:$0x3FB3] =	sst s6  }
0xf: {  	[smem:$0x3FB4] =	sst s7  }
0x10: {  	[smem:$0x3FB5] =	sst s8  }
0x11: {  	[smem:$0x3FB6] =	sst s9;
	s0 =	simm.s32 @!p0 $0x0  }
0x12: {  	s1 =	sld [smem:$0x3F9C];
	s0 =	simm.s32 @p0 $0x1  }
0x13: {  	[smem:$0x3FB7] =	sst s0;
	s0 =	simm.s32 @!p1 $0x0  }
0x14: {  	s2 =	sld [smem:$0x3F9B];
	s0 =	simm.s32 @p1 $0x1  }
0x15: {  	[smem:$0x3FB8] =	sst s0;
	s0 =	simm.s32 @!p2 $0x0  }
0x16: {  	s3 =	sld [smem:$0x3FDB];
	s0 =	simm.s32 @p2 $0x1  }
0x17: {  	s4 =	simm.s32 $0x1BF5;
	[smem:$0x3FBA] =	sst s0  }
0x18: {  	s0 =	sld [smem:$0x3F9D];
	_ =	swait.ge [sflag:s4], $0x0  }
0x19: {  	s7 =	sld [smem:$0x3F9E]  }
0x1a: {  	s8 =	sadd.s32 $0xFFFFE003, lr  }
0x1b: {  	s9 =	sadd.s32 $0xFFFFFEF7, lr;
	s5 =	simm.s32 $0xFFFFFFFF;
	p2 =	slt.u32 s8, $0xFFFFF086  }
0x1c: {  	p1 =	slt.u32 s9, $0xF7A;
	s5 =	simm.s32 @!p2 $0x0  }
0x1d: {  	s5 =	simm.s32 @p1 $0x1;
	p0 =	seq.s32 s7, s2  }
0x1e: {  	s7 =	smul.u32 @!p0 $0xF7A, s2;
	p2 =	seq.s32 @!p0 s5, $0x0  }
0x1f: {  	s9 =	smul.u32 $0xF7A, s1;
	s8 =	simm.s32 @!p0 $0x1BF5;
	p2 =	por !p2, p0  }
0x20: {  	[sflag:s8] =	ssyncset.s32 @!p0 $0xFFFFF086;
	s6 =	sadd.s32 @!p0 s3, s7;
	s7 =	simm.s32 @!p0 $0x108  }
0x21: {  	s3 =	sadd.s32 s3, s9;
	s6 =	sadd.s32 @!p0 $0x88, s6;
	s7 =	simm.s32 @p2 $0x1082  }
0x22: {  	[simem:s7], [sflag:s8] =	dma.local @!p0 [hbm:s6], $0xF7A  }
0x23: {  	s9 =	sor.u32 $0xD0000000, s2;
	s6 =	simm.s32 $0x108;
	_ =	swait.ge @!p0 [sflag:s8], $0x0  }
0x24: {  	s3 =	sadd.s32 $0x88, s3;
	s6 =	simm.s32 @!p1 $0x1082;
	[sflag:s4] =	ssyncset.s32 $0xFFFFF086  }
0x25: {  	[simem:s6], [sflag:s4] =	dma.local [hbm:s3], $0xF7A  }
0x26: {  	[smem:$0x3F9E] =	sst s1;
	(tag) =	ssettag s2;
	_ =	strace s9  }
0x27: {  	s1 =	sld [smem:$0x3FAE]  }
0x28: {  	s2 =	sld [smem:$0x3FAF]  }
0x29: {  	s4 =	sld [smem:$0x3FB1]  }
0x2a: {  	p0 =	seq.s32 s5, $0x0;
	s5 =	sld [smem:$0x3FB2]  }
0x2b: {  	s6 =	sld [smem:$0x3FB3]  }
0x2c: {  	s7 =	sld [smem:$0x3FB4]  }
0x2d: {  	s3 =	simm.s32 $0x108;
	s8 =	sld [smem:$0x3FB5]  }
0x2e: {  	s3 =	simm.s32 @!p0 $0x1082;
	s9 =	sld [smem:$0x3FB6]  }
0x2f: {  	lr =	sadd.s32 s0, s3;
	s0 =	sld [smem:$0x3FAD]  }
0x30: {  	s3 =	sld [smem:$0x3FB0]  }
0x31: {  	[smem:$0x3FB9] =	sst s10  }
0x32: {  	s10 =	sld [smem:$0x3FB7];
	_ =	sdelay $0x3  }
0x33: {  	p0 =	seq.s32 s10, $0x1;
	s10 =	sld [smem:$0x3FB9];
	_ =	sdelay $0x3  }
0x34: {  	[smem:$0x3FB9] =	sst s10  }
0x35: {  	s10 =	sld [smem:$0x3FB8];
	_ =	sdelay $0x3  }
0x36: {  	p1 =	seq.s32 s10, $0x1;
	s10 =	sld [smem:$0x3FB9];
	_ =	sdelay $0x3  }
0x37: {  	[smem:$0x3FB9] =	sst s10  }
0x38: {  	s10 =	sld [smem:$0x3FBA]  }
0x39: {  	_ = 	snop;
	(pc) =	sbr.ind lr, $3  }
0x3a: {  	_ = 	snop  }
0x3b: {  	_ = 	snop  }
0x3c: {  	p2 =	seq.s32 s10, $0x1;
	s10 =	sld [smem:$0x3FB9]  }
0x3d: {  	_ =	shalt  }
0x3e: {  	_ =	shalt  }
0x3f: {  	_ =	shalt  }
0x40: {  	_ =	shalt  }
0x41: {  	_ =	shalt  }
0x42: {  	_ =	shalt  }
0x43: {  	_ =	shalt  }
0x44: {  	_ =	shalt  }
0x45: {  	_ =	shalt  }
0x46: {  	_ =	shalt  }
0x47: {  	_ =	shalt  }
0x48: {  	_ =	shalt  }
0x49: {  	_ =	shalt  }
0x4a: {  	_ =	shalt  }
0x4b: {  	_ =	shalt  }
0x4c: {  	_ =	shalt  }
0x4d: {  	_ =	shalt  }
0x4e: {  	_ =	shalt  }
0x4f: {  	_ =	shalt  }
0x50: {  	_ =	shalt  }
0x51: {  	_ =	shalt  }
0x52: {  	_ =	shalt  }
0x53: {  	_ =	shalt  }
0x54: {  	_ =	shalt  }
0x55: {  	_ =	shalt  }
0x56: {  	_ =	shalt  }
0x57: {  	_ =	shalt  }
0x58: {  	_ =	shalt  }
0x59: {  	_ =	shalt  }
0x5a: {  	_ =	shalt  }
0x5b: {  	_ =	shalt  }
0x5c: {  	_ =	shalt  }
0x5d: {  	_ =	shalt  }
0x5e: {  	_ =	shalt  }
0x5f: {  	_ =	shalt  }
0x60: {  	_ =	shalt  }
0x61: {  	_ =	shalt  }
0x62: {  	_ =	shalt  }
0x63: {  	_ =	shalt  }
0x64: {  	_ =	shalt  }
0x65: {  	_ =	shalt  }
0x66: {  	_ =	shalt  }
0x67: {  	_ =	shalt  }
0x68: {  	_ =	shalt  }
0x69: {  	_ =	shalt  }
0x6a: {  	_ =	shalt  }
0x6b: {  	_ =	shalt  }
0x6c: {  	_ =	shalt  }
0x6d: {  	_ =	shalt  }
0x6e: {  	_ =	shalt  }
0x6f: {  	_ =	shalt  }
0x70: {  	_ =	shalt  }
0x71: {  	_ =	shalt  }
0x72: {  	_ =	shalt  }
0x73: {  	_ =	shalt  }
0x74: {  	_ =	shalt  }
0x75: {  	_ =	shalt  }
0x76: {  	_ =	shalt  }
0x77: {  	_ =	shalt  }
0x78: {  	_ =	shalt  }
0x79: {  	_ =	shalt  }
0x7a: {  	_ =	shalt  }
0x7b: {  	_ =	shalt  }
0x7c: {  	_ =	shalt  }
0x7d: {  	_ =	shalt  }
0x7e: {  	_ =	shalt  }
0x7f: {  	_ =	shalt  }
0x80: {  	_ =	shalt  }
0x81: {  	_ =	shalt  }
0x82: {  	_ =	shalt  }
0x83: {  	_ =	shalt  }
0x84: {  	_ =	shalt  }
0x85: {  	_ =	shalt  }
0x86: {  	_ =	shalt  }
0x87: {  	_ =	shalt  }
.Lfunc_end0:
.L_simem_size_0:
called_computation_lowered:
.L_overlay_start_0:
0x88: {  	s0 =	sld [smem:$0x3FD9]  }
0x89: {  	s1 =	sld [smem:$0x3FFE];
	_ =	sdelay $0x3  }
0x8a: {  	s0 =	sadd.s32 s1, s0  }
0x8b: {  	[smem:$0x3FC5] =	sst s0  }
0x8c: {  	_ = 	snop  }
0x8d: {  	(tm) =	ssettm $0x1  }
0x8e: {  	s15 =	sld [smem:$0x3FFB];
	_ =	sdelay $0x3  }
0x8f: {  	_ =	strace s15  }
0x90: {  	s0 =	sld [smem:$0x3FFC];
	_ =	sdelay $0x3  }
0x91: {  	_ =	strace s0  }
0x92: {  	s0 =	sld [smem:$0x3FFD];
	_ =	sdelay $0x3  }
0x93: {  	_ =	strace s0  }
0x94: {  	_ =	strace $0x8FFFFFFF  }
0x95: {  	s16 =	sld [smem:$0x3FDB];
	_ =	sdelay $0x1  }
0x96: {  	s17 =	simm.s32 $_scs_section_size  }
0x97: {  	s2 =	simm.s32 $_size__tile_overlayer_lowered;
	s3 =	simm.s32 $_tile_overlayer_lowered  }
0x98: {  	s20 =	simm.s32 $0x1BFF;
	s19 =	sshll.u32 s3, $0x1;
	s0 =	sadd.s32 s17, s16  }
0x99: {  	s4 =	simm.s32 $0x0;
	s18 =	sshll.u32 s2, $0x1;
	s2 =	sadd.s32 s19, s0  }
0x9a: {  	[timem:s4], [sflag:s20] =	dma.local [hbm:s2], s18  }
0x9b: {  	_ =	swait.ge [sflag:s20], s18  }
0x9c: {  	s1 =	ssub.s32 $0x0, s18;
	[sflag:s20] =	ssyncset.done $0x0  }
0x9d: {  	[sflag:s20] =	ssyncadd.s32 s1;
	_ =	sdelay $0x1  }
0x9e: {  	s21 =	simm.s32 $0x1B8B  }
0x9f: {  	_ =	swait.ge [sflag:s21], $0x1  }
0xa0: {  	[sflag:s21] =	ssyncset.done $0x0  }
0xa1: {  	s23 =	simm.s32 $0x1B8E;
	s22 =	sld [smem:$0x3FFE];
	[sflag:s21] =	ssyncadd.s32 $0xFFFFFFFF  }
0xa2: {  	s24 =	simm.s32 $execute0_lowered;
	[smem:$0x3FD2] =	sst s23  }
0xa3: {  	s2 =	sshll.u32 s24, $0x1;
	_ =	strace $0x80000046;
	[dreg:$0x1] =	wrdreg $0xFFFFFFFF  }
0xa4: {  	s25 =	simm.s32 $_size_execute0_lowered;
	s0 =	sadd.s32 s0, s2;
	[dreg:$0x0] =	wrdreg $0x0  }
0xa5: {  	s2 =	sshll.u32 s25, $0x1;
	[dreg:$0x2] =	wrdreg s0  }
0xa6: {  	[dreg:$0x3] =	wrdreg s2  }
0xa7: {  	[dreg:$0x4] =	wrdreg $0xC0  }
0xa8: {  	_ =	task [dreg:s4], $0x5FFFF  }
0xa9: {  	[dreg:$0x1] =	wrdreg $0xFFFFFFFF  }
0xaa: {  	[dreg:$0x0] =	wrdreg $0x60  }
0xab: {  	[dreg:$0x2] =	wrdreg s22  }
0xac: {  	[dreg:$0x3] =	wrdreg $0x9  }
0xad: {  	_ =	task.clear_ibuf [dreg:s4], $0x4FFFF;
	_ =	strace $0x90000046  }
0xae: {  	s26 =	simm.s32 $0x9;
	_ =	strace $0x80000048  }
0xaf: {  	_ =	swait.ge [sflag:s26], $0x1  }
0xb0: {  	[sflag:s26] =	ssyncadd.s32 $0xFFFFFFFF  }
0xb1: {  	_ =	strace $0x90000048  }
0xb2: {  	_ =	sfence  }
0xb3: {  	s28 =	sld [smem:$0x0];
	_ =	sdelay $0x1  }
0xb4: {  	s29 =	srdreg.scid  }
0xb5: {  	s30 =	sshll.u32 s29, $0xD;
	s31 =	sshrl.u32 s29, $0x2  }
0xb6: {  	s1 =	sand.u32 $0x1, s29;
	s2 =	sand.u32 $0x4000, s30;
	s0 =	sadd.s32 s31, s28  }
0xb7: {  	s1 =	sor.u32 s2, s1;
	s0 =	sshll.u32 s0, $0x11  }
0xb8: {  	s0 =	sor.u32 s0, s1  }
0xb9: {  	s0 =	sadd.s32 $0x8F2B, s0  }
0xba: {  	[sflag:s0] =	ssyncadd.remote.s32 $0x1  }
0xbb: {  	_ =	sfence.sel $0xFFFF  }
0xbc: {  	[dreg:$0x0] =	wrdreg $0xFFFFFFFF;
	(pc) =	sbr.abs _section_cstart, $3  }
0xbd: {  	[dreg:$0x1] =	wrdreg $0xFFFFFFFF  }
0xbe: {  	_ =	task.clear_ibuf [dreg:s4], $0x2FFFF;
	_ =	strace $0x9FFFFFFF  }
0xbf: {  	(tm) =	ssettm $0x7FFFFFFF  }
tec
execute0_lowered:
.L_overlay_start_1:
0x0: {  	(tag) =	ssettag $0x1  }
0x1: {  	s0 =	rddreg [dreg:$0x0]  }
0x2: {  	s14 =	stileid.u32;
	_ =	strace $0x80000047;
	s2 =	simm.s32 $0x1  }
0x3: {  	v1 =	vimm.s32 $0xFFFFFFFF;
	s1 =	smin.u32 s14, $0x4;
	[sflag:s2] =	ssyncpa.u1 $0x0  }
0x4: {  	s1 =	sadd.s32 s14, s1;
	[tilespmem:$0x10] =	vst v1  }
0x5: {  	v0 =	vimm.f32 $0.0e+00;
	p0 =	slt.u32 s14, $0x4;
	[tilespmem:$0x20] =	vst v1;
	s3 =	smul.u32 $0x1F40, s1;
	s1 =	simm.s32 $0x3E80  }
0x6: {  	[tilespmem:$0x30] =	vst v0;
	s1 =	simm.s32 @!p0 $0x1F40  }
0x7: {  	[tilespmem:$0x40] =	vst v0;
	s1 =	sadd.s32 s1, s3  }
0x8: {  	[tilespmem:$0x50] =	vst v0;
	s4 =	smin.u32 s1, $0x27100  }
0x9: {  	[tilespmem:$0x60] =	vst v1;
	s9 =	ssub.s32 s4, s3  }
0xa: {  	s7 =	simm.s32 $0x2;
	s8 =	simm.s32 $0x8;
	[tilespmem:$0x70] =	vst v1;
	p0 =	sgt.s32 s9, $0x0  }
0xb: {  	s31 =	simm.s32 $0x9;
	s16 =	simm.s32 $0x0;
	[tilespmem:$0x80] =	vst v1;
	s9 =	simm.s32 @!p0 $0x0  }
0xc: {  	s17 =	simm.s32 $0xF0;
	s18 =	simm.s32 $0xFFFFFFFF;
	v1 =	vimm.s32 $0x0;
	[tilespmem:$0xB0] =	vst v0;
	s5 =	smulhi.u32 $0x10624DD3, s9  }
0xd: {  	s19 =	simm.s32 $0xFFFFC280;
	s20 =	simm.s32 $0xFFFFFFFE;
	s21 =	simm.s32 $0xF;
	[tilespmem:$0x90] =	vst v1  }
0xe: {  	[tilespmem:$0xA0] =	vst v1;
	[sflag:s7] =	ssyncpa.u1 $0x0;
	s7 =	simm.s32 $0x7;
	s10 =	sshrl.u32 s5, $0x9  }
0xf: {  	s25 =	simm.s32 $0x0;
	[sflag:s7] =	ssyncpa.u1 $0x0;
	s11 =	smul.u32 $0x1F40, s10  }
0x10: {  	s24 =	simm.s32 $0x0;
	s6 =	sadd.s32 $0x16E00, s0;
	[sflag:s8] =	ssyncpa.u1 $0x0  }
.Ltmp0:
0x11: {  	s23 =	smov.u32 s3;
	p0 =	sne.s32 s9, s11;
	(pc) =	sbr.rel .LBB2_1-.Ltmp0, $4  }
0x12: {  	s1 =	sadd.s32 $0x20E00, s0;
	[sflag:s31] =	ssyncpa.u1 $0x0;
	s2 =	simm.s32 @!p0 $0x0  }
0x13: {  	s5 =	sadd.s32 $0x11E00, s0;
	p0 =	por $0x0, $0x0;
	s9 =	sadd.s32 s2, s10  }
0x14: {  	vm0 =	vmmov $0xffff;
	v2 =	vlaneseq.u32;
	s10 =	sshll.u32 s14, $0x1;
	s14 =	sshllo.u32 s14, $0x1;
	s11 =	sadd.s32 $0x1, s9  }
0x15: {  	vm1 =	vmxor vm1, vm1;
	vm2 =	vmmov $0x1;
	vm3 =	vcmask $0x3F3C;
	s12 =	sadd.s32 $0x2, s9;
	s13 =	sor.u32 $0x81, s10;
	s15 =	sor.u32 $0x80, s10  }
.LBB2_9:
0x16: {  	p1 =	slt.u32 s24, $0x3  }
0x17: {  	s0 =	simm.s32 @!p1 $0x2  }
0x18: {  	_ =	swait.ge @!p1 [sflag:s0], $0x1F40  }
0x19: {  	[sflag:s0] =	ssyncset.done @!p1 $0x0  }
0x1a: {  	[sflag:s0] =	ssyncadd.s32 @!p1 $0xFFFFE0C0;
	s0 =	simm.s32 @!p1 $0x9  }
0x1b: {  	_ =	swait.ge @!p1 [sflag:s0], $0x10  }
0x1c: {  	[sflag:s0] =	ssyncset.done @!p1 $0x0  }
0x1d: {  	[sflag:s0] =	ssyncadd.s32 @!p1 $0xFFFFFFF0;
	p1 =	sne.s32 s24, s12  }
.Ltmp1:
0x1e: {  	s2 =	sadd.s32 $0x1F40, s23;
	(pc) =	sbr.rel @!p1 .LBB2_10-.Ltmp1, $4  }
0x1f: {  	s22 =	smov.u32 s3;
	s31 =	sadd.s32 $0x1, s24;
	s17 =	sadd.s32 $0x1F40, s17  }
0x20: {  	s18 =	sadd.s32 $0x1, s18;
	s25 =	smov.u32 s23;
	p2 =	slt.s32 s2, s4  }
0x21: {  	p0 =	por !p0, !p0;
	s19 =	sadd.s32 $0x1F40, s19;
	s22 =	smov.u32 @p2 s2  }
0x22: {  	s20 =	sadd.s32 $0x1, s20;
	s23 =	smov.u32 s22;
	s24 =	smov.u32 s31  }
.LBB2_1:
0x23: {  	p1 =	sge.u32 s24, s9  }
0x24: {  	s0 =	smulhi.u32 @!p1 $0xAAAAAAAB, s24;
	_ =	sdelay $0x1  }
0x25: {  	s0 =	sshrl.u32 @!p1 s0, $0x1  }
0x26: {  	s0 =	smul.u32 @!p1 $0x3, s0;
	_ =	sdelay $0x1  }
0x27: {  	s0 =	ssub.s32 @!p1 s24, s0  }
0x28: {  	s0 =	smul.u32 @!p1 $0x7D00, s0;
	_ =	sdelay $0x1  }
0x29: {  	s2 =	sshrl.u32 @!p1 s23, $0x3;
	s0 =	sshrl.u32 @!p1 s0, $0x2  }
0x2a: {  	s22 =	sand.u32 @!p1 $0x7, s23;
	s2 =	sadd.s32 @!p1 s5, s2;
	s0 =	sadd.s32 @!p1 $0x100, s0  }
0x2b: {  	[tilespmem:s0], [sflag:$0x7] =	stream.linear.gather @!p1 [hbm4b:s2+s22], $0x1F40, $0x38;
	[tilespmem:$0x11A60] =	vst v63  }
0x2c: {  	s0 =	sadd.s32 $0xFFFFFFFF, s24  }
0x2d: {  	p1 =	sge.u32 s0, s9  }
.Ltmp2:
0x2e: {  	_ = 	snop;
	(pc) =	sbr.rel @p1 .LBB2_5-.Ltmp2, $1  }
0x2f: {  	_ =	sdelay $0x3  }
0x30: {  	s2 =	smulhi.u32 $0xAAAAAAAB, s0;
	_ =	sdelay $0x1  }
0x31: {  	s2 =	sshrl.u32 s2, $0x1  }
0x32: {  	s2 =	smul.u32 $0x3, s2;
	_ =	sdelay $0x1  }
0x33: {  	s2 =	ssub.s32 s0, s2  }
0x34: {  	s2 =	smul.u32 $0x7D00, s2  }
0x35: {  	_ =	swait.ge [sflag:s7], $0x1F40  }
0x36: {  	[sflag:s7] =	ssyncset.done $0x0;
	s2 =	sshrl.u32 s2, $0x2  }
0x37: {  	[sflag:s7] =	ssyncadd.s32 $0xFFFFE0C0;
	(ifvalue) =	ssetifvalue $0xFFFFFFFF;
	v3 =	vld.msk [tilespmem:s2+$0x100 ss:$0x1], $0xffff;
	_ =	sdelay $0x2  }
0x38: {  	s30 =	smulhi.u32 $0xAAAAAAAB, s18;
	p1 =	sne.s32 s24, $0x1  }
0x39: {  	v4 =	vimm.s32 @!p1 $0x0  }
0x3a: {  	s2 =	sshrl.u32 s30, $0x1;
	v4 =	vperm.xlane @!p1 v3, v4  }
0x3b: {  	s22 =	sshll.u32 s24, $0x4;
	s2 =	smul.u32 $0xFFFE8900, s2;
	vm4 =	vlt.u32 v3, $0x2800  }
0x3c: {  	s22 =	sand.u32 $0x10, s22;
	v3 =	vnsel vm4, $0xFFFFFFFE, v3;
	vm4 =	vlt.u32 @!p1 v4, $0x2800  }
0x3d: {  	s2 =	sshra.s32 s2, $0x2;
	[tilespmem:s22+$0x60] =	vst v3;
	v3 =	vnsel @!p1 vm4, $0xFFFFFFFE, v4  }
0x3e: {  	s28 =	sadd.s32 s2, s17;
	[tilespmem:$0x80] =	vst @!p1 v3  }
0x3f: {  	v3 =	vld.msk [tilespmem:s28+$0x0 ss:$0x1], $0xffff;
	_ =	sdelay $0x4  }
0x40: {  	(xrf1) =	vunique.msk.u32 $0xffff, v3;
	_ =	sdelay $0xd  }
0x41: {  	v4 =	vimm.s32 $0xFFFFFFFF;
	v5, _, _ =	vpop (xrf1)  }
0x42: {  	vm5 =	vne.s32 v3, v4;
	vm4 =	veq.s32 v5, v2  }
0x43: {  	vm6 =	vlt.u32 v3, $0x2800;
	vm4 =	vmand vm5, vm4  }
0x44: {  	vm4 =	vmand vm6, vm4  }
0x45: {  	v4 =	vnsel vm4, $0xFFFFFFFF, v3  }
0x46: {  	s31 =	sand.u32 $0x1, s0  }
0x47: {  	s0 =	simm.s32 $0x1F40;
	p1 =	seq.s32 s31, $0x1  }
0x48: {  	s0 =	simm.s32 @!p1 $0x0  }
0x49: {  	s26 =	sadd.s32 $0x7DF0, s0;
	(ifvalue) =	ssetifvalue $0xFFFFFFFF  }
0x4a: {  	v3 =	vperm.xlane v3, v1;
	[tilespmem:s26], [sflag:$0x8] =	stream.indirect_vreg.gather [hbm4b:s1+s16], $0x1, v4, vm0, $0x4038;
	v4 =	vnsel vm6, $0xFFFFFFFE, v4;
	[tilespmem:$0x11A60] =	vst v63  }
0x4b: {  	s2 =	simm.s32 $0x0;
	s22 =	sadd.s32 $0xFFFFFFF0, s28;
	[tilespmem:s28+$0x0] =	vst v4  }
.LBB2_3:
0x4c: {  	v4 =	vld.msk [tilespmem:s22+$0x0 ss:$0x1], $0xffff;
	s2 =	sadd.s32 $0x10, s2;
	v5 =	vmov v3;
	s28 =	smov.u32 s22  }
0x4d: {  	p1 =	slt.u32 s2, $0x1F30;
	_ =	sdelay $0x4  }
0x4e: {  	v3 =	vperm.xlane v4, v1;
	(xrf1) =	vunique.msk.u32 $0xffff, v4;
	_ =	sdelay $0xd  }
0x4f: {  	v6, _, _ =	vpop (xrf1)  }
0x50: {  	vm5 =	vne.s32 v4, v5;
	vm4 =	veq.s32 v6, v2  }
0x51: {  	vm6 =	vlt.u32 v4, $0x2800;
	vm4 =	vmand vm5, vm4  }
0x52: {  	vm4 =	vmand vm6, vm4  }
0x53: {  	v4 =	vnsel vm4, $0xFFFFFFFF, v4  }
.Ltmp3:
0x54: {  	v5 =	vnsel vm6, $0xFFFFFFFE, v4;
	(pc) =	sbr.rel @p1 .LBB2_3-.Ltmp3, $3  }
0x55: {  	_ =	sdelay $0x1  }
0x56: {  	s22 =	sadd.s32 $0xFFFFFFF0, s22;
	s26 =	sadd.s32 $0xFFFFFFF0, s26;
	(ifvalue) =	ssetifvalue $0xFFFFFFFF  }
0x57: {  	[tilespmem:s26], [sflag:$0x8] =	stream.indirect_vreg.gather [hbm4b:s1+s16], $0x1, v4, vm0, $0x4038;
	[tilespmem:s28+$0x0] =	vst v5  }
0x58: {  	s2 =	sshrl.u32 s25, $0x3  }
0x59: {  	s0 =	sadd.s32 $0x9D40, s0;
	s2 =	sadd.s32 s6, s2  }
0x5a: {  	[tilespmem:s0], [sflag:$0x8] =	stream.linear.gather [hbm:s2], $0x1F40, $0x38;
	[tilespmem:$0x11A60] =	vst v63  }
.LBB2_5:
0x5b: {  	p1 =	slt.u32 s24, $0x2  }
0x5c: {  	p2 =	sge.u32 @!p1 s24, s12  }
0x5d: {  	p1 =	por p1, p2  }
.Ltmp4:
0x5e: {  	_ = 	snop;
	(pc) =	sbr.rel @p1 .LBB2_9-.Ltmp4, $1  }
0x5f: {  	_ =	sdelay $0x3  }
0x60: {  	s0 =	sadd.s32 $0xFFFFFFFE, s24  }
0x61: {  	s2 =	smulhi.u32 $0xAAAAAAAB, s0;
	_ =	sdelay $0x1  }
0x62: {  	s2 =	sshrl.u32 s2, $0x1  }
0x63: {  	s2 =	smul.u32 $0x3, s2;
	_ =	sdelay $0x1  }
0x64: {  	s0 =	ssub.s32 s0, s2  }
0x65: {  	_ =	swait.ge [sflag:s8], $0x3E80;
	s0 =	smul.u32 $0x1F40, s0  }
0x66: {  	p1 =	sne.s32 s24, s11;
	[sflag:s8] =	ssyncset.done $0x0  }
0x67: {  	[sflag:s8] =	ssyncadd.s32 $0xFFFFC180;
	s2 =	sadd.s32 @!p1 $0x203F, s0  }
0x68: {  	[spmem:s13] =	stream.linear.scatter @!p1 [tilespmem:s2], [sflag:$0x1], $0x1, $0x38;
	[tilespmem:$0x11A60] =	vst v63  }
0x69: {  	s2 =	simm.s32 @!p1 $0x1  }
0x6a: {  	_ =	swait.ge @!p1 [sflag:s2], $0x1  }
0x6b: {  	s22 =	sshll.u32 s24, $0x4;
	[sflag:s2] =	ssyncset.done @!p1 $0x0  }
0x6c: {  	s25 =	sand.u32 $0x10, s22;
	[sflag:s2] =	ssyncadd.s32 @!p1 $0xFFFFFFFF  }
0x6d: {  	s2 =	sxor.u32 $0x10, s25;
	v4 =	vld [tilespmem:s25+$0x10]  }
0x6e: {  	v5 =	vld [tilespmem:s2+$0x60]  }
0x6f: {  	v3 =	vld [tilespmem:$0x80];
	_ =	sdelay $0x2  }
0x70: {  	(v2sf) =	vpush v4, $0x0  }
0x71: {  	(v2sf) =	vpush v5, $0x0  }
0x72: {  	(v2sf) =	vpush v3, $0x0;
	_ =	sdelay $0xc  }
0x73: {  	s22 =	spop (v2sf)  }
0x74: {  	s26 =	spop (v2sf)  }
0x75: {  	s28 =	spop (v2sf)  }
0x76: {  	p2 =	seq.s32 s22, s26;
	p3 =	seq.s32 s28, s22  }
0x77: {  	p3 =	por p2, p3  }
0x78: {  	s26 =	sand.u32 $0x1, s24;
	v4 =	vpsel p3, $0xFFFFFFFF, v4  }
0x79: {  	s29 =	smul.u32 $0x1F40, s26;
	[tilespmem:s25+$0x10] =	vst.msk $0x1, v4  }
0x7a: {  	v4 =	vld [tilespmem:$0x30]  }
0x7b: {  	v5 =	vld [tilespmem:s29+$0x9D40]  }
0x7c: {  	v6 =	vld [tilespmem:s25+$0x40];
	_ =	sdelay $0x3  }
0x7d: {  	vm4 =	vmmov vm1;
	v5 =	vadd.f32 v5, v4  }
0x7e: {  	vm5 =	vmmov vm2;
	vm4 =	vmmov @p2 vm2;
	s22 =	sshll.u32 s26, $0x4;
	v4 =	vadd.f32 v6, v4  }
0x7f: {  	s26 =	sor.u32 $0x11A40, s22;
	vm5 =	vmmov @p3 vm1;
	[tilespmem:s29+$0x9D40] =	vst.msk vm4, v5  }
0x80: {  	[tilespmem:s26+$0x0] =	vst.msk vm5, v4  }
0x81: {  	v4 =	vld [tilespmem:s29+$0x7DF0];
	_ =	sdelay $0x3  }
0x82: {  	v5 =	vimm.f32 $0.0e+00  }
0x83: {  	v4 =	vshift.insert v4, v5, s21  }
0x84: {  	s22 =	sor.u32 $0x40, s2  }
0x85: {  	[tilespmem:s22+$0x0] =	vst.msk $0x1, v4  }
0x86: {  	[tilespmem:s29+$0x7DFF] =	vst.msk $0x1, v5  }
0x87: {  	v4 =	vld [tilespmem:s0+$0x2030];
	_ =	sdelay $0x1  }
0x88: {  	s22 =	smulhi.u32 $0xAAAAAAAB, s20;
	s0 =	simm.s32 $0x1  }
0x89: {  	s0 =	simm.s32 @!p0 $0x0  }
0x8a: {  	s22 =	sshrl.u32 s22, $0x1;
	s0 =	smul.u32 $0x7D00, s0  }
0x8b: {  	s22 =	smul.u32 $0xFFFE8900, s22;
	v4 =	vshift.insert v4, v1, s21  }
0x8c: {  	s0 =	sshrl.u32 s0, $0x2  }
0x8d: {  	s22 =	sshra.s32 s22, $0x2;
	s30 =	sadd.s32 $0x9D40, s0;
	[tilespmem:s2+$0x10] =	vst.msk $0x1, v4  }
0x8e: {  	s22 =	sadd.s32 s22, s19;
	v6 =	vld [tilespmem:s30+$0x0]  }
0x8f: {  	v7 =	vld [tilespmem:s22+$0x0];
	_ =	sdelay $0x3  }
0x90: {  	v5 =	vadd.f32 v6, v5  }
0x91: {  	vm4 =	vne.s32 v7, $0xFFFFFFFF  }
0x92: {  	(xrf2) =	vadd.seg.scan.f32 vm4, v5;
	_ =	sdelay $0x3  }
0x93: {  	s31 =	sadd.s32 $0x5EC0, s0;
	v5 =	vperm.xlane v4, v1  }
0x94: {  	v6 =	vld [tilespmem:s31+$0x0]  }
0x95: {  	vm5 =	veq.s32 v7, v3;
	vm6 =	veq.s32 v7, v5  }
0x96: {  	vm7 =	vgt.u32 v7, $0xFFFFFFFD;
	vm6 =	vmor vm6, vm5  }
0x97: {  	vm6 =	vmor vm6, vm7  }
0x98: {  	v9 =	vld [tilespmem:$0xA0];
	v7 =	vsel vm6, $0xFFFFFFFF, v7  }
0x99: {  	v10 =	vld [tilespmem:$0x90];
	v6 =	vsel vm5, $0x0, v6;
	v8, _, _ =	vpop (xrf2)  }
0x9a: {  	v6 =	vadd.f32 v8, v6  }
0x9b: {  	s0 =	sadd.s32 $0xDBC0, s0  }
0x9c: {  	vm4 =	vmand vm4, vm3;
	[tilespmem:s0+$0x0] =	vst v6;
	(ifvalue) =	ssetifvalue $0xFFFFFFFF  }
0x9d: {  	vm6 =	veq.s32 v9, $0x1;
	[hbm4b:s1+s16] =	stream.indirect_vreg.scatter [tilespmem:s0], [sflag:$0x2], $0x1, v7, vm0, $0x4038;
	v7 =	vsel vm4, $0x0, v8;
	[tilespmem:$0x11A60] =	vst v63  }
0x9e: {  	s2 =	simm.s32 $0x0;
	s22 =	sadd.s32 $0x10, s22;
	vm4 =	vmor vm6, vm5;
	v6 =	vsel vm5, v8, v10;
	v7 =	vshift.insert v7, v0, s21  }
.LBB2_7:
0x9f: {  	v8 =	vld [tilespmem:s22+$0x0];
	s30 =	sadd.s32 $0x10, s30  }
0xa0: {  	s31 =	sadd.s32 $0x10, s31;
	v9 =	vld [tilespmem:s30+$0x0]  }
0xa1: {  	s2 =	sadd.s32 $0x10, s2;
	v10 =	vld [tilespmem:s31+$0x0]  }
0xa2: {  	p2 =	slt.u32 s2, $0x1F30;
	_ =	sdelay $0x2  }
0xa3: {  	v7 =	vadd.f32 v9, v7  }
0xa4: {  	vm5 =	vne.s32 v8, $0xFFFFFFFF  }
0xa5: {  	vm6 =	vmand vm5, vm3;
	(xrf2) =	vadd.seg.scan.f32 vm5, v7;
	_ =	sdelay $0x5  }
0xa6: {  	vm7 =	veq.s32 v8, v5;
	vm5 =	veq.s32 v8, v3  }
0xa7: {  	vm8 =	vgt.u32 v8, $0xFFFFFFFD;
	vm4 =	vmor vm4, vm5;
	vm7 =	vmor vm7, vm5  }
0xa8: {  	vm7 =	vmor vm7, vm8  }
0xa9: {  	v8 =	vsel vm7, $0xFFFFFFFF, v8  }
.Ltmp5:
0xaa: {  	v7 =	vsel vm5, $0x0, v10;
	v9, _, _ =	vpop (xrf2);
	(pc) =	sbr.rel @p2 .LBB2_7-.Ltmp5, $4  }
0xab: {  	v6 =	vsel vm5, v9, v6;
	v10 =	vadd.f32 v9, v7;
	v7 =	vsel vm6, $0x0, v9  }
0xac: {  	s0 =	sadd.s32 $0x10, s0;
	v7 =	vshift.insert v7, v0, s21  }
0xad: {  	s22 =	sadd.s32 $0x10, s22;
	[tilespmem:s0+$0x0] =	vst v10;
	(ifvalue) =	ssetifvalue $0xFFFFFFFF  }
0xae: {  	[hbm4b:s1+s16] =	stream.indirect_vreg.scatter [tilespmem:s0], [sflag:$0x2], $0x1, v8, vm0, $0x4038;
	[tilespmem:$0x11A60] =	vst v63  }
0xaf: {  	v3 =	vld [tilespmem:s29+$0xFAF0];
	_ =	sdelay $0x4  }
0xb0: {  	v3 =	vshift.insert v3, v0, s21  }
0xb1: {  	s0 =	simm.s32 $0x30  }
0xb2: {  	[tilespmem:s0+$0x0] =	vst.msk $0x1, v3  }
0xb3: {  	v3 =	vsel vm4, $0x1, v1;
	[tilespmem:$0x90] =	vst v6  }
0xb4: {  	s0 =	sadd.s32 @!p1 $0xFAFF, s29;
	[tilespmem:$0xA0] =	vst v3  }
0xb5: {  	[spmem:s14] =	stream.linear.scatter @!p1 [tilespmem:s0], [sflag:$0x1], $0x1, $0x38;
	[tilespmem:$0x11A60] =	vst v63  }
0xb6: {  	s0 =	simm.s32 @!p1 $0x1  }
0xb7: {  	v3 =	vmctz.xlane @!p1 vm4;
	_ =	swait.ge @!p1 [sflag:s0], $0x1  }
0xb8: {  	(v2sf) =	vpush @!p1 v4, $0x0  }
0xb9: {  	(v2sf) =	vpush @!p1 v3, $0x0;
	_ =	sdelay $0xd  }
0xba: {  	s2 =	spop @!p1 (v2sf)  }
0xbb: {  	s22 =	spop @!p1 (v2sf)  }
0xbc: {  	p2 =	sne.s32 @!p1 s28, s2;
	p3 =	slt.s32 @!p1 s22, $0xF  }
0xbd: {  	[sflag:s0] =	ssyncset.done @!p1 $0x0;
	p2 =	por p2, p1;
	p3 =	por !p3, p1  }
0xbe: {  	[sflag:s0] =	ssyncadd.s32 @!p1 $0xFFFFFFFF;
	v3 =	vimm.s32 @!p2 $0xFFFFFFFF;
	s22 =	simm.s32 @p3 $0xF  }
0xbf: {  	[tilespmem:$0x80] =	vst @!p2 v3;
	s2 =	sadd.s32 @!p1 $0x90, s22  }
0xc0: {  	[spmem:s10] =	stream.linear.scatter @!p1 [tilespmem:s2], [sflag:$0x1], $0x1, $0x38;
	[tilespmem:$0x11A60] =	vst v63  }
0xc1: {  	_ =	swait.ge @!p1 [sflag:s0], $0x1  }
0xc2: {  	[sflag:s0] =	ssyncset.done @!p1 $0x0  }
0xc3: {  	s2 =	simm.s32 @!p1 $0x80;
	[sflag:s0] =	ssyncadd.s32 @!p1 $0xFFFFFFFF  }
0xc4: {  	[spmem:s15] =	stream.linear.scatter @!p1 [tilespmem:s2], [sflag:$0x1], $0x1, $0x38;
	[tilespmem:$0x11A60] =	vst v63  }
0xc5: {  	_ =	swait.ge @!p1 [sflag:s0], $0x1  }
0xc6: {  	[sflag:s0] =	ssyncset.done @!p1 $0x0  }
0xc7: {  	[sflag:s0] =	ssyncadd.s32 @!p1 $0xFFFFFFFF;
	(ifvalue) =	ssetifvalue $0xFFFFFFFF;
	v3 =	vld [tilespmem:s25+$0x10];
	_ =	sdelay $0x3  }
.Ltmp6:
0xc8: {  	_ = 	snop;
	(pc) =	sbr.rel .LBB2_9-.Ltmp6, $3  }
0xc9: {  	_ =	sdelay $0x1  }
0xca: {  	(ifvalue) =	ssetifvalue $0xFFFFFFFF  }
0xcb: {  	[hbm4b:s1+s16] =	stream.indirect_vreg.scatter [tilespmem:s26], [sflag:$0x9], $0x1, v3, vm0, $0x4038;
	[tilespmem:$0x11A60] =	vst v63  }
.LBB2_10:
0xcc: {  	_ =	sfence.sel $0x180000  }
0xcd: {  	s0 =	simm.s32 $0x7;
	[bflag:$0x0] =	sbarrier.arrive $0xFFFF  }
0xce: {  	s26 =	simm.s32 $0x8;
	[sflag:s0] =	ssyncpa.u1 $0x1  }
0xcf: {  	s28 =	simm.s32 $0x9;
	[sflag:s26] =	ssyncpa.u1 $0x1  }
0xd0: {  	[sflag:s28] =	ssyncpa.u1 $0x1  }
0xd1: {  	_ =	sfence.stream.spmem  }
0xd2: {  	s29 =	simm.s32 $0x3;
	[bflag:$0x0] =	sbarrier.arrive $0xFFFF  }
0xd3: {  	s30 =	simm.s32 $0x4;
	[sflag:s29] =	ssyncpa.u1 $0x1  }
0xd4: {  	s31 =	simm.s32 $0x3C;
	s2 =	stileid.u32;
	[sflag:s30] =	ssyncpa.u1 $0x1  }
0xd5: {  	p0 =	sne.s32 s2, $0x0;
	[sflag:s31] =	ssyncpa.u1 $0x1  }
0xd6: {  	s0 =	simm.s32 @p0 $0x1;
	_ =	sfence @p0  }
0xd7: {  	[sflag:s0] =	ssyncpa.u1 @p0 $0x1;
	s0 =	simm.s32 @p0 $0x2  }
0xd8: {  	[sflag:s0] =	ssyncpa.u1 @p0 $0x1  }
0xd9: {  	_ =	strace @p0 $0x90000047  }
0xda: {  	[bflag:$0x2] =	sbarrier.arrive @p0 $0xFFFF  }
0xdb: {  	_ =	shalt @p0  }
.LBB2_11:
0xdc: {  	_ =	sfence.stream.spmem;
	s0 =	simm.s32 $0x5  }
0xdd: {  	s2 =	simm.s32 $0x80;
	s3 =	simm.s32 $0xC0;
	[sflag:s0] =	ssyncpa.u1 $0x0  }
0xde: {  	[tilespmem:s3], [sflag:$0x5] =	stream.linear.gather [spmem:s2], $0x20, $0x38;
	[tilespmem:$0x11A60] =	vst v63  }
0xdf: {  	s2 =	simm.s32 $0x0;
	s3 =	simm.s32 $0xE0  }
0xe0: {  	[tilespmem:s3], [sflag:$0x5] =	stream.linear.gather [spmem:s2], $0x20, $0x38;
	[tilespmem:$0x11A60] =	vst v63  }
.Ltmp7:
0xe1: {  	_ = 	snop;
	(pc) =	sbr.rel .LBB2_12-.Ltmp7, $4  }
0xe2: {  	_ =	swait.ge [sflag:s0], $0x40  }
0xe3: {  	[sflag:s0] =	ssyncset.done $0x0  }
0xe4: {  	s31 =	simm.s32 $0x6;
	[sflag:s0] =	ssyncadd.s32 $0xFFFFFFC0  }
0xe5: {  	s4 =	simm.s32 $0x0;
	[sflag:s31] =	ssyncpa.u1 $0x0  }
.LBB2_17:
0xe6: {  	p0 =	sgt.u32 s5, $0x27FF  }
0xe7: {  	s0 =	sshrl.u32 @!p0 s5, $0x3  }
0xe8: {  	s5 =	sand.u32 @!p0 $0x7, s5;
	s6 =	simm.s32 @!p0 $0xB0;
	s0 =	sadd.s32 @!p0 s1, s0  }
0xe9: {  	[tilespmem:s6], [sflag:$0x6] =	stream.linear.gather @!p0 [hbm4b:s0+s5], $0x1, $0x38;
	[tilespmem:$0x11A60] =	vst v63  }
0xea: {  	s0 =	simm.s32 @!p0 $0x6  }
0xeb: {  	_ =	swait.ge @!p0 [sflag:s0], $0x1  }
0xec: {  	[sflag:s0] =	ssyncset.done @!p0 $0x0  }
0xed: {  	[sflag:s0] =	ssyncadd.s32 @!p0 $0xFFFFFFFF  }
0xee: {  	v2 =	vmov @!p0 s4;
	v1 =	vld.msk @!p0 [tilespmem:$0xB0], $0x1;
	_ =	sdelay $0x3  }
0xef: {  	s0 =	simm.s32 @!p0 $0xE0  }
0xf0: {  	[tilespmem:v2+s0+$0x0], v1 =	vst.idx.ret.add.f32.msk @!p0 $0x1, v1  }
0xf1: {  	[tilespmem:s2+$0xC0] =	vst.msk $0x1, v0  }
0xf2: {  	v0 =	vld.msk [tilespmem:s4+$0xE0], $0x1;
	_ =	sdelay $0x4  }
0xf3: {  	[tilespmem:s2+$0xE0] =	vst.msk $0x1, v0;
	s2 =	sadd.s32 $0x1, s2  }
.LBB2_19:
0xf4: {  	s4 =	sadd.s32 $0x1, s4  }
0xf5: {  	p0 =	sne.s32 s4, $0x20  }
.Ltmp8:
0xf6: {  	_ = 	snop;
	(pc) =	sbr.rel @!p0 .LBB2_20-.Ltmp8, $1  }
0xf7: {  	_ =	sdelay $0x3  }
.LBB2_12:
0xf8: {  	v0 =	vld.msk [tilespmem:s4+$0xC0], $0x1;
	_ =	sdelay $0x4  }
0xf9: {  	(v2sf) =	vpush v0, $0x0;
	_ =	sdelay $0xe  }
0xfa: {  	s5 =	spop (v2sf)  }
0xfb: {  	p0 =	seq.s32 s5, $0xFFFFFFFF  }
.Ltmp9:
0xfc: {  	_ = 	snop;
	(pc) =	sbr.rel @p0 .LBB2_19-.Ltmp9, $1  }
0xfd: {  	_ =	sdelay $0x3  }
0xfe: {  	p0 =	slt.s32 s2, $0x1  }
.Ltmp10:
0xff: {  	_ = 	snop;
	(pc) =	sbr.rel @p0 .LBB2_17-.Ltmp10, $1  }
0x100: {  	_ =	sdelay $0x3  }
0x101: {  	s0 =	simm.s32 $0xC0;
	p0 =	por $0x0, $0x0  }
0x102: {  	v1 =	vld.msk @!p0 [tilespmem:s0+$0x0], $0x1;
	_ =	sdelay $0x4  }
0x103: {  	(v2sf) =	vpush @!p0 v1, $0x0;
	_ =	sdelay $0xd  }
0x104: {  	p2 =	sne.s32 s2, $0x1  }
.Ltmp11:
0x105: {  	s6 =	spop @!p0 (v2sf);
	(pc) =	sbr.rel @!p2 .LBB2_16-.Ltmp11, $4  }
0x106: {  	p1 =	seq.s32 @!p0 s5, s6  }
0x107: {  	s6 =	simm.s32 $0x0;
	p1 =	por !p1, p0  }
0x108: {  	s8 =	simm.s32 $0xFFFFFFFF;
	s6 =	simm.s32 @p1 $0xFFFFFFFF  }
0x109: {  	s7 =	simm.s32 $0x1;
	s6 =	smov.u32 @p0 s8  }
.LBB2_15:
0x10a: {  	s8 =	smov.u32 s6;
	p0 =	sne.s32 s6, $0xFFFFFFFF  }
0x10b: {  	s0 =	sadd.s32 $0x1, s0;
	s6 =	smov.u32 s7;
	s7 =	sadd.s32 $0x1, s7  }
0x10c: {  	p1 =	sne.s32 s2, s7;
	v1 =	vld.msk @!p0 [tilespmem:s0+$0x0], $0x1;
	_ =	sdelay $0x4  }
0x10d: {  	(v2sf) =	vpush @!p0 v1, $0x0;
	_ =	sdelay $0xe  }
.Ltmp12:
0x10e: {  	s9 =	spop @!p0 (v2sf);
	(pc) =	sbr.rel @p1 .LBB2_15-.Ltmp12, $4  }
0x10f: {  	p2 =	seq.s32 @!p0 s5, s9  }
0x110: {  	p2 =	por !p2, p0  }
0x111: {  	s6 =	simm.s32 @p2 $0xFFFFFFFF  }
0x112: {  	s6 =	smov.u32 @p0 s8  }
.LBB2_16:
0x113: {  	p0 =	sne.s32 s6, $0xFFFFFFFF  }
.Ltmp13:
0x114: {  	_ = 	snop;
	(pc) =	sbr.rel @!p0 .LBB2_17-.Ltmp13, $1  }
0x115: {  	_ =	sdelay $0x3  }
0x116: {  	v0 =	vld.msk [tilespmem:s4+$0xE0], $0x1;
	v1 =	vmov s6  }
.Ltmp14:
0x117: {  	_ = 	snop;
	(pc) =	sbr.rel .LBB2_19-.Ltmp14, $2  }
0x118: {  	_ =	sdelay $0x2  }
0x119: {  	[tilespmem:v1+s3+$0x0], v0 =	vst.idx.ret.add.f32.msk $0x1, v0  }
.LBB2_20:
0x11a: {  	p0 =	slt.s32 s2, $0x1  }
.Ltmp15:
0x11b: {  	_ = 	snop;
	(pc) =	sbr.rel @p0 .LBB2_24-.Ltmp15, $3  }
0x11c: {  	_ =	sdelay $0x1  }
0x11d: {  	s0 =	simm.s32 $0x6  }
0x11e: {  	s3 =	simm.s32 $0x0;
	[sflag:s0] =	ssyncpa.u1 $0x1  }
0x11f: {  	s0 =	simm.s32 $0xC0  }
0x120: {  	v0 =	vld.msk [tilespmem:s0+$0x0], $0x1;
	_ =	sdelay $0x4  }
0x121: {  	(v2sf) =	vpush v0, $0x0;
	_ =	sdelay $0xe  }
0x122: {  	s2 =	sadd.s32 $0xFFFFFFFF, s2;
	s4 =	spop (v2sf)  }
0x123: {  	p1 =	sne.s32 s2, $0x0;
	p0 =	sgt.u32 s4, $0x27FF  }
.Ltmp16:
0x124: {  	s5 =	sshrl.u32 @!p0 s4, $0x3;
	(pc) =	sbr.rel @!p1 .LBB2_23-.Ltmp16, $4  }
0x125: {  	s0 =	simm.s32 $0xE0;
	s4 =	sand.u32 @!p0 $0x7, s4;
	s5 =	sadd.s32 @!p0 s1, s5  }
0x126: {  	[hbm4b:s5+s4] =	stream.linear.scatter @!p0 [tilespmem:s0], [sflag:$0x5], $0x1, $0x38;
	[tilespmem:$0x11A60] =	vst v63  }
0x127: {  	s5 =	simm.s32 $0x0  }
0x128: {  	s4 =	simm.s32 $0xC1;
	s5 =	simm.s32 @!p0 $0x4  }
.LBB2_22:
0x129: {  	v0 =	vld.msk [tilespmem:s4+$0x0], $0x1;
	s2 =	sadd.s32 $0xFFFFFFFF, s2;
	s3 =	sadd.s32 s3, s5  }
0x12a: {  	p0 =	sne.s32 s2, $0x0;
	_ =	sdelay $0x3  }
0x12b: {  	(v2sf) =	vpush v0, $0x0;
	_ =	sdelay $0xe  }
.Ltmp17:
0x12c: {  	s6 =	spop (v2sf);
	(pc) =	sbr.rel @p0 .LBB2_22-.Ltmp17, $4  }
0x12d: {  	s5 =	simm.s32 $0x0;
	p1 =	sgt.u32 s6, $0x27FF  }
0x12e: {  	s0 =	sadd.s32 $0x1, s0;
	s5 =	simm.s32 @!p1 $0x4;
	s7 =	sshrl.u32 @!p1 s6, $0x3  }
0x12f: {  	s4 =	sadd.s32 $0x1, s4;
	s6 =	sand.u32 @!p1 $0x7, s6;
	s7 =	sadd.s32 @!p1 s1, s7  }
0x130: {  	[hbm4b:s7+s6] =	stream.linear.scatter @!p1 [tilespmem:s0], [sflag:$0x5], $0x1, $0x38;
	[tilespmem:$0x11A60] =	vst v63  }
.LBB2_23:
0x131: {  	s0 =	sadd.s32 s3, s5  }
0x132: {  	s3 =	sshrl.u32 s0, $0x2  }
.LBB2_24:
0x133: {  	s0 =	simm.s32 $0x5  }
0x134: {  	_ =	swait.ge [sflag:s0], s3  }
0x135: {  	s1 =	ssub.s32 $0x0, s3;
	[sflag:s0] =	ssyncset.done $0x0  }
0x136: {  	[sflag:s0] =	ssyncadd.s32 s1  }
0x137: {  	[sflag:s0] =	ssyncpa.u1 $0x1  }
0x138: {  	s29 =	simm.s32 $0x1;
	_ =	sfence  }
0x139: {  	s30 =	simm.s32 $0x2;
	[sflag:s29] =	ssyncpa.u1 $0x1  }
0x13a: {  	[sflag:s30] =	ssyncpa.u1 $0x1  }
0x13b: {  	_ =	strace $0x90000047  }
0x13c: {  	[bflag:$0x2] =	sbarrier.arrive $0xFFFF  }
0x13d: {  	s31 =	rddreg [dreg:$0x1]  }
0x13e: {  	s0 =	sadd.s32 $0x100000, s31  }
0x13f: {  	[sflag:s0] =	ssyncadd.tile.s32 $0x1;
	_ =	shalt  }
.Lfunc_end2:
_tile_overlayer_lowered:
.L_overlay_start_2:
0x140: {  	(tag) =	ssettag $0x2  }
0x141: {  	s0 =	rddreg [dreg:$0x0];
	s2 =	stileid.u32  }
0x142: {  	s1 =	rddreg [dreg:$0x1];
	p0 =	sne.s32 s2, $0x0  }
0x143: {  	s3 =	rddreg [dreg:$0x2];
	[bflag:$0x3] =	sbarrier.arrive $0xFFFF;
	s2 =	simm.s32 @!p0 $0x1C01  }
0x144: {  	[timem:s3], [sflag:s2] =	dma.local @!p0 [hbm:s0], s1  }
0x145: {  	s0 =	simm.s32 @!p0 $0x1  }
0x146: {  	_ =	swait.ge @!p0 [sflag:s0], s1  }
0x147: {  	s1 =	ssub.s32 @!p0 $0x0, s1;
	[sflag:s0] =	ssyncset.done @!p0 $0x0  }
0x148: {  	[sflag:s0] =	ssyncadd.s32 @!p0 s1  }
0x149: {  	[bflag:$0x3] =	sbarrier.arrive $0xFFFF  }
0x14a: {  	_ =	shalt  }

</sc_bundles>
